<compile_context>
chip_gen: v7x
topology: tpu7x:2x2x1
jax: 0.10.2.dev20260603
libtpu: 0.0.44.dev20260713+nightly
codegen_flags: <defaults>
</compile_context>

<pallas_src>
import functools

import jax
import jax.numpy as jnp
from jax import lax
from jax.experimental import pallas as pl
from jax.experimental.pallas import tpu as pltpu
from jax.experimental.pallas import tpu_sc as plsc

_V = 1000
_NTOK = 16 * 2048
_NC = 2
_NS = 16
_L = 16
_NW = _NC * _NS
_BPW = _NTOK // _NW
_CH = 32
_NCHUNK = _BPW // _CH
_NBUF = 3
_VP = 1024


def _lse_body(table_ref, out_ref):
    x = table_ref[...]
    m = jnp.max(x, axis=1, keepdims=True)
    s = jnp.sum(jnp.exp(x - m), axis=1, keepdims=True)
    out_ref[...] = m + jnp.log(s)


def _row_lse(table):
    return pl.pallas_call(
        _lse_body,
        out_shape=jax.ShapeDtypeStruct((_V, 1), jnp.float32),
    )(table)


@functools.partial(
    pl.kernel,
    out_type=(
        jax.ShapeDtypeStruct((_NTOK, _VP), jnp.float32),
        jax.ShapeDtypeStruct((_NW * _L,), jnp.float32),
    ),
    mesh=plsc.VectorSubcoreMesh(core_axis_name="c", subcore_axis_name="s"),
    compiler_params=pltpu.CompilerParams(use_tc_tiling_on_sc=True),
    scratch_types=(
        pltpu.VMEM((_BPW,), jnp.int32),
        pltpu.VMEM((_BPW,), jnp.int32),
        pltpu.VMEM((_BPW,), jnp.float32),
        pltpu.VMEM((_BPW,), jnp.float32),
        pltpu.VMEM((_CH, _VP), jnp.float32),
        pltpu.VMEM((_CH, _VP), jnp.float32),
        pltpu.VMEM((_CH, _VP), jnp.float32),
        pltpu.SemaphoreType.DMA,
        pltpu.SemaphoreType.DMA,
        pltpu.SemaphoreType.DMA,
        pltpu.SemaphoreType.DMA,
        pltpu.SemaphoreType.DMA,
        pltpu.SemaphoreType.DMA,
        pltpu.SemaphoreType.DMA,
    ),
)
def _sc_lookup(table, tflat, idxf, tgtf, lse, out, part,
               idx_v, lin_v, tval_v, lval_v, rows_0, rows_1, rows_2,
               gsem_0, gsem_1, gsem_2, ssem_0, ssem_1, ssem_2, lsem):
    c = lax.axis_index("c")
    s = lax.axis_index("s")
    wid = s * _NC + c
    base = wid * _BPW

    rows = (rows_0, rows_1, rows_2)
    gsem = (gsem_0, gsem_1, gsem_2)
    ssem = (ssem_0, ssem_1, ssem_2)

    def gather(n):
        b = n % _NBUF
        return pltpu.make_async_copy(
            table.at[idx_v.at[pl.ds(n * _CH, _CH)]], rows[b], gsem[b])

    def scatter(n):
        b = n % _NBUF
        return pltpu.make_async_copy(
            rows[b], out.at[pl.ds(base + n * _CH, _CH)], ssem[b])

    pltpu.sync_copy(idxf.at[pl.ds(base, _BPW)], idx_v)
    pltpu.sync_copy(tgtf.at[pl.ds(base, _BPW)], lin_v)
    gather(0).start()
    gather(1).start()

    for n in range(_NCHUNK):
        if n + 2 < _NCHUNK:
            if n >= 1:
                scatter(n - 1).wait()
            gather(n + 2).start()
        gather(n).wait()
        scatter(n).start()

    for j in range(_BPW // _L):
        sl = pl.ds(j * _L, _L)
        lin_v[sl] = idx_v[sl] * _V + lin_v[sl]
    pltpu.async_copy(tflat.at[lin_v], tval_v, lsem).wait()
    pltpu.async_copy(lse.at[idx_v], lval_v, lsem).wait()
    acc = jnp.zeros((_L,), jnp.float32)
    for j in range(_BPW // _L):
        sl = pl.ds(j * _L, _L)
        acc = acc + (lval_v[sl] - tval_v[sl])
    tval_v[pl.ds(0, _L)] = acc
    pltpu.sync_copy(tval_v.at[pl.ds(0, _L)], part.at[pl.ds(wid * _L, _L)])

    scatter(_NCHUNK - 2).wait()
    scatter(_NCHUNK - 1).wait()


def kernel(idx, targets, table):
    idxf = idx.reshape(-1).astype(jnp.int32)
    tgtf = targets.reshape(-1).astype(jnp.int32)
    table = table.astype(jnp.float32)
    lse = _row_lse(table).reshape(_V)
    tflat = jnp.pad(table.reshape(-1), (0, 8))
    table_p = jnp.pad(table, ((0, 0), (0, _VP - _V)))
    gathered, part = _sc_lookup(table_p, tflat, idxf, tgtf, lse)
    loss = jnp.sum(part) / _NTOK
    return (gathered[:, :_V], loss)

# --- scband reference (transcript-rebuilt; emitter-appended) ---
"""Pipeline reference for scband-bigram-lm-26414048870889 (READ-ONLY COPY).

The authoritative reference and input builder live on the scoring server;
editing this copy changes nothing except your own understanding.
"""

import jax, jax.numpy as jnp
import numpy as np

VOCAB = 1000
B = 16
T = 2048

def setup_inputs(seed: int = 0) -> dict:
    key = jax.random.key(seed)
    k1, k2, k3 = jax.random.split(key, 3)
    idx = jax.random.randint(k1, (B, T), 0, VOCAB).astype(jnp.int64) if jax.config.read('jax_enable_x64') else jax.random.randint(k1, (B, T), 0, VOCAB)
    targets = jax.random.randint(k2, (B, T), 0, VOCAB)
    table = jax.random.normal(k3, (VOCAB, VOCAB), dtype=jnp.float32) * 0.02
    return {"idx": idx, "targets": targets, "table": table}

def reference(idx, targets, table):
    # logits = embedding lookup: each token id indexes a row of the [vocab, vocab] table
    logits = jnp.take(table, idx, axis=0)  # [B, T, V]
    Bb, Tt, V = logits.shape
    logits2 = logits.reshape(Bb * Tt, V)
    t = targets.reshape(Bb * Tt)
    # cross entropy (mean reduction) identical to F.cross_entropy
    logp = jax.nn.log_softmax(logits2, axis=-1)
    nll = -jnp.take_along_axis(logp, t[:, None], axis=1)[:, 0]
    loss = jnp.mean(nll)
    return (logits2, loss)

if __name__ == "__main__":
    import jax
    _d = setup_inputs()
    print(jax.jit(kernel)(*tuple(_d.values())))

</pallas_src>

<mosaic_0001>
#map = affine_map<(d0, d1) -> (0, 0)>
#map1 = affine_map<(d0, d1) -> (0)>
module attributes {stable_mosaic.version = 14 : i64} {
  func.func @_sc_lookup(%arg0: i32, %arg1: i32, %arg2: memref<1000x1024xf32, #tpu.memory_space<hbm>>, %arg3: memref<1000008xf32, #tpu.memory_space<hbm>>, %arg4: memref<32768xi32, #tpu.memory_space<hbm>>, %arg5: memref<32768xi32, #tpu.memory_space<hbm>>, %arg6: memref<1000xf32, #tpu.memory_space<hbm>>, %arg7: memref<32768x1024xf32, #tpu.memory_space<hbm>>, %arg8: memref<512xf32, #tpu.memory_space<hbm>>, %arg9: memref<1024xi32, #tpu.memory_space<vmem>>, %arg10: memref<1024xi32, #tpu.memory_space<vmem>>, %arg11: memref<1024xf32, #tpu.memory_space<vmem>>, %arg12: memref<1024xf32, #tpu.memory_space<vmem>>, %arg13: memref<32x1024xf32, #tpu.memory_space<vmem>>, %arg14: memref<32x1024xf32, #tpu.memory_space<vmem>>, %arg15: memref<32x1024xf32, #tpu.memory_space<vmem>>, %arg16: memref<!tpu.dma_semaphore, #tpu.memory_space<semaphore_mem>>, %arg17: memref<!tpu.dma_semaphore, #tpu.memory_space<semaphore_mem>>, %arg18: memref<!tpu.dma_semaphore, #tpu.memory_space<semaphore_mem>>, %arg19: memref<!tpu.dma_semaphore, #tpu.memory_space<semaphore_mem>>, %arg20: memref<!tpu.dma_semaphore, #tpu.memory_space<semaphore_mem>>, %arg21: memref<!tpu.dma_semaphore, #tpu.memory_space<semaphore_mem>>, %arg22: memref<!tpu.dma_semaphore, #tpu.memory_space<semaphore_mem>>) attributes {dimension_semantics = [#tpu.dimension_semantics<core_parallel>, #tpu.dimension_semantics<subcore_parallel>], iteration_bounds = array<i64: 2, 16>, scalar_prefetch = 0 : i64, scratch_operands = 14 : i64, tpu.core_type = #tpu.core_type<sc_vector_subcore>, window_params = [{transform_indices = #map}, {transform_indices = #map1}, {transform_indices = #map1}, {transform_indices = #map1}, {transform_indices = #map1}, {transform_indices = #map}, {transform_indices = #map1}]} {
    %mul3A = arith.constant 2 : i32
    %mul3A_0 = arith.muli %arg1, %mul3A : i32
    %add3A = arith.addi %mul3A_0, %arg0 : i32
    %mul3A_1 = arith.constant 1024 : i32
    %mul3A_2 = arith.muli %add3A, %mul3A_1 : i32
    "tpu.region"() ({
      %run_scoped3A = tpu.sem_alloc : memref<!tpu.dma_semaphore, #tpu.memory_space<semaphore_mem>>
      %dma_start3A_2119 = tpu.memref_slice %arg4[%mul3A_2] : memref<32768xi32, #tpu.memory_space<hbm>> -> memref<1024xi32, #tpu.memory_space<hbm>>
      %dma_start3A_2120 = tpu.memref_slice %arg4[%mul3A_2] : memref<32768xi32, #tpu.memory_space<hbm>> -> memref<1024xi32, #tpu.memory_space<hbm>>
      tpu.enqueue_dma source(%dma_start3A_2120 : memref<1024xi32, #tpu.memory_space<hbm>>) target(%arg9 : memref<1024xi32, #tpu.memory_space<vmem>>) target_semaphore(%run_scoped3A : memref<!tpu.dma_semaphore, #tpu.memory_space<semaphore_mem>>)
      %dma_wait3A_2121 = tpu.memref_slice %arg4[%mul3A_2] : memref<32768xi32, #tpu.memory_space<hbm>> -> memref<1024xi32, #tpu.memory_space<hbm>>
      %dma_wait3A_2122 = tpu.memref_slice %arg4[%mul3A_2] : memref<32768xi32, #tpu.memory_space<hbm>> -> memref<1024xi32, #tpu.memory_space<hbm>>
      tpu.wait_dma2 semaphore(%run_scoped3A : memref<!tpu.dma_semaphore, #tpu.memory_space<semaphore_mem>>) src(%dma_wait3A_2122 : memref<1024xi32, #tpu.memory_space<hbm>>) dst(%arg9 : memref<1024xi32, #tpu.memory_space<vmem>>)
      tpu.yield
    }) : () -> ()
    "tpu.region"() ({
      %run_scoped3A = tpu.sem_alloc : memref<!tpu.dma_semaphore, #tpu.memory_space<semaphore_mem>>
      %dma_start3A_2119 = tpu.memref_slice %arg5[%mul3A_2] : memref<32768xi32, #tpu.memory_space<hbm>> -> memref<1024xi32, #tpu.memory_space<hbm>>
      %dma_start3A_2120 = tpu.memref_slice %arg5[%mul3A_2] : memref<32768xi32, #tpu.memory_space<hbm>> -> memref<1024xi32, #tpu.memory_space<hbm>>
      tpu.enqueue_dma source(%dma_start3A_2120 : memref<1024xi32, #tpu.memory_space<hbm>>) target(%arg10 : memref<1024xi32, #tpu.memory_space<vmem>>) target_semaphore(%run_scoped3A : memref<!tpu.dma_semaphore, #tpu.memory_space<semaphore_mem>>)
      %dma_wait3A_2121 = tpu.memref_slice %arg5[%mul3A_2] : memref<32768xi32, #tpu.memory_space<hbm>> -> memref<1024xi32, #tpu.memory_space<hbm>>
      %dma_wait3A_2122 = tpu.memref_slice %arg5[%mul3A_2] : memref<32768xi32, #tpu.memory_space<hbm>> -> memref<1024xi32, #tpu.memory_space<hbm>>
      tpu.wait_dma2 semaphore(%run_scoped3A : memref<!tpu.dma_semaphore, #tpu.memory_space<semaphore_mem>>) src(%dma_wait3A_2122 : memref<1024xi32, #tpu.memory_space<hbm>>) dst(%arg10 : memref<1024xi32, #tpu.memory_space<vmem>>)
      tpu.yield
    }) : () -> ()
    %dma_start3A = arith.constant 0 : i32
    %dma_start3A_3 = tpu.memref_slice %arg9[%dma_start3A] : memref<1024xi32, #tpu.memory_space<vmem>> -> memref<32xi32, #tpu.memory_space<vmem>>
    %dma_start3A_4 = arith.constant 0 : i32
    %dma_start3A_5 = arith.constant 0 : i32
    %dma_start3A_6 = tpu.memref_slice %arg2[%dma_start3A_4, %dma_start3A_5] : memref<1000x1024xf32, #tpu.memory_space<hbm>> -> memref<1000x1024xf32, #tpu.memory_space<hbm>>
    tpu.enqueue_indirect_dma source(%dma_start3A_6 : memref<1000x1024xf32, #tpu.memory_space<hbm>>) target(%arg13 : memref<32x1024xf32, #tpu.memory_space<vmem>>) offsets(%dma_start3A_3 : memref<32xi32, #tpu.memory_space<vmem>>) semaphore(%arg16 : memref<!tpu.dma_semaphore, #tpu.memory_space<semaphore_mem>>)
    %dma_start3A_7 = arith.constant 32 : i32
    %dma_start3A_8 = tpu.memref_slice %arg9[%dma_start3A_7] : memref<1024xi32, #tpu.memory_space<vmem>> -> memref<32xi32, #tpu.memory_space<vmem>>
    %dma_start3A_9 = arith.constant 0 : i32
    %dma_start3A_10 = arith.constant 0 : i32
    %dma_start3A_11 = tpu.memref_slice %arg2[%dma_start3A_9, %dma_start3A_10] : memref<1000x1024xf32, #tpu.memory_space<hbm>> -> memref<1000x1024xf32, #tpu.memory_space<hbm>>
    tpu.enqueue_indirect_dma source(%dma_start3A_11 : memref<1000x1024xf32, #tpu.memory_space<hbm>>) target(%arg14 : memref<32x1024xf32, #tpu.memory_space<vmem>>) offsets(%dma_start3A_8 : memref<32xi32, #tpu.memory_space<vmem>>) semaphore(%arg17 : memref<!tpu.dma_semaphore, #tpu.memory_space<semaphore_mem>>)
    %dma_start3A_12 = arith.constant 64 : i32
    %dma_start3A_13 = tpu.memref_slice %arg9[%dma_start3A_12] : memref<1024xi32, #tpu.memory_space<vmem>> -> memref<32xi32, #tpu.memory_space<vmem>>
    %dma_start3A_14 = arith.constant 0 : i32
    %dma_start3A_15 = arith.constant 0 : i32
    %dma_start3A_16 = tpu.memref_slice %arg2[%dma_start3A_14, %dma_start3A_15] : memref<1000x1024xf32, #tpu.memory_space<hbm>> -> memref<1000x1024xf32, #tpu.memory_space<hbm>>
    tpu.enqueue_indirect_dma source(%dma_start3A_16 : memref<1000x1024xf32, #tpu.memory_space<hbm>>) target(%arg15 : memref<32x1024xf32, #tpu.memory_space<vmem>>) offsets(%dma_start3A_13 : memref<32xi32, #tpu.memory_space<vmem>>) semaphore(%arg18 : memref<!tpu.dma_semaphore, #tpu.memory_space<semaphore_mem>>)
    %dma_wait3A = arith.constant 0 : i32
    %dma_wait3A_17 = tpu.memref_slice %arg9[%dma_wait3A] : memref<1024xi32, #tpu.memory_space<vmem>> -> memref<32xi32, #tpu.memory_space<vmem>>
    %dma_wait3A_18 = arith.constant 0 : i32
    %dma_wait3A_19 = arith.constant 0 : i32
    %dma_wait3A_20 = tpu.memref_slice %arg2[%dma_wait3A_18, %dma_wait3A_19] : memref<1000x1024xf32, #tpu.memory_space<hbm>> -> memref<1000x1024xf32, #tpu.memory_space<hbm>>
    tpu.wait_indirect_dma semaphore(%arg16 : memref<!tpu.dma_semaphore, #tpu.memory_space<semaphore_mem>>) src(%dma_wait3A_20 : memref<1000x1024xf32, #tpu.memory_space<hbm>>) dst(%arg13 : memref<32x1024xf32, #tpu.memory_space<vmem>>)
    %add3A_21 = arith.constant 0 : i32
    %add3A_22 = arith.addi %mul3A_2, %add3A_21 : i32
    %dma_start3A_23 = arith.constant 0 : i32
    %dma_start3A_24 = tpu.memref_slice %arg7[%add3A_22, %dma_start3A_23] : memref<32768x1024xf32, #tpu.memory_space<hbm>> -> memref<32x1024xf32, #tpu.memory_space<hbm>>
    %dma_start3A_25 = arith.constant 0 : i32
    %dma_start3A_26 = tpu.memref_slice %arg7[%add3A_22, %dma_start3A_25] : memref<32768x1024xf32, #tpu.memory_space<hbm>> -> memref<32x1024xf32, #tpu.memory_space<hbm>>
    tpu.enqueue_dma source(%arg13 : memref<32x1024xf32, #tpu.memory_space<vmem>>) target(%dma_start3A_26 : memref<32x1024xf32, #tpu.memory_space<hbm>>) target_semaphore(%arg19 : memref<!tpu.dma_semaphore, #tpu.memory_space<semaphore_mem>>)
    %add3A_27 = arith.constant 0 : i32
    %add3A_28 = arith.addi %mul3A_2, %add3A_27 : i32
    %dma_wait3A_29 = arith.constant 0 : i32
    %dma_wait3A_30 = tpu.memref_slice %arg7[%add3A_28, %dma_wait3A_29] : memref<32768x1024xf32, #tpu.memory_space<hbm>> -> memref<32x1024xf32, #tpu.memory_space<hbm>>
    %dma_wait3A_31 = arith.constant 0 : i32
    %dma_wait3A_32 = tpu.memref_slice %arg7[%add3A_28, %dma_wait3A_31] : memref<32768x1024xf32, #tpu.memory_space<hbm>> -> memref<32x1024xf32, #tpu.memory_space<hbm>>
    tpu.wait_dma2 semaphore(%arg19 : memref<!tpu.dma_semaphore, #tpu.memory_space<semaphore_mem>>) src(%arg13 : memref<32x1024xf32, #tpu.memory_space<vmem>>) dst(%dma_wait3A_32 : memref<32x1024xf32, #tpu.memory_space<hbm>>)
    %dma_start3A_33 = arith.constant 96 : i32
    %dma_start3A_34 = tpu.memref_slice %arg9[%dma_start3A_33] : memref<1024xi32, #tpu.memory_space<vmem>> -> memref<32xi32, #tpu.memory_space<vmem>>
    %dma_start3A_35 = arith.constant 0 : i32
    %dma_start3A_36 = arith.constant 0 : i32
    %dma_start3A_37 = tpu.memref_slice %arg2[%dma_start3A_35, %dma_start3A_36] : memref<1000x1024xf32, #tpu.memory_space<hbm>> -> memref<1000x1024xf32, #tpu.memory_space<hbm>>
    tpu.enqueue_indirect_dma source(%dma_start3A_37 : memref<1000x1024xf32, #tpu.memory_space<hbm>>) target(%arg13 : memref<32x1024xf32, #tpu.memory_space<vmem>>) offsets(%dma_start3A_34 : memref<32xi32, #tpu.memory_space<vmem>>) semaphore(%arg16 : memref<!tpu.dma_semaphore, #tpu.memory_space<semaphore_mem>>)
    %dma_wait3A_38 = arith.constant 32 : i32
    %dma_wait3A_39 = tpu.memref_slice %arg9[%dma_wait3A_38] : memref<1024xi32, #tpu.memory_space<vmem>> -> memref<32xi32, #tpu.memory_space<vmem>>
    %dma_wait3A_40 = arith.constant 0 : i32
    %dma_wait3A_41 = arith.constant 0 : i32
    %dma_wait3A_42 = tpu.memref_slice %arg2[%dma_wait3A_40, %dma_wait3A_41] : memref<1000x1024xf32, #tpu.memory_space<hbm>> -> memref<1000x1024xf32, #tpu.memory_space<hbm>>
    tpu.wait_indirect_dma semaphore(%arg17 : memref<!tpu.dma_semaphore, #tpu.memory_space<semaphore_mem>>) src(%dma_wait3A_42 : memref<1000x1024xf32, #tpu.memory_space<hbm>>) dst(%arg14 : memref<32x1024xf32, #tpu.memory_space<vmem>>)
    %add3A_43 = arith.constant 32 : i32
    %add3A_44 = arith.addi %mul3A_2, %add3A_43 : i32
    %dma_start3A_45 = arith.constant 0 : i32
    %dma_start3A_46 = tpu.memref_slice %arg7[%add3A_44, %dma_start3A_45] : memref<32768x1024xf32, #tpu.memory_space<hbm>> -> memref<32x1024xf32, #tpu.memory_space<hbm>>
    %dma_start3A_47 = arith.constant 0 : i32
    %dma_start3A_48 = tpu.memref_slice %arg7[%add3A_44, %dma_start3A_47] : memref<32768x1024xf32, #tpu.memory_space<hbm>> -> memref<32x1024xf32, #tpu.memory_space<hbm>>
    tpu.enqueue_dma source(%arg14 : memref<32x1024xf32, #tpu.memory_space<vmem>>) target(%dma_start3A_48 : memref<32x1024xf32, #tpu.memory_space<hbm>>) target_semaphore(%arg20 : memref<!tpu.dma_semaphore, #tpu.memory_space<semaphore_mem>>)
    %add3A_49 = arith.constant 32 : i32
    %add3A_50 = arith.addi %mul3A_2, %add3A_49 : i32
    %dma_wait3A_51 = arith.constant 0 : i32
    %dma_wait3A_52 = tpu.memref_slice %arg7[%add3A_50, %dma_wait3A_51] : memref<32768x1024xf32, #tpu.memory_space<hbm>> -> memref<32x1024xf32, #tpu.memory_space<hbm>>
    %dma_wait3A_53 = arith.constant 0 : i32
    %dma_wait3A_54 = tpu.memref_slice %arg7[%add3A_50, %dma_wait3A_53] : memref<32768x1024xf32, #tpu.memory_space<hbm>> -> memref<32x1024xf32, #tpu.memory_space<hbm>>
    tpu.wait_dma2 semaphore(%arg20 : memref<!tpu.dma_semaphore, #tpu.memory_space<semaphore_mem>>) src(%arg14 : memref<32x1024xf32, #tpu.memory_space<vmem>>) dst(%dma_wait3A_54 : memref<32x1024xf32, #tpu.memory_space<hbm>>)
    %dma_start3A_55 = arith.constant 128 : i32
    %dma_start3A_56 = tpu.memref_slice %arg9[%dma_start3A_55] : memref<1024xi32, #tpu.memory_space<vmem>> -> memref<32xi32, #tpu.memory_space<vmem>>
    %dma_start3A_57 = arith.constant 0 : i32
    %dma_start3A_58 = arith.constant 0 : i32
    %dma_start3A_59 = tpu.memref_slice %arg2[%dma_start3A_57, %dma_start3A_58] : memref<1000x1024xf32, #tpu.memory_space<hbm>> -> memref<1000x1024xf32, #tpu.memory_space<hbm>>
    tpu.enqueue_indirect_dma source(%dma_start3A_59 : memref<1000x1024xf32, #tpu.memory_space<hbm>>) target(%arg14 : memref<32x1024xf32, #tpu.memory_space<vmem>>) offsets(%dma_start3A_56 : memref<32xi32, #tpu.memory_space<vmem>>) semaphore(%arg17 : memref<!tpu.dma_semaphore, #tpu.memory_space<semaphore_mem>>)
    %dma_wait3A_60 = arith.constant 64 : i32
    %dma_wait3A_61 = tpu.memref_slice %arg9[%dma_wait3A_60] : memref<1024xi32, #tpu.memory_space<vmem>> -> memref<32xi32, #tpu.memory_space<vmem>>
    %dma_wait3A_62 = arith.constant 0 : i32
    %dma_wait3A_63 = arith.constant 0 : i32
    %dma_wait3A_64 = tpu.memref_slice %arg2[%dma_wait3A_62, %dma_wait3A_63] : memref<1000x1024xf32, #tpu.memory_space<hbm>> -> memref<1000x1024xf32, #tpu.memory_space<hbm>>
    tpu.wait_indirect_dma semaphore(%arg18 : memref<!tpu.dma_semaphore, #tpu.memory_space<semaphore_mem>>) src(%dma_wait3A_64 : memref<1000x1024xf32, #tpu.memory_space<hbm>>) dst(%arg15 : memref<32x1024xf32, #tpu.memory_space<vmem>>)
    %add3A_65 = arith.constant 64 : i32
    %add3A_66 = arith.addi %mul3A_2, %add3A_65 : i32
    %dma_start3A_67 = arith.constant 0 : i32
    %dma_start3A_68 = tpu.memref_slice %arg7[%add3A_66, %dma_start3A_67] : memref<32768x1024xf32, #tpu.memory_space<hbm>> -> memref<32x1024xf32, #tpu.memory_space<hbm>>
    %dma_start3A_69 = arith.constant 0 : i32
    %dma_start3A_70 = tpu.memref_slice %arg7[%add3A_66, %dma_start3A_69] : memref<32768x1024xf32, #tpu.memory_space<hbm>> -> memref<32x1024xf32, #tpu.memory_space<hbm>>
    tpu.enqueue_dma source(%arg15 : memref<32x1024xf32, #tpu.memory_space<vmem>>) target(%dma_start3A_70 : memref<32x1024xf32, #tpu.memory_space<hbm>>) target_semaphore(%arg21 : memref<!tpu.dma_semaphore, #tpu.memory_space<semaphore_mem>>)
    %add3A_71 = arith.constant 64 : i32
    %add3A_72 = arith.addi %mul3A_2, %add3A_71 : i32
    %dma_wait3A_73 = arith.constant 0 : i32
    %dma_wait3A_74 = tpu.memref_slice %arg7[%add3A_72, %dma_wait3A_73] : memref<32768x1024xf32, #tpu.memory_space<hbm>> -> memref<32x1024xf32, #tpu.memory_space<hbm>>
    %dma_wait3A_75 = arith.constant 0 : i32
    %dma_wait3A_76 = tpu.memref_slice %arg7[%add3A_72, %dma_wait3A_75] : memref<32768x1024xf32, #tpu.memory_space<hbm>> -> memref<32x1024xf32, #tpu.memory_space<hbm>>
    tpu.wait_dma2 semaphore(%arg21 : memref<!tpu.dma_semaphore, #tpu.memory_space<semaphore_mem>>) src(%arg15 : memref<32x1024xf32, #tpu.memory_space<vmem>>) dst(%dma_wait3A_76 : memref<32x1024xf32, #tpu.memory_space<hbm>>)
    %dma_start3A_77 = arith.constant 160 : i32
    %dma_start3A_78 = tpu.memref_slice %arg9[%dma_start3A_77] : memref<1024xi32, #tpu.memory_space<vmem>> -> memref<32xi32, #tpu.memory_space<vmem>>
    %dma_start3A_79 = arith.constant 0 : i32
    %dma_start3A_80 = arith.constant 0 : i32
    %dma_start3A_81 = tpu.memref_slice %arg2[%dma_start3A_79, %dma_start3A_80] : memref<1000x1024xf32, #tpu.memory_space<hbm>> -> memref<1000x1024xf32, #tpu.memory_space<hbm>>
    tpu.enqueue_indirect_dma source(%dma_start3A_81 : memref<1000x1024xf32, #tpu.memory_space<hbm>>) target(%arg15 : memref<32x1024xf32, #tpu.memory_space<vmem>>) offsets(%dma_start3A_78 : memref<32xi32, #tpu.memory_space<vmem>>) semaphore(%arg18 : memref<!tpu.dma_semaphore, #tpu.memory_space<semaphore_mem>>)
    %dma_wait3A_82 = arith.constant 96 : i32
    %dma_wait3A_83 = tpu.memref_slice %arg9[%dma_wait3A_82] : memref<1024xi32, #tpu.memory_space<vmem>> -> memref<32xi32, #tpu.memory_space<vmem>>
    %dma_wait3A_84 = arith.constant 0 : i32
    %dma_wait3A_85 = arith.constant 0 : i32
    %dma_wait3A_86 = tpu.memref_slice %arg2[%dma_wait3A_84, %dma_wait3A_85] : memref<1000x1024xf32, #tpu.memory_space<hbm>> -> memref<1000x1024xf32, #tpu.memory_space<hbm>>
    tpu.wait_indirect_dma semaphore(%arg16 : memref<!tpu.dma_semaphore, #tpu.memory_space<semaphore_mem>>) src(%dma_wait3A_86 : memref<1000x1024xf32, #tpu.memory_space<hbm>>) dst(%arg13 : memref<32x1024xf32, #tpu.memory_space<vmem>>)
    %add3A_87 = arith.constant 96 : i32
    %add3A_88 = arith.addi %mul3A_2, %add3A_87 : i32
    %dma_start3A_89 = arith.constant 0 : i32
    %dma_start3A_90 = tpu.memref_slice %arg7[%add3A_88, %dma_start3A_89] : memref<32768x1024xf32, #tpu.memory_space<hbm>> -> memref<32x1024xf32, #tpu.memory_space<hbm>>
    %dma_start3A_91 = arith.constant 0 : i32
    %dma_start3A_92 = tpu.memref_slice %arg7[%add3A_88, %dma_start3A_91] : memref<32768x1024xf32, #tpu.memory_space<hbm>> -> memref<32x1024xf32, #tpu.memory_space<hbm>>
    tpu.enqueue_dma source(%arg13 : memref<32x1024xf32, #tpu.memory_space<vmem>>) target(%dma_start3A_92 : memref<32x1024xf32, #tpu.memory_space<hbm>>) target_semaphore(%arg19 : memref<!tpu.dma_semaphore, #tpu.memory_space<semaphore_mem>>)
    %add3A_93 = arith.constant 96 : i32
    %add3A_94 = arith.addi %mul3A_2, %add3A_93 : i32
    %dma_wait3A_95 = arith.constant 0 : i32
    %dma_wait3A_96 = tpu.memref_slice %arg7[%add3A_94, %dma_wait3A_95] : memref<32768x1024xf32, #tpu.memory_space<hbm>> -> memref<32x1024xf32, #tpu.memory_space<hbm>>
    %dma_wait3A_97 = arith.constant 0 : i32
    %dma_wait3A_98 = tpu.memref_slice %arg7[%add3A_94, %dma_wait3A_97] : memref<32768x1024xf32, #tpu.memory_space<hbm>> -> memref<32x1024xf32, #tpu.memory_space<hbm>>
    tpu.wait_dma2 semaphore(%arg19 : memref<!tpu.dma_semaphore, #tpu.memory_space<semaphore_mem>>) src(%arg13 : memref<32x1024xf32, #tpu.memory_space<vmem>>) dst(%dma_wait3A_98 : memref<32x1024xf32, #tpu.memory_space<hbm>>)
    %dma_start3A_99 = arith.constant 192 : i32
    %dma_start3A_100 = tpu.memref_slice %arg9[%dma_start3A_99] : memref<1024xi32, #tpu.memory_space<vmem>> -> memref<32xi32, #tpu.memory_space<vmem>>
    %dma_start3A_101 = arith.constant 0 : i32
    %dma_start3A_102 = arith.constant 0 : i32
    %dma_start3A_103 = tpu.memref_slice %arg2[%dma_start3A_101, %dma_start3A_102] : memref<1000x1024xf32, #tpu.memory_space<hbm>> -> memref<1000x1024xf32, #tpu.memory_space<hbm>>
    tpu.enqueue_indirect_dma source(%dma_start3A_103 : memref<1000x1024xf32, #tpu.memory_space<hbm>>) target(%arg13 : memref<32x1024xf32, #tpu.memory_space<vmem>>) offsets(%dma_start3A_100 : memref<32xi32, #tpu.memory_space<vmem>>) semaphore(%arg16 : memref<!tpu.dma_semaphore, #tpu.memory_space<semaphore_mem>>)
    %dma_wait3A_104 = arith.constant 128 : i32
    %dma_wait3A_105 = tpu.memref_slice %arg9[%dma_wait3A_104] : memref<1024xi32, #tpu.memory_space<vmem>> -> memref<32xi32, #tpu.memory_space<vmem>>
    %dma_wait3A_106 = arith.constant 0 : i32
    %dma_wait3A_107 = arith.constant 0 : i32
    %dma_wait3A_108 = tpu.memref_slice %arg2[%dma_wait3A_106, %dma_wait3A_107] : memref<1000x1024xf32, #tpu.memory_space<hbm>> -> memref<1000x1024xf32, #tpu.memory_space<hbm>>
    tpu.wait_indirect_dma semaphore(%arg17 : memref<!tpu.dma_semaphore, #tpu.memory_space<semaphore_mem>>) src(%dma_wait3A_108 : memref<1000x1024xf32, #tpu.memory_space<hbm>>) dst(%arg14 : memref<32x1024xf32, #tpu.memory_space<vmem>>)
    %add3A_109 = arith.constant 128 : i32
    %add3A_110 = arith.addi %mul3A_2, %add3A_109 : i32
    %dma_start3A_111 = arith.constant 0 : i32
    %dma_start3A_112 = tpu.memref_slice %arg7[%add3A_110, %dma_start3A_111] : memref<32768x1024xf32, #tpu.memory_space<hbm>> -> memref<32x1024xf32, #tpu.memory_space<hbm>>
    %dma_start3A_113 = arith.constant 0 : i32
    %dma_start3A_114 = tpu.memref_slice %arg7[%add3A_110, %dma_start3A_113] : memref<32768x1024xf32, #tpu.memory_space<hbm>> -> memref<32x1024xf32, #tpu.memory_space<hbm>>
    tpu.enqueue_dma source(%arg14 : memref<32x1024xf32, #tpu.memory_space<vmem>>) target(%dma_start3A_114 : memref<32x1024xf32, #tpu.memory_space<hbm>>) target_semaphore(%arg20 : memref<!tpu.dma_semaphore, #tpu.memory_space<semaphore_mem>>)
    %add3A_115 = arith.constant 128 : i32
    %add3A_116 = arith.addi %mul3A_2, %add3A_115 : i32
    %dma_wait3A_117 = arith.constant 0 : i32
    %dma_wait3A_118 = tpu.memref_slice %arg7[%add3A_116, %dma_wait3A_117] : memref<32768x1024xf32, #tpu.memory_space<hbm>> -> memref<32x1024xf32, #tpu.memory_space<hbm>>
    %dma_wait3A_119 = arith.constant 0 : i32
    %dma_wait3A_120 = tpu.memref_slice %arg7[%add3A_116, %dma_wait3A_119] : memref<32768x1024xf32, #tpu.memory_space<hbm>> -> memref<32x1024xf32, #tpu.memory_space<hbm>>
    tpu.wait_dma2 semaphore(%arg20 : memref<!tpu.dma_semaphore, #tpu.memory_space<semaphore_mem>>) src(%arg14 : memref<32x1024xf32, #tpu.memory_space<vmem>>) dst(%dma_wait3A_120 : memref<32x1024xf32, #tpu.memory_space<hbm>>)
    %dma_start3A_121 = arith.constant 224 : i32
    %dma_start3A_122 = tpu.memref_slice %arg9[%dma_start3A_121] : memref<1024xi32, #tpu.memory_space<vmem>> -> memref<32xi32, #tpu.memory_space<vmem>>
    %dma_start3A_123 = arith.constant 0 : i32
    %dma_start3A_124 = arith.constant 0 : i32
    %dma_start3A_125 = tpu.memref_slice %arg2[%dma_start3A_123, %dma_start3A_124] : memref<1000x1024xf32, #tpu.memory_space<hbm>> -> memref<1000x1024xf32, #tpu.memory_space<hbm>>
    tpu.enqueue_indirect_dma source(%dma_start3A_125 : memref<1000x1024xf32, #tpu.memory_space<hbm>>) target(%arg14 : memref<32x1024xf32, #tpu.memory_space<vmem>>) offsets(%dma_start3A_122 : memref<32xi32, #tpu.memory_space<vmem>>) semaphore(%arg17 : memref<!tpu.dma_semaphore, #tpu.memory_space<semaphore_mem>>)
    %dma_wait3A_126 = arith.constant 160 : i32
    %dma_wait3A_127 = tpu.memref_slice %arg9[%dma_wait3A_126] : memref<1024xi32, #tpu.memory_space<vmem>> -> memref<32xi32, #tpu.memory_space<vmem>>
    %dma_wait3A_128 = arith.constant 0 : i32
    %dma_wait3A_129 = arith.constant 0 : i32
    %dma_wait3A_130 = tpu.memref_slice %arg2[%dma_wait3A_128, %dma_wait3A_129] : memref<1000x1024xf32, #tpu.memory_space<hbm>> -> memref<1000x1024xf32, #tpu.memory_space<hbm>>
    tpu.wait_indirect_dma semaphore(%arg18 : memref<!tpu.dma_semaphore, #tpu.memory_space<semaphore_mem>>) src(%dma_wait3A_130 : memref<1000x1024xf32, #tpu.memory_space<hbm>>) dst(%arg15 : memref<32x1024xf32, #tpu.memory_space<vmem>>)
    %add3A_131 = arith.constant 160 : i32
    %add3A_132 = arith.addi %mul3A_2, %add3A_131 : i32
    %dma_start3A_133 = arith.constant 0 : i32
    %dma_start3A_134 = tpu.memref_slice %arg7[%add3A_132, %dma_start3A_133] : memref<32768x1024xf32, #tpu.memory_space<hbm>> -> memref<32x1024xf32, #tpu.memory_space<hbm>>
    %dma_start3A_135 = arith.constant 0 : i32
    %dma_start3A_136 = tpu.memref_slice %arg7[%add3A_132, %dma_start3A_135] : memref<32768x1024xf32, #tpu.memory_space<hbm>> -> memref<32x1024xf32, #tpu.memory_space<hbm>>
    tpu.enqueue_dma source(%arg15 : memref<32x1024xf32, #tpu.memory_space<vmem>>) target(%dma_start3A_136 : memref<32x1024xf32, #tpu.memory_space<hbm>>) target_semaphore(%arg21 : memref<!tpu.dma_semaphore, #tpu.memory_space<semaphore_mem>>)
    %add3A_137 = arith.constant 160 : i32
    %add3A_138 = arith.addi %mul3A_2, %add3A_137 : i32
    %dma_wait3A_139 = arith.constant 0 : i32
    %dma_wait3A_140 = tpu.memref_slice %arg7[%add3A_138, %dma_wait3A_139] : memref<32768x1024xf32, #tpu.memory_space<hbm>> -> memref<32x1024xf32, #tpu.memory_space<hbm>>
    %dma_wait3A_141 = arith.constant 0 : i32
    %dma_wait3A_142 = tpu.memref_slice %arg7[%add3A_138, %dma_wait3A_141] : memref<32768x1024xf32, #tpu.memory_space<hbm>> -> memref<32x1024xf32, #tpu.memory_space<hbm>>
    tpu.wait_dma2 semaphore(%arg21 : memref<!tpu.dma_semaphore, #tpu.memory_space<semaphore_mem>>) src(%arg15 : memref<32x1024xf32, #tpu.memory_space<vmem>>) dst(%dma_wait3A_142 : memref<32x1024xf32, #tpu.memory_space<hbm>>)
    %dma_start3A_143 = arith.constant 256 : i32
    %dma_start3A_144 = tpu.memref_slice %arg9[%dma_start3A_143] : memref<1024xi32, #tpu.memory_space<vmem>> -> memref<32xi32, #tpu.memory_space<vmem>>
    %dma_start3A_145 = arith.constant 0 : i32
    %dma_start3A_146 = arith.constant 0 : i32
    %dma_start3A_147 = tpu.memref_slice %arg2[%dma_start3A_145, %dma_start3A_146] : memref<1000x1024xf32, #tpu.memory_space<hbm>> -> memref<1000x1024xf32, #tpu.memory_space<hbm>>
    tpu.enqueue_indirect_dma source(%dma_start3A_147 : memref<1000x1024xf32, #tpu.memory_space<hbm>>) target(%arg15 : memref<32x1024xf32, #tpu.memory_space<vmem>>) offsets(%dma_start3A_144 : memref<32xi32, #tpu.memory_space<vmem>>) semaphore(%arg18 : memref<!tpu.dma_semaphore, #tpu.memory_space<semaphore_mem>>)
    %dma_wait3A_148 = arith.constant 192 : i32
    %dma_wait3A_149 = tpu.memref_slice %arg9[%dma_wait3A_148] : memref<1024xi32, #tpu.memory_space<vmem>> -> memref<32xi32, #tpu.memory_space<vmem>>
    %dma_wait3A_150 = arith.constant 0 : i32
    %dma_wait3A_151 = arith.constant 0 : i32
    %dma_wait3A_152 = tpu.memref_slice %arg2[%dma_wait3A_150, %dma_wait3A_151] : memref<1000x1024xf32, #tpu.memory_space<hbm>> -> memref<1000x1024xf32, #tpu.memory_space<hbm>>
    tpu.wait_indirect_dma semaphore(%arg16 : memref<!tpu.dma_semaphore, #tpu.memory_space<semaphore_mem>>) src(%dma_wait3A_152 : memref<1000x1024xf32, #tpu.memory_space<hbm>>) dst(%arg13 : memref<32x1024xf32, #tpu.memory_space<vmem>>)
    %add3A_153 = arith.constant 192 : i32
    %add3A_154 = arith.addi %mul3A_2, %add3A_153 : i32
    %dma_start3A_155 = arith.constant 0 : i32
    %dma_start3A_156 = tpu.memref_slice %arg7[%add3A_154, %dma_start3A_155] : memref<32768x1024xf32, #tpu.memory_space<hbm>> -> memref<32x1024xf32, #tpu.memory_space<hbm>>
    %dma_start3A_157 = arith.constant 0 : i32
    %dma_start3A_158 = tpu.memref_slice %arg7[%add3A_154, %dma_start3A_157] : memref<32768x1024xf32, #tpu.memory_space<hbm>> -> memref<32x1024xf32, #tpu.memory_space<hbm>>
    tpu.enqueue_dma source(%arg13 : memref<32x1024xf32, #tpu.memory_space<vmem>>) target(%dma_start3A_158 : memref<32x1024xf32, #tpu.memory_space<hbm>>) target_semaphore(%arg19 : memref<!tpu.dma_semaphore, #tpu.memory_space<semaphore_mem>>)
    %add3A_159 = arith.constant 192 : i32
    %add3A_160 = arith.addi %mul3A_2, %add3A_159 : i32
    %dma_wait3A_161 = arith.constant 0 : i32
    %dma_wait3A_162 = tpu.memref_slice %arg7[%add3A_160, %dma_wait3A_161] : memref<32768x1024xf32, #tpu.memory_space<hbm>> -> memref<32x1024xf32, #tpu.memory_space<hbm>>
    %dma_wait3A_163 = arith.constant 0 : i32
    %dma_wait3A_164 = tpu.memref_slice %arg7[%add3A_160, %dma_wait3A_163] : memref<32768x1024xf32, #tpu.memory_space<hbm>> -> memref<32x1024xf32, #tpu.memory_space<hbm>>
    tpu.wait_dma2 semaphore(%arg19 : memref<!tpu.dma_semaphore, #tpu.memory_space<semaphore_mem>>) src(%arg13 : memref<32x1024xf32, #tpu.memory_space<vmem>>) dst(%dma_wait3A_164 : memref<32x1024xf32, #tpu.memory_space<hbm>>)
    %dma_start3A_165 = arith.constant 288 : i32
    %dma_start3A_166 = tpu.memref_slice %arg9[%dma_start3A_165] : memref<1024xi32, #tpu.memory_space<vmem>> -> memref<32xi32, #tpu.memory_space<vmem>>
    %dma_start3A_167 = arith.constant 0 : i32
    %dma_start3A_168 = arith.constant 0 : i32
    %dma_start3A_169 = tpu.memref_slice %arg2[%dma_start3A_167, %dma_start3A_168] : memref<1000x1024xf32, #tpu.memory_space<hbm>> -> memref<1000x1024xf32, #tpu.memory_space<hbm>>
    tpu.enqueue_indirect_dma source(%dma_start3A_169 : memref<1000x1024xf32, #tpu.memory_space<hbm>>) target(%arg13 : memref<32x1024xf32, #tpu.memory_space<vmem>>) offsets(%dma_start3A_166 : memref<32xi32, #tpu.memory_space<vmem>>) semaphore(%arg16 : memref<!tpu.dma_semaphore, #tpu.memory_space<semaphore_mem>>)
    %dma_wait3A_170 = arith.constant 224 : i32
    %dma_wait3A_171 = tpu.memref_slice %arg9[%dma_wait3A_170] : memref<1024xi32, #tpu.memory_space<vmem>> -> memref<32xi32, #tpu.memory_space<vmem>>
    %dma_wait3A_172 = arith.constant 0 : i32
    %dma_wait3A_173 = arith.constant 0 : i32
    %dma_wait3A_174 = tpu.memref_slice %arg2[%dma_wait3A_172, %dma_wait3A_173] : memref<1000x1024xf32, #tpu.memory_space<hbm>> -> memref<1000x1024xf32, #tpu.memory_space<hbm>>
    tpu.wait_indirect_dma semaphore(%arg17 : memref<!tpu.dma_semaphore, #tpu.memory_space<semaphore_mem>>) src(%dma_wait3A_174 : memref<1000x1024xf32, #tpu.memory_space<hbm>>) dst(%arg14 : memref<32x1024xf32, #tpu.memory_space<vmem>>)
    %add3A_175 = arith.constant 224 : i32
    %add3A_176 = arith.addi %mul3A_2, %add3A_175 : i32
    %dma_start3A_177 = arith.constant 0 : i32
    %dma_start3A_178 = tpu.memref_slice %arg7[%add3A_176, %dma_start3A_177] : memref<32768x1024xf32, #tpu.memory_space<hbm>> -> memref<32x1024xf32, #tpu.memory_space<hbm>>
    %dma_start3A_179 = arith.constant 0 : i32
    %dma_start3A_180 = tpu.memref_slice %arg7[%add3A_176, %dma_start3A_179] : memref<32768x1024xf32, #tpu.memory_space<hbm>> -> memref<32x1024xf32, #tpu.memory_space<hbm>>
    tpu.enqueue_dma source(%arg14 : memref<32x1024xf32, #tpu.memory_space<vmem>>) target(%dma_start3A_180 : memref<32x1024xf32, #tpu.memory_space<hbm>>) target_semaphore(%arg20 : memref<!tpu.dma_semaphore, #tpu.memory_space<semaphore_mem>>)
    %add3A_181 = arith.constant 224 : i32
    %add3A_182 = arith.addi %mul3A_2, %add3A_181 : i32
    %dma_wait3A_183 = arith.constant 0 : i32
    %dma_wait3A_184 = tpu.memref_slice %arg7[%add3A_182, %dma_wait3A_183] : memref<32768x1024xf32, #tpu.memory_space<hbm>> -> memref<32x1024xf32, #tpu.memory_space<hbm>>
    %dma_wait3A_185 = arith.constant 0 : i32
    %dma_wait3A_186 = tpu.memref_slice %arg7[%add3A_182, %dma_wait3A_185] : memref<32768x1024xf32, #tpu.memory_space<hbm>> -> memref<32x1024xf32, #tpu.memory_space<hbm>>
    tpu.wait_dma2 semaphore(%arg20 : memref<!tpu.dma_semaphore, #tpu.memory_space<semaphore_mem>>) src(%arg14 : memref<32x1024xf32, #tpu.memory_space<vmem>>) dst(%dma_wait3A_186 : memref<32x1024xf32, #tpu.memory_space<hbm>>)
    %dma_start3A_187 = arith.constant 320 : i32
    %dma_start3A_188 = tpu.memref_slice %arg9[%dma_start3A_187] : memref<1024xi32, #tpu.memory_space<vmem>> -> memref<32xi32, #tpu.memory_space<vmem>>
    %dma_start3A_189 = arith.constant 0 : i32
    %dma_start3A_190 = arith.constant 0 : i32
    %dma_start3A_191 = tpu.memref_slice %arg2[%dma_start3A_189, %dma_start3A_190] : memref<1000x1024xf32, #tpu.memory_space<hbm>> -> memref<1000x1024xf32, #tpu.memory_space<hbm>>
    tpu.enqueue_indirect_dma source(%dma_start3A_191 : memref<1000x1024xf32, #tpu.memory_space<hbm>>) target(%arg14 : memref<32x1024xf32, #tpu.memory_space<vmem>>) offsets(%dma_start3A_188 : memref<32xi32, #tpu.memory_space<vmem>>) semaphore(%arg17 : memref<!tpu.dma_semaphore, #tpu.memory_space<semaphore_mem>>)
    %dma_wait3A_192 = arith.constant 256 : i32
    %dma_wait3A_193 = tpu.memref_slice %arg9[%dma_wait3A_192] : memref<1024xi32, #tpu.memory_space<vmem>> -> memref<32xi32, #tpu.memory_space<vmem>>
    %dma_wait3A_194 = arith.constant 0 : i32
    %dma_wait3A_195 = arith.constant 0 : i32
    %dma_wait3A_196 = tpu.memref_slice %arg2[%dma_wait3A_194, %dma_wait3A_195] : memref<1000x1024xf32, #tpu.memory_space<hbm>> -> memref<1000x1024xf32, #tpu.memory_space<hbm>>
    tpu.wait_indirect_dma semaphore(%arg18 : memref<!tpu.dma_semaphore, #tpu.memory_space<semaphore_mem>>) src(%dma_wait3A_196 : memref<1000x1024xf32, #tpu.memory_space<hbm>>) dst(%arg15 : memref<32x1024xf32, #tpu.memory_space<vmem>>)
    %add3A_197 = arith.constant 256 : i32
    %add3A_198 = arith.addi %mul3A_2, %add3A_197 : i32
    %dma_start3A_199 = arith.constant 0 : i32
    %dma_start3A_200 = tpu.memref_slice %arg7[%add3A_198, %dma_start3A_199] : memref<32768x1024xf32, #tpu.memory_space<hbm>> -> memref<32x1024xf32, #tpu.memory_space<hbm>>
    %dma_start3A_201 = arith.constant 0 : i32
    %dma_start3A_202 = tpu.memref_slice %arg7[%add3A_198, %dma_start3A_201] : memref<32768x1024xf32, #tpu.memory_space<hbm>> -> memref<32x1024xf32, #tpu.memory_space<hbm>>
    tpu.enqueue_dma source(%arg15 : memref<32x1024xf32, #tpu.memory_space<vmem>>) target(%dma_start3A_202 : memref<32x1024xf32, #tpu.memory_space<hbm>>) target_semaphore(%arg21 : memref<!tpu.dma_semaphore, #tpu.memory_space<semaphore_mem>>)
    %add3A_203 = arith.constant 256 : i32
    %add3A_204 = arith.addi %mul3A_2, %add3A_203 : i32
    %dma_wait3A_205 = arith.constant 0 : i32
    %dma_wait3A_206 = tpu.memref_slice %arg7[%add3A_204, %dma_wait3A_205] : memref<32768x1024xf32, #tpu.memory_space<hbm>> -> memref<32x1024xf32, #tpu.memory_space<hbm>>
    %dma_wait3A_207 = arith.constant 0 : i32
    %dma_wait3A_208 = tpu.memref_slice %arg7[%add3A_204, %dma_wait3A_207] : memref<32768x1024xf32, #tpu.memory_space<hbm>> -> memref<32x1024xf32, #tpu.memory_space<hbm>>
    tpu.wait_dma2 semaphore(%arg21 : memref<!tpu.dma_semaphore, #tpu.memory_space<semaphore_mem>>) src(%arg15 : memref<32x1024xf32, #tpu.memory_space<vmem>>) dst(%dma_wait3A_208 : memref<32x1024xf32, #tpu.memory_space<hbm>>)
    %dma_start3A_209 = arith.constant 352 : i32
    %dma_start3A_210 = tpu.memref_slice %arg9[%dma_start3A_209] : memref<1024xi32, #tpu.memory_space<vmem>> -> memref<32xi32, #tpu.memory_space<vmem>>
    %dma_start3A_211 = arith.constant 0 : i32
    %dma_start3A_212 = arith.constant 0 : i32
    %dma_start3A_213 = tpu.memref_slice %arg2[%dma_start3A_211, %dma_start3A_212] : memref<1000x1024xf32, #tpu.memory_space<hbm>> -> memref<1000x1024xf32, #tpu.memory_space<hbm>>
    tpu.enqueue_indirect_dma source(%dma_start3A_213 : memref<1000x1024xf32, #tpu.memory_space<hbm>>) target(%arg15 : memref<32x1024xf32, #tpu.memory_space<vmem>>) offsets(%dma_start3A_210 : memref<32xi32, #tpu.memory_space<vmem>>) semaphore(%arg18 : memref<!tpu.dma_semaphore, #tpu.memory_space<semaphore_mem>>)
    %dma_wait3A_214 = arith.constant 288 : i32
    %dma_wait3A_215 = tpu.memref_slice %arg9[%dma_wait3A_214] : memref<1024xi32, #tpu.memory_space<vmem>> -> memref<32xi32, #tpu.memory_space<vmem>>
    %dma_wait3A_216 = arith.constant 0 : i32
    %dma_wait3A_217 = arith.constant 0 : i32
    %dma_wait3A_218 = tpu.memref_slice %arg2[%dma_wait3A_216, %dma_wait3A_217] : memref<1000x1024xf32, #tpu.memory_space<hbm>> -> memref<1000x1024xf32, #tpu.memory_space<hbm>>
    tpu.wait_indirect_dma semaphore(%arg16 : memref<!tpu.dma_semaphore, #tpu.memory_space<semaphore_mem>>) src(%dma_wait3A_218 : memref<1000x1024xf32, #tpu.memory_space<hbm>>) dst(%arg13 : memref<32x1024xf32, #tpu.memory_space<vmem>>)
    %add3A_219 = arith.constant 288 : i32
    %add3A_220 = arith.addi %mul3A_2, %add3A_219 : i32
    %dma_start3A_221 = arith.constant 0 : i32
    %dma_start3A_222 = tpu.memref_slice %arg7[%add3A_220, %dma_start3A_221] : memref<32768x1024xf32, #tpu.memory_space<hbm>> -> memref<32x1024xf32, #tpu.memory_space<hbm>>
    %dma_start3A_223 = arith.constant 0 : i32
    %dma_start3A_224 = tpu.memref_slice %arg7[%add3A_220, %dma_start3A_223] : memref<32768x1024xf32, #tpu.memory_space<hbm>> -> memref<32x1024xf32, #tpu.memory_space<hbm>>
    tpu.enqueue_dma source(%arg13 : memref<32x1024xf32, #tpu.memory_space<vmem>>) target(%dma_start3A_224 : memref<32x1024xf32, #tpu.memory_space<hbm>>) target_semaphore(%arg19 : memref<!tpu.dma_semaphore, #tpu.memory_space<semaphore_mem>>)
    %add3A_225 = arith.constant 288 : i32
    %add3A_226 = arith.addi %mul3A_2, %add3A_225 : i32
    %dma_wait3A_227 = arith.constant 0 : i32
    %dma_wait3A_228 = tpu.memref_slice %arg7[%add3A_226, %dma_wait3A_227] : memref<32768x1024xf32, #tpu.memory_space<hbm>> -> memref<32x1024xf32, #tpu.memory_space<hbm>>
    %dma_wait3A_229 = arith.constant 0 : i32
    %dma_wait3A_230 = tpu.memref_slice %arg7[%add3A_226, %dma_wait3A_229] : memref<32768x1024xf32, #tpu.memory_space<hbm>> -> memref<32x1024xf32, #tpu.memory_space<hbm>>
    tpu.wait_dma2 semaphore(%arg19 : memref<!tpu.dma_semaphore, #tpu.memory_space<semaphore_mem>>) src(%arg13 : memref<32x1024xf32, #tpu.memory_space<vmem>>) dst(%dma_wait3A_230 : memref<32x1024xf32, #tpu.memory_space<hbm>>)
    %dma_start3A_231 = arith.constant 384 : i32
    %dma_start3A_232 = tpu.memref_slice %arg9[%dma_start3A_231] : memref<1024xi32, #tpu.memory_space<vmem>> -> memref<32xi32, #tpu.memory_space<vmem>>
    %dma_start3A_233 = arith.constant 0 : i32
    %dma_start3A_234 = arith.constant 0 : i32
    %dma_start3A_235 = tpu.memref_slice %arg2[%dma_start3A_233, %dma_start3A_234] : memref<1000x1024xf32, #tpu.memory_space<hbm>> -> memref<1000x1024xf32, #tpu.memory_space<hbm>>
    tpu.enqueue_indirect_dma source(%dma_start3A_235 : memref<1000x1024xf32, #tpu.memory_space<hbm>>) target(%arg13 : memref<32x1024xf32, #tpu.memory_space<vmem>>) offsets(%dma_start3A_232 : memref<32xi32, #tpu.memory_space<vmem>>) semaphore(%arg16 : memref<!tpu.dma_semaphore, #tpu.memory_space<semaphore_mem>>)
    %dma_wait3A_236 = arith.constant 320 : i32
    %dma_wait3A_237 = tpu.memref_slice %arg9[%dma_wait3A_236] : memref<1024xi32, #tpu.memory_space<vmem>> -> memref<32xi32, #tpu.memory_space<vmem>>
    %dma_wait3A_238 = arith.constant 0 : i32
    %dma_wait3A_239 = arith.constant 0 : i32
    %dma_wait3A_240 = tpu.memref_slice %arg2[%dma_wait3A_238, %dma_wait3A_239] : memref<1000x1024xf32, #tpu.memory_space<hbm>> -> memref<1000x1024xf32, #tpu.memory_space<hbm>>
    tpu.wait_indirect_dma semaphore(%arg17 : memref<!tpu.dma_semaphore, #tpu.memory_space<semaphore_mem>>) src(%dma_wait3A_240 : memref<1000x1024xf32, #tpu.memory_space<hbm>>) dst(%arg14 : memref<32x1024xf32, #tpu.memory_space<vmem>>)
    %add3A_241 = arith.constant 320 : i32
    %add3A_242 = arith.addi %mul3A_2, %add3A_241 : i32
    %dma_start3A_243 = arith.constant 0 : i32
    %dma_start3A_244 = tpu.memref_slice %arg7[%add3A_242, %dma_start3A_243] : memref<32768x1024xf32, #tpu.memory_space<hbm>> -> memref<32x1024xf32, #tpu.memory_space<hbm>>
    %dma_start3A_245 = arith.constant 0 : i32
    %dma_start3A_246 = tpu.memref_slice %arg7[%add3A_242, %dma_start3A_245] : memref<32768x1024xf32, #tpu.memory_space<hbm>> -> memref<32x1024xf32, #tpu.memory_space<hbm>>
    tpu.enqueue_dma source(%arg14 : memref<32x1024xf32, #tpu.memory_space<vmem>>) target(%dma_start3A_246 : memref<32x1024xf32, #tpu.memory_space<hbm>>) target_semaphore(%arg20 : memref<!tpu.dma_semaphore, #tpu.memory_space<semaphore_mem>>)
    %add3A_247 = arith.constant 320 : i32
    %add3A_248 = arith.addi %mul3A_2, %add3A_247 : i32
    %dma_wait3A_249 = arith.constant 0 : i32
    %dma_wait3A_250 = tpu.memref_slice %arg7[%add3A_248, %dma_wait3A_249] : memref<32768x1024xf32, #tpu.memory_space<hbm>> -> memref<32x1024xf32, #tpu.memory_space<hbm>>
    %dma_wait3A_251 = arith.constant 0 : i32
    %dma_wait3A_252 = tpu.memref_slice %arg7[%add3A_248, %dma_wait3A_251] : memref<32768x1024xf32, #tpu.memory_space<hbm>> -> memref<32x1024xf32, #tpu.memory_space<hbm>>
    tpu.wait_dma2 semaphore(%arg20 : memref<!tpu.dma_semaphore, #tpu.memory_space<semaphore_mem>>) src(%arg14 : memref<32x1024xf32, #tpu.memory_space<vmem>>) dst(%dma_wait3A_252 : memref<32x1024xf32, #tpu.memory_space<hbm>>)
    %dma_start3A_253 = arith.constant 416 : i32
    %dma_start3A_254 = tpu.memref_slice %arg9[%dma_start3A_253] : memref<1024xi32, #tpu.memory_space<vmem>> -> memref<32xi32, #tpu.memory_space<vmem>>
    %dma_start3A_255 = arith.constant 0 : i32
    %dma_start3A_256 = arith.constant 0 : i32
    %dma_start3A_257 = tpu.memref_slice %arg2[%dma_start3A_255, %dma_start3A_256] : memref<1000x1024xf32, #tpu.memory_space<hbm>> -> memref<1000x1024xf32, #tpu.memory_space<hbm>>
    tpu.enqueue_indirect_dma source(%dma_start3A_257 : memref<1000x1024xf32, #tpu.memory_space<hbm>>) target(%arg14 : memref<32x1024xf32, #tpu.memory_space<vmem>>) offsets(%dma_start3A_254 : memref<32xi32, #tpu.memory_space<vmem>>) semaphore(%arg17 : memref<!tpu.dma_semaphore, #tpu.memory_space<semaphore_mem>>)
    %dma_wait3A_258 = arith.constant 352 : i32
    %dma_wait3A_259 = tpu.memref_slice %arg9[%dma_wait3A_258] : memref<1024xi32, #tpu.memory_space<vmem>> -> memref<32xi32, #tpu.memory_space<vmem>>
    %dma_wait3A_260 = arith.constant 0 : i32
    %dma_wait3A_261 = arith.constant 0 : i32
    %dma_wait3A_262 = tpu.memref_slice %arg2[%dma_wait3A_260, %dma_wait3A_261] : memref<1000x1024xf32, #tpu.memory_space<hbm>> -> memref<1000x1024xf32, #tpu.memory_space<hbm>>
    tpu.wait_indirect_dma semaphore(%arg18 : memref<!tpu.dma_semaphore, #tpu.memory_space<semaphore_mem>>) src(%dma_wait3A_262 : memref<1000x1024xf32, #tpu.memory_space<hbm>>) dst(%arg15 : memref<32x1024xf32, #tpu.memory_space<vmem>>)
    %add3A_263 = arith.constant 352 : i32
    %add3A_264 = arith.addi %mul3A_2, %add3A_263 : i32
    %dma_start3A_265 = arith.constant 0 : i32
    %dma_start3A_266 = tpu.memref_slice %arg7[%add3A_264, %dma_start3A_265] : memref<32768x1024xf32, #tpu.memory_space<hbm>> -> memref<32x1024xf32, #tpu.memory_space<hbm>>
    %dma_start3A_267 = arith.constant 0 : i32
    %dma_start3A_268 = tpu.memref_slice %arg7[%add3A_264, %dma_start3A_267] : memref<32768x1024xf32, #tpu.memory_space<hbm>> -> memref<32x1024xf32, #tpu.memory_space<hbm>>
    tpu.enqueue_dma source(%arg15 : memref<32x1024xf32, #tpu.memory_space<vmem>>) target(%dma_start3A_268 : memref<32x1024xf32, #tpu.memory_space<hbm>>) target_semaphore(%arg21 : memref<!tpu.dma_semaphore, #tpu.memory_space<semaphore_mem>>)
    %add3A_269 = arith.constant 352 : i32
    %add3A_270 = arith.addi %mul3A_2, %add3A_269 : i32
    %dma_wait3A_271 = arith.constant 0 : i32
    %dma_wait3A_272 = tpu.memref_slice %arg7[%add3A_270, %dma_wait3A_271] : memref<32768x1024xf32, #tpu.memory_space<hbm>> -> memref<32x1024xf32, #tpu.memory_space<hbm>>
    %dma_wait3A_273 = arith.constant 0 : i32
    %dma_wait3A_274 = tpu.memref_slice %arg7[%add3A_270, %dma_wait3A_273] : memref<32768x1024xf32, #tpu.memory_space<hbm>> -> memref<32x1024xf32, #tpu.memory_space<hbm>>
    tpu.wait_dma2 semaphore(%arg21 : memref<!tpu.dma_semaphore, #tpu.memory_space<semaphore_mem>>) src(%arg15 : memref<32x1024xf32, #tpu.memory_space<vmem>>) dst(%dma_wait3A_274 : memref<32x1024xf32, #tpu.memory_space<hbm>>)
    %dma_start3A_275 = arith.constant 448 : i32
    %dma_start3A_276 = tpu.memref_slice %arg9[%dma_start3A_275] : memref<1024xi32, #tpu.memory_space<vmem>> -> memref<32xi32, #tpu.memory_space<vmem>>
    %dma_start3A_277 = arith.constant 0 : i32
    %dma_start3A_278 = arith.constant 0 : i32
    %dma_start3A_279 = tpu.memref_slice %arg2[%dma_start3A_277, %dma_start3A_278] : memref<1000x1024xf32, #tpu.memory_space<hbm>> -> memref<1000x1024xf32, #tpu.memory_space<hbm>>
    tpu.enqueue_indirect_dma source(%dma_start3A_279 : memref<1000x1024xf32, #tpu.memory_space<hbm>>) target(%arg15 : memref<32x1024xf32, #tpu.memory_space<vmem>>) offsets(%dma_start3A_276 : memref<32xi32, #tpu.memory_space<vmem>>) semaphore(%arg18 : memref<!tpu.dma_semaphore, #tpu.memory_space<semaphore_mem>>)
    %dma_wait3A_280 = arith.constant 384 : i32
    %dma_wait3A_281 = tpu.memref_slice %arg9[%dma_wait3A_280] : memref<1024xi32, #tpu.memory_space<vmem>> -> memref<32xi32, #tpu.memory_space<vmem>>
    %dma_wait3A_282 = arith.constant 0 : i32
    %dma_wait3A_283 = arith.constant 0 : i32
    %dma_wait3A_284 = tpu.memref_slice %arg2[%dma_wait3A_282, %dma_wait3A_283] : memref<1000x1024xf32, #tpu.memory_space<hbm>> -> memref<1000x1024xf32, #tpu.memory_space<hbm>>
    tpu.wait_indirect_dma semaphore(%arg16 : memref<!tpu.dma_semaphore, #tpu.memory_space<semaphore_mem>>) src(%dma_wait3A_284 : memref<1000x1024xf32, #tpu.memory_space<hbm>>) dst(%arg13 : memref<32x1024xf32, #tpu.memory_space<vmem>>)
    %add3A_285 = arith.constant 384 : i32
    %add3A_286 = arith.addi %mul3A_2, %add3A_285 : i32
    %dma_start3A_287 = arith.constant 0 : i32
    %dma_start3A_288 = tpu.memref_slice %arg7[%add3A_286, %dma_start3A_287] : memref<32768x1024xf32, #tpu.memory_space<hbm>> -> memref<32x1024xf32, #tpu.memory_space<hbm>>
    %dma_start3A_289 = arith.constant 0 : i32
    %dma_start3A_290 = tpu.memref_slice %arg7[%add3A_286, %dma_start3A_289] : memref<32768x1024xf32, #tpu.memory_space<hbm>> -> memref<32x1024xf32, #tpu.memory_space<hbm>>
    tpu.enqueue_dma source(%arg13 : memref<32x1024xf32, #tpu.memory_space<vmem>>) target(%dma_start3A_290 : memref<32x1024xf32, #tpu.memory_space<hbm>>) target_semaphore(%arg19 : memref<!tpu.dma_semaphore, #tpu.memory_space<semaphore_mem>>)
    %add3A_291 = arith.constant 384 : i32
    %add3A_292 = arith.addi %mul3A_2, %add3A_291 : i32
    %dma_wait3A_293 = arith.constant 0 : i32
    %dma_wait3A_294 = tpu.memref_slice %arg7[%add3A_292, %dma_wait3A_293] : memref<32768x1024xf32, #tpu.memory_space<hbm>> -> memref<32x1024xf32, #tpu.memory_space<hbm>>
    %dma_wait3A_295 = arith.constant 0 : i32
    %dma_wait3A_296 = tpu.memref_slice %arg7[%add3A_292, %dma_wait3A_295] : memref<32768x1024xf32, #tpu.memory_space<hbm>> -> memref<32x1024xf32, #tpu.memory_space<hbm>>
    tpu.wait_dma2 semaphore(%arg19 : memref<!tpu.dma_semaphore, #tpu.memory_space<semaphore_mem>>) src(%arg13 : memref<32x1024xf32, #tpu.memory_space<vmem>>) dst(%dma_wait3A_296 : memref<32x1024xf32, #tpu.memory_space<hbm>>)
    %dma_start3A_297 = arith.constant 480 : i32
    %dma_start3A_298 = tpu.memref_slice %arg9[%dma_start3A_297] : memref<1024xi32, #tpu.memory_space<vmem>> -> memref<32xi32, #tpu.memory_space<vmem>>
    %dma_start3A_299 = arith.constant 0 : i32
    %dma_start3A_300 = arith.constant 0 : i32
    %dma_start3A_301 = tpu.memref_slice %arg2[%dma_start3A_299, %dma_start3A_300] : memref<1000x1024xf32, #tpu.memory_space<hbm>> -> memref<1000x1024xf32, #tpu.memory_space<hbm>>
    tpu.enqueue_indirect_dma source(%dma_start3A_301 : memref<1000x1024xf32, #tpu.memory_space<hbm>>) target(%arg13 : memref<32x1024xf32, #tpu.memory_space<vmem>>) offsets(%dma_start3A_298 : memref<32xi32, #tpu.memory_space<vmem>>) semaphore(%arg16 : memref<!tpu.dma_semaphore, #tpu.memory_space<semaphore_mem>>)
    %dma_wait3A_302 = arith.constant 416 : i32
    %dma_wait3A_303 = tpu.memref_slice %arg9[%dma_wait3A_302] : memref<1024xi32, #tpu.memory_space<vmem>> -> memref<32xi32, #tpu.memory_space<vmem>>
    %dma_wait3A_304 = arith.constant 0 : i32
    %dma_wait3A_305 = arith.constant 0 : i32
    %dma_wait3A_306 = tpu.memref_slice %arg2[%dma_wait3A_304, %dma_wait3A_305] : memref<1000x1024xf32, #tpu.memory_space<hbm>> -> memref<1000x1024xf32, #tpu.memory_space<hbm>>
    tpu.wait_indirect_dma semaphore(%arg17 : memref<!tpu.dma_semaphore, #tpu.memory_space<semaphore_mem>>) src(%dma_wait3A_306 : memref<1000x1024xf32, #tpu.memory_space<hbm>>) dst(%arg14 : memref<32x1024xf32, #tpu.memory_space<vmem>>)
    %add3A_307 = arith.constant 416 : i32
    %add3A_308 = arith.addi %mul3A_2, %add3A_307 : i32
    %dma_start3A_309 = arith.constant 0 : i32
    %dma_start3A_310 = tpu.memref_slice %arg7[%add3A_308, %dma_start3A_309] : memref<32768x1024xf32, #tpu.memory_space<hbm>> -> memref<32x1024xf32, #tpu.memory_space<hbm>>
    %dma_start3A_311 = arith.constant 0 : i32
    %dma_start3A_312 = tpu.memref_slice %arg7[%add3A_308, %dma_start3A_311] : memref<32768x1024xf32, #tpu.memory_space<hbm>> -> memref<32x1024xf32, #tpu.memory_space<hbm>>
    tpu.enqueue_dma source(%arg14 : memref<32x1024xf32, #tpu.memory_space<vmem>>) target(%dma_start3A_312 : memref<32x1024xf32, #tpu.memory_space<hbm>>) target_semaphore(%arg20 : memref<!tpu.dma_semaphore, #tpu.memory_space<semaphore_mem>>)
    %add3A_313 = arith.constant 416 : i32
    %add3A_314 = arith.addi %mul3A_2, %add3A_313 : i32
    %dma_wait3A_315 = arith.constant 0 : i32
    %dma_wait3A_316 = tpu.memref_slice %arg7[%add3A_314, %dma_wait3A_315] : memref<32768x1024xf32, #tpu.memory_space<hbm>> -> memref<32x1024xf32, #tpu.memory_space<hbm>>
    %dma_wait3A_317 = arith.constant 0 : i32
    %dma_wait3A_318 = tpu.memref_slice %arg7[%add3A_314, %dma_wait3A_317] : memref<32768x1024xf32, #tpu.memory_space<hbm>> -> memref<32x1024xf32, #tpu.memory_space<hbm>>
    tpu.wait_dma2 semaphore(%arg20 : memref<!tpu.dma_semaphore, #tpu.memory_space<semaphore_mem>>) src(%arg14 : memref<32x1024xf32, #tpu.memory_space<vmem>>) dst(%dma_wait3A_318 : memref<32x1024xf32, #tpu.memory_space<hbm>>)
    %dma_start3A_319 = arith.constant 512 : i32
    %dma_start3A_320 = tpu.memref_slice %arg9[%dma_start3A_319] : memref<1024xi32, #tpu.memory_space<vmem>> -> memref<32xi32, #tpu.memory_space<vmem>>
    %dma_start3A_321 = arith.constant 0 : i32
    %dma_start3A_322 = arith.constant 0 : i32
    %dma_start3A_323 = tpu.memref_slice %arg2[%dma_start3A_321, %dma_start3A_322] : memref<1000x1024xf32, #tpu.memory_space<hbm>> -> memref<1000x1024xf32, #tpu.memory_space<hbm>>
    tpu.enqueue_indirect_dma source(%dma_start3A_323 : memref<1000x1024xf32, #tpu.memory_space<hbm>>) target(%arg14 : memref<32x1024xf32, #tpu.memory_space<vmem>>) offsets(%dma_start3A_320 : memref<32xi32, #tpu.memory_space<vmem>>) semaphore(%arg17 : memref<!tpu.dma_semaphore, #tpu.memory_space<semaphore_mem>>)
    %dma_wait3A_324 = arith.constant 448 : i32
    %dma_wait3A_325 = tpu.memref_slice %arg9[%dma_wait3A_324] : memref<1024xi32, #tpu.memory_space<vmem>> -> memref<32xi32, #tpu.memory_space<vmem>>
    %dma_wait3A_326 = arith.constant 0 : i32
    %dma_wait3A_327 = arith.constant 0 : i32
    %dma_wait3A_328 = tpu.memref_slice %arg2[%dma_wait3A_326, %dma_wait3A_327] : memref<1000x1024xf32, #tpu.memory_space<hbm>> -> memref<1000x1024xf32, #tpu.memory_space<hbm>>
    tpu.wait_indirect_dma semaphore(%arg18 : memref<!tpu.dma_semaphore, #tpu.memory_space<semaphore_mem>>) src(%dma_wait3A_328 : memref<1000x1024xf32, #tpu.memory_space<hbm>>) dst(%arg15 : memref<32x1024xf32, #tpu.memory_space<vmem>>)
    %add3A_329 = arith.constant 448 : i32
    %add3A_330 = arith.addi %mul3A_2, %add3A_329 : i32
    %dma_start3A_331 = arith.constant 0 : i32
    %dma_start3A_332 = tpu.memref_slice %arg7[%add3A_330, %dma_start3A_331] : memref<32768x1024xf32, #tpu.memory_space<hbm>> -> memref<32x1024xf32, #tpu.memory_space<hbm>>
    %dma_start3A_333 = arith.constant 0 : i32
    %dma_start3A_334 = tpu.memref_slice %arg7[%add3A_330, %dma_start3A_333] : memref<32768x1024xf32, #tpu.memory_space<hbm>> -> memref<32x1024xf32, #tpu.memory_space<hbm>>
    tpu.enqueue_dma source(%arg15 : memref<32x1024xf32, #tpu.memory_space<vmem>>) target(%dma_start3A_334 : memref<32x1024xf32, #tpu.memory_space<hbm>>) target_semaphore(%arg21 : memref<!tpu.dma_semaphore, #tpu.memory_space<semaphore_mem>>)
    %add3A_335 = arith.constant 448 : i32
    %add3A_336 = arith.addi %mul3A_2, %add3A_335 : i32
    %dma_wait3A_337 = arith.constant 0 : i32
    %dma_wait3A_338 = tpu.memref_slice %arg7[%add3A_336, %dma_wait3A_337] : memref<32768x1024xf32, #tpu.memory_space<hbm>> -> memref<32x1024xf32, #tpu.memory_space<hbm>>
    %dma_wait3A_339 = arith.constant 0 : i32
    %dma_wait3A_340 = tpu.memref_slice %arg7[%add3A_336, %dma_wait3A_339] : memref<32768x1024xf32, #tpu.memory_space<hbm>> -> memref<32x1024xf32, #tpu.memory_space<hbm>>
    tpu.wait_dma2 semaphore(%arg21 : memref<!tpu.dma_semaphore, #tpu.memory_space<semaphore_mem>>) src(%arg15 : memref<32x1024xf32, #tpu.memory_space<vmem>>) dst(%dma_wait3A_340 : memref<32x1024xf32, #tpu.memory_space<hbm>>)
    %dma_start3A_341 = arith.constant 544 : i32
    %dma_start3A_342 = tpu.memref_slice %arg9[%dma_start3A_341] : memref<1024xi32, #tpu.memory_space<vmem>> -> memref<32xi32, #tpu.memory_space<vmem>>
    %dma_start3A_343 = arith.constant 0 : i32
    %dma_start3A_344 = arith.constant 0 : i32
    %dma_start3A_345 = tpu.memref_slice %arg2[%dma_start3A_343, %dma_start3A_344] : memref<1000x1024xf32, #tpu.memory_space<hbm>> -> memref<1000x1024xf32, #tpu.memory_space<hbm>>
    tpu.enqueue_indirect_dma source(%dma_start3A_345 : memref<1000x1024xf32, #tpu.memory_space<hbm>>) target(%arg15 : memref<32x1024xf32, #tpu.memory_space<vmem>>) offsets(%dma_start3A_342 : memref<32xi32, #tpu.memory_space<vmem>>) semaphore(%arg18 : memref<!tpu.dma_semaphore, #tpu.memory_space<semaphore_mem>>)
    %dma_wait3A_346 = arith.constant 480 : i32
    %dma_wait3A_347 = tpu.memref_slice %arg9[%dma_wait3A_346] : memref<1024xi32, #tpu.memory_space<vmem>> -> memref<32xi32, #tpu.memory_space<vmem>>
    %dma_wait3A_348 = arith.constant 0 : i32
    %dma_wait3A_349 = arith.constant 0 : i32
    %dma_wait3A_350 = tpu.memref_slice %arg2[%dma_wait3A_348, %dma_wait3A_349] : memref<1000x1024xf32, #tpu.memory_space<hbm>> -> memref<1000x1024xf32, #tpu.memory_space<hbm>>
    tpu.wait_indirect_dma semaphore(%arg16 : memref<!tpu.dma_semaphore, #tpu.memory_space<semaphore_mem>>) src(%dma_wait3A_350 : memref<1000x1024xf32, #tpu.memory_space<hbm>>) dst(%arg13 : memref<32x1024xf32, #tpu.memory_space<vmem>>)
    %add3A_351 = arith.constant 480 : i32
    %add3A_352 = arith.addi %mul3A_2, %add3A_351 : i32
    %dma_start3A_353 = arith.constant 0 : i32
    %dma_start3A_354 = tpu.memref_slice %arg7[%add3A_352, %dma_start3A_353] : memref<32768x1024xf32, #tpu.memory_space<hbm>> -> memref<32x1024xf32, #tpu.memory_space<hbm>>
    %dma_start3A_355 = arith.constant 0 : i32
    %dma_start3A_356 = tpu.memref_slice %arg7[%add3A_352, %dma_start3A_355] : memref<32768x1024xf32, #tpu.memory_space<hbm>> -> memref<32x1024xf32, #tpu.memory_space<hbm>>
    tpu.enqueue_dma source(%arg13 : memref<32x1024xf32, #tpu.memory_space<vmem>>) target(%dma_start3A_356 : memref<32x1024xf32, #tpu.memory_space<hbm>>) target_semaphore(%arg19 : memref<!tpu.dma_semaphore, #tpu.memory_space<semaphore_mem>>)
    %add3A_357 = arith.constant 480 : i32
    %add3A_358 = arith.addi %mul3A_2, %add3A_357 : i32
    %dma_wait3A_359 = arith.constant 0 : i32
    %dma_wait3A_360 = tpu.memref_slice %arg7[%add3A_358, %dma_wait3A_359] : memref<32768x1024xf32, #tpu.memory_space<hbm>> -> memref<32x1024xf32, #tpu.memory_space<hbm>>
    %dma_wait3A_361 = arith.constant 0 : i32
    %dma_wait3A_362 = tpu.memref_slice %arg7[%add3A_358, %dma_wait3A_361] : memref<32768x1024xf32, #tpu.memory_space<hbm>> -> memref<32x1024xf32, #tpu.memory_space<hbm>>
    tpu.wait_dma2 semaphore(%arg19 : memref<!tpu.dma_semaphore, #tpu.memory_space<semaphore_mem>>) src(%arg13 : memref<32x1024xf32, #tpu.memory_space<vmem>>) dst(%dma_wait3A_362 : memref<32x1024xf32, #tpu.memory_space<hbm>>)
    %dma_start3A_363 = arith.constant 576 : i32
    %dma_start3A_364 = tpu.memref_slice %arg9[%dma_start3A_363] : memref<1024xi32, #tpu.memory_space<vmem>> -> memref<32xi32, #tpu.memory_space<vmem>>
    %dma_start3A_365 = arith.constant 0 : i32
    %dma_start3A_366 = arith.constant 0 : i32
    %dma_start3A_367 = tpu.memref_slice %arg2[%dma_start3A_365, %dma_start3A_366] : memref<1000x1024xf32, #tpu.memory_space<hbm>> -> memref<1000x1024xf32, #tpu.memory_space<hbm>>
    tpu.enqueue_indirect_dma source(%dma_start3A_367 : memref<1000x1024xf32, #tpu.memory_space<hbm>>) target(%arg13 : memref<32x1024xf32, #tpu.memory_space<vmem>>) offsets(%dma_start3A_364 : memref<32xi32, #tpu.memory_space<vmem>>) semaphore(%arg16 : memref<!tpu.dma_semaphore, #tpu.memory_space<semaphore_mem>>)
    %dma_wait3A_368 = arith.constant 512 : i32
    %dma_wait3A_369 = tpu.memref_slice %arg9[%dma_wait3A_368] : memref<1024xi32, #tpu.memory_space<vmem>> -> memref<32xi32, #tpu.memory_space<vmem>>
    %dma_wait3A_370 = arith.constant 0 : i32
    %dma_wait3A_371 = arith.constant 0 : i32
    %dma_wait3A_372 = tpu.memref_slice %arg2[%dma_wait3A_370, %dma_wait3A_371] : memref<1000x1024xf32, #tpu.memory_space<hbm>> -> memref<1000x1024xf32, #tpu.memory_space<hbm>>
    tpu.wait_indirect_dma semaphore(%arg17 : memref<!tpu.dma_semaphore, #tpu.memory_space<semaphore_mem>>) src(%dma_wait3A_372 : memref<1000x1024xf32, #tpu.memory_space<hbm>>) dst(%arg14 : memref<32x1024xf32, #tpu.memory_space<vmem>>)
    %add3A_373 = arith.constant 512 : i32
    %add3A_374 = arith.addi %mul3A_2, %add3A_373 : i32
    %dma_start3A_375 = arith.constant 0 : i32
    %dma_start3A_376 = tpu.memref_slice %arg7[%add3A_374, %dma_start3A_375] : memref<32768x1024xf32, #tpu.memory_space<hbm>> -> memref<32x1024xf32, #tpu.memory_space<hbm>>
    %dma_start3A_377 = arith.constant 0 : i32
    %dma_start3A_378 = tpu.memref_slice %arg7[%add3A_374, %dma_start3A_377] : memref<32768x1024xf32, #tpu.memory_space<hbm>> -> memref<32x1024xf32, #tpu.memory_space<hbm>>
    tpu.enqueue_dma source(%arg14 : memref<32x1024xf32, #tpu.memory_space<vmem>>) target(%dma_start3A_378 : memref<32x1024xf32, #tpu.memory_space<hbm>>) target_semaphore(%arg20 : memref<!tpu.dma_semaphore, #tpu.memory_space<semaphore_mem>>)
    %add3A_379 = arith.constant 512 : i32
    %add3A_380 = arith.addi %mul3A_2, %add3A_379 : i32
    %dma_wait3A_381 = arith.constant 0 : i32
    %dma_wait3A_382 = tpu.memref_slice %arg7[%add3A_380, %dma_wait3A_381] : memref<32768x1024xf32, #tpu.memory_space<hbm>> -> memref<32x1024xf32, #tpu.memory_space<hbm>>
    %dma_wait3A_383 = arith.constant 0 : i32
    %dma_wait3A_384 = tpu.memref_slice %arg7[%add3A_380, %dma_wait3A_383] : memref<32768x1024xf32, #tpu.memory_space<hbm>> -> memref<32x1024xf32, #tpu.memory_space<hbm>>
    tpu.wait_dma2 semaphore(%arg20 : memref<!tpu.dma_semaphore, #tpu.memory_space<semaphore_mem>>) src(%arg14 : memref<32x1024xf32, #tpu.memory_space<vmem>>) dst(%dma_wait3A_384 : memref<32x1024xf32, #tpu.memory_space<hbm>>)
    %dma_start3A_385 = arith.constant 608 : i32
    %dma_start3A_386 = tpu.memref_slice %arg9[%dma_start3A_385] : memref<1024xi32, #tpu.memory_space<vmem>> -> memref<32xi32, #tpu.memory_space<vmem>>
    %dma_start3A_387 = arith.constant 0 : i32
    %dma_start3A_388 = arith.constant 0 : i32
    %dma_start3A_389 = tpu.memref_slice %arg2[%dma_start3A_387, %dma_start3A_388] : memref<1000x1024xf32, #tpu.memory_space<hbm>> -> memref<1000x1024xf32, #tpu.memory_space<hbm>>
    tpu.enqueue_indirect_dma source(%dma_start3A_389 : memref<1000x1024xf32, #tpu.memory_space<hbm>>) target(%arg14 : memref<32x1024xf32, #tpu.memory_space<vmem>>) offsets(%dma_start3A_386 : memref<32xi32, #tpu.memory_space<vmem>>) semaphore(%arg17 : memref<!tpu.dma_semaphore, #tpu.memory_space<semaphore_mem>>)
    %dma_wait3A_390 = arith.constant 544 : i32
    %dma_wait3A_391 = tpu.memref_slice %arg9[%dma_wait3A_390] : memref<1024xi32, #tpu.memory_space<vmem>> -> memref<32xi32, #tpu.memory_space<vmem>>
    %dma_wait3A_392 = arith.constant 0 : i32
    %dma_wait3A_393 = arith.constant 0 : i32
    %dma_wait3A_394 = tpu.memref_slice %arg2[%dma_wait3A_392, %dma_wait3A_393] : memref<1000x1024xf32, #tpu.memory_space<hbm>> -> memref<1000x1024xf32, #tpu.memory_space<hbm>>
    tpu.wait_indirect_dma semaphore(%arg18 : memref<!tpu.dma_semaphore, #tpu.memory_space<semaphore_mem>>) src(%dma_wait3A_394 : memref<1000x1024xf32, #tpu.memory_space<hbm>>) dst(%arg15 : memref<32x1024xf32, #tpu.memory_space<vmem>>)
    %add3A_395 = arith.constant 544 : i32
    %add3A_396 = arith.addi %mul3A_2, %add3A_395 : i32
    %dma_start3A_397 = arith.constant 0 : i32
    %dma_start3A_398 = tpu.memref_slice %arg7[%add3A_396, %dma_start3A_397] : memref<32768x1024xf32, #tpu.memory_space<hbm>> -> memref<32x1024xf32, #tpu.memory_space<hbm>>
    %dma_start3A_399 = arith.constant 0 : i32
    %dma_start3A_400 = tpu.memref_slice %arg7[%add3A_396, %dma_start3A_399] : memref<32768x1024xf32, #tpu.memory_space<hbm>> -> memref<32x1024xf32, #tpu.memory_space<hbm>>
    tpu.enqueue_dma source(%arg15 : memref<32x1024xf32, #tpu.memory_space<vmem>>) target(%dma_start3A_400 : memref<32x1024xf32, #tpu.memory_space<hbm>>) target_semaphore(%arg21 : memref<!tpu.dma_semaphore, #tpu.memory_space<semaphore_mem>>)
    %add3A_401 = arith.constant 544 : i32
    %add3A_402 = arith.addi %mul3A_2, %add3A_401 : i32
    %dma_wait3A_403 = arith.constant 0 : i32
    %dma_wait3A_404 = tpu.memref_slice %arg7[%add3A_402, %dma_wait3A_403] : memref<32768x1024xf32, #tpu.memory_space<hbm>> -> memref<32x1024xf32, #tpu.memory_space<hbm>>
    %dma_wait3A_405 = arith.constant 0 : i32
    %dma_wait3A_406 = tpu.memref_slice %arg7[%add3A_402, %dma_wait3A_405] : memref<32768x1024xf32, #tpu.memory_space<hbm>> -> memref<32x1024xf32, #tpu.memory_space<hbm>>
    tpu.wait_dma2 semaphore(%arg21 : memref<!tpu.dma_semaphore, #tpu.memory_space<semaphore_mem>>) src(%arg15 : memref<32x1024xf32, #tpu.memory_space<vmem>>) dst(%dma_wait3A_406 : memref<32x1024xf32, #tpu.memory_space<hbm>>)
    %dma_start3A_407 = arith.constant 640 : i32
    %dma_start3A_408 = tpu.memref_slice %arg9[%dma_start3A_407] : memref<1024xi32, #tpu.memory_space<vmem>> -> memref<32xi32, #tpu.memory_space<vmem>>
    %dma_start3A_409 = arith.constant 0 : i32
    %dma_start3A_410 = arith.constant 0 : i32
    %dma_start3A_411 = tpu.memref_slice %arg2[%dma_start3A_409, %dma_start3A_410] : memref<1000x1024xf32, #tpu.memory_space<hbm>> -> memref<1000x1024xf32, #tpu.memory_space<hbm>>
    tpu.enqueue_indirect_dma source(%dma_start3A_411 : memref<1000x1024xf32, #tpu.memory_space<hbm>>) target(%arg15 : memref<32x1024xf32, #tpu.memory_space<vmem>>) offsets(%dma_start3A_408 : memref<32xi32, #tpu.memory_space<vmem>>) semaphore(%arg18 : memref<!tpu.dma_semaphore, #tpu.memory_space<semaphore_mem>>)
    %dma_wait3A_412 = arith.constant 576 : i32
    %dma_wait3A_413 = tpu.memref_slice %arg9[%dma_wait3A_412] : memref<1024xi32, #tpu.memory_space<vmem>> -> memref<32xi32, #tpu.memory_space<vmem>>
    %dma_wait3A_414 = arith.constant 0 : i32
    %dma_wait3A_415 = arith.constant 0 : i32
    %dma_wait3A_416 = tpu.memref_slice %arg2[%dma_wait3A_414, %dma_wait3A_415] : memref<1000x1024xf32, #tpu.memory_space<hbm>> -> memref<1000x1024xf32, #tpu.memory_space<hbm>>
    tpu.wait_indirect_dma semaphore(%arg16 : memref<!tpu.dma_semaphore, #tpu.memory_space<semaphore_mem>>) src(%dma_wait3A_416 : memref<1000x1024xf32, #tpu.memory_space<hbm>>) dst(%arg13 : memref<32x1024xf32, #tpu.memory_space<vmem>>)
    %add3A_417 = arith.constant 576 : i32
    %add3A_418 = arith.addi %mul3A_2, %add3A_417 : i32
    %dma_start3A_419 = arith.constant 0 : i32
    %dma_start3A_420 = tpu.memref_slice %arg7[%add3A_418, %dma_start3A_419] : memref<32768x1024xf32, #tpu.memory_space<hbm>> -> memref<32x1024xf32, #tpu.memory_space<hbm>>
    %dma_start3A_421 = arith.constant 0 : i32
    %dma_start3A_422 = tpu.memref_slice %arg7[%add3A_418, %dma_start3A_421] : memref<32768x1024xf32, #tpu.memory_space<hbm>> -> memref<32x1024xf32, #tpu.memory_space<hbm>>
    tpu.enqueue_dma source(%arg13 : memref<32x1024xf32, #tpu.memory_space<vmem>>) target(%dma_start3A_422 : memref<32x1024xf32, #tpu.memory_space<hbm>>) target_semaphore(%arg19 : memref<!tpu.dma_semaphore, #tpu.memory_space<semaphore_mem>>)
    %add3A_423 = arith.constant 576 : i32
    %add3A_424 = arith.addi %mul3A_2, %add3A_423 : i32
    %dma_wait3A_425 = arith.constant 0 : i32
    %dma_wait3A_426 = tpu.memref_slice %arg7[%add3A_424, %dma_wait3A_425] : memref<32768x1024xf32, #tpu.memory_space<hbm>> -> memref<32x1024xf32, #tpu.memory_space<hbm>>
    %dma_wait3A_427 = arith.constant 0 : i32
    %dma_wait3A_428 = tpu.memref_slice %arg7[%add3A_424, %dma_wait3A_427] : memref<32768x1024xf32, #tpu.memory_space<hbm>> -> memref<32x1024xf32, #tpu.memory_space<hbm>>
    tpu.wait_dma2 semaphore(%arg19 : memref<!tpu.dma_semaphore, #tpu.memory_space<semaphore_mem>>) src(%arg13 : memref<32x1024xf32, #tpu.memory_space<vmem>>) dst(%dma_wait3A_428 : memref<32x1024xf32, #tpu.memory_space<hbm>>)
    %dma_start3A_429 = arith.constant 672 : i32
    %dma_start3A_430 = tpu.memref_slice %arg9[%dma_start3A_429] : memref<1024xi32, #tpu.memory_space<vmem>> -> memref<32xi32, #tpu.memory_space<vmem>>
    %dma_start3A_431 = arith.constant 0 : i32
    %dma_start3A_432 = arith.constant 0 : i32
    %dma_start3A_433 = tpu.memref_slice %arg2[%dma_start3A_431, %dma_start3A_432] : memref<1000x1024xf32, #tpu.memory_space<hbm>> -> memref<1000x1024xf32, #tpu.memory_space<hbm>>
    tpu.enqueue_indirect_dma source(%dma_start3A_433 : memref<1000x1024xf32, #tpu.memory_space<hbm>>) target(%arg13 : memref<32x1024xf32, #tpu.memory_space<vmem>>) offsets(%dma_start3A_430 : memref<32xi32, #tpu.memory_space<vmem>>) semaphore(%arg16 : memref<!tpu.dma_semaphore, #tpu.memory_space<semaphore_mem>>)
    %dma_wait3A_434 = arith.constant 608 : i32
    %dma_wait3A_435 = tpu.memref_slice %arg9[%dma_wait3A_434] : memref<1024xi32, #tpu.memory_space<vmem>> -> memref<32xi32, #tpu.memory_space<vmem>>
    %dma_wait3A_436 = arith.constant 0 : i32
    %dma_wait3A_437 = arith.constant 0 : i32
    %dma_wait3A_438 = tpu.memref_slice %arg2[%dma_wait3A_436, %dma_wait3A_437] : memref<1000x1024xf32, #tpu.memory_space<hbm>> -> memref<1000x1024xf32, #tpu.memory_space<hbm>>
    tpu.wait_indirect_dma semaphore(%arg17 : memref<!tpu.dma_semaphore, #tpu.memory_space<semaphore_mem>>) src(%dma_wait3A_438 : memref<1000x1024xf32, #tpu.memory_space<hbm>>) dst(%arg14 : memref<32x1024xf32, #tpu.memory_space<vmem>>)
    %add3A_439 = arith.constant 608 : i32
    %add3A_440 = arith.addi %mul3A_2, %add3A_439 : i32
    %dma_start3A_441 = arith.constant 0 : i32
    %dma_start3A_442 = tpu.memref_slice %arg7[%add3A_440, %dma_start3A_441] : memref<32768x1024xf32, #tpu.memory_space<hbm>> -> memref<32x1024xf32, #tpu.memory_space<hbm>>
    %dma_start3A_443 = arith.constant 0 : i32
    %dma_start3A_444 = tpu.memref_slice %arg7[%add3A_440, %dma_start3A_443] : memref<32768x1024xf32, #tpu.memory_space<hbm>> -> memref<32x1024xf32, #tpu.memory_space<hbm>>
    tpu.enqueue_dma source(%arg14 : memref<32x1024xf32, #tpu.memory_space<vmem>>) target(%dma_start3A_444 : memref<32x1024xf32, #tpu.memory_space<hbm>>) target_semaphore(%arg20 : memref<!tpu.dma_semaphore, #tpu.memory_space<semaphore_mem>>)
    %add3A_445 = arith.constant 608 : i32
    %add3A_446 = arith.addi %mul3A_2, %add3A_445 : i32
    %dma_wait3A_447 = arith.constant 0 : i32
    %dma_wait3A_448 = tpu.memref_slice %arg7[%add3A_446, %dma_wait3A_447] : memref<32768x1024xf32, #tpu.memory_space<hbm>> -> memref<32x1024xf32, #tpu.memory_space<hbm>>
    %dma_wait3A_449 = arith.constant 0 : i32
    %dma_wait3A_450 = tpu.memref_slice %arg7[%add3A_446, %dma_wait3A_449] : memref<32768x1024xf32, #tpu.memory_space<hbm>> -> memref<32x1024xf32, #tpu.memory_space<hbm>>
    tpu.wait_dma2 semaphore(%arg20 : memref<!tpu.dma_semaphore, #tpu.memory_space<semaphore_mem>>) src(%arg14 : memref<32x1024xf32, #tpu.memory_space<vmem>>) dst(%dma_wait3A_450 : memref<32x1024xf32, #tpu.memory_space<hbm>>)
    %dma_start3A_451 = arith.constant 704 : i32
    %dma_start3A_452 = tpu.memref_slice %arg9[%dma_start3A_451] : memref<1024xi32, #tpu.memory_space<vmem>> -> memref<32xi32, #tpu.memory_space<vmem>>
    %dma_start3A_453 = arith.constant 0 : i32
    %dma_start3A_454 = arith.constant 0 : i32
    %dma_start3A_455 = tpu.memref_slice %arg2[%dma_start3A_453, %dma_start3A_454] : memref<1000x1024xf32, #tpu.memory_space<hbm>> -> memref<1000x1024xf32, #tpu.memory_space<hbm>>
    tpu.enqueue_indirect_dma source(%dma_start3A_455 : memref<1000x1024xf32, #tpu.memory_space<hbm>>) target(%arg14 : memref<32x1024xf32, #tpu.memory_space<vmem>>) offsets(%dma_start3A_452 : memref<32xi32, #tpu.memory_space<vmem>>) semaphore(%arg17 : memref<!tpu.dma_semaphore, #tpu.memory_space<semaphore_mem>>)
    %dma_wait3A_456 = arith.constant 640 : i32
    %dma_wait3A_457 = tpu.memref_slice %arg9[%dma_wait3A_456] : memref<1024xi32, #tpu.memory_space<vmem>> -> memref<32xi32, #tpu.memory_space<vmem>>
    %dma_wait3A_458 = arith.constant 0 : i32
    %dma_wait3A_459 = arith.constant 0 : i32
    %dma_wait3A_460 = tpu.memref_slice %arg2[%dma_wait3A_458, %dma_wait3A_459] : memref<1000x1024xf32, #tpu.memory_space<hbm>> -> memref<1000x1024xf32, #tpu.memory_space<hbm>>
    tpu.wait_indirect_dma semaphore(%arg18 : memref<!tpu.dma_semaphore, #tpu.memory_space<semaphore_mem>>) src(%dma_wait3A_460 : memref<1000x1024xf32, #tpu.memory_space<hbm>>) dst(%arg15 : memref<32x1024xf32, #tpu.memory_space<vmem>>)
    %add3A_461 = arith.constant 640 : i32
    %add3A_462 = arith.addi %mul3A_2, %add3A_461 : i32
    %dma_start3A_463 = arith.constant 0 : i32
    %dma_start3A_464 = tpu.memref_slice %arg7[%add3A_462, %dma_start3A_463] : memref<32768x1024xf32, #tpu.memory_space<hbm>> -> memref<32x1024xf32, #tpu.memory_space<hbm>>
    %dma_start3A_465 = arith.constant 0 : i32
    %dma_start3A_466 = tpu.memref_slice %arg7[%add3A_462, %dma_start3A_465] : memref<32768x1024xf32, #tpu.memory_space<hbm>> -> memref<32x1024xf32, #tpu.memory_space<hbm>>
    tpu.enqueue_dma source(%arg15 : memref<32x1024xf32, #tpu.memory_space<vmem>>) target(%dma_start3A_466 : memref<32x1024xf32, #tpu.memory_space<hbm>>) target_semaphore(%arg21 : memref<!tpu.dma_semaphore, #tpu.memory_space<semaphore_mem>>)
    %add3A_467 = arith.constant 640 : i32
    %add3A_468 = arith.addi %mul3A_2, %add3A_467 : i32
    %dma_wait3A_469 = arith.constant 0 : i32
    %dma_wait3A_470 = tpu.memref_slice %arg7[%add3A_468, %dma_wait3A_469] : memref<32768x1024xf32, #tpu.memory_space<hbm>> -> memref<32x1024xf32, #tpu.memory_space<hbm>>
    %dma_wait3A_471 = arith.constant 0 : i32
    %dma_wait3A_472 = tpu.memref_slice %arg7[%add3A_468, %dma_wait3A_471] : memref<32768x1024xf32, #tpu.memory_space<hbm>> -> memref<32x1024xf32, #tpu.memory_space<hbm>>
    tpu.wait_dma2 semaphore(%arg21 : memref<!tpu.dma_semaphore, #tpu.memory_space<semaphore_mem>>) src(%arg15 : memref<32x1024xf32, #tpu.memory_space<vmem>>) dst(%dma_wait3A_472 : memref<32x1024xf32, #tpu.memory_space<hbm>>)
    %dma_start3A_473 = arith.constant 736 : i32
    %dma_start3A_474 = tpu.memref_slice %arg9[%dma_start3A_473] : memref<1024xi32, #tpu.memory_space<vmem>> -> memref<32xi32, #tpu.memory_space<vmem>>
    %dma_start3A_475 = arith.constant 0 : i32
    %dma_start3A_476 = arith.constant 0 : i32
    %dma_start3A_477 = tpu.memref_slice %arg2[%dma_start3A_475, %dma_start3A_476] : memref<1000x1024xf32, #tpu.memory_space<hbm>> -> memref<1000x1024xf32, #tpu.memory_space<hbm>>
    tpu.enqueue_indirect_dma source(%dma_start3A_477 : memref<1000x1024xf32, #tpu.memory_space<hbm>>) target(%arg15 : memref<32x1024xf32, #tpu.memory_space<vmem>>) offsets(%dma_start3A_474 : memref<32xi32, #tpu.memory_space<vmem>>) semaphore(%arg18 : memref<!tpu.dma_semaphore, #tpu.memory_space<semaphore_mem>>)
    %dma_wait3A_478 = arith.constant 672 : i32
    %dma_wait3A_479 = tpu.memref_slice %arg9[%dma_wait3A_478] : memref<1024xi32, #tpu.memory_space<vmem>> -> memref<32xi32, #tpu.memory_space<vmem>>
    %dma_wait3A_480 = arith.constant 0 : i32
    %dma_wait3A_481 = arith.constant 0 : i32
    %dma_wait3A_482 = tpu.memref_slice %arg2[%dma_wait3A_480, %dma_wait3A_481] : memref<1000x1024xf32, #tpu.memory_space<hbm>> -> memref<1000x1024xf32, #tpu.memory_space<hbm>>
    tpu.wait_indirect_dma semaphore(%arg16 : memref<!tpu.dma_semaphore, #tpu.memory_space<semaphore_mem>>) src(%dma_wait3A_482 : memref<1000x1024xf32, #tpu.memory_space<hbm>>) dst(%arg13 : memref<32x1024xf32, #tpu.memory_space<vmem>>)
    %add3A_483 = arith.constant 672 : i32
    %add3A_484 = arith.addi %mul3A_2, %add3A_483 : i32
    %dma_start3A_485 = arith.constant 0 : i32
    %dma_start3A_486 = tpu.memref_slice %arg7[%add3A_484, %dma_start3A_485] : memref<32768x1024xf32, #tpu.memory_space<hbm>> -> memref<32x1024xf32, #tpu.memory_space<hbm>>
    %dma_start3A_487 = arith.constant 0 : i32
    %dma_start3A_488 = tpu.memref_slice %arg7[%add3A_484, %dma_start3A_487] : memref<32768x1024xf32, #tpu.memory_space<hbm>> -> memref<32x1024xf32, #tpu.memory_space<hbm>>
    tpu.enqueue_dma source(%arg13 : memref<32x1024xf32, #tpu.memory_space<vmem>>) target(%dma_start3A_488 : memref<32x1024xf32, #tpu.memory_space<hbm>>) target_semaphore(%arg19 : memref<!tpu.dma_semaphore, #tpu.memory_space<semaphore_mem>>)
    %add3A_489 = arith.constant 672 : i32
    %add3A_490 = arith.addi %mul3A_2, %add3A_489 : i32
    %dma_wait3A_491 = arith.constant 0 : i32
    %dma_wait3A_492 = tpu.memref_slice %arg7[%add3A_490, %dma_wait3A_491] : memref<32768x1024xf32, #tpu.memory_space<hbm>> -> memref<32x1024xf32, #tpu.memory_space<hbm>>
    %dma_wait3A_493 = arith.constant 0 : i32
    %dma_wait3A_494 = tpu.memref_slice %arg7[%add3A_490, %dma_wait3A_493] : memref<32768x1024xf32, #tpu.memory_space<hbm>> -> memref<32x1024xf32, #tpu.memory_space<hbm>>
    tpu.wait_dma2 semaphore(%arg19 : memref<!tpu.dma_semaphore, #tpu.memory_space<semaphore_mem>>) src(%arg13 : memref<32x1024xf32, #tpu.memory_space<vmem>>) dst(%dma_wait3A_494 : memref<32x1024xf32, #tpu.memory_space<hbm>>)
    %dma_start3A_495 = arith.constant 768 : i32
    %dma_start3A_496 = tpu.memref_slice %arg9[%dma_start3A_495] : memref<1024xi32, #tpu.memory_space<vmem>> -> memref<32xi32, #tpu.memory_space<vmem>>
    %dma_start3A_497 = arith.constant 0 : i32
    %dma_start3A_498 = arith.constant 0 : i32
    %dma_start3A_499 = tpu.memref_slice %arg2[%dma_start3A_497, %dma_start3A_498] : memref<1000x1024xf32, #tpu.memory_space<hbm>> -> memref<1000x1024xf32, #tpu.memory_space<hbm>>
    tpu.enqueue_indirect_dma source(%dma_start3A_499 : memref<1000x1024xf32, #tpu.memory_space<hbm>>) target(%arg13 : memref<32x1024xf32, #tpu.memory_space<vmem>>) offsets(%dma_start3A_496 : memref<32xi32, #tpu.memory_space<vmem>>) semaphore(%arg16 : memref<!tpu.dma_semaphore, #tpu.memory_space<semaphore_mem>>)
    %dma_wait3A_500 = arith.constant 704 : i32
    %dma_wait3A_501 = tpu.memref_slice %arg9[%dma_wait3A_500] : memref<1024xi32, #tpu.memory_space<vmem>> -> memref<32xi32, #tpu.memory_space<vmem>>
    %dma_wait3A_502 = arith.constant 0 : i32
    %dma_wait3A_503 = arith.constant 0 : i32
    %dma_wait3A_504 = tpu.memref_slice %arg2[%dma_wait3A_502, %dma_wait3A_503] : memref<1000x1024xf32, #tpu.memory_space<hbm>> -> memref<1000x1024xf32, #tpu.memory_space<hbm>>
    tpu.wait_indirect_dma semaphore(%arg17 : memref<!tpu.dma_semaphore, #tpu.memory_space<semaphore_mem>>) src(%dma_wait3A_504 : memref<1000x1024xf32, #tpu.memory_space<hbm>>) dst(%arg14 : memref<32x1024xf32, #tpu.memory_space<vmem>>)
    %add3A_505 = arith.constant 704 : i32
    %add3A_506 = arith.addi %mul3A_2, %add3A_505 : i32
    %dma_start3A_507 = arith.constant 0 : i32
    %dma_start3A_508 = tpu.memref_slice %arg7[%add3A_506, %dma_start3A_507] : memref<32768x1024xf32, #tpu.memory_space<hbm>> -> memref<32x1024xf32, #tpu.memory_space<hbm>>
    %dma_start3A_509 = arith.constant 0 : i32
    %dma_start3A_510 = tpu.memref_slice %arg7[%add3A_506, %dma_start3A_509] : memref<32768x1024xf32, #tpu.memory_space<hbm>> -> memref<32x1024xf32, #tpu.memory_space<hbm>>
    tpu.enqueue_dma source(%arg14 : memref<32x1024xf32, #tpu.memory_space<vmem>>) target(%dma_start3A_510 : memref<32x1024xf32, #tpu.memory_space<hbm>>) target_semaphore(%arg20 : memref<!tpu.dma_semaphore, #tpu.memory_space<semaphore_mem>>)
    %add3A_511 = arith.constant 704 : i32
    %add3A_512 = arith.addi %mul3A_2, %add3A_511 : i32
    %dma_wait3A_513 = arith.constant 0 : i32
    %dma_wait3A_514 = tpu.memref_slice %arg7[%add3A_512, %dma_wait3A_513] : memref<32768x1024xf32, #tpu.memory_space<hbm>> -> memref<32x1024xf32, #tpu.memory_space<hbm>>
    %dma_wait3A_515 = arith.constant 0 : i32
    %dma_wait3A_516 = tpu.memref_slice %arg7[%add3A_512, %dma_wait3A_515] : memref<32768x1024xf32, #tpu.memory_space<hbm>> -> memref<32x1024xf32, #tpu.memory_space<hbm>>
    tpu.wait_dma2 semaphore(%arg20 : memref<!tpu.dma_semaphore, #tpu.memory_space<semaphore_mem>>) src(%arg14 : memref<32x1024xf32, #tpu.memory_space<vmem>>) dst(%dma_wait3A_516 : memref<32x1024xf32, #tpu.memory_space<hbm>>)
    %dma_start3A_517 = arith.constant 800 : i32
    %dma_start3A_518 = tpu.memref_slice %arg9[%dma_start3A_517] : memref<1024xi32, #tpu.memory_space<vmem>> -> memref<32xi32, #tpu.memory_space<vmem>>
    %dma_start3A_519 = arith.constant 0 : i32
    %dma_start3A_520 = arith.constant 0 : i32
    %dma_start3A_521 = tpu.memref_slice %arg2[%dma_start3A_519, %dma_start3A_520] : memref<1000x1024xf32, #tpu.memory_space<hbm>> -> memref<1000x1024xf32, #tpu.memory_space<hbm>>
    tpu.enqueue_indirect_dma source(%dma_start3A_521 : memref<1000x1024xf32, #tpu.memory_space<hbm>>) target(%arg14 : memref<32x1024xf32, #tpu.memory_space<vmem>>) offsets(%dma_start3A_518 : memref<32xi32, #tpu.memory_space<vmem>>) semaphore(%arg17 : memref<!tpu.dma_semaphore, #tpu.memory_space<semaphore_mem>>)
    %dma_wait3A_522 = arith.constant 736 : i32
    %dma_wait3A_523 = tpu.memref_slice %arg9[%dma_wait3A_522] : memref<1024xi32, #tpu.memory_space<vmem>> -> memref<32xi32, #tpu.memory_space<vmem>>
    %dma_wait3A_524 = arith.constant 0 : i32
    %dma_wait3A_525 = arith.constant 0 : i32
    %dma_wait3A_526 = tpu.memref_slice %arg2[%dma_wait3A_524, %dma_wait3A_525] : memref<1000x1024xf32, #tpu.memory_space<hbm>> -> memref<1000x1024xf32, #tpu.memory_space<hbm>>
    tpu.wait_indirect_dma semaphore(%arg18 : memref<!tpu.dma_semaphore, #tpu.memory_space<semaphore_mem>>) src(%dma_wait3A_526 : memref<1000x1024xf32, #tpu.memory_space<hbm>>) dst(%arg15 : memref<32x1024xf32, #tpu.memory_space<vmem>>)
    %add3A_527 = arith.constant 736 : i32
    %add3A_528 = arith.addi %mul3A_2, %add3A_527 : i32
    %dma_start3A_529 = arith.constant 0 : i32
    %dma_start3A_530 = tpu.memref_slice %arg7[%add3A_528, %dma_start3A_529] : memref<32768x1024xf32, #tpu.memory_space<hbm>> -> memref<32x1024xf32, #tpu.memory_space<hbm>>
    %dma_start3A_531 = arith.constant 0 : i32
    %dma_start3A_532 = tpu.memref_slice %arg7[%add3A_528, %dma_start3A_531] : memref<32768x1024xf32, #tpu.memory_space<hbm>> -> memref<32x1024xf32, #tpu.memory_space<hbm>>
    tpu.enqueue_dma source(%arg15 : memref<32x1024xf32, #tpu.memory_space<vmem>>) target(%dma_start3A_532 : memref<32x1024xf32, #tpu.memory_space<hbm>>) target_semaphore(%arg21 : memref<!tpu.dma_semaphore, #tpu.memory_space<semaphore_mem>>)
    %add3A_533 = arith.constant 736 : i32
    %add3A_534 = arith.addi %mul3A_2, %add3A_533 : i32
    %dma_wait3A_535 = arith.constant 0 : i32
    %dma_wait3A_536 = tpu.memref_slice %arg7[%add3A_534, %dma_wait3A_535] : memref<32768x1024xf32, #tpu.memory_space<hbm>> -> memref<32x1024xf32, #tpu.memory_space<hbm>>
    %dma_wait3A_537 = arith.constant 0 : i32
    %dma_wait3A_538 = tpu.memref_slice %arg7[%add3A_534, %dma_wait3A_537] : memref<32768x1024xf32, #tpu.memory_space<hbm>> -> memref<32x1024xf32, #tpu.memory_space<hbm>>
    tpu.wait_dma2 semaphore(%arg21 : memref<!tpu.dma_semaphore, #tpu.memory_space<semaphore_mem>>) src(%arg15 : memref<32x1024xf32, #tpu.memory_space<vmem>>) dst(%dma_wait3A_538 : memref<32x1024xf32, #tpu.memory_space<hbm>>)
    %dma_start3A_539 = arith.constant 832 : i32
    %dma_start3A_540 = tpu.memref_slice %arg9[%dma_start3A_539] : memref<1024xi32, #tpu.memory_space<vmem>> -> memref<32xi32, #tpu.memory_space<vmem>>
    %dma_start3A_541 = arith.constant 0 : i32
    %dma_start3A_542 = arith.constant 0 : i32
    %dma_start3A_543 = tpu.memref_slice %arg2[%dma_start3A_541, %dma_start3A_542] : memref<1000x1024xf32, #tpu.memory_space<hbm>> -> memref<1000x1024xf32, #tpu.memory_space<hbm>>
    tpu.enqueue_indirect_dma source(%dma_start3A_543 : memref<1000x1024xf32, #tpu.memory_space<hbm>>) target(%arg15 : memref<32x1024xf32, #tpu.memory_space<vmem>>) offsets(%dma_start3A_540 : memref<32xi32, #tpu.memory_space<vmem>>) semaphore(%arg18 : memref<!tpu.dma_semaphore, #tpu.memory_space<semaphore_mem>>)
    %dma_wait3A_544 = arith.constant 768 : i32
    %dma_wait3A_545 = tpu.memref_slice %arg9[%dma_wait3A_544] : memref<1024xi32, #tpu.memory_space<vmem>> -> memref<32xi32, #tpu.memory_space<vmem>>
    %dma_wait3A_546 = arith.constant 0 : i32
    %dma_wait3A_547 = arith.constant 0 : i32
    %dma_wait3A_548 = tpu.memref_slice %arg2[%dma_wait3A_546, %dma_wait3A_547] : memref<1000x1024xf32, #tpu.memory_space<hbm>> -> memref<1000x1024xf32, #tpu.memory_space<hbm>>
    tpu.wait_indirect_dma semaphore(%arg16 : memref<!tpu.dma_semaphore, #tpu.memory_space<semaphore_mem>>) src(%dma_wait3A_548 : memref<1000x1024xf32, #tpu.memory_space<hbm>>) dst(%arg13 : memref<32x1024xf32, #tpu.memory_space<vmem>>)
    %add3A_549 = arith.constant 768 : i32
    %add3A_550 = arith.addi %mul3A_2, %add3A_549 : i32
    %dma_start3A_551 = arith.constant 0 : i32
    %dma_start3A_552 = tpu.memref_slice %arg7[%add3A_550, %dma_start3A_551] : memref<32768x1024xf32, #tpu.memory_space<hbm>> -> memref<32x1024xf32, #tpu.memory_space<hbm>>
    %dma_start3A_553 = arith.constant 0 : i32
    %dma_start3A_554 = tpu.memref_slice %arg7[%add3A_550, %dma_start3A_553] : memref<32768x1024xf32, #tpu.memory_space<hbm>> -> memref<32x1024xf32, #tpu.memory_space<hbm>>
    tpu.enqueue_dma source(%arg13 : memref<32x1024xf32, #tpu.memory_space<vmem>>) target(%dma_start3A_554 : memref<32x1024xf32, #tpu.memory_space<hbm>>) target_semaphore(%arg19 : memref<!tpu.dma_semaphore, #tpu.memory_space<semaphore_mem>>)
    %add3A_555 = arith.constant 768 : i32
    %add3A_556 = arith.addi %mul3A_2, %add3A_555 : i32
    %dma_wait3A_557 = arith.constant 0 : i32
    %dma_wait3A_558 = tpu.memref_slice %arg7[%add3A_556, %dma_wait3A_557] : memref<32768x1024xf32, #tpu.memory_space<hbm>> -> memref<32x1024xf32, #tpu.memory_space<hbm>>
    %dma_wait3A_559 = arith.constant 0 : i32
    %dma_wait3A_560 = tpu.memref_slice %arg7[%add3A_556, %dma_wait3A_559] : memref<32768x1024xf32, #tpu.memory_space<hbm>> -> memref<32x1024xf32, #tpu.memory_space<hbm>>
    tpu.wait_dma2 semaphore(%arg19 : memref<!tpu.dma_semaphore, #tpu.memory_space<semaphore_mem>>) src(%arg13 : memref<32x1024xf32, #tpu.memory_space<vmem>>) dst(%dma_wait3A_560 : memref<32x1024xf32, #tpu.memory_space<hbm>>)
    %dma_start3A_561 = arith.constant 864 : i32
    %dma_start3A_562 = tpu.memref_slice %arg9[%dma_start3A_561] : memref<1024xi32, #tpu.memory_space<vmem>> -> memref<32xi32, #tpu.memory_space<vmem>>
    %dma_start3A_563 = arith.constant 0 : i32
    %dma_start3A_564 = arith.constant 0 : i32
    %dma_start3A_565 = tpu.memref_slice %arg2[%dma_start3A_563, %dma_start3A_564] : memref<1000x1024xf32, #tpu.memory_space<hbm>> -> memref<1000x1024xf32, #tpu.memory_space<hbm>>
    tpu.enqueue_indirect_dma source(%dma_start3A_565 : memref<1000x1024xf32, #tpu.memory_space<hbm>>) target(%arg13 : memref<32x1024xf32, #tpu.memory_space<vmem>>) offsets(%dma_start3A_562 : memref<32xi32, #tpu.memory_space<vmem>>) semaphore(%arg16 : memref<!tpu.dma_semaphore, #tpu.memory_space<semaphore_mem>>)
    %dma_wait3A_566 = arith.constant 800 : i32
    %dma_wait3A_567 = tpu.memref_slice %arg9[%dma_wait3A_566] : memref<1024xi32, #tpu.memory_space<vmem>> -> memref<32xi32, #tpu.memory_space<vmem>>
    %dma_wait3A_568 = arith.constant 0 : i32
    %dma_wait3A_569 = arith.constant 0 : i32
    %dma_wait3A_570 = tpu.memref_slice %arg2[%dma_wait3A_568, %dma_wait3A_569] : memref<1000x1024xf32, #tpu.memory_space<hbm>> -> memref<1000x1024xf32, #tpu.memory_space<hbm>>
    tpu.wait_indirect_dma semaphore(%arg17 : memref<!tpu.dma_semaphore, #tpu.memory_space<semaphore_mem>>) src(%dma_wait3A_570 : memref<1000x1024xf32, #tpu.memory_space<hbm>>) dst(%arg14 : memref<32x1024xf32, #tpu.memory_space<vmem>>)
    %add3A_571 = arith.constant 800 : i32
    %add3A_572 = arith.addi %mul3A_2, %add3A_571 : i32
    %dma_start3A_573 = arith.constant 0 : i32
    %dma_start3A_574 = tpu.memref_slice %arg7[%add3A_572, %dma_start3A_573] : memref<32768x1024xf32, #tpu.memory_space<hbm>> -> memref<32x1024xf32, #tpu.memory_space<hbm>>
    %dma_start3A_575 = arith.constant 0 : i32
    %dma_start3A_576 = tpu.memref_slice %arg7[%add3A_572, %dma_start3A_575] : memref<32768x1024xf32, #tpu.memory_space<hbm>> -> memref<32x1024xf32, #tpu.memory_space<hbm>>
    tpu.enqueue_dma source(%arg14 : memref<32x1024xf32, #tpu.memory_space<vmem>>) target(%dma_start3A_576 : memref<32x1024xf32, #tpu.memory_space<hbm>>) target_semaphore(%arg20 : memref<!tpu.dma_semaphore, #tpu.memory_space<semaphore_mem>>)
    %add3A_577 = arith.constant 800 : i32
    %add3A_578 = arith.addi %mul3A_2, %add3A_577 : i32
    %dma_wait3A_579 = arith.constant 0 : i32
    %dma_wait3A_580 = tpu.memref_slice %arg7[%add3A_578, %dma_wait3A_579] : memref<32768x1024xf32, #tpu.memory_space<hbm>> -> memref<32x1024xf32, #tpu.memory_space<hbm>>
    %dma_wait3A_581 = arith.constant 0 : i32
    %dma_wait3A_582 = tpu.memref_slice %arg7[%add3A_578, %dma_wait3A_581] : memref<32768x1024xf32, #tpu.memory_space<hbm>> -> memref<32x1024xf32, #tpu.memory_space<hbm>>
    tpu.wait_dma2 semaphore(%arg20 : memref<!tpu.dma_semaphore, #tpu.memory_space<semaphore_mem>>) src(%arg14 : memref<32x1024xf32, #tpu.memory_space<vmem>>) dst(%dma_wait3A_582 : memref<32x1024xf32, #tpu.memory_space<hbm>>)
    %dma_start3A_583 = arith.constant 896 : i32
    %dma_start3A_584 = tpu.memref_slice %arg9[%dma_start3A_583] : memref<1024xi32, #tpu.memory_space<vmem>> -> memref<32xi32, #tpu.memory_space<vmem>>
    %dma_start3A_585 = arith.constant 0 : i32
    %dma_start3A_586 = arith.constant 0 : i32
    %dma_start3A_587 = tpu.memref_slice %arg2[%dma_start3A_585, %dma_start3A_586] : memref<1000x1024xf32, #tpu.memory_space<hbm>> -> memref<1000x1024xf32, #tpu.memory_space<hbm>>
    tpu.enqueue_indirect_dma source(%dma_start3A_587 : memref<1000x1024xf32, #tpu.memory_space<hbm>>) target(%arg14 : memref<32x1024xf32, #tpu.memory_space<vmem>>) offsets(%dma_start3A_584 : memref<32xi32, #tpu.memory_space<vmem>>) semaphore(%arg17 : memref<!tpu.dma_semaphore, #tpu.memory_space<semaphore_mem>>)
    %dma_wait3A_588 = arith.constant 832 : i32
    %dma_wait3A_589 = tpu.memref_slice %arg9[%dma_wait3A_588] : memref<1024xi32, #tpu.memory_space<vmem>> -> memref<32xi32, #tpu.memory_space<vmem>>
    %dma_wait3A_590 = arith.constant 0 : i32
    %dma_wait3A_591 = arith.constant 0 : i32
    %dma_wait3A_592 = tpu.memref_slice %arg2[%dma_wait3A_590, %dma_wait3A_591] : memref<1000x1024xf32, #tpu.memory_space<hbm>> -> memref<1000x1024xf32, #tpu.memory_space<hbm>>
    tpu.wait_indirect_dma semaphore(%arg18 : memref<!tpu.dma_semaphore, #tpu.memory_space<semaphore_mem>>) src(%dma_wait3A_592 : memref<1000x1024xf32, #tpu.memory_space<hbm>>) dst(%arg15 : memref<32x1024xf32, #tpu.memory_space<vmem>>)
    %add3A_593 = arith.constant 832 : i32
    %add3A_594 = arith.addi %mul3A_2, %add3A_593 : i32
    %dma_start3A_595 = arith.constant 0 : i32
    %dma_start3A_596 = tpu.memref_slice %arg7[%add3A_594, %dma_start3A_595] : memref<32768x1024xf32, #tpu.memory_space<hbm>> -> memref<32x1024xf32, #tpu.memory_space<hbm>>
    %dma_start3A_597 = arith.constant 0 : i32
    %dma_start3A_598 = tpu.memref_slice %arg7[%add3A_594, %dma_start3A_597] : memref<32768x1024xf32, #tpu.memory_space<hbm>> -> memref<32x1024xf32, #tpu.memory_space<hbm>>
    tpu.enqueue_dma source(%arg15 : memref<32x1024xf32, #tpu.memory_space<vmem>>) target(%dma_start3A_598 : memref<32x1024xf32, #tpu.memory_space<hbm>>) target_semaphore(%arg21 : memref<!tpu.dma_semaphore, #tpu.memory_space<semaphore_mem>>)
    %add3A_599 = arith.constant 832 : i32
    %add3A_600 = arith.addi %mul3A_2, %add3A_599 : i32
    %dma_wait3A_601 = arith.constant 0 : i32
    %dma_wait3A_602 = tpu.memref_slice %arg7[%add3A_600, %dma_wait3A_601] : memref<32768x1024xf32, #tpu.memory_space<hbm>> -> memref<32x1024xf32, #tpu.memory_space<hbm>>
    %dma_wait3A_603 = arith.constant 0 : i32
    %dma_wait3A_604 = tpu.memref_slice %arg7[%add3A_600, %dma_wait3A_603] : memref<32768x1024xf32, #tpu.memory_space<hbm>> -> memref<32x1024xf32, #tpu.memory_space<hbm>>
    tpu.wait_dma2 semaphore(%arg21 : memref<!tpu.dma_semaphore, #tpu.memory_space<semaphore_mem>>) src(%arg15 : memref<32x1024xf32, #tpu.memory_space<vmem>>) dst(%dma_wait3A_604 : memref<32x1024xf32, #tpu.memory_space<hbm>>)
    %dma_start3A_605 = arith.constant 928 : i32
    %dma_start3A_606 = tpu.memref_slice %arg9[%dma_start3A_605] : memref<1024xi32, #tpu.memory_space<vmem>> -> memref<32xi32, #tpu.memory_space<vmem>>
    %dma_start3A_607 = arith.constant 0 : i32
    %dma_start3A_608 = arith.constant 0 : i32
    %dma_start3A_609 = tpu.memref_slice %arg2[%dma_start3A_607, %dma_start3A_608] : memref<1000x1024xf32, #tpu.memory_space<hbm>> -> memref<1000x1024xf32, #tpu.memory_space<hbm>>
    tpu.enqueue_indirect_dma source(%dma_start3A_609 : memref<1000x1024xf32, #tpu.memory_space<hbm>>) target(%arg15 : memref<32x1024xf32, #tpu.memory_space<vmem>>) offsets(%dma_start3A_606 : memref<32xi32, #tpu.memory_space<vmem>>) semaphore(%arg18 : memref<!tpu.dma_semaphore, #tpu.memory_space<semaphore_mem>>)
    %dma_wait3A_610 = arith.constant 864 : i32
    %dma_wait3A_611 = tpu.memref_slice %arg9[%dma_wait3A_610] : memref<1024xi32, #tpu.memory_space<vmem>> -> memref<32xi32, #tpu.memory_space<vmem>>
    %dma_wait3A_612 = arith.constant 0 : i32
    %dma_wait3A_613 = arith.constant 0 : i32
    %dma_wait3A_614 = tpu.memref_slice %arg2[%dma_wait3A_612, %dma_wait3A_613] : memref<1000x1024xf32, #tpu.memory_space<hbm>> -> memref<1000x1024xf32, #tpu.memory_space<hbm>>
    tpu.wait_indirect_dma semaphore(%arg16 : memref<!tpu.dma_semaphore, #tpu.memory_space<semaphore_mem>>) src(%dma_wait3A_614 : memref<1000x1024xf32, #tpu.memory_space<hbm>>) dst(%arg13 : memref<32x1024xf32, #tpu.memory_space<vmem>>)
    %add3A_615 = arith.constant 864 : i32
    %add3A_616 = arith.addi %mul3A_2, %add3A_615 : i32
    %dma_start3A_617 = arith.constant 0 : i32
    %dma_start3A_618 = tpu.memref_slice %arg7[%add3A_616, %dma_start3A_617] : memref<32768x1024xf32, #tpu.memory_space<hbm>> -> memref<32x1024xf32, #tpu.memory_space<hbm>>
    %dma_start3A_619 = arith.constant 0 : i32
    %dma_start3A_620 = tpu.memref_slice %arg7[%add3A_616, %dma_start3A_619] : memref<32768x1024xf32, #tpu.memory_space<hbm>> -> memref<32x1024xf32, #tpu.memory_space<hbm>>
    tpu.enqueue_dma source(%arg13 : memref<32x1024xf32, #tpu.memory_space<vmem>>) target(%dma_start3A_620 : memref<32x1024xf32, #tpu.memory_space<hbm>>) target_semaphore(%arg19 : memref<!tpu.dma_semaphore, #tpu.memory_space<semaphore_mem>>)
    %add3A_621 = arith.constant 864 : i32
    %add3A_622 = arith.addi %mul3A_2, %add3A_621 : i32
    %dma_wait3A_623 = arith.constant 0 : i32
    %dma_wait3A_624 = tpu.memref_slice %arg7[%add3A_622, %dma_wait3A_623] : memref<32768x1024xf32, #tpu.memory_space<hbm>> -> memref<32x1024xf32, #tpu.memory_space<hbm>>
    %dma_wait3A_625 = arith.constant 0 : i32
    %dma_wait3A_626 = tpu.memref_slice %arg7[%add3A_622, %dma_wait3A_625] : memref<32768x1024xf32, #tpu.memory_space<hbm>> -> memref<32x1024xf32, #tpu.memory_space<hbm>>
    tpu.wait_dma2 semaphore(%arg19 : memref<!tpu.dma_semaphore, #tpu.memory_space<semaphore_mem>>) src(%arg13 : memref<32x1024xf32, #tpu.memory_space<vmem>>) dst(%dma_wait3A_626 : memref<32x1024xf32, #tpu.memory_space<hbm>>)
    %dma_start3A_627 = arith.constant 960 : i32
    %dma_start3A_628 = tpu.memref_slice %arg9[%dma_start3A_627] : memref<1024xi32, #tpu.memory_space<vmem>> -> memref<32xi32, #tpu.memory_space<vmem>>
    %dma_start3A_629 = arith.constant 0 : i32
    %dma_start3A_630 = arith.constant 0 : i32
    %dma_start3A_631 = tpu.memref_slice %arg2[%dma_start3A_629, %dma_start3A_630] : memref<1000x1024xf32, #tpu.memory_space<hbm>> -> memref<1000x1024xf32, #tpu.memory_space<hbm>>
    tpu.enqueue_indirect_dma source(%dma_start3A_631 : memref<1000x1024xf32, #tpu.memory_space<hbm>>) target(%arg13 : memref<32x1024xf32, #tpu.memory_space<vmem>>) offsets(%dma_start3A_628 : memref<32xi32, #tpu.memory_space<vmem>>) semaphore(%arg16 : memref<!tpu.dma_semaphore, #tpu.memory_space<semaphore_mem>>)
    %dma_wait3A_632 = arith.constant 896 : i32
    %dma_wait3A_633 = tpu.memref_slice %arg9[%dma_wait3A_632] : memref<1024xi32, #tpu.memory_space<vmem>> -> memref<32xi32, #tpu.memory_space<vmem>>
    %dma_wait3A_634 = arith.constant 0 : i32
    %dma_wait3A_635 = arith.constant 0 : i32
    %dma_wait3A_636 = tpu.memref_slice %arg2[%dma_wait3A_634, %dma_wait3A_635] : memref<1000x1024xf32, #tpu.memory_space<hbm>> -> memref<1000x1024xf32, #tpu.memory_space<hbm>>
    tpu.wait_indirect_dma semaphore(%arg17 : memref<!tpu.dma_semaphore, #tpu.memory_space<semaphore_mem>>) src(%dma_wait3A_636 : memref<1000x1024xf32, #tpu.memory_space<hbm>>) dst(%arg14 : memref<32x1024xf32, #tpu.memory_space<vmem>>)
    %add3A_637 = arith.constant 896 : i32
    %add3A_638 = arith.addi %mul3A_2, %add3A_637 : i32
    %dma_start3A_639 = arith.constant 0 : i32
    %dma_start3A_640 = tpu.memref_slice %arg7[%add3A_638, %dma_start3A_639] : memref<32768x1024xf32, #tpu.memory_space<hbm>> -> memref<32x1024xf32, #tpu.memory_space<hbm>>
    %dma_start3A_641 = arith.constant 0 : i32
    %dma_start3A_642 = tpu.memref_slice %arg7[%add3A_638, %dma_start3A_641] : memref<32768x1024xf32, #tpu.memory_space<hbm>> -> memref<32x1024xf32, #tpu.memory_space<hbm>>
    tpu.enqueue_dma source(%arg14 : memref<32x1024xf32, #tpu.memory_space<vmem>>) target(%dma_start3A_642 : memref<32x1024xf32, #tpu.memory_space<hbm>>) target_semaphore(%arg20 : memref<!tpu.dma_semaphore, #tpu.memory_space<semaphore_mem>>)
    %add3A_643 = arith.constant 896 : i32
    %add3A_644 = arith.addi %mul3A_2, %add3A_643 : i32
    %dma_wait3A_645 = arith.constant 0 : i32
    %dma_wait3A_646 = tpu.memref_slice %arg7[%add3A_644, %dma_wait3A_645] : memref<32768x1024xf32, #tpu.memory_space<hbm>> -> memref<32x1024xf32, #tpu.memory_space<hbm>>
    %dma_wait3A_647 = arith.constant 0 : i32
    %dma_wait3A_648 = tpu.memref_slice %arg7[%add3A_644, %dma_wait3A_647] : memref<32768x1024xf32, #tpu.memory_space<hbm>> -> memref<32x1024xf32, #tpu.memory_space<hbm>>
    tpu.wait_dma2 semaphore(%arg20 : memref<!tpu.dma_semaphore, #tpu.memory_space<semaphore_mem>>) src(%arg14 : memref<32x1024xf32, #tpu.memory_space<vmem>>) dst(%dma_wait3A_648 : memref<32x1024xf32, #tpu.memory_space<hbm>>)
    %dma_start3A_649 = arith.constant 992 : i32
    %dma_start3A_650 = tpu.memref_slice %arg9[%dma_start3A_649] : memref<1024xi32, #tpu.memory_space<vmem>> -> memref<32xi32, #tpu.memory_space<vmem>>
    %dma_start3A_651 = arith.constant 0 : i32
    %dma_start3A_652 = arith.constant 0 : i32
    %dma_start3A_653 = tpu.memref_slice %arg2[%dma_start3A_651, %dma_start3A_652] : memref<1000x1024xf32, #tpu.memory_space<hbm>> -> memref<1000x1024xf32, #tpu.memory_space<hbm>>
    tpu.enqueue_indirect_dma source(%dma_start3A_653 : memref<1000x1024xf32, #tpu.memory_space<hbm>>) target(%arg14 : memref<32x1024xf32, #tpu.memory_space<vmem>>) offsets(%dma_start3A_650 : memref<32xi32, #tpu.memory_space<vmem>>) semaphore(%arg17 : memref<!tpu.dma_semaphore, #tpu.memory_space<semaphore_mem>>)
    %dma_wait3A_654 = arith.constant 928 : i32
    %dma_wait3A_655 = tpu.memref_slice %arg9[%dma_wait3A_654] : memref<1024xi32, #tpu.memory_space<vmem>> -> memref<32xi32, #tpu.memory_space<vmem>>
    %dma_wait3A_656 = arith.constant 0 : i32
    %dma_wait3A_657 = arith.constant 0 : i32
    %dma_wait3A_658 = tpu.memref_slice %arg2[%dma_wait3A_656, %dma_wait3A_657] : memref<1000x1024xf32, #tpu.memory_space<hbm>> -> memref<1000x1024xf32, #tpu.memory_space<hbm>>
    tpu.wait_indirect_dma semaphore(%arg18 : memref<!tpu.dma_semaphore, #tpu.memory_space<semaphore_mem>>) src(%dma_wait3A_658 : memref<1000x1024xf32, #tpu.memory_space<hbm>>) dst(%arg15 : memref<32x1024xf32, #tpu.memory_space<vmem>>)
    %add3A_659 = arith.constant 928 : i32
    %add3A_660 = arith.addi %mul3A_2, %add3A_659 : i32
    %dma_start3A_661 = arith.constant 0 : i32
    %dma_start3A_662 = tpu.memref_slice %arg7[%add3A_660, %dma_start3A_661] : memref<32768x1024xf32, #tpu.memory_space<hbm>> -> memref<32x1024xf32, #tpu.memory_space<hbm>>
    %dma_start3A_663 = arith.constant 0 : i32
    %dma_start3A_664 = tpu.memref_slice %arg7[%add3A_660, %dma_start3A_663] : memref<32768x1024xf32, #tpu.memory_space<hbm>> -> memref<32x1024xf32, #tpu.memory_space<hbm>>
    tpu.enqueue_dma source(%arg15 : memref<32x1024xf32, #tpu.memory_space<vmem>>) target(%dma_start3A_664 : memref<32x1024xf32, #tpu.memory_space<hbm>>) target_semaphore(%arg21 : memref<!tpu.dma_semaphore, #tpu.memory_space<semaphore_mem>>)
    %dma_wait3A_665 = arith.constant 960 : i32
    %dma_wait3A_666 = tpu.memref_slice %arg9[%dma_wait3A_665] : memref<1024xi32, #tpu.memory_space<vmem>> -> memref<32xi32, #tpu.memory_space<vmem>>
    %dma_wait3A_667 = arith.constant 0 : i32
    %dma_wait3A_668 = arith.constant 0 : i32
    %dma_wait3A_669 = tpu.memref_slice %arg2[%dma_wait3A_667, %dma_wait3A_668] : memref<1000x1024xf32, #tpu.memory_space<hbm>> -> memref<1000x1024xf32, #tpu.memory_space<hbm>>
    tpu.wait_indirect_dma semaphore(%arg16 : memref<!tpu.dma_semaphore, #tpu.memory_space<semaphore_mem>>) src(%dma_wait3A_669 : memref<1000x1024xf32, #tpu.memory_space<hbm>>) dst(%arg13 : memref<32x1024xf32, #tpu.memory_space<vmem>>)
    %add3A_670 = arith.constant 960 : i32
    %add3A_671 = arith.addi %mul3A_2, %add3A_670 : i32
    %dma_start3A_672 = arith.constant 0 : i32
    %dma_start3A_673 = tpu.memref_slice %arg7[%add3A_671, %dma_start3A_672] : memref<32768x1024xf32, #tpu.memory_space<hbm>> -> memref<32x1024xf32, #tpu.memory_space<hbm>>
    %dma_start3A_674 = arith.constant 0 : i32
    %dma_start3A_675 = tpu.memref_slice %arg7[%add3A_671, %dma_start3A_674] : memref<32768x1024xf32, #tpu.memory_space<hbm>> -> memref<32x1024xf32, #tpu.memory_space<hbm>>
    tpu.enqueue_dma source(%arg13 : memref<32x1024xf32, #tpu.memory_space<vmem>>) target(%dma_start3A_675 : memref<32x1024xf32, #tpu.memory_space<hbm>>) target_semaphore(%arg19 : memref<!tpu.dma_semaphore, #tpu.memory_space<semaphore_mem>>)
    %dma_wait3A_676 = arith.constant 992 : i32
    %dma_wait3A_677 = tpu.memref_slice %arg9[%dma_wait3A_676] : memref<1024xi32, #tpu.memory_space<vmem>> -> memref<32xi32, #tpu.memory_space<vmem>>
    %dma_wait3A_678 = arith.constant 0 : i32
    %dma_wait3A_679 = arith.constant 0 : i32
    %dma_wait3A_680 = tpu.memref_slice %arg2[%dma_wait3A_678, %dma_wait3A_679] : memref<1000x1024xf32, #tpu.memory_space<hbm>> -> memref<1000x1024xf32, #tpu.memory_space<hbm>>
    tpu.wait_indirect_dma semaphore(%arg17 : memref<!tpu.dma_semaphore, #tpu.memory_space<semaphore_mem>>) src(%dma_wait3A_680 : memref<1000x1024xf32, #tpu.memory_space<hbm>>) dst(%arg14 : memref<32x1024xf32, #tpu.memory_space<vmem>>)
    %add3A_681 = arith.constant 992 : i32
    %add3A_682 = arith.addi %mul3A_2, %add3A_681 : i32
    %dma_start3A_683 = arith.constant 0 : i32
    %dma_start3A_684 = tpu.memref_slice %arg7[%add3A_682, %dma_start3A_683] : memref<32768x1024xf32, #tpu.memory_space<hbm>> -> memref<32x1024xf32, #tpu.memory_space<hbm>>
    %dma_start3A_685 = arith.constant 0 : i32
    %dma_start3A_686 = tpu.memref_slice %arg7[%add3A_682, %dma_start3A_685] : memref<32768x1024xf32, #tpu.memory_space<hbm>> -> memref<32x1024xf32, #tpu.memory_space<hbm>>
    tpu.enqueue_dma source(%arg14 : memref<32x1024xf32, #tpu.memory_space<vmem>>) target(%dma_start3A_686 : memref<32x1024xf32, #tpu.memory_space<hbm>>) target_semaphore(%arg20 : memref<!tpu.dma_semaphore, #tpu.memory_space<semaphore_mem>>)
    %get3A = arith.constant 0 : index
    %get3A_687 = tpu.vector_load %arg9[%get3A] {strides = array<i32>} : memref<1024xi32, #tpu.memory_space<vmem>>, vector<16xi32>,
    %get3A_688 = vector.shape_cast %get3A_687 : vector<16xi32> to vector<16xi32>
    %mul3A_689 = arith.constant 1000 : i32
    %mul3A_690 = vector.broadcast %mul3A_689 : i32 to vector<16xi32>
    %mul3A_691 = arith.muli %get3A_688, %mul3A_690 : vector<16xi32>
    %get3A_692 = arith.constant 0 : index
    %get3A_693 = tpu.vector_load %arg10[%get3A_692] {strides = array<i32>} : memref<1024xi32, #tpu.memory_space<vmem>>, vector<16xi32>,
    %get3A_694 = vector.shape_cast %get3A_693 : vector<16xi32> to vector<16xi32>
    %add3A_695 = arith.addi %mul3A_691, %get3A_694 : vector<16xi32>
    %swap3A = arith.constant 0 : index
    %swap3A_696 = tpu.vector_load %arg10[%swap3A] {strides = array<i32>} : memref<1024xi32, #tpu.memory_space<vmem>>, vector<16xi32>,
    %swap3A_697 = vector.shape_cast %swap3A_696 : vector<16xi32> to vector<16xi32>
    %swap3A_698 = vector.shape_cast %add3A_695 : vector<16xi32> to vector<16xi32>
    tpu.vector_store %arg10[%swap3A], %swap3A_698 {strides = array<i32>} : memref<1024xi32, #tpu.memory_space<vmem>>, vector<16xi32>,
    %get3A_699 = arith.constant 16 : index
    %get3A_700 = tpu.vector_load %arg9[%get3A_699] {strides = array<i32>} : memref<1024xi32, #tpu.memory_space<vmem>>, vector<16xi32>,
    %get3A_701 = vector.shape_cast %get3A_700 : vector<16xi32> to vector<16xi32>
    %mul3A_702 = arith.constant 1000 : i32
    %mul3A_703 = vector.broadcast %mul3A_702 : i32 to vector<16xi32>
    %mul3A_704 = arith.muli %get3A_701, %mul3A_703 : vector<16xi32>
    %get3A_705 = arith.constant 16 : index
    %get3A_706 = tpu.vector_load %arg10[%get3A_705] {strides = array<i32>} : memref<1024xi32, #tpu.memory_space<vmem>>, vector<16xi32>,
    %get3A_707 = vector.shape_cast %get3A_706 : vector<16xi32> to vector<16xi32>
    %add3A_708 = arith.addi %mul3A_704, %get3A_707 : vector<16xi32>
    %swap3A_709 = arith.constant 16 : index
    %swap3A_710 = tpu.vector_load %arg10[%swap3A_709] {strides = array<i32>} : memref<1024xi32, #tpu.memory_space<vmem>>, vector<16xi32>,
    %swap3A_711 = vector.shape_cast %swap3A_710 : vector<16xi32> to vector<16xi32>
    %swap3A_712 = vector.shape_cast %add3A_708 : vector<16xi32> to vector<16xi32>
    tpu.vector_store %arg10[%swap3A_709], %swap3A_712 {strides = array<i32>} : memref<1024xi32, #tpu.memory_space<vmem>>, vector<16xi32>,
    %get3A_713 = arith.constant 32 : index
    %get3A_714 = tpu.vector_load %arg9[%get3A_713] {strides = array<i32>} : memref<1024xi32, #tpu.memory_space<vmem>>, vector<16xi32>,
    %get3A_715 = vector.shape_cast %get3A_714 : vector<16xi32> to vector<16xi32>
    %mul3A_716 = arith.constant 1000 : i32
    %mul3A_717 = vector.broadcast %mul3A_716 : i32 to vector<16xi32>
    %mul3A_718 = arith.muli %get3A_715, %mul3A_717 : vector<16xi32>
    %get3A_719 = arith.constant 32 : index
    %get3A_720 = tpu.vector_load %arg10[%get3A_719] {strides = array<i32>} : memref<1024xi32, #tpu.memory_space<vmem>>, vector<16xi32>,
    %get3A_721 = vector.shape_cast %get3A_720 : vector<16xi32> to vector<16xi32>
    %add3A_722 = arith.addi %mul3A_718, %get3A_721 : vector<16xi32>
    %swap3A_723 = arith.constant 32 : index
    %swap3A_724 = tpu.vector_load %arg10[%swap3A_723] {strides = array<i32>} : memref<1024xi32, #tpu.memory_space<vmem>>, vector<16xi32>,
    %swap3A_725 = vector.shape_cast %swap3A_724 : vector<16xi32> to vector<16xi32>
    %swap3A_726 = vector.shape_cast %add3A_722 : vector<16xi32> to vector<16xi32>
    tpu.vector_store %arg10[%swap3A_723], %swap3A_726 {strides = array<i32>} : memref<1024xi32, #tpu.memory_space<vmem>>, vector<16xi32>,
    %get3A_727 = arith.constant 48 : index
    %get3A_728 = tpu.vector_load %arg9[%get3A_727] {strides = array<i32>} : memref<1024xi32, #tpu.memory_space<vmem>>, vector<16xi32>,
    %get3A_729 = vector.shape_cast %get3A_728 : vector<16xi32> to vector<16xi32>
    %mul3A_730 = arith.constant 1000 : i32
    %mul3A_731 = vector.broadcast %mul3A_730 : i32 to vector<16xi32>
    %mul3A_732 = arith.muli %get3A_729, %mul3A_731 : vector<16xi32>
    %get3A_733 = arith.constant 48 : index
    %get3A_734 = tpu.vector_load %arg10[%get3A_733] {strides = array<i32>} : memref<1024xi32, #tpu.memory_space<vmem>>, vector<16xi32>,
    %get3A_735 = vector.shape_cast %get3A_734 : vector<16xi32> to vector<16xi32>
    %add3A_736 = arith.addi %mul3A_732, %get3A_735 : vector<16xi32>
    %swap3A_737 = arith.constant 48 : index
    %swap3A_738 = tpu.vector_load %arg10[%swap3A_737] {strides = array<i32>} : memref<1024xi32, #tpu.memory_space<vmem>>, vector<16xi32>,
    %swap3A_739 = vector.shape_cast %swap3A_738 : vector<16xi32> to vector<16xi32>
    %swap3A_740 = vector.shape_cast %add3A_736 : vector<16xi32> to vector<16xi32>
    tpu.vector_store %arg10[%swap3A_737], %swap3A_740 {strides = array<i32>} : memref<1024xi32, #tpu.memory_space<vmem>>, vector<16xi32>,
    %get3A_741 = arith.constant 64 : index
    %get3A_742 = tpu.vector_load %arg9[%get3A_741] {strides = array<i32>} : memref<1024xi32, #tpu.memory_space<vmem>>, vector<16xi32>,
    %get3A_743 = vector.shape_cast %get3A_742 : vector<16xi32> to vector<16xi32>
    %mul3A_744 = arith.constant 1000 : i32
    %mul3A_745 = vector.broadcast %mul3A_744 : i32 to vector<16xi32>
    %mul3A_746 = arith.muli %get3A_743, %mul3A_745 : vector<16xi32>
    %get3A_747 = arith.constant 64 : index
    %get3A_748 = tpu.vector_load %arg10[%get3A_747] {strides = array<i32>} : memref<1024xi32, #tpu.memory_space<vmem>>, vector<16xi32>,
    %get3A_749 = vector.shape_cast %get3A_748 : vector<16xi32> to vector<16xi32>
    %add3A_750 = arith.addi %mul3A_746, %get3A_749 : vector<16xi32>
    %swap3A_751 = arith.constant 64 : index
    %swap3A_752 = tpu.vector_load %arg10[%swap3A_751] {strides = array<i32>} : memref<1024xi32, #tpu.memory_space<vmem>>, vector<16xi32>,
    %swap3A_753 = vector.shape_cast %swap3A_752 : vector<16xi32> to vector<16xi32>
    %swap3A_754 = vector.shape_cast %add3A_750 : vector<16xi32> to vector<16xi32>
    tpu.vector_store %arg10[%swap3A_751], %swap3A_754 {strides = array<i32>} : memref<1024xi32, #tpu.memory_space<vmem>>, vector<16xi32>,
    %get3A_755 = arith.constant 80 : index
    %get3A_756 = tpu.vector_load %arg9[%get3A_755] {strides = array<i32>} : memref<1024xi32, #tpu.memory_space<vmem>>, vector<16xi32>,
    %get3A_757 = vector.shape_cast %get3A_756 : vector<16xi32> to vector<16xi32>
    %mul3A_758 = arith.constant 1000 : i32
    %mul3A_759 = vector.broadcast %mul3A_758 : i32 to vector<16xi32>
    %mul3A_760 = arith.muli %get3A_757, %mul3A_759 : vector<16xi32>
    %get3A_761 = arith.constant 80 : index
    %get3A_762 = tpu.vector_load %arg10[%get3A_761] {strides = array<i32>} : memref<1024xi32, #tpu.memory_space<vmem>>, vector<16xi32>,
    %get3A_763 = vector.shape_cast %get3A_762 : vector<16xi32> to vector<16xi32>
    %add3A_764 = arith.addi %mul3A_760, %get3A_763 : vector<16xi32>
    %swap3A_765 = arith.constant 80 : index
    %swap3A_766 = tpu.vector_load %arg10[%swap3A_765] {strides = array<i32>} : memref<1024xi32, #tpu.memory_space<vmem>>, vector<16xi32>,
    %swap3A_767 = vector.shape_cast %swap3A_766 : vector<16xi32> to vector<16xi32>
    %swap3A_768 = vector.shape_cast %add3A_764 : vector<16xi32> to vector<16xi32>
    tpu.vector_store %arg10[%swap3A_765], %swap3A_768 {strides = array<i32>} : memref<1024xi32, #tpu.memory_space<vmem>>, vector<16xi32>,
    %get3A_769 = arith.constant 96 : index
    %get3A_770 = tpu.vector_load %arg9[%get3A_769] {strides = array<i32>} : memref<1024xi32, #tpu.memory_space<vmem>>, vector<16xi32>,
    %get3A_771 = vector.shape_cast %get3A_770 : vector<16xi32> to vector<16xi32>
    %mul3A_772 = arith.constant 1000 : i32
    %mul3A_773 = vector.broadcast %mul3A_772 : i32 to vector<16xi32>
    %mul3A_774 = arith.muli %get3A_771, %mul3A_773 : vector<16xi32>
    %get3A_775 = arith.constant 96 : index
    %get3A_776 = tpu.vector_load %arg10[%get3A_775] {strides = array<i32>} : memref<1024xi32, #tpu.memory_space<vmem>>, vector<16xi32>,
    %get3A_777 = vector.shape_cast %get3A_776 : vector<16xi32> to vector<16xi32>
    %add3A_778 = arith.addi %mul3A_774, %get3A_777 : vector<16xi32>
    %swap3A_779 = arith.constant 96 : index
    %swap3A_780 = tpu.vector_load %arg10[%swap3A_779] {strides = array<i32>} : memref<1024xi32, #tpu.memory_space<vmem>>, vector<16xi32>,
    %swap3A_781 = vector.shape_cast %swap3A_780 : vector<16xi32> to vector<16xi32>
    %swap3A_782 = vector.shape_cast %add3A_778 : vector<16xi32> to vector<16xi32>
    tpu.vector_store %arg10[%swap3A_779], %swap3A_782 {strides = array<i32>} : memref<1024xi32, #tpu.memory_space<vmem>>, vector<16xi32>,
    %get3A_783 = arith.constant 112 : index
    %get3A_784 = tpu.vector_load %arg9[%get3A_783] {strides = array<i32>} : memref<1024xi32, #tpu.memory_space<vmem>>, vector<16xi32>,
    %get3A_785 = vector.shape_cast %get3A_784 : vector<16xi32> to vector<16xi32>
    %mul3A_786 = arith.constant 1000 : i32
    %mul3A_787 = vector.broadcast %mul3A_786 : i32 to vector<16xi32>
    %mul3A_788 = arith.muli %get3A_785, %mul3A_787 : vector<16xi32>
    %get3A_789 = arith.constant 112 : index
    %get3A_790 = tpu.vector_load %arg10[%get3A_789] {strides = array<i32>} : memref<1024xi32, #tpu.memory_space<vmem>>, vector<16xi32>,
    %get3A_791 = vector.shape_cast %get3A_790 : vector<16xi32> to vector<16xi32>
    %add3A_792 = arith.addi %mul3A_788, %get3A_791 : vector<16xi32>
    %swap3A_793 = arith.constant 112 : index
    %swap3A_794 = tpu.vector_load %arg10[%swap3A_793] {strides = array<i32>} : memref<1024xi32, #tpu.memory_space<vmem>>, vector<16xi32>,
    %swap3A_795 = vector.shape_cast %swap3A_794 : vector<16xi32> to vector<16xi32>
    %swap3A_796 = vector.shape_cast %add3A_792 : vector<16xi32> to vector<16xi32>
    tpu.vector_store %arg10[%swap3A_793], %swap3A_796 {strides = array<i32>} : memref<1024xi32, #tpu.memory_space<vmem>>, vector<16xi32>,
    %get3A_797 = arith.constant 128 : index
    %get3A_798 = tpu.vector_load %arg9[%get3A_797] {strides = array<i32>} : memref<1024xi32, #tpu.memory_space<vmem>>, vector<16xi32>,
    %get3A_799 = vector.shape_cast %get3A_798 : vector<16xi32> to vector<16xi32>
    %mul3A_800 = arith.constant 1000 : i32
    %mul3A_801 = vector.broadcast %mul3A_800 : i32 to vector<16xi32>
    %mul3A_802 = arith.muli %get3A_799, %mul3A_801 : vector<16xi32>
    %get3A_803 = arith.constant 128 : index
    %get3A_804 = tpu.vector_load %arg10[%get3A_803] {strides = array<i32>} : memref<1024xi32, #tpu.memory_space<vmem>>, vector<16xi32>,
    %get3A_805 = vector.shape_cast %get3A_804 : vector<16xi32> to vector<16xi32>
    %add3A_806 = arith.addi %mul3A_802, %get3A_805 : vector<16xi32>
    %swap3A_807 = arith.constant 128 : index
    %swap3A_808 = tpu.vector_load %arg10[%swap3A_807] {strides = array<i32>} : memref<1024xi32, #tpu.memory_space<vmem>>, vector<16xi32>,
    %swap3A_809 = vector.shape_cast %swap3A_808 : vector<16xi32> to vector<16xi32>
    %swap3A_810 = vector.shape_cast %add3A_806 : vector<16xi32> to vector<16xi32>
    tpu.vector_store %arg10[%swap3A_807], %swap3A_810 {strides = array<i32>} : memref<1024xi32, #tpu.memory_space<vmem>>, vector<16xi32>,
    %get3A_811 = arith.constant 144 : index
    %get3A_812 = tpu.vector_load %arg9[%get3A_811] {strides = array<i32>} : memref<1024xi32, #tpu.memory_space<vmem>>, vector<16xi32>,
    %get3A_813 = vector.shape_cast %get3A_812 : vector<16xi32> to vector<16xi32>
    %mul3A_814 = arith.constant 1000 : i32
    %mul3A_815 = vector.broadcast %mul3A_814 : i32 to vector<16xi32>
    %mul3A_816 = arith.muli %get3A_813, %mul3A_815 : vector<16xi32>
    %get3A_817 = arith.constant 144 : index
    %get3A_818 = tpu.vector_load %arg10[%get3A_817] {strides = array<i32>} : memref<1024xi32, #tpu.memory_space<vmem>>, vector<16xi32>,
    %get3A_819 = vector.shape_cast %get3A_818 : vector<16xi32> to vector<16xi32>
    %add3A_820 = arith.addi %mul3A_816, %get3A_819 : vector<16xi32>
    %swap3A_821 = arith.constant 144 : index
    %swap3A_822 = tpu.vector_load %arg10[%swap3A_821] {strides = array<i32>} : memref<1024xi32, #tpu.memory_space<vmem>>, vector<16xi32>,
    %swap3A_823 = vector.shape_cast %swap3A_822 : vector<16xi32> to vector<16xi32>
    %swap3A_824 = vector.shape_cast %add3A_820 : vector<16xi32> to vector<16xi32>
    tpu.vector_store %arg10[%swap3A_821], %swap3A_824 {strides = array<i32>} : memref<1024xi32, #tpu.memory_space<vmem>>, vector<16xi32>,
    %get3A_825 = arith.constant 160 : index
    %get3A_826 = tpu.vector_load %arg9[%get3A_825] {strides = array<i32>} : memref<1024xi32, #tpu.memory_space<vmem>>, vector<16xi32>,
    %get3A_827 = vector.shape_cast %get3A_826 : vector<16xi32> to vector<16xi32>
    %mul3A_828 = arith.constant 1000 : i32
    %mul3A_829 = vector.broadcast %mul3A_828 : i32 to vector<16xi32>
    %mul3A_830 = arith.muli %get3A_827, %mul3A_829 : vector<16xi32>
    %get3A_831 = arith.constant 160 : index
    %get3A_832 = tpu.vector_load %arg10[%get3A_831] {strides = array<i32>} : memref<1024xi32, #tpu.memory_space<vmem>>, vector<16xi32>,
    %get3A_833 = vector.shape_cast %get3A_832 : vector<16xi32> to vector<16xi32>
    %add3A_834 = arith.addi %mul3A_830, %get3A_833 : vector<16xi32>
    %swap3A_835 = arith.constant 160 : index
    %swap3A_836 = tpu.vector_load %arg10[%swap3A_835] {strides = array<i32>} : memref<1024xi32, #tpu.memory_space<vmem>>, vector<16xi32>,
    %swap3A_837 = vector.shape_cast %swap3A_836 : vector<16xi32> to vector<16xi32>
    %swap3A_838 = vector.shape_cast %add3A_834 : vector<16xi32> to vector<16xi32>
    tpu.vector_store %arg10[%swap3A_835], %swap3A_838 {strides = array<i32>} : memref<1024xi32, #tpu.memory_space<vmem>>, vector<16xi32>,
    %get3A_839 = arith.constant 176 : index
    %get3A_840 = tpu.vector_load %arg9[%get3A_839] {strides = array<i32>} : memref<1024xi32, #tpu.memory_space<vmem>>, vector<16xi32>,
    %get3A_841 = vector.shape_cast %get3A_840 : vector<16xi32> to vector<16xi32>
    %mul3A_842 = arith.constant 1000 : i32
    %mul3A_843 = vector.broadcast %mul3A_842 : i32 to vector<16xi32>
    %mul3A_844 = arith.muli %get3A_841, %mul3A_843 : vector<16xi32>
    %get3A_845 = arith.constant 176 : index
    %get3A_846 = tpu.vector_load %arg10[%get3A_845] {strides = array<i32>} : memref<1024xi32, #tpu.memory_space<vmem>>, vector<16xi32>,
    %get3A_847 = vector.shape_cast %get3A_846 : vector<16xi32> to vector<16xi32>
    %add3A_848 = arith.addi %mul3A_844, %get3A_847 : vector<16xi32>
    %swap3A_849 = arith.constant 176 : index
    %swap3A_850 = tpu.vector_load %arg10[%swap3A_849] {strides = array<i32>} : memref<1024xi32, #tpu.memory_space<vmem>>, vector<16xi32>,
    %swap3A_851 = vector.shape_cast %swap3A_850 : vector<16xi32> to vector<16xi32>
    %swap3A_852 = vector.shape_cast %add3A_848 : vector<16xi32> to vector<16xi32>
    tpu.vector_store %arg10[%swap3A_849], %swap3A_852 {strides = array<i32>} : memref<1024xi32, #tpu.memory_space<vmem>>, vector<16xi32>,
    %get3A_853 = arith.constant 192 : index
    %get3A_854 = tpu.vector_load %arg9[%get3A_853] {strides = array<i32>} : memref<1024xi32, #tpu.memory_space<vmem>>, vector<16xi32>,
    %get3A_855 = vector.shape_cast %get3A_854 : vector<16xi32> to vector<16xi32>
    %mul3A_856 = arith.constant 1000 : i32
    %mul3A_857 = vector.broadcast %mul3A_856 : i32 to vector<16xi32>
    %mul3A_858 = arith.muli %get3A_855, %mul3A_857 : vector<16xi32>
    %get3A_859 = arith.constant 192 : index
    %get3A_860 = tpu.vector_load %arg10[%get3A_859] {strides = array<i32>} : memref<1024xi32, #tpu.memory_space<vmem>>, vector<16xi32>,
    %get3A_861 = vector.shape_cast %get3A_860 : vector<16xi32> to vector<16xi32>
    %add3A_862 = arith.addi %mul3A_858, %get3A_861 : vector<16xi32>
    %swap3A_863 = arith.constant 192 : index
    %swap3A_864 = tpu.vector_load %arg10[%swap3A_863] {strides = array<i32>} : memref<1024xi32, #tpu.memory_space<vmem>>, vector<16xi32>,
    %swap3A_865 = vector.shape_cast %swap3A_864 : vector<16xi32> to vector<16xi32>
    %swap3A_866 = vector.shape_cast %add3A_862 : vector<16xi32> to vector<16xi32>
    tpu.vector_store %arg10[%swap3A_863], %swap3A_866 {strides = array<i32>} : memref<1024xi32, #tpu.memory_space<vmem>>, vector<16xi32>,
    %get3A_867 = arith.constant 208 : index
    %get3A_868 = tpu.vector_load %arg9[%get3A_867] {strides = array<i32>} : memref<1024xi32, #tpu.memory_space<vmem>>, vector<16xi32>,
    %get3A_869 = vector.shape_cast %get3A_868 : vector<16xi32> to vector<16xi32>
    %mul3A_870 = arith.constant 1000 : i32
    %mul3A_871 = vector.broadcast %mul3A_870 : i32 to vector<16xi32>
    %mul3A_872 = arith.muli %get3A_869, %mul3A_871 : vector<16xi32>
    %get3A_873 = arith.constant 208 : index
    %get3A_874 = tpu.vector_load %arg10[%get3A_873] {strides = array<i32>} : memref<1024xi32, #tpu.memory_space<vmem>>, vector<16xi32>,
    %get3A_875 = vector.shape_cast %get3A_874 : vector<16xi32> to vector<16xi32>
    %add3A_876 = arith.addi %mul3A_872, %get3A_875 : vector<16xi32>
    %swap3A_877 = arith.constant 208 : index
    %swap3A_878 = tpu.vector_load %arg10[%swap3A_877] {strides = array<i32>} : memref<1024xi32, #tpu.memory_space<vmem>>, vector<16xi32>,
    %swap3A_879 = vector.shape_cast %swap3A_878 : vector<16xi32> to vector<16xi32>
    %swap3A_880 = vector.shape_cast %add3A_876 : vector<16xi32> to vector<16xi32>
    tpu.vector_store %arg10[%swap3A_877], %swap3A_880 {strides = array<i32>} : memref<1024xi32, #tpu.memory_space<vmem>>, vector<16xi32>,
    %get3A_881 = arith.constant 224 : index
    %get3A_882 = tpu.vector_load %arg9[%get3A_881] {strides = array<i32>} : memref<1024xi32, #tpu.memory_space<vmem>>, vector<16xi32>,
    %get3A_883 = vector.shape_cast %get3A_882 : vector<16xi32> to vector<16xi32>
    %mul3A_884 = arith.constant 1000 : i32
    %mul3A_885 = vector.broadcast %mul3A_884 : i32 to vector<16xi32>
    %mul3A_886 = arith.muli %get3A_883, %mul3A_885 : vector<16xi32>
    %get3A_887 = arith.constant 224 : index
    %get3A_888 = tpu.vector_load %arg10[%get3A_887] {strides = array<i32>} : memref<1024xi32, #tpu.memory_space<vmem>>, vector<16xi32>,
    %get3A_889 = vector.shape_cast %get3A_888 : vector<16xi32> to vector<16xi32>
    %add3A_890 = arith.addi %mul3A_886, %get3A_889 : vector<16xi32>
    %swap3A_891 = arith.constant 224 : index
    %swap3A_892 = tpu.vector_load %arg10[%swap3A_891] {strides = array<i32>} : memref<1024xi32, #tpu.memory_space<vmem>>, vector<16xi32>,
    %swap3A_893 = vector.shape_cast %swap3A_892 : vector<16xi32> to vector<16xi32>
    %swap3A_894 = vector.shape_cast %add3A_890 : vector<16xi32> to vector<16xi32>
    tpu.vector_store %arg10[%swap3A_891], %swap3A_894 {strides = array<i32>} : memref<1024xi32, #tpu.memory_space<vmem>>, vector<16xi32>,
    %get3A_895 = arith.constant 240 : index
    %get3A_896 = tpu.vector_load %arg9[%get3A_895] {strides = array<i32>} : memref<1024xi32, #tpu.memory_space<vmem>>, vector<16xi32>,
    %get3A_897 = vector.shape_cast %get3A_896 : vector<16xi32> to vector<16xi32>
    %mul3A_898 = arith.constant 1000 : i32
    %mul3A_899 = vector.broadcast %mul3A_898 : i32 to vector<16xi32>
    %mul3A_900 = arith.muli %get3A_897, %mul3A_899 : vector<16xi32>
    %get3A_901 = arith.constant 240 : index
    %get3A_902 = tpu.vector_load %arg10[%get3A_901] {strides = array<i32>} : memref<1024xi32, #tpu.memory_space<vmem>>, vector<16xi32>,
    %get3A_903 = vector.shape_cast %get3A_902 : vector<16xi32> to vector<16xi32>
    %add3A_904 = arith.addi %mul3A_900, %get3A_903 : vector<16xi32>
    %swap3A_905 = arith.constant 240 : index
    %swap3A_906 = tpu.vector_load %arg10[%swap3A_905] {strides = array<i32>} : memref<1024xi32, #tpu.memory_space<vmem>>, vector<16xi32>,
    %swap3A_907 = vector.shape_cast %swap3A_906 : vector<16xi32> to vector<16xi32>
    %swap3A_908 = vector.shape_cast %add3A_904 : vector<16xi32> to vector<16xi32>
    tpu.vector_store %arg10[%swap3A_905], %swap3A_908 {strides = array<i32>} : memref<1024xi32, #tpu.memory_space<vmem>>, vector<16xi32>,
    %get3A_909 = arith.constant 256 : index
    %get3A_910 = tpu.vector_load %arg9[%get3A_909] {strides = array<i32>} : memref<1024xi32, #tpu.memory_space<vmem>>, vector<16xi32>,
    %get3A_911 = vector.shape_cast %get3A_910 : vector<16xi32> to vector<16xi32>
    %mul3A_912 = arith.constant 1000 : i32
    %mul3A_913 = vector.broadcast %mul3A_912 : i32 to vector<16xi32>
    %mul3A_914 = arith.muli %get3A_911, %mul3A_913 : vector<16xi32>
    %get3A_915 = arith.constant 256 : index
    %get3A_916 = tpu.vector_load %arg10[%get3A_915] {strides = array<i32>} : memref<1024xi32, #tpu.memory_space<vmem>>, vector<16xi32>,
    %get3A_917 = vector.shape_cast %get3A_916 : vector<16xi32> to vector<16xi32>
    %add3A_918 = arith.addi %mul3A_914, %get3A_917 : vector<16xi32>
    %swap3A_919 = arith.constant 256 : index
    %swap3A_920 = tpu.vector_load %arg10[%swap3A_919] {strides = array<i32>} : memref<1024xi32, #tpu.memory_space<vmem>>, vector<16xi32>,
    %swap3A_921 = vector.shape_cast %swap3A_920 : vector<16xi32> to vector<16xi32>
    %swap3A_922 = vector.shape_cast %add3A_918 : vector<16xi32> to vector<16xi32>
    tpu.vector_store %arg10[%swap3A_919], %swap3A_922 {strides = array<i32>} : memref<1024xi32, #tpu.memory_space<vmem>>, vector<16xi32>,
    %get3A_923 = arith.constant 272 : index
    %get3A_924 = tpu.vector_load %arg9[%get3A_923] {strides = array<i32>} : memref<1024xi32, #tpu.memory_space<vmem>>, vector<16xi32>,
    %get3A_925 = vector.shape_cast %get3A_924 : vector<16xi32> to vector<16xi32>
    %mul3A_926 = arith.constant 1000 : i32
    %mul3A_927 = vector.broadcast %mul3A_926 : i32 to vector<16xi32>
    %mul3A_928 = arith.muli %get3A_925, %mul3A_927 : vector<16xi32>
    %get3A_929 = arith.constant 272 : index
    %get3A_930 = tpu.vector_load %arg10[%get3A_929] {strides = array<i32>} : memref<1024xi32, #tpu.memory_space<vmem>>, vector<16xi32>,
    %get3A_931 = vector.shape_cast %get3A_930 : vector<16xi32> to vector<16xi32>
    %add3A_932 = arith.addi %mul3A_928, %get3A_931 : vector<16xi32>
    %swap3A_933 = arith.constant 272 : index
    %swap3A_934 = tpu.vector_load %arg10[%swap3A_933] {strides = array<i32>} : memref<1024xi32, #tpu.memory_space<vmem>>, vector<16xi32>,
    %swap3A_935 = vector.shape_cast %swap3A_934 : vector<16xi32> to vector<16xi32>
    %swap3A_936 = vector.shape_cast %add3A_932 : vector<16xi32> to vector<16xi32>
    tpu.vector_store %arg10[%swap3A_933], %swap3A_936 {strides = array<i32>} : memref<1024xi32, #tpu.memory_space<vmem>>, vector<16xi32>,
    %get3A_937 = arith.constant 288 : index
    %get3A_938 = tpu.vector_load %arg9[%get3A_937] {strides = array<i32>} : memref<1024xi32, #tpu.memory_space<vmem>>, vector<16xi32>,
    %get3A_939 = vector.shape_cast %get3A_938 : vector<16xi32> to vector<16xi32>
    %mul3A_940 = arith.constant 1000 : i32
    %mul3A_941 = vector.broadcast %mul3A_940 : i32 to vector<16xi32>
    %mul3A_942 = arith.muli %get3A_939, %mul3A_941 : vector<16xi32>
    %get3A_943 = arith.constant 288 : index
    %get3A_944 = tpu.vector_load %arg10[%get3A_943] {strides = array<i32>} : memref<1024xi32, #tpu.memory_space<vmem>>, vector<16xi32>,
    %get3A_945 = vector.shape_cast %get3A_944 : vector<16xi32> to vector<16xi32>
    %add3A_946 = arith.addi %mul3A_942, %get3A_945 : vector<16xi32>
    %swap3A_947 = arith.constant 288 : index
    %swap3A_948 = tpu.vector_load %arg10[%swap3A_947] {strides = array<i32>} : memref<1024xi32, #tpu.memory_space<vmem>>, vector<16xi32>,
    %swap3A_949 = vector.shape_cast %swap3A_948 : vector<16xi32> to vector<16xi32>
    %swap3A_950 = vector.shape_cast %add3A_946 : vector<16xi32> to vector<16xi32>
    tpu.vector_store %arg10[%swap3A_947], %swap3A_950 {strides = array<i32>} : memref<1024xi32, #tpu.memory_space<vmem>>, vector<16xi32>,
    %get3A_951 = arith.constant 304 : index
    %get3A_952 = tpu.vector_load %arg9[%get3A_951] {strides = array<i32>} : memref<1024xi32, #tpu.memory_space<vmem>>, vector<16xi32>,
    %get3A_953 = vector.shape_cast %get3A_952 : vector<16xi32> to vector<16xi32>
    %mul3A_954 = arith.constant 1000 : i32
    %mul3A_955 = vector.broadcast %mul3A_954 : i32 to vector<16xi32>
    %mul3A_956 = arith.muli %get3A_953, %mul3A_955 : vector<16xi32>
    %get3A_957 = arith.constant 304 : index
    %get3A_958 = tpu.vector_load %arg10[%get3A_957] {strides = array<i32>} : memref<1024xi32, #tpu.memory_space<vmem>>, vector<16xi32>,
    %get3A_959 = vector.shape_cast %get3A_958 : vector<16xi32> to vector<16xi32>
    %add3A_960 = arith.addi %mul3A_956, %get3A_959 : vector<16xi32>
    %swap3A_961 = arith.constant 304 : index
    %swap3A_962 = tpu.vector_load %arg10[%swap3A_961] {strides = array<i32>} : memref<1024xi32, #tpu.memory_space<vmem>>, vector<16xi32>,
    %swap3A_963 = vector.shape_cast %swap3A_962 : vector<16xi32> to vector<16xi32>
    %swap3A_964 = vector.shape_cast %add3A_960 : vector<16xi32> to vector<16xi32>
    tpu.vector_store %arg10[%swap3A_961], %swap3A_964 {strides = array<i32>} : memref<1024xi32, #tpu.memory_space<vmem>>, vector<16xi32>,
    %get3A_965 = arith.constant 320 : index
    %get3A_966 = tpu.vector_load %arg9[%get3A_965] {strides = array<i32>} : memref<1024xi32, #tpu.memory_space<vmem>>, vector<16xi32>,
    %get3A_967 = vector.shape_cast %get3A_966 : vector<16xi32> to vector<16xi32>
    %mul3A_968 = arith.constant 1000 : i32
    %mul3A_969 = vector.broadcast %mul3A_968 : i32 to vector<16xi32>
    %mul3A_970 = arith.muli %get3A_967, %mul3A_969 : vector<16xi32>
    %get3A_971 = arith.constant 320 : index
    %get3A_972 = tpu.vector_load %arg10[%get3A_971] {strides = array<i32>} : memref<1024xi32, #tpu.memory_space<vmem>>, vector<16xi32>,
    %get3A_973 = vector.shape_cast %get3A_972 : vector<16xi32> to vector<16xi32>
    %add3A_974 = arith.addi %mul3A_970, %get3A_973 : vector<16xi32>
    %swap3A_975 = arith.constant 320 : index
    %swap3A_976 = tpu.vector_load %arg10[%swap3A_975] {strides = array<i32>} : memref<1024xi32, #tpu.memory_space<vmem>>, vector<16xi32>,
    %swap3A_977 = vector.shape_cast %swap3A_976 : vector<16xi32> to vector<16xi32>
    %swap3A_978 = vector.shape_cast %add3A_974 : vector<16xi32> to vector<16xi32>
    tpu.vector_store %arg10[%swap3A_975], %swap3A_978 {strides = array<i32>} : memref<1024xi32, #tpu.memory_space<vmem>>, vector<16xi32>,
    %get3A_979 = arith.constant 336 : index
    %get3A_980 = tpu.vector_load %arg9[%get3A_979] {strides = array<i32>} : memref<1024xi32, #tpu.memory_space<vmem>>, vector<16xi32>,
    %get3A_981 = vector.shape_cast %get3A_980 : vector<16xi32> to vector<16xi32>
    %mul3A_982 = arith.constant 1000 : i32
    %mul3A_983 = vector.broadcast %mul3A_982 : i32 to vector<16xi32>
    %mul3A_984 = arith.muli %get3A_981, %mul3A_983 : vector<16xi32>
    %get3A_985 = arith.constant 336 : index
    %get3A_986 = tpu.vector_load %arg10[%get3A_985] {strides = array<i32>} : memref<1024xi32, #tpu.memory_space<vmem>>, vector<16xi32>,
    %get3A_987 = vector.shape_cast %get3A_986 : vector<16xi32> to vector<16xi32>
    %add3A_988 = arith.addi %mul3A_984, %get3A_987 : vector<16xi32>
    %swap3A_989 = arith.constant 336 : index
    %swap3A_990 = tpu.vector_load %arg10[%swap3A_989] {strides = array<i32>} : memref<1024xi32, #tpu.memory_space<vmem>>, vector<16xi32>,
    %swap3A_991 = vector.shape_cast %swap3A_990 : vector<16xi32> to vector<16xi32>
    %swap3A_992 = vector.shape_cast %add3A_988 : vector<16xi32> to vector<16xi32>
    tpu.vector_store %arg10[%swap3A_989], %swap3A_992 {strides = array<i32>} : memref<1024xi32, #tpu.memory_space<vmem>>, vector<16xi32>,
    %get3A_993 = arith.constant 352 : index
    %get3A_994 = tpu.vector_load %arg9[%get3A_993] {strides = array<i32>} : memref<1024xi32, #tpu.memory_space<vmem>>, vector<16xi32>,
    %get3A_995 = vector.shape_cast %get3A_994 : vector<16xi32> to vector<16xi32>
    %mul3A_996 = arith.constant 1000 : i32
    %mul3A_997 = vector.broadcast %mul3A_996 : i32 to vector<16xi32>
    %mul3A_998 = arith.muli %get3A_995, %mul3A_997 : vector<16xi32>
    %get3A_999 = arith.constant 352 : index
    %get3A_1000 = tpu.vector_load %arg10[%get3A_999] {strides = array<i32>} : memref<1024xi32, #tpu.memory_space<vmem>>, vector<16xi32>,
    %get3A_1001 = vector.shape_cast %get3A_1000 : vector<16xi32> to vector<16xi32>
    %add3A_1002 = arith.addi %mul3A_998, %get3A_1001 : vector<16xi32>
    %swap3A_1003 = arith.constant 352 : index
    %swap3A_1004 = tpu.vector_load %arg10[%swap3A_1003] {strides = array<i32>} : memref<1024xi32, #tpu.memory_space<vmem>>, vector<16xi32>,
    %swap3A_1005 = vector.shape_cast %swap3A_1004 : vector<16xi32> to vector<16xi32>
    %swap3A_1006 = vector.shape_cast %add3A_1002 : vector<16xi32> to vector<16xi32>
    tpu.vector_store %arg10[%swap3A_1003], %swap3A_1006 {strides = array<i32>} : memref<1024xi32, #tpu.memory_space<vmem>>, vector<16xi32>,
    %get3A_1007 = arith.constant 368 : index
    %get3A_1008 = tpu.vector_load %arg9[%get3A_1007] {strides = array<i32>} : memref<1024xi32, #tpu.memory_space<vmem>>, vector<16xi32>,
    %get3A_1009 = vector.shape_cast %get3A_1008 : vector<16xi32> to vector<16xi32>
    %mul3A_1010 = arith.constant 1000 : i32
    %mul3A_1011 = vector.broadcast %mul3A_1010 : i32 to vector<16xi32>
    %mul3A_1012 = arith.muli %get3A_1009, %mul3A_1011 : vector<16xi32>
    %get3A_1013 = arith.constant 368 : index
    %get3A_1014 = tpu.vector_load %arg10[%get3A_1013] {strides = array<i32>} : memref<1024xi32, #tpu.memory_space<vmem>>, vector<16xi32>,
    %get3A_1015 = vector.shape_cast %get3A_1014 : vector<16xi32> to vector<16xi32>
    %add3A_1016 = arith.addi %mul3A_1012, %get3A_1015 : vector<16xi32>
    %swap3A_1017 = arith.constant 368 : index
    %swap3A_1018 = tpu.vector_load %arg10[%swap3A_1017] {strides = array<i32>} : memref<1024xi32, #tpu.memory_space<vmem>>, vector<16xi32>,
    %swap3A_1019 = vector.shape_cast %swap3A_1018 : vector<16xi32> to vector<16xi32>
    %swap3A_1020 = vector.shape_cast %add3A_1016 : vector<16xi32> to vector<16xi32>
    tpu.vector_store %arg10[%swap3A_1017], %swap3A_1020 {strides = array<i32>} : memref<1024xi32, #tpu.memory_space<vmem>>, vector<16xi32>,
    %get3A_1021 = arith.constant 384 : index
    %get3A_1022 = tpu.vector_load %arg9[%get3A_1021] {strides = array<i32>} : memref<1024xi32, #tpu.memory_space<vmem>>, vector<16xi32>,
    %get3A_1023 = vector.shape_cast %get3A_1022 : vector<16xi32> to vector<16xi32>
    %mul3A_1024 = arith.constant 1000 : i32
    %mul3A_1025 = vector.broadcast %mul3A_1024 : i32 to vector<16xi32>
    %mul3A_1026 = arith.muli %get3A_1023, %mul3A_1025 : vector<16xi32>
    %get3A_1027 = arith.constant 384 : index
    %get3A_1028 = tpu.vector_load %arg10[%get3A_1027] {strides = array<i32>} : memref<1024xi32, #tpu.memory_space<vmem>>, vector<16xi32>,
    %get3A_1029 = vector.shape_cast %get3A_1028 : vector<16xi32> to vector<16xi32>
    %add3A_1030 = arith.addi %mul3A_1026, %get3A_1029 : vector<16xi32>
    %swap3A_1031 = arith.constant 384 : index
    %swap3A_1032 = tpu.vector_load %arg10[%swap3A_1031] {strides = array<i32>} : memref<1024xi32, #tpu.memory_space<vmem>>, vector<16xi32>,
    %swap3A_1033 = vector.shape_cast %swap3A_1032 : vector<16xi32> to vector<16xi32>
    %swap3A_1034 = vector.shape_cast %add3A_1030 : vector<16xi32> to vector<16xi32>
    tpu.vector_store %arg10[%swap3A_1031], %swap3A_1034 {strides = array<i32>} : memref<1024xi32, #tpu.memory_space<vmem>>, vector<16xi32>,
    %get3A_1035 = arith.constant 400 : index
    %get3A_1036 = tpu.vector_load %arg9[%get3A_1035] {strides = array<i32>} : memref<1024xi32, #tpu.memory_space<vmem>>, vector<16xi32>,
    %get3A_1037 = vector.shape_cast %get3A_1036 : vector<16xi32> to vector<16xi32>
    %mul3A_1038 = arith.constant 1000 : i32
    %mul3A_1039 = vector.broadcast %mul3A_1038 : i32 to vector<16xi32>
    %mul3A_1040 = arith.muli %get3A_1037, %mul3A_1039 : vector<16xi32>
    %get3A_1041 = arith.constant 400 : index
    %get3A_1042 = tpu.vector_load %arg10[%get3A_1041] {strides = array<i32>} : memref<1024xi32, #tpu.memory_space<vmem>>, vector<16xi32>,
    %get3A_1043 = vector.shape_cast %get3A_1042 : vector<16xi32> to vector<16xi32>
    %add3A_1044 = arith.addi %mul3A_1040, %get3A_1043 : vector<16xi32>
    %swap3A_1045 = arith.constant 400 : index
    %swap3A_1046 = tpu.vector_load %arg10[%swap3A_1045] {strides = array<i32>} : memref<1024xi32, #tpu.memory_space<vmem>>, vector<16xi32>,
    %swap3A_1047 = vector.shape_cast %swap3A_1046 : vector<16xi32> to vector<16xi32>
    %swap3A_1048 = vector.shape_cast %add3A_1044 : vector<16xi32> to vector<16xi32>
    tpu.vector_store %arg10[%swap3A_1045], %swap3A_1048 {strides = array<i32>} : memref<1024xi32, #tpu.memory_space<vmem>>, vector<16xi32>,
    %get3A_1049 = arith.constant 416 : index
    %get3A_1050 = tpu.vector_load %arg9[%get3A_1049] {strides = array<i32>} : memref<1024xi32, #tpu.memory_space<vmem>>, vector<16xi32>,
    %get3A_1051 = vector.shape_cast %get3A_1050 : vector<16xi32> to vector<16xi32>
    %mul3A_1052 = arith.constant 1000 : i32
    %mul3A_1053 = vector.broadcast %mul3A_1052 : i32 to vector<16xi32>
    %mul3A_1054 = arith.muli %get3A_1051, %mul3A_1053 : vector<16xi32>
    %get3A_1055 = arith.constant 416 : index
    %get3A_1056 = tpu.vector_load %arg10[%get3A_1055] {strides = array<i32>} : memref<1024xi32, #tpu.memory_space<vmem>>, vector<16xi32>,
    %get3A_1057 = vector.shape_cast %get3A_1056 : vector<16xi32> to vector<16xi32>
    %add3A_1058 = arith.addi %mul3A_1054, %get3A_1057 : vector<16xi32>
    %swap3A_1059 = arith.constant 416 : index
    %swap3A_1060 = tpu.vector_load %arg10[%swap3A_1059] {strides = array<i32>} : memref<1024xi32, #tpu.memory_space<vmem>>, vector<16xi32>,
    %swap3A_1061 = vector.shape_cast %swap3A_1060 : vector<16xi32> to vector<16xi32>
    %swap3A_1062 = vector.shape_cast %add3A_1058 : vector<16xi32> to vector<16xi32>
    tpu.vector_store %arg10[%swap3A_1059], %swap3A_1062 {strides = array<i32>} : memref<1024xi32, #tpu.memory_space<vmem>>, vector<16xi32>,
    %get3A_1063 = arith.constant 432 : index
    %get3A_1064 = tpu.vector_load %arg9[%get3A_1063] {strides = array<i32>} : memref<1024xi32, #tpu.memory_space<vmem>>, vector<16xi32>,
    %get3A_1065 = vector.shape_cast %get3A_1064 : vector<16xi32> to vector<16xi32>
    %mul3A_1066 = arith.constant 1000 : i32
    %mul3A_1067 = vector.broadcast %mul3A_1066 : i32 to vector<16xi32>
    %mul3A_1068 = arith.muli %get3A_1065, %mul3A_1067 : vector<16xi32>
    %get3A_1069 = arith.constant 432 : index
    %get3A_1070 = tpu.vector_load %arg10[%get3A_1069] {strides = array<i32>} : memref<1024xi32, #tpu.memory_space<vmem>>, vector<16xi32>,
    %get3A_1071 = vector.shape_cast %get3A_1070 : vector<16xi32> to vector<16xi32>
    %add3A_1072 = arith.addi %mul3A_1068, %get3A_1071 : vector<16xi32>
    %swap3A_1073 = arith.constant 432 : index
    %swap3A_1074 = tpu.vector_load %arg10[%swap3A_1073] {strides = array<i32>} : memref<1024xi32, #tpu.memory_space<vmem>>, vector<16xi32>,
    %swap3A_1075 = vector.shape_cast %swap3A_1074 : vector<16xi32> to vector<16xi32>
    %swap3A_1076 = vector.shape_cast %add3A_1072 : vector<16xi32> to vector<16xi32>
    tpu.vector_store %arg10[%swap3A_1073], %swap3A_1076 {strides = array<i32>} : memref<1024xi32, #tpu.memory_space<vmem>>, vector<16xi32>,
    %get3A_1077 = arith.constant 448 : index
    %get3A_1078 = tpu.vector_load %arg9[%get3A_1077] {strides = array<i32>} : memref<1024xi32, #tpu.memory_space<vmem>>, vector<16xi32>,
    %get3A_1079 = vector.shape_cast %get3A_1078 : vector<16xi32> to vector<16xi32>
    %mul3A_1080 = arith.constant 1000 : i32
    %mul3A_1081 = vector.broadcast %mul3A_1080 : i32 to vector<16xi32>
    %mul3A_1082 = arith.muli %get3A_1079, %mul3A_1081 : vector<16xi32>
    %get3A_1083 = arith.constant 448 : index
    %get3A_1084 = tpu.vector_load %arg10[%get3A_1083] {strides = array<i32>} : memref<1024xi32, #tpu.memory_space<vmem>>, vector<16xi32>,
    %get3A_1085 = vector.shape_cast %get3A_1084 : vector<16xi32> to vector<16xi32>
    %add3A_1086 = arith.addi %mul3A_1082, %get3A_1085 : vector<16xi32>
    %swap3A_1087 = arith.constant 448 : index
    %swap3A_1088 = tpu.vector_load %arg10[%swap3A_1087] {strides = array<i32>} : memref<1024xi32, #tpu.memory_space<vmem>>, vector<16xi32>,
    %swap3A_1089 = vector.shape_cast %swap3A_1088 : vector<16xi32> to vector<16xi32>
    %swap3A_1090 = vector.shape_cast %add3A_1086 : vector<16xi32> to vector<16xi32>
    tpu.vector_store %arg10[%swap3A_1087], %swap3A_1090 {strides = array<i32>} : memref<1024xi32, #tpu.memory_space<vmem>>, vector<16xi32>,
    %get3A_1091 = arith.constant 464 : index
    %get3A_1092 = tpu.vector_load %arg9[%get3A_1091] {strides = array<i32>} : memref<1024xi32, #tpu.memory_space<vmem>>, vector<16xi32>,
    %get3A_1093 = vector.shape_cast %get3A_1092 : vector<16xi32> to vector<16xi32>
    %mul3A_1094 = arith.constant 1000 : i32
    %mul3A_1095 = vector.broadcast %mul3A_1094 : i32 to vector<16xi32>
    %mul3A_1096 = arith.muli %get3A_1093, %mul3A_1095 : vector<16xi32>
    %get3A_1097 = arith.constant 464 : index
    %get3A_1098 = tpu.vector_load %arg10[%get3A_1097] {strides = array<i32>} : memref<1024xi32, #tpu.memory_space<vmem>>, vector<16xi32>,
    %get3A_1099 = vector.shape_cast %get3A_1098 : vector<16xi32> to vector<16xi32>
    %add3A_1100 = arith.addi %mul3A_1096, %get3A_1099 : vector<16xi32>
    %swap3A_1101 = arith.constant 464 : index
    %swap3A_1102 = tpu.vector_load %arg10[%swap3A_1101] {strides = array<i32>} : memref<1024xi32, #tpu.memory_space<vmem>>, vector<16xi32>,
    %swap3A_1103 = vector.shape_cast %swap3A_1102 : vector<16xi32> to vector<16xi32>
    %swap3A_1104 = vector.shape_cast %add3A_1100 : vector<16xi32> to vector<16xi32>
    tpu.vector_store %arg10[%swap3A_1101], %swap3A_1104 {strides = array<i32>} : memref<1024xi32, #tpu.memory_space<vmem>>, vector<16xi32>,
    %get3A_1105 = arith.constant 480 : index
    %get3A_1106 = tpu.vector_load %arg9[%get3A_1105] {strides = array<i32>} : memref<1024xi32, #tpu.memory_space<vmem>>, vector<16xi32>,
    %get3A_1107 = vector.shape_cast %get3A_1106 : vector<16xi32> to vector<16xi32>
    %mul3A_1108 = arith.constant 1000 : i32
    %mul3A_1109 = vector.broadcast %mul3A_1108 : i32 to vector<16xi32>
    %mul3A_1110 = arith.muli %get3A_1107, %mul3A_1109 : vector<16xi32>
    %get3A_1111 = arith.constant 480 : index
    %get3A_1112 = tpu.vector_load %arg10[%get3A_1111] {strides = array<i32>} : memref<1024xi32, #tpu.memory_space<vmem>>, vector<16xi32>,
    %get3A_1113 = vector.shape_cast %get3A_1112 : vector<16xi32> to vector<16xi32>
    %add3A_1114 = arith.addi %mul3A_1110, %get3A_1113 : vector<16xi32>
    %swap3A_1115 = arith.constant 480 : index
    %swap3A_1116 = tpu.vector_load %arg10[%swap3A_1115] {strides = array<i32>} : memref<1024xi32, #tpu.memory_space<vmem>>, vector<16xi32>,
    %swap3A_1117 = vector.shape_cast %swap3A_1116 : vector<16xi32> to vector<16xi32>
    %swap3A_1118 = vector.shape_cast %add3A_1114 : vector<16xi32> to vector<16xi32>
    tpu.vector_store %arg10[%swap3A_1115], %swap3A_1118 {strides = array<i32>} : memref<1024xi32, #tpu.memory_space<vmem>>, vector<16xi32>,
    %get3A_1119 = arith.constant 496 : index
    %get3A_1120 = tpu.vector_load %arg9[%get3A_1119] {strides = array<i32>} : memref<1024xi32, #tpu.memory_space<vmem>>, vector<16xi32>,
    %get3A_1121 = vector.shape_cast %get3A_1120 : vector<16xi32> to vector<16xi32>
    %mul3A_1122 = arith.constant 1000 : i32
    %mul3A_1123 = vector.broadcast %mul3A_1122 : i32 to vector<16xi32>
    %mul3A_1124 = arith.muli %get3A_1121, %mul3A_1123 : vector<16xi32>
    %get3A_1125 = arith.constant 496 : index
    %get3A_1126 = tpu.vector_load %arg10[%get3A_1125] {strides = array<i32>} : memref<1024xi32, #tpu.memory_space<vmem>>, vector<16xi32>,
    %get3A_1127 = vector.shape_cast %get3A_1126 : vector<16xi32> to vector<16xi32>
    %add3A_1128 = arith.addi %mul3A_1124, %get3A_1127 : vector<16xi32>
    %swap3A_1129 = arith.constant 496 : index
    %swap3A_1130 = tpu.vector_load %arg10[%swap3A_1129] {strides = array<i32>} : memref<1024xi32, #tpu.memory_space<vmem>>, vector<16xi32>,
    %swap3A_1131 = vector.shape_cast %swap3A_1130 : vector<16xi32> to vector<16xi32>
    %swap3A_1132 = vector.shape_cast %add3A_1128 : vector<16xi32> to vector<16xi32>
    tpu.vector_store %arg10[%swap3A_1129], %swap3A_1132 {strides = array<i32>} : memref<1024xi32, #tpu.memory_space<vmem>>, vector<16xi32>,
    %get3A_1133 = arith.constant 512 : index
    %get3A_1134 = tpu.vector_load %arg9[%get3A_1133] {strides = array<i32>} : memref<1024xi32, #tpu.memory_space<vmem>>, vector<16xi32>,
    %get3A_1135 = vector.shape_cast %get3A_1134 : vector<16xi32> to vector<16xi32>
    %mul3A_1136 = arith.constant 1000 : i32
    %mul3A_1137 = vector.broadcast %mul3A_1136 : i32 to vector<16xi32>
    %mul3A_1138 = arith.muli %get3A_1135, %mul3A_1137 : vector<16xi32>
    %get3A_1139 = arith.constant 512 : index
    %get3A_1140 = tpu.vector_load %arg10[%get3A_1139] {strides = array<i32>} : memref<1024xi32, #tpu.memory_space<vmem>>, vector<16xi32>,
    %get3A_1141 = vector.shape_cast %get3A_1140 : vector<16xi32> to vector<16xi32>
    %add3A_1142 = arith.addi %mul3A_1138, %get3A_1141 : vector<16xi32>
    %swap3A_1143 = arith.constant 512 : index
    %swap3A_1144 = tpu.vector_load %arg10[%swap3A_1143] {strides = array<i32>} : memref<1024xi32, #tpu.memory_space<vmem>>, vector<16xi32>,
    %swap3A_1145 = vector.shape_cast %swap3A_1144 : vector<16xi32> to vector<16xi32>
    %swap3A_1146 = vector.shape_cast %add3A_1142 : vector<16xi32> to vector<16xi32>
    tpu.vector_store %arg10[%swap3A_1143], %swap3A_1146 {strides = array<i32>} : memref<1024xi32, #tpu.memory_space<vmem>>, vector<16xi32>,
    %get3A_1147 = arith.constant 528 : index
    %get3A_1148 = tpu.vector_load %arg9[%get3A_1147] {strides = array<i32>} : memref<1024xi32, #tpu.memory_space<vmem>>, vector<16xi32>,
    %get3A_1149 = vector.shape_cast %get3A_1148 : vector<16xi32> to vector<16xi32>
    %mul3A_1150 = arith.constant 1000 : i32
    %mul3A_1151 = vector.broadcast %mul3A_1150 : i32 to vector<16xi32>
    %mul3A_1152 = arith.muli %get3A_1149, %mul3A_1151 : vector<16xi32>
    %get3A_1153 = arith.constant 528 : index
    %get3A_1154 = tpu.vector_load %arg10[%get3A_1153] {strides = array<i32>} : memref<1024xi32, #tpu.memory_space<vmem>>, vector<16xi32>,
    %get3A_1155 = vector.shape_cast %get3A_1154 : vector<16xi32> to vector<16xi32>
    %add3A_1156 = arith.addi %mul3A_1152, %get3A_1155 : vector<16xi32>
    %swap3A_1157 = arith.constant 528 : index
    %swap3A_1158 = tpu.vector_load %arg10[%swap3A_1157] {strides = array<i32>} : memref<1024xi32, #tpu.memory_space<vmem>>, vector<16xi32>,
    %swap3A_1159 = vector.shape_cast %swap3A_1158 : vector<16xi32> to vector<16xi32>
    %swap3A_1160 = vector.shape_cast %add3A_1156 : vector<16xi32> to vector<16xi32>
    tpu.vector_store %arg10[%swap3A_1157], %swap3A_1160 {strides = array<i32>} : memref<1024xi32, #tpu.memory_space<vmem>>, vector<16xi32>,
    %get3A_1161 = arith.constant 544 : index
    %get3A_1162 = tpu.vector_load %arg9[%get3A_1161] {strides = array<i32>} : memref<1024xi32, #tpu.memory_space<vmem>>, vector<16xi32>,
    %get3A_1163 = vector.shape_cast %get3A_1162 : vector<16xi32> to vector<16xi32>
    %mul3A_1164 = arith.constant 1000 : i32
    %mul3A_1165 = vector.broadcast %mul3A_1164 : i32 to vector<16xi32>
    %mul3A_1166 = arith.muli %get3A_1163, %mul3A_1165 : vector<16xi32>
    %get3A_1167 = arith.constant 544 : index
    %get3A_1168 = tpu.vector_load %arg10[%get3A_1167] {strides = array<i32>} : memref<1024xi32, #tpu.memory_space<vmem>>, vector<16xi32>,
    %get3A_1169 = vector.shape_cast %get3A_1168 : vector<16xi32> to vector<16xi32>
    %add3A_1170 = arith.addi %mul3A_1166, %get3A_1169 : vector<16xi32>
    %swap3A_1171 = arith.constant 544 : index
    %swap3A_1172 = tpu.vector_load %arg10[%swap3A_1171] {strides = array<i32>} : memref<1024xi32, #tpu.memory_space<vmem>>, vector<16xi32>,
    %swap3A_1173 = vector.shape_cast %swap3A_1172 : vector<16xi32> to vector<16xi32>
    %swap3A_1174 = vector.shape_cast %add3A_1170 : vector<16xi32> to vector<16xi32>
    tpu.vector_store %arg10[%swap3A_1171], %swap3A_1174 {strides = array<i32>} : memref<1024xi32, #tpu.memory_space<vmem>>, vector<16xi32>,
    %get3A_1175 = arith.constant 560 : index
    %get3A_1176 = tpu.vector_load %arg9[%get3A_1175] {strides = array<i32>} : memref<1024xi32, #tpu.memory_space<vmem>>, vector<16xi32>,
    %get3A_1177 = vector.shape_cast %get3A_1176 : vector<16xi32> to vector<16xi32>
    %mul3A_1178 = arith.constant 1000 : i32
    %mul3A_1179 = vector.broadcast %mul3A_1178 : i32 to vector<16xi32>
    %mul3A_1180 = arith.muli %get3A_1177, %mul3A_1179 : vector<16xi32>
    %get3A_1181 = arith.constant 560 : index
    %get3A_1182 = tpu.vector_load %arg10[%get3A_1181] {strides = array<i32>} : memref<1024xi32, #tpu.memory_space<vmem>>, vector<16xi32>,
    %get3A_1183 = vector.shape_cast %get3A_1182 : vector<16xi32> to vector<16xi32>
    %add3A_1184 = arith.addi %mul3A_1180, %get3A_1183 : vector<16xi32>
    %swap3A_1185 = arith.constant 560 : index
    %swap3A_1186 = tpu.vector_load %arg10[%swap3A_1185] {strides = array<i32>} : memref<1024xi32, #tpu.memory_space<vmem>>, vector<16xi32>,
    %swap3A_1187 = vector.shape_cast %swap3A_1186 : vector<16xi32> to vector<16xi32>
    %swap3A_1188 = vector.shape_cast %add3A_1184 : vector<16xi32> to vector<16xi32>
    tpu.vector_store %arg10[%swap3A_1185], %swap3A_1188 {strides = array<i32>} : memref<1024xi32, #tpu.memory_space<vmem>>, vector<16xi32>,
    %get3A_1189 = arith.constant 576 : index
    %get3A_1190 = tpu.vector_load %arg9[%get3A_1189] {strides = array<i32>} : memref<1024xi32, #tpu.memory_space<vmem>>, vector<16xi32>,
    %get3A_1191 = vector.shape_cast %get3A_1190 : vector<16xi32> to vector<16xi32>
    %mul3A_1192 = arith.constant 1000 : i32
    %mul3A_1193 = vector.broadcast %mul3A_1192 : i32 to vector<16xi32>
    %mul3A_1194 = arith.muli %get3A_1191, %mul3A_1193 : vector<16xi32>
    %get3A_1195 = arith.constant 576 : index
    %get3A_1196 = tpu.vector_load %arg10[%get3A_1195] {strides = array<i32>} : memref<1024xi32, #tpu.memory_space<vmem>>, vector<16xi32>,
    %get3A_1197 = vector.shape_cast %get3A_1196 : vector<16xi32> to vector<16xi32>
    %add3A_1198 = arith.addi %mul3A_1194, %get3A_1197 : vector<16xi32>
    %swap3A_1199 = arith.constant 576 : index
    %swap3A_1200 = tpu.vector_load %arg10[%swap3A_1199] {strides = array<i32>} : memref<1024xi32, #tpu.memory_space<vmem>>, vector<16xi32>,
    %swap3A_1201 = vector.shape_cast %swap3A_1200 : vector<16xi32> to vector<16xi32>
    %swap3A_1202 = vector.shape_cast %add3A_1198 : vector<16xi32> to vector<16xi32>
    tpu.vector_store %arg10[%swap3A_1199], %swap3A_1202 {strides = array<i32>} : memref<1024xi32, #tpu.memory_space<vmem>>, vector<16xi32>,
    %get3A_1203 = arith.constant 592 : index
    %get3A_1204 = tpu.vector_load %arg9[%get3A_1203] {strides = array<i32>} : memref<1024xi32, #tpu.memory_space<vmem>>, vector<16xi32>,
    %get3A_1205 = vector.shape_cast %get3A_1204 : vector<16xi32> to vector<16xi32>
    %mul3A_1206 = arith.constant 1000 : i32
    %mul3A_1207 = vector.broadcast %mul3A_1206 : i32 to vector<16xi32>
    %mul3A_1208 = arith.muli %get3A_1205, %mul3A_1207 : vector<16xi32>
    %get3A_1209 = arith.constant 592 : index
    %get3A_1210 = tpu.vector_load %arg10[%get3A_1209] {strides = array<i32>} : memref<1024xi32, #tpu.memory_space<vmem>>, vector<16xi32>,
    %get3A_1211 = vector.shape_cast %get3A_1210 : vector<16xi32> to vector<16xi32>
    %add3A_1212 = arith.addi %mul3A_1208, %get3A_1211 : vector<16xi32>
    %swap3A_1213 = arith.constant 592 : index
    %swap3A_1214 = tpu.vector_load %arg10[%swap3A_1213] {strides = array<i32>} : memref<1024xi32, #tpu.memory_space<vmem>>, vector<16xi32>,
    %swap3A_1215 = vector.shape_cast %swap3A_1214 : vector<16xi32> to vector<16xi32>
    %swap3A_1216 = vector.shape_cast %add3A_1212 : vector<16xi32> to vector<16xi32>
    tpu.vector_store %arg10[%swap3A_1213], %swap3A_1216 {strides = array<i32>} : memref<1024xi32, #tpu.memory_space<vmem>>, vector<16xi32>,
    %get3A_1217 = arith.constant 608 : index
    %get3A_1218 = tpu.vector_load %arg9[%get3A_1217] {strides = array<i32>} : memref<1024xi32, #tpu.memory_space<vmem>>, vector<16xi32>,
    %get3A_1219 = vector.shape_cast %get3A_1218 : vector<16xi32> to vector<16xi32>
    %mul3A_1220 = arith.constant 1000 : i32
    %mul3A_1221 = vector.broadcast %mul3A_1220 : i32 to vector<16xi32>
    %mul3A_1222 = arith.muli %get3A_1219, %mul3A_1221 : vector<16xi32>
    %get3A_1223 = arith.constant 608 : index
    %get3A_1224 = tpu.vector_load %arg10[%get3A_1223] {strides = array<i32>} : memref<1024xi32, #tpu.memory_space<vmem>>, vector<16xi32>,
    %get3A_1225 = vector.shape_cast %get3A_1224 : vector<16xi32> to vector<16xi32>
    %add3A_1226 = arith.addi %mul3A_1222, %get3A_1225 : vector<16xi32>
    %swap3A_1227 = arith.constant 608 : index
    %swap3A_1228 = tpu.vector_load %arg10[%swap3A_1227] {strides = array<i32>} : memref<1024xi32, #tpu.memory_space<vmem>>, vector<16xi32>,
    %swap3A_1229 = vector.shape_cast %swap3A_1228 : vector<16xi32> to vector<16xi32>
    %swap3A_1230 = vector.shape_cast %add3A_1226 : vector<16xi32> to vector<16xi32>
    tpu.vector_store %arg10[%swap3A_1227], %swap3A_1230 {strides = array<i32>} : memref<1024xi32, #tpu.memory_space<vmem>>, vector<16xi32>,
    %get3A_1231 = arith.constant 624 : index
    %get3A_1232 = tpu.vector_load %arg9[%get3A_1231] {strides = array<i32>} : memref<1024xi32, #tpu.memory_space<vmem>>, vector<16xi32>,
    %get3A_1233 = vector.shape_cast %get3A_1232 : vector<16xi32> to vector<16xi32>
    %mul3A_1234 = arith.constant 1000 : i32
    %mul3A_1235 = vector.broadcast %mul3A_1234 : i32 to vector<16xi32>
    %mul3A_1236 = arith.muli %get3A_1233, %mul3A_1235 : vector<16xi32>
    %get3A_1237 = arith.constant 624 : index
    %get3A_1238 = tpu.vector_load %arg10[%get3A_1237] {strides = array<i32>} : memref<1024xi32, #tpu.memory_space<vmem>>, vector<16xi32>,
    %get3A_1239 = vector.shape_cast %get3A_1238 : vector<16xi32> to vector<16xi32>
    %add3A_1240 = arith.addi %mul3A_1236, %get3A_1239 : vector<16xi32>
    %swap3A_1241 = arith.constant 624 : index
    %swap3A_1242 = tpu.vector_load %arg10[%swap3A_1241] {strides = array<i32>} : memref<1024xi32, #tpu.memory_space<vmem>>, vector<16xi32>,
    %swap3A_1243 = vector.shape_cast %swap3A_1242 : vector<16xi32> to vector<16xi32>
    %swap3A_1244 = vector.shape_cast %add3A_1240 : vector<16xi32> to vector<16xi32>
    tpu.vector_store %arg10[%swap3A_1241], %swap3A_1244 {strides = array<i32>} : memref<1024xi32, #tpu.memory_space<vmem>>, vector<16xi32>,
    %get3A_1245 = arith.constant 640 : index
    %get3A_1246 = tpu.vector_load %arg9[%get3A_1245] {strides = array<i32>} : memref<1024xi32, #tpu.memory_space<vmem>>, vector<16xi32>,
    %get3A_1247 = vector.shape_cast %get3A_1246 : vector<16xi32> to vector<16xi32>
    %mul3A_1248 = arith.constant 1000 : i32
    %mul3A_1249 = vector.broadcast %mul3A_1248 : i32 to vector<16xi32>
    %mul3A_1250 = arith.muli %get3A_1247, %mul3A_1249 : vector<16xi32>
    %get3A_1251 = arith.constant 640 : index
    %get3A_1252 = tpu.vector_load %arg10[%get3A_1251] {strides = array<i32>} : memref<1024xi32, #tpu.memory_space<vmem>>, vector<16xi32>,
    %get3A_1253 = vector.shape_cast %get3A_1252 : vector<16xi32> to vector<16xi32>
    %add3A_1254 = arith.addi %mul3A_1250, %get3A_1253 : vector<16xi32>
    %swap3A_1255 = arith.constant 640 : index
    %swap3A_1256 = tpu.vector_load %arg10[%swap3A_1255] {strides = array<i32>} : memref<1024xi32, #tpu.memory_space<vmem>>, vector<16xi32>,
    %swap3A_1257 = vector.shape_cast %swap3A_1256 : vector<16xi32> to vector<16xi32>
    %swap3A_1258 = vector.shape_cast %add3A_1254 : vector<16xi32> to vector<16xi32>
    tpu.vector_store %arg10[%swap3A_1255], %swap3A_1258 {strides = array<i32>} : memref<1024xi32, #tpu.memory_space<vmem>>, vector<16xi32>,
    %get3A_1259 = arith.constant 656 : index
    %get3A_1260 = tpu.vector_load %arg9[%get3A_1259] {strides = array<i32>} : memref<1024xi32, #tpu.memory_space<vmem>>, vector<16xi32>,
    %get3A_1261 = vector.shape_cast %get3A_1260 : vector<16xi32> to vector<16xi32>
    %mul3A_1262 = arith.constant 1000 : i32
    %mul3A_1263 = vector.broadcast %mul3A_1262 : i32 to vector<16xi32>
    %mul3A_1264 = arith.muli %get3A_1261, %mul3A_1263 : vector<16xi32>
    %get3A_1265 = arith.constant 656 : index
    %get3A_1266 = tpu.vector_load %arg10[%get3A_1265] {strides = array<i32>} : memref<1024xi32, #tpu.memory_space<vmem>>, vector<16xi32>,
    %get3A_1267 = vector.shape_cast %get3A_1266 : vector<16xi32> to vector<16xi32>
    %add3A_1268 = arith.addi %mul3A_1264, %get3A_1267 : vector<16xi32>
    %swap3A_1269 = arith.constant 656 : index
    %swap3A_1270 = tpu.vector_load %arg10[%swap3A_1269] {strides = array<i32>} : memref<1024xi32, #tpu.memory_space<vmem>>, vector<16xi32>,
    %swap3A_1271 = vector.shape_cast %swap3A_1270 : vector<16xi32> to vector<16xi32>
    %swap3A_1272 = vector.shape_cast %add3A_1268 : vector<16xi32> to vector<16xi32>
    tpu.vector_store %arg10[%swap3A_1269], %swap3A_1272 {strides = array<i32>} : memref<1024xi32, #tpu.memory_space<vmem>>, vector<16xi32>,
    %get3A_1273 = arith.constant 672 : index
    %get3A_1274 = tpu.vector_load %arg9[%get3A_1273] {strides = array<i32>} : memref<1024xi32, #tpu.memory_space<vmem>>, vector<16xi32>,
    %get3A_1275 = vector.shape_cast %get3A_1274 : vector<16xi32> to vector<16xi32>
    %mul3A_1276 = arith.constant 1000 : i32
    %mul3A_1277 = vector.broadcast %mul3A_1276 : i32 to vector<16xi32>
    %mul3A_1278 = arith.muli %get3A_1275, %mul3A_1277 : vector<16xi32>
    %get3A_1279 = arith.constant 672 : index
    %get3A_1280 = tpu.vector_load %arg10[%get3A_1279] {strides = array<i32>} : memref<1024xi32, #tpu.memory_space<vmem>>, vector<16xi32>,
    %get3A_1281 = vector.shape_cast %get3A_1280 : vector<16xi32> to vector<16xi32>
    %add3A_1282 = arith.addi %mul3A_1278, %get3A_1281 : vector<16xi32>
    %swap3A_1283 = arith.constant 672 : index
    %swap3A_1284 = tpu.vector_load %arg10[%swap3A_1283] {strides = array<i32>} : memref<1024xi32, #tpu.memory_space<vmem>>, vector<16xi32>,
    %swap3A_1285 = vector.shape_cast %swap3A_1284 : vector<16xi32> to vector<16xi32>
    %swap3A_1286 = vector.shape_cast %add3A_1282 : vector<16xi32> to vector<16xi32>
    tpu.vector_store %arg10[%swap3A_1283], %swap3A_1286 {strides = array<i32>} : memref<1024xi32, #tpu.memory_space<vmem>>, vector<16xi32>,
    %get3A_1287 = arith.constant 688 : index
    %get3A_1288 = tpu.vector_load %arg9[%get3A_1287] {strides = array<i32>} : memref<1024xi32, #tpu.memory_space<vmem>>, vector<16xi32>,
    %get3A_1289 = vector.shape_cast %get3A_1288 : vector<16xi32> to vector<16xi32>
    %mul3A_1290 = arith.constant 1000 : i32
    %mul3A_1291 = vector.broadcast %mul3A_1290 : i32 to vector<16xi32>
    %mul3A_1292 = arith.muli %get3A_1289, %mul3A_1291 : vector<16xi32>
    %get3A_1293 = arith.constant 688 : index
    %get3A_1294 = tpu.vector_load %arg10[%get3A_1293] {strides = array<i32>} : memref<1024xi32, #tpu.memory_space<vmem>>, vector<16xi32>,
    %get3A_1295 = vector.shape_cast %get3A_1294 : vector<16xi32> to vector<16xi32>
    %add3A_1296 = arith.addi %mul3A_1292, %get3A_1295 : vector<16xi32>
    %swap3A_1297 = arith.constant 688 : index
    %swap3A_1298 = tpu.vector_load %arg10[%swap3A_1297] {strides = array<i32>} : memref<1024xi32, #tpu.memory_space<vmem>>, vector<16xi32>,
    %swap3A_1299 = vector.shape_cast %swap3A_1298 : vector<16xi32> to vector<16xi32>
    %swap3A_1300 = vector.shape_cast %add3A_1296 : vector<16xi32> to vector<16xi32>
    tpu.vector_store %arg10[%swap3A_1297], %swap3A_1300 {strides = array<i32>} : memref<1024xi32, #tpu.memory_space<vmem>>, vector<16xi32>,
    %get3A_1301 = arith.constant 704 : index
    %get3A_1302 = tpu.vector_load %arg9[%get3A_1301] {strides = array<i32>} : memref<1024xi32, #tpu.memory_space<vmem>>, vector<16xi32>,
    %get3A_1303 = vector.shape_cast %get3A_1302 : vector<16xi32> to vector<16xi32>
    %mul3A_1304 = arith.constant 1000 : i32
    %mul3A_1305 = vector.broadcast %mul3A_1304 : i32 to vector<16xi32>
    %mul3A_1306 = arith.muli %get3A_1303, %mul3A_1305 : vector<16xi32>
    %get3A_1307 = arith.constant 704 : index
    %get3A_1308 = tpu.vector_load %arg10[%get3A_1307] {strides = array<i32>} : memref<1024xi32, #tpu.memory_space<vmem>>, vector<16xi32>,
    %get3A_1309 = vector.shape_cast %get3A_1308 : vector<16xi32> to vector<16xi32>
    %add3A_1310 = arith.addi %mul3A_1306, %get3A_1309 : vector<16xi32>
    %swap3A_1311 = arith.constant 704 : index
    %swap3A_1312 = tpu.vector_load %arg10[%swap3A_1311] {strides = array<i32>} : memref<1024xi32, #tpu.memory_space<vmem>>, vector<16xi32>,
    %swap3A_1313 = vector.shape_cast %swap3A_1312 : vector<16xi32> to vector<16xi32>
    %swap3A_1314 = vector.shape_cast %add3A_1310 : vector<16xi32> to vector<16xi32>
    tpu.vector_store %arg10[%swap3A_1311], %swap3A_1314 {strides = array<i32>} : memref<1024xi32, #tpu.memory_space<vmem>>, vector<16xi32>,
    %get3A_1315 = arith.constant 720 : index
    %get3A_1316 = tpu.vector_load %arg9[%get3A_1315] {strides = array<i32>} : memref<1024xi32, #tpu.memory_space<vmem>>, vector<16xi32>,
    %get3A_1317 = vector.shape_cast %get3A_1316 : vector<16xi32> to vector<16xi32>
    %mul3A_1318 = arith.constant 1000 : i32
    %mul3A_1319 = vector.broadcast %mul3A_1318 : i32 to vector<16xi32>
    %mul3A_1320 = arith.muli %get3A_1317, %mul3A_1319 : vector<16xi32>
    %get3A_1321 = arith.constant 720 : index
    %get3A_1322 = tpu.vector_load %arg10[%get3A_1321] {strides = array<i32>} : memref<1024xi32, #tpu.memory_space<vmem>>, vector<16xi32>,
    %get3A_1323 = vector.shape_cast %get3A_1322 : vector<16xi32> to vector<16xi32>
    %add3A_1324 = arith.addi %mul3A_1320, %get3A_1323 : vector<16xi32>
    %swap3A_1325 = arith.constant 720 : index
    %swap3A_1326 = tpu.vector_load %arg10[%swap3A_1325] {strides = array<i32>} : memref<1024xi32, #tpu.memory_space<vmem>>, vector<16xi32>,
    %swap3A_1327 = vector.shape_cast %swap3A_1326 : vector<16xi32> to vector<16xi32>
    %swap3A_1328 = vector.shape_cast %add3A_1324 : vector<16xi32> to vector<16xi32>
    tpu.vector_store %arg10[%swap3A_1325], %swap3A_1328 {strides = array<i32>} : memref<1024xi32, #tpu.memory_space<vmem>>, vector<16xi32>,
    %get3A_1329 = arith.constant 736 : index
    %get3A_1330 = tpu.vector_load %arg9[%get3A_1329] {strides = array<i32>} : memref<1024xi32, #tpu.memory_space<vmem>>, vector<16xi32>,
    %get3A_1331 = vector.shape_cast %get3A_1330 : vector<16xi32> to vector<16xi32>
    %mul3A_1332 = arith.constant 1000 : i32
    %mul3A_1333 = vector.broadcast %mul3A_1332 : i32 to vector<16xi32>
    %mul3A_1334 = arith.muli %get3A_1331, %mul3A_1333 : vector<16xi32>
    %get3A_1335 = arith.constant 736 : index
    %get3A_1336 = tpu.vector_load %arg10[%get3A_1335] {strides = array<i32>} : memref<1024xi32, #tpu.memory_space<vmem>>, vector<16xi32>,
    %get3A_1337 = vector.shape_cast %get3A_1336 : vector<16xi32> to vector<16xi32>
    %add3A_1338 = arith.addi %mul3A_1334, %get3A_1337 : vector<16xi32>
    %swap3A_1339 = arith.constant 736 : index
    %swap3A_1340 = tpu.vector_load %arg10[%swap3A_1339] {strides = array<i32>} : memref<1024xi32, #tpu.memory_space<vmem>>, vector<16xi32>,
    %swap3A_1341 = vector.shape_cast %swap3A_1340 : vector<16xi32> to vector<16xi32>
    %swap3A_1342 = vector.shape_cast %add3A_1338 : vector<16xi32> to vector<16xi32>
    tpu.vector_store %arg10[%swap3A_1339], %swap3A_1342 {strides = array<i32>} : memref<1024xi32, #tpu.memory_space<vmem>>, vector<16xi32>,
    %get3A_1343 = arith.constant 752 : index
    %get3A_1344 = tpu.vector_load %arg9[%get3A_1343] {strides = array<i32>} : memref<1024xi32, #tpu.memory_space<vmem>>, vector<16xi32>,
    %get3A_1345 = vector.shape_cast %get3A_1344 : vector<16xi32> to vector<16xi32>
    %mul3A_1346 = arith.constant 1000 : i32
    %mul3A_1347 = vector.broadcast %mul3A_1346 : i32 to vector<16xi32>
    %mul3A_1348 = arith.muli %get3A_1345, %mul3A_1347 : vector<16xi32>
    %get3A_1349 = arith.constant 752 : index
    %get3A_1350 = tpu.vector_load %arg10[%get3A_1349] {strides = array<i32>} : memref<1024xi32, #tpu.memory_space<vmem>>, vector<16xi32>,
    %get3A_1351 = vector.shape_cast %get3A_1350 : vector<16xi32> to vector<16xi32>
    %add3A_1352 = arith.addi %mul3A_1348, %get3A_1351 : vector<16xi32>
    %swap3A_1353 = arith.constant 752 : index
    %swap3A_1354 = tpu.vector_load %arg10[%swap3A_1353] {strides = array<i32>} : memref<1024xi32, #tpu.memory_space<vmem>>, vector<16xi32>,
    %swap3A_1355 = vector.shape_cast %swap3A_1354 : vector<16xi32> to vector<16xi32>
    %swap3A_1356 = vector.shape_cast %add3A_1352 : vector<16xi32> to vector<16xi32>
    tpu.vector_store %arg10[%swap3A_1353], %swap3A_1356 {strides = array<i32>} : memref<1024xi32, #tpu.memory_space<vmem>>, vector<16xi32>,
    %get3A_1357 = arith.constant 768 : index
    %get3A_1358 = tpu.vector_load %arg9[%get3A_1357] {strides = array<i32>} : memref<1024xi32, #tpu.memory_space<vmem>>, vector<16xi32>,
    %get3A_1359 = vector.shape_cast %get3A_1358 : vector<16xi32> to vector<16xi32>
    %mul3A_1360 = arith.constant 1000 : i32
    %mul3A_1361 = vector.broadcast %mul3A_1360 : i32 to vector<16xi32>
    %mul3A_1362 = arith.muli %get3A_1359, %mul3A_1361 : vector<16xi32>
    %get3A_1363 = arith.constant 768 : index
    %get3A_1364 = tpu.vector_load %arg10[%get3A_1363] {strides = array<i32>} : memref<1024xi32, #tpu.memory_space<vmem>>, vector<16xi32>,
    %get3A_1365 = vector.shape_cast %get3A_1364 : vector<16xi32> to vector<16xi32>
    %add3A_1366 = arith.addi %mul3A_1362, %get3A_1365 : vector<16xi32>
    %swap3A_1367 = arith.constant 768 : index
    %swap3A_1368 = tpu.vector_load %arg10[%swap3A_1367] {strides = array<i32>} : memref<1024xi32, #tpu.memory_space<vmem>>, vector<16xi32>,
    %swap3A_1369 = vector.shape_cast %swap3A_1368 : vector<16xi32> to vector<16xi32>
    %swap3A_1370 = vector.shape_cast %add3A_1366 : vector<16xi32> to vector<16xi32>
    tpu.vector_store %arg10[%swap3A_1367], %swap3A_1370 {strides = array<i32>} : memref<1024xi32, #tpu.memory_space<vmem>>, vector<16xi32>,
    %get3A_1371 = arith.constant 784 : index
    %get3A_1372 = tpu.vector_load %arg9[%get3A_1371] {strides = array<i32>} : memref<1024xi32, #tpu.memory_space<vmem>>, vector<16xi32>,
    %get3A_1373 = vector.shape_cast %get3A_1372 : vector<16xi32> to vector<16xi32>
    %mul3A_1374 = arith.constant 1000 : i32
    %mul3A_1375 = vector.broadcast %mul3A_1374 : i32 to vector<16xi32>
    %mul3A_1376 = arith.muli %get3A_1373, %mul3A_1375 : vector<16xi32>
    %get3A_1377 = arith.constant 784 : index
    %get3A_1378 = tpu.vector_load %arg10[%get3A_1377] {strides = array<i32>} : memref<1024xi32, #tpu.memory_space<vmem>>, vector<16xi32>,
    %get3A_1379 = vector.shape_cast %get3A_1378 : vector<16xi32> to vector<16xi32>
    %add3A_1380 = arith.addi %mul3A_1376, %get3A_1379 : vector<16xi32>
    %swap3A_1381 = arith.constant 784 : index
    %swap3A_1382 = tpu.vector_load %arg10[%swap3A_1381] {strides = array<i32>} : memref<1024xi32, #tpu.memory_space<vmem>>, vector<16xi32>,
    %swap3A_1383 = vector.shape_cast %swap3A_1382 : vector<16xi32> to vector<16xi32>
    %swap3A_1384 = vector.shape_cast %add3A_1380 : vector<16xi32> to vector<16xi32>
    tpu.vector_store %arg10[%swap3A_1381], %swap3A_1384 {strides = array<i32>} : memref<1024xi32, #tpu.memory_space<vmem>>, vector<16xi32>,
    %get3A_1385 = arith.constant 800 : index
    %get3A_1386 = tpu.vector_load %arg9[%get3A_1385] {strides = array<i32>} : memref<1024xi32, #tpu.memory_space<vmem>>, vector<16xi32>,
    %get3A_1387 = vector.shape_cast %get3A_1386 : vector<16xi32> to vector<16xi32>
    %mul3A_1388 = arith.constant 1000 : i32
    %mul3A_1389 = vector.broadcast %mul3A_1388 : i32 to vector<16xi32>
    %mul3A_1390 = arith.muli %get3A_1387, %mul3A_1389 : vector<16xi32>
    %get3A_1391 = arith.constant 800 : index
    %get3A_1392 = tpu.vector_load %arg10[%get3A_1391] {strides = array<i32>} : memref<1024xi32, #tpu.memory_space<vmem>>, vector<16xi32>,
    %get3A_1393 = vector.shape_cast %get3A_1392 : vector<16xi32> to vector<16xi32>
    %add3A_1394 = arith.addi %mul3A_1390, %get3A_1393 : vector<16xi32>
    %swap3A_1395 = arith.constant 800 : index
    %swap3A_1396 = tpu.vector_load %arg10[%swap3A_1395] {strides = array<i32>} : memref<1024xi32, #tpu.memory_space<vmem>>, vector<16xi32>,
    %swap3A_1397 = vector.shape_cast %swap3A_1396 : vector<16xi32> to vector<16xi32>
    %swap3A_1398 = vector.shape_cast %add3A_1394 : vector<16xi32> to vector<16xi32>
    tpu.vector_store %arg10[%swap3A_1395], %swap3A_1398 {strides = array<i32>} : memref<1024xi32, #tpu.memory_space<vmem>>, vector<16xi32>,
    %get3A_1399 = arith.constant 816 : index
    %get3A_1400 = tpu.vector_load %arg9[%get3A_1399] {strides = array<i32>} : memref<1024xi32, #tpu.memory_space<vmem>>, vector<16xi32>,
    %get3A_1401 = vector.shape_cast %get3A_1400 : vector<16xi32> to vector<16xi32>
    %mul3A_1402 = arith.constant 1000 : i32
    %mul3A_1403 = vector.broadcast %mul3A_1402 : i32 to vector<16xi32>
    %mul3A_1404 = arith.muli %get3A_1401, %mul3A_1403 : vector<16xi32>
    %get3A_1405 = arith.constant 816 : index
    %get3A_1406 = tpu.vector_load %arg10[%get3A_1405] {strides = array<i32>} : memref<1024xi32, #tpu.memory_space<vmem>>, vector<16xi32>,
    %get3A_1407 = vector.shape_cast %get3A_1406 : vector<16xi32> to vector<16xi32>
    %add3A_1408 = arith.addi %mul3A_1404, %get3A_1407 : vector<16xi32>
    %swap3A_1409 = arith.constant 816 : index
    %swap3A_1410 = tpu.vector_load %arg10[%swap3A_1409] {strides = array<i32>} : memref<1024xi32, #tpu.memory_space<vmem>>, vector<16xi32>,
    %swap3A_1411 = vector.shape_cast %swap3A_1410 : vector<16xi32> to vector<16xi32>
    %swap3A_1412 = vector.shape_cast %add3A_1408 : vector<16xi32> to vector<16xi32>
    tpu.vector_store %arg10[%swap3A_1409], %swap3A_1412 {strides = array<i32>} : memref<1024xi32, #tpu.memory_space<vmem>>, vector<16xi32>,
    %get3A_1413 = arith.constant 832 : index
    %get3A_1414 = tpu.vector_load %arg9[%get3A_1413] {strides = array<i32>} : memref<1024xi32, #tpu.memory_space<vmem>>, vector<16xi32>,
    %get3A_1415 = vector.shape_cast %get3A_1414 : vector<16xi32> to vector<16xi32>
    %mul3A_1416 = arith.constant 1000 : i32
    %mul3A_1417 = vector.broadcast %mul3A_1416 : i32 to vector<16xi32>
    %mul3A_1418 = arith.muli %get3A_1415, %mul3A_1417 : vector<16xi32>
    %get3A_1419 = arith.constant 832 : index
    %get3A_1420 = tpu.vector_load %arg10[%get3A_1419] {strides = array<i32>} : memref<1024xi32, #tpu.memory_space<vmem>>, vector<16xi32>,
    %get3A_1421 = vector.shape_cast %get3A_1420 : vector<16xi32> to vector<16xi32>
    %add3A_1422 = arith.addi %mul3A_1418, %get3A_1421 : vector<16xi32>
    %swap3A_1423 = arith.constant 832 : index
    %swap3A_1424 = tpu.vector_load %arg10[%swap3A_1423] {strides = array<i32>} : memref<1024xi32, #tpu.memory_space<vmem>>, vector<16xi32>,
    %swap3A_1425 = vector.shape_cast %swap3A_1424 : vector<16xi32> to vector<16xi32>
    %swap3A_1426 = vector.shape_cast %add3A_1422 : vector<16xi32> to vector<16xi32>
    tpu.vector_store %arg10[%swap3A_1423], %swap3A_1426 {strides = array<i32>} : memref<1024xi32, #tpu.memory_space<vmem>>, vector<16xi32>,
    %get3A_1427 = arith.constant 848 : index
    %get3A_1428 = tpu.vector_load %arg9[%get3A_1427] {strides = array<i32>} : memref<1024xi32, #tpu.memory_space<vmem>>, vector<16xi32>,
    %get3A_1429 = vector.shape_cast %get3A_1428 : vector<16xi32> to vector<16xi32>
    %mul3A_1430 = arith.constant 1000 : i32
    %mul3A_1431 = vector.broadcast %mul3A_1430 : i32 to vector<16xi32>
    %mul3A_1432 = arith.muli %get3A_1429, %mul3A_1431 : vector<16xi32>
    %get3A_1433 = arith.constant 848 : index
    %get3A_1434 = tpu.vector_load %arg10[%get3A_1433] {strides = array<i32>} : memref<1024xi32, #tpu.memory_space<vmem>>, vector<16xi32>,
    %get3A_1435 = vector.shape_cast %get3A_1434 : vector<16xi32> to vector<16xi32>
    %add3A_1436 = arith.addi %mul3A_1432, %get3A_1435 : vector<16xi32>
    %swap3A_1437 = arith.constant 848 : index
    %swap3A_1438 = tpu.vector_load %arg10[%swap3A_1437] {strides = array<i32>} : memref<1024xi32, #tpu.memory_space<vmem>>, vector<16xi32>,
    %swap3A_1439 = vector.shape_cast %swap3A_1438 : vector<16xi32> to vector<16xi32>
    %swap3A_1440 = vector.shape_cast %add3A_1436 : vector<16xi32> to vector<16xi32>
    tpu.vector_store %arg10[%swap3A_1437], %swap3A_1440 {strides = array<i32>} : memref<1024xi32, #tpu.memory_space<vmem>>, vector<16xi32>,
    %get3A_1441 = arith.constant 864 : index
    %get3A_1442 = tpu.vector_load %arg9[%get3A_1441] {strides = array<i32>} : memref<1024xi32, #tpu.memory_space<vmem>>, vector<16xi32>,
    %get3A_1443 = vector.shape_cast %get3A_1442 : vector<16xi32> to vector<16xi32>
    %mul3A_1444 = arith.constant 1000 : i32
    %mul3A_1445 = vector.broadcast %mul3A_1444 : i32 to vector<16xi32>
    %mul3A_1446 = arith.muli %get3A_1443, %mul3A_1445 : vector<16xi32>
    %get3A_1447 = arith.constant 864 : index
    %get3A_1448 = tpu.vector_load %arg10[%get3A_1447] {strides = array<i32>} : memref<1024xi32, #tpu.memory_space<vmem>>, vector<16xi32>,
    %get3A_1449 = vector.shape_cast %get3A_1448 : vector<16xi32> to vector<16xi32>
    %add3A_1450 = arith.addi %mul3A_1446, %get3A_1449 : vector<16xi32>
    %swap3A_1451 = arith.constant 864 : index
    %swap3A_1452 = tpu.vector_load %arg10[%swap3A_1451] {strides = array<i32>} : memref<1024xi32, #tpu.memory_space<vmem>>, vector<16xi32>,
    %swap3A_1453 = vector.shape_cast %swap3A_1452 : vector<16xi32> to vector<16xi32>
    %swap3A_1454 = vector.shape_cast %add3A_1450 : vector<16xi32> to vector<16xi32>
    tpu.vector_store %arg10[%swap3A_1451], %swap3A_1454 {strides = array<i32>} : memref<1024xi32, #tpu.memory_space<vmem>>, vector<16xi32>,
    %get3A_1455 = arith.constant 880 : index
    %get3A_1456 = tpu.vector_load %arg9[%get3A_1455] {strides = array<i32>} : memref<1024xi32, #tpu.memory_space<vmem>>, vector<16xi32>,
    %get3A_1457 = vector.shape_cast %get3A_1456 : vector<16xi32> to vector<16xi32>
    %mul3A_1458 = arith.constant 1000 : i32
    %mul3A_1459 = vector.broadcast %mul3A_1458 : i32 to vector<16xi32>
    %mul3A_1460 = arith.muli %get3A_1457, %mul3A_1459 : vector<16xi32>
    %get3A_1461 = arith.constant 880 : index
    %get3A_1462 = tpu.vector_load %arg10[%get3A_1461] {strides = array<i32>} : memref<1024xi32, #tpu.memory_space<vmem>>, vector<16xi32>,
    %get3A_1463 = vector.shape_cast %get3A_1462 : vector<16xi32> to vector<16xi32>
    %add3A_1464 = arith.addi %mul3A_1460, %get3A_1463 : vector<16xi32>
    %swap3A_1465 = arith.constant 880 : index
    %swap3A_1466 = tpu.vector_load %arg10[%swap3A_1465] {strides = array<i32>} : memref<1024xi32, #tpu.memory_space<vmem>>, vector<16xi32>,
    %swap3A_1467 = vector.shape_cast %swap3A_1466 : vector<16xi32> to vector<16xi32>
    %swap3A_1468 = vector.shape_cast %add3A_1464 : vector<16xi32> to vector<16xi32>
    tpu.vector_store %arg10[%swap3A_1465], %swap3A_1468 {strides = array<i32>} : memref<1024xi32, #tpu.memory_space<vmem>>, vector<16xi32>,
    %get3A_1469 = arith.constant 896 : index
    %get3A_1470 = tpu.vector_load %arg9[%get3A_1469] {strides = array<i32>} : memref<1024xi32, #tpu.memory_space<vmem>>, vector<16xi32>,
    %get3A_1471 = vector.shape_cast %get3A_1470 : vector<16xi32> to vector<16xi32>
    %mul3A_1472 = arith.constant 1000 : i32
    %mul3A_1473 = vector.broadcast %mul3A_1472 : i32 to vector<16xi32>
    %mul3A_1474 = arith.muli %get3A_1471, %mul3A_1473 : vector<16xi32>
    %get3A_1475 = arith.constant 896 : index
    %get3A_1476 = tpu.vector_load %arg10[%get3A_1475] {strides = array<i32>} : memref<1024xi32, #tpu.memory_space<vmem>>, vector<16xi32>,
    %get3A_1477 = vector.shape_cast %get3A_1476 : vector<16xi32> to vector<16xi32>
    %add3A_1478 = arith.addi %mul3A_1474, %get3A_1477 : vector<16xi32>
    %swap3A_1479 = arith.constant 896 : index
    %swap3A_1480 = tpu.vector_load %arg10[%swap3A_1479] {strides = array<i32>} : memref<1024xi32, #tpu.memory_space<vmem>>, vector<16xi32>,
    %swap3A_1481 = vector.shape_cast %swap3A_1480 : vector<16xi32> to vector<16xi32>
    %swap3A_1482 = vector.shape_cast %add3A_1478 : vector<16xi32> to vector<16xi32>
    tpu.vector_store %arg10[%swap3A_1479], %swap3A_1482 {strides = array<i32>} : memref<1024xi32, #tpu.memory_space<vmem>>, vector<16xi32>,
    %get3A_1483 = arith.constant 912 : index
    %get3A_1484 = tpu.vector_load %arg9[%get3A_1483] {strides = array<i32>} : memref<1024xi32, #tpu.memory_space<vmem>>, vector<16xi32>,
    %get3A_1485 = vector.shape_cast %get3A_1484 : vector<16xi32> to vector<16xi32>
    %mul3A_1486 = arith.constant 1000 : i32
    %mul3A_1487 = vector.broadcast %mul3A_1486 : i32 to vector<16xi32>
    %mul3A_1488 = arith.muli %get3A_1485, %mul3A_1487 : vector<16xi32>
    %get3A_1489 = arith.constant 912 : index
    %get3A_1490 = tpu.vector_load %arg10[%get3A_1489] {strides = array<i32>} : memref<1024xi32, #tpu.memory_space<vmem>>, vector<16xi32>,
    %get3A_1491 = vector.shape_cast %get3A_1490 : vector<16xi32> to vector<16xi32>
    %add3A_1492 = arith.addi %mul3A_1488, %get3A_1491 : vector<16xi32>
    %swap3A_1493 = arith.constant 912 : index
    %swap3A_1494 = tpu.vector_load %arg10[%swap3A_1493] {strides = array<i32>} : memref<1024xi32, #tpu.memory_space<vmem>>, vector<16xi32>,
    %swap3A_1495 = vector.shape_cast %swap3A_1494 : vector<16xi32> to vector<16xi32>
    %swap3A_1496 = vector.shape_cast %add3A_1492 : vector<16xi32> to vector<16xi32>
    tpu.vector_store %arg10[%swap3A_1493], %swap3A_1496 {strides = array<i32>} : memref<1024xi32, #tpu.memory_space<vmem>>, vector<16xi32>,
    %get3A_1497 = arith.constant 928 : index
    %get3A_1498 = tpu.vector_load %arg9[%get3A_1497] {strides = array<i32>} : memref<1024xi32, #tpu.memory_space<vmem>>, vector<16xi32>,
    %get3A_1499 = vector.shape_cast %get3A_1498 : vector<16xi32> to vector<16xi32>
    %mul3A_1500 = arith.constant 1000 : i32
    %mul3A_1501 = vector.broadcast %mul3A_1500 : i32 to vector<16xi32>
    %mul3A_1502 = arith.muli %get3A_1499, %mul3A_1501 : vector<16xi32>
    %get3A_1503 = arith.constant 928 : index
    %get3A_1504 = tpu.vector_load %arg10[%get3A_1503] {strides = array<i32>} : memref<1024xi32, #tpu.memory_space<vmem>>, vector<16xi32>,
    %get3A_1505 = vector.shape_cast %get3A_1504 : vector<16xi32> to vector<16xi32>
    %add3A_1506 = arith.addi %mul3A_1502, %get3A_1505 : vector<16xi32>
    %swap3A_1507 = arith.constant 928 : index
    %swap3A_1508 = tpu.vector_load %arg10[%swap3A_1507] {strides = array<i32>} : memref<1024xi32, #tpu.memory_space<vmem>>, vector<16xi32>,
    %swap3A_1509 = vector.shape_cast %swap3A_1508 : vector<16xi32> to vector<16xi32>
    %swap3A_1510 = vector.shape_cast %add3A_1506 : vector<16xi32> to vector<16xi32>
    tpu.vector_store %arg10[%swap3A_1507], %swap3A_1510 {strides = array<i32>} : memref<1024xi32, #tpu.memory_space<vmem>>, vector<16xi32>,
    %get3A_1511 = arith.constant 944 : index
    %get3A_1512 = tpu.vector_load %arg9[%get3A_1511] {strides = array<i32>} : memref<1024xi32, #tpu.memory_space<vmem>>, vector<16xi32>,
    %get3A_1513 = vector.shape_cast %get3A_1512 : vector<16xi32> to vector<16xi32>
    %mul3A_1514 = arith.constant 1000 : i32
    %mul3A_1515 = vector.broadcast %mul3A_1514 : i32 to vector<16xi32>
    %mul3A_1516 = arith.muli %get3A_1513, %mul3A_1515 : vector<16xi32>
    %get3A_1517 = arith.constant 944 : index
    %get3A_1518 = tpu.vector_load %arg10[%get3A_1517] {strides = array<i32>} : memref<1024xi32, #tpu.memory_space<vmem>>, vector<16xi32>,
    %get3A_1519 = vector.shape_cast %get3A_1518 : vector<16xi32> to vector<16xi32>
    %add3A_1520 = arith.addi %mul3A_1516, %get3A_1519 : vector<16xi32>
    %swap3A_1521 = arith.constant 944 : index
    %swap3A_1522 = tpu.vector_load %arg10[%swap3A_1521] {strides = array<i32>} : memref<1024xi32, #tpu.memory_space<vmem>>, vector<16xi32>,
    %swap3A_1523 = vector.shape_cast %swap3A_1522 : vector<16xi32> to vector<16xi32>
    %swap3A_1524 = vector.shape_cast %add3A_1520 : vector<16xi32> to vector<16xi32>
    tpu.vector_store %arg10[%swap3A_1521], %swap3A_1524 {strides = array<i32>} : memref<1024xi32, #tpu.memory_space<vmem>>, vector<16xi32>,
    %get3A_1525 = arith.constant 960 : index
    %get3A_1526 = tpu.vector_load %arg9[%get3A_1525] {strides = array<i32>} : memref<1024xi32, #tpu.memory_space<vmem>>, vector<16xi32>,
    %get3A_1527 = vector.shape_cast %get3A_1526 : vector<16xi32> to vector<16xi32>
    %mul3A_1528 = arith.constant 1000 : i32
    %mul3A_1529 = vector.broadcast %mul3A_1528 : i32 to vector<16xi32>
    %mul3A_1530 = arith.muli %get3A_1527, %mul3A_1529 : vector<16xi32>
    %get3A_1531 = arith.constant 960 : index
    %get3A_1532 = tpu.vector_load %arg10[%get3A_1531] {strides = array<i32>} : memref<1024xi32, #tpu.memory_space<vmem>>, vector<16xi32>,
    %get3A_1533 = vector.shape_cast %get3A_1532 : vector<16xi32> to vector<16xi32>
    %add3A_1534 = arith.addi %mul3A_1530, %get3A_1533 : vector<16xi32>
    %swap3A_1535 = arith.constant 960 : index
    %swap3A_1536 = tpu.vector_load %arg10[%swap3A_1535] {strides = array<i32>} : memref<1024xi32, #tpu.memory_space<vmem>>, vector<16xi32>,
    %swap3A_1537 = vector.shape_cast %swap3A_1536 : vector<16xi32> to vector<16xi32>
    %swap3A_1538 = vector.shape_cast %add3A_1534 : vector<16xi32> to vector<16xi32>
    tpu.vector_store %arg10[%swap3A_1535], %swap3A_1538 {strides = array<i32>} : memref<1024xi32, #tpu.memory_space<vmem>>, vector<16xi32>,
    %get3A_1539 = arith.constant 976 : index
    %get3A_1540 = tpu.vector_load %arg9[%get3A_1539] {strides = array<i32>} : memref<1024xi32, #tpu.memory_space<vmem>>, vector<16xi32>,
    %get3A_1541 = vector.shape_cast %get3A_1540 : vector<16xi32> to vector<16xi32>
    %mul3A_1542 = arith.constant 1000 : i32
    %mul3A_1543 = vector.broadcast %mul3A_1542 : i32 to vector<16xi32>
    %mul3A_1544 = arith.muli %get3A_1541, %mul3A_1543 : vector<16xi32>
    %get3A_1545 = arith.constant 976 : index
    %get3A_1546 = tpu.vector_load %arg10[%get3A_1545] {strides = array<i32>} : memref<1024xi32, #tpu.memory_space<vmem>>, vector<16xi32>,
    %get3A_1547 = vector.shape_cast %get3A_1546 : vector<16xi32> to vector<16xi32>
    %add3A_1548 = arith.addi %mul3A_1544, %get3A_1547 : vector<16xi32>
    %swap3A_1549 = arith.constant 976 : index
    %swap3A_1550 = tpu.vector_load %arg10[%swap3A_1549] {strides = array<i32>} : memref<1024xi32, #tpu.memory_space<vmem>>, vector<16xi32>,
    %swap3A_1551 = vector.shape_cast %swap3A_1550 : vector<16xi32> to vector<16xi32>
    %swap3A_1552 = vector.shape_cast %add3A_1548 : vector<16xi32> to vector<16xi32>
    tpu.vector_store %arg10[%swap3A_1549], %swap3A_1552 {strides = array<i32>} : memref<1024xi32, #tpu.memory_space<vmem>>, vector<16xi32>,
    %get3A_1553 = arith.constant 992 : index
    %get3A_1554 = tpu.vector_load %arg9[%get3A_1553] {strides = array<i32>} : memref<1024xi32, #tpu.memory_space<vmem>>, vector<16xi32>,
    %get3A_1555 = vector.shape_cast %get3A_1554 : vector<16xi32> to vector<16xi32>
    %mul3A_1556 = arith.constant 1000 : i32
    %mul3A_1557 = vector.broadcast %mul3A_1556 : i32 to vector<16xi32>
    %mul3A_1558 = arith.muli %get3A_1555, %mul3A_1557 : vector<16xi32>
    %get3A_1559 = arith.constant 992 : index
    %get3A_1560 = tpu.vector_load %arg10[%get3A_1559] {strides = array<i32>} : memref<1024xi32, #tpu.memory_space<vmem>>, vector<16xi32>,
    %get3A_1561 = vector.shape_cast %get3A_1560 : vector<16xi32> to vector<16xi32>
    %add3A_1562 = arith.addi %mul3A_1558, %get3A_1561 : vector<16xi32>
    %swap3A_1563 = arith.constant 992 : index
    %swap3A_1564 = tpu.vector_load %arg10[%swap3A_1563] {strides = array<i32>} : memref<1024xi32, #tpu.memory_space<vmem>>, vector<16xi32>,
    %swap3A_1565 = vector.shape_cast %swap3A_1564 : vector<16xi32> to vector<16xi32>
    %swap3A_1566 = vector.shape_cast %add3A_1562 : vector<16xi32> to vector<16xi32>
    tpu.vector_store %arg10[%swap3A_1563], %swap3A_1566 {strides = array<i32>} : memref<1024xi32, #tpu.memory_space<vmem>>, vector<16xi32>,
    %get3A_1567 = arith.constant 1008 : index
    %get3A_1568 = tpu.vector_load %arg9[%get3A_1567] {strides = array<i32>} : memref<1024xi32, #tpu.memory_space<vmem>>, vector<16xi32>,
    %get3A_1569 = vector.shape_cast %get3A_1568 : vector<16xi32> to vector<16xi32>
    %mul3A_1570 = arith.constant 1000 : i32
    %mul3A_1571 = vector.broadcast %mul3A_1570 : i32 to vector<16xi32>
    %mul3A_1572 = arith.muli %get3A_1569, %mul3A_1571 : vector<16xi32>
    %get3A_1573 = arith.constant 1008 : index
    %get3A_1574 = tpu.vector_load %arg10[%get3A_1573] {strides = array<i32>} : memref<1024xi32, #tpu.memory_space<vmem>>, vector<16xi32>,
    %get3A_1575 = vector.shape_cast %get3A_1574 : vector<16xi32> to vector<16xi32>
    %add3A_1576 = arith.addi %mul3A_1572, %get3A_1575 : vector<16xi32>
    %swap3A_1577 = arith.constant 1008 : index
    %swap3A_1578 = tpu.vector_load %arg10[%swap3A_1577] {strides = array<i32>} : memref<1024xi32, #tpu.memory_space<vmem>>, vector<16xi32>,
    %swap3A_1579 = vector.shape_cast %swap3A_1578 : vector<16xi32> to vector<16xi32>
    %swap3A_1580 = vector.shape_cast %add3A_1576 : vector<16xi32> to vector<16xi32>
    tpu.vector_store %arg10[%swap3A_1577], %swap3A_1580 {strides = array<i32>} : memref<1024xi32, #tpu.memory_space<vmem>>, vector<16xi32>,
    %dma_start3A_1581 = arith.constant 0 : i32
    %dma_start3A_1582 = tpu.memref_slice %arg3[%dma_start3A_1581] : memref<1000008xf32, #tpu.memory_space<hbm>> -> memref<1000008xf32, #tpu.memory_space<hbm>>
    tpu.enqueue_indirect_dma source(%dma_start3A_1582 : memref<1000008xf32, #tpu.memory_space<hbm>>) target(%arg11 : memref<1024xf32, #tpu.memory_space<vmem>>) offsets(%arg10 : memref<1024xi32, #tpu.memory_space<vmem>>) semaphore(%arg22 : memref<!tpu.dma_semaphore, #tpu.memory_space<semaphore_mem>>)
    %dma_wait3A_1583 = arith.constant 0 : i32
    %dma_wait3A_1584 = tpu.memref_slice %arg3[%dma_wait3A_1583] : memref<1000008xf32, #tpu.memory_space<hbm>> -> memref<1000008xf32, #tpu.memory_space<hbm>>
    tpu.wait_indirect_dma semaphore(%arg22 : memref<!tpu.dma_semaphore, #tpu.memory_space<semaphore_mem>>) src(%dma_wait3A_1584 : memref<1000008xf32, #tpu.memory_space<hbm>>) dst(%arg11 : memref<1024xf32, #tpu.memory_space<vmem>>)
    %dma_start3A_1585 = arith.constant 0 : i32
    %dma_start3A_1586 = tpu.memref_slice %arg6[%dma_start3A_1585] : memref<1000xf32, #tpu.memory_space<hbm>> -> memref<1000xf32, #tpu.memory_space<hbm>>
    tpu.enqueue_indirect_dma source(%dma_start3A_1586 : memref<1000xf32, #tpu.memory_space<hbm>>) target(%arg12 : memref<1024xf32, #tpu.memory_space<vmem>>) offsets(%arg9 : memref<1024xi32, #tpu.memory_space<vmem>>) semaphore(%arg22 : memref<!tpu.dma_semaphore, #tpu.memory_space<semaphore_mem>>)
    %dma_wait3A_1587 = arith.constant 0 : i32
    %dma_wait3A_1588 = tpu.memref_slice %arg6[%dma_wait3A_1587] : memref<1000xf32, #tpu.memory_space<hbm>> -> memref<1000xf32, #tpu.memory_space<hbm>>
    tpu.wait_indirect_dma semaphore(%arg22 : memref<!tpu.dma_semaphore, #tpu.memory_space<semaphore_mem>>) src(%dma_wait3A_1588 : memref<1000xf32, #tpu.memory_space<hbm>>) dst(%arg12 : memref<1024xf32, #tpu.memory_space<vmem>>)
    %broadcast_in_dim3A = arith.constant 0.000000e+00 : f32
    %broadcast_in_dim3A_1589 = vector.broadcast %broadcast_in_dim3A : f32 to vector<16xf32>
    %get3A_1590 = arith.constant 0 : index
    %get3A_1591 = tpu.vector_load %arg12[%get3A_1590] {strides = array<i32>} : memref<1024xf32, #tpu.memory_space<vmem>>, vector<16xf32>,
    %get3A_1592 = vector.shape_cast %get3A_1591 : vector<16xf32> to vector<16xf32>
    %get3A_1593 = arith.constant 0 : index
    %get3A_1594 = tpu.vector_load %arg11[%get3A_1593] {strides = array<i32>} : memref<1024xf32, #tpu.memory_space<vmem>>, vector<16xf32>,
    %get3A_1595 = vector.shape_cast %get3A_1594 : vector<16xf32> to vector<16xf32>
    %sub3A = arith.subf %get3A_1592, %get3A_1595 : vector<16xf32>
    %add3A_1596 = arith.addf %broadcast_in_dim3A_1589, %sub3A : vector<16xf32>
    %get3A_1597 = arith.constant 16 : index
    %get3A_1598 = tpu.vector_load %arg12[%get3A_1597] {strides = array<i32>} : memref<1024xf32, #tpu.memory_space<vmem>>, vector<16xf32>,
    %get3A_1599 = vector.shape_cast %get3A_1598 : vector<16xf32> to vector<16xf32>
    %get3A_1600 = arith.constant 16 : index
    %get3A_1601 = tpu.vector_load %arg11[%get3A_1600] {strides = array<i32>} : memref<1024xf32, #tpu.memory_space<vmem>>, vector<16xf32>,
    %get3A_1602 = vector.shape_cast %get3A_1601 : vector<16xf32> to vector<16xf32>
    %sub3A_1603 = arith.subf %get3A_1599, %get3A_1602 : vector<16xf32>
    %add3A_1604 = arith.addf %add3A_1596, %sub3A_1603 : vector<16xf32>
    %get3A_1605 = arith.constant 32 : index
    %get3A_1606 = tpu.vector_load %arg12[%get3A_1605] {strides = array<i32>} : memref<1024xf32, #tpu.memory_space<vmem>>, vector<16xf32>,
    %get3A_1607 = vector.shape_cast %get3A_1606 : vector<16xf32> to vector<16xf32>
    %get3A_1608 = arith.constant 32 : index
    %get3A_1609 = tpu.vector_load %arg11[%get3A_1608] {strides = array<i32>} : memref<1024xf32, #tpu.memory_space<vmem>>, vector<16xf32>,
    %get3A_1610 = vector.shape_cast %get3A_1609 : vector<16xf32> to vector<16xf32>
    %sub3A_1611 = arith.subf %get3A_1607, %get3A_1610 : vector<16xf32>
    %add3A_1612 = arith.addf %add3A_1604, %sub3A_1611 : vector<16xf32>
    %get3A_1613 = arith.constant 48 : index
    %get3A_1614 = tpu.vector_load %arg12[%get3A_1613] {strides = array<i32>} : memref<1024xf32, #tpu.memory_space<vmem>>, vector<16xf32>,
    %get3A_1615 = vector.shape_cast %get3A_1614 : vector<16xf32> to vector<16xf32>
    %get3A_1616 = arith.constant 48 : index
    %get3A_1617 = tpu.vector_load %arg11[%get3A_1616] {strides = array<i32>} : memref<1024xf32, #tpu.memory_space<vmem>>, vector<16xf32>,
    %get3A_1618 = vector.shape_cast %get3A_1617 : vector<16xf32> to vector<16xf32>
    %sub3A_1619 = arith.subf %get3A_1615, %get3A_1618 : vector<16xf32>
    %add3A_1620 = arith.addf %add3A_1612, %sub3A_1619 : vector<16xf32>
    %get3A_1621 = arith.constant 64 : index
    %get3A_1622 = tpu.vector_load %arg12[%get3A_1621] {strides = array<i32>} : memref<1024xf32, #tpu.memory_space<vmem>>, vector<16xf32>,
    %get3A_1623 = vector.shape_cast %get3A_1622 : vector<16xf32> to vector<16xf32>
    %get3A_1624 = arith.constant 64 : index
    %get3A_1625 = tpu.vector_load %arg11[%get3A_1624] {strides = array<i32>} : memref<1024xf32, #tpu.memory_space<vmem>>, vector<16xf32>,
    %get3A_1626 = vector.shape_cast %get3A_1625 : vector<16xf32> to vector<16xf32>
    %sub3A_1627 = arith.subf %get3A_1623, %get3A_1626 : vector<16xf32>
    %add3A_1628 = arith.addf %add3A_1620, %sub3A_1627 : vector<16xf32>
    %get3A_1629 = arith.constant 80 : index
    %get3A_1630 = tpu.vector_load %arg12[%get3A_1629] {strides = array<i32>} : memref<1024xf32, #tpu.memory_space<vmem>>, vector<16xf32>,
    %get3A_1631 = vector.shape_cast %get3A_1630 : vector<16xf32> to vector<16xf32>
    %get3A_1632 = arith.constant 80 : index
    %get3A_1633 = tpu.vector_load %arg11[%get3A_1632] {strides = array<i32>} : memref<1024xf32, #tpu.memory_space<vmem>>, vector<16xf32>,
    %get3A_1634 = vector.shape_cast %get3A_1633 : vector<16xf32> to vector<16xf32>
    %sub3A_1635 = arith.subf %get3A_1631, %get3A_1634 : vector<16xf32>
    %add3A_1636 = arith.addf %add3A_1628, %sub3A_1635 : vector<16xf32>
    %get3A_1637 = arith.constant 96 : index
    %get3A_1638 = tpu.vector_load %arg12[%get3A_1637] {strides = array<i32>} : memref<1024xf32, #tpu.memory_space<vmem>>, vector<16xf32>,
    %get3A_1639 = vector.shape_cast %get3A_1638 : vector<16xf32> to vector<16xf32>
    %get3A_1640 = arith.constant 96 : index
    %get3A_1641 = tpu.vector_load %arg11[%get3A_1640] {strides = array<i32>} : memref<1024xf32, #tpu.memory_space<vmem>>, vector<16xf32>,
    %get3A_1642 = vector.shape_cast %get3A_1641 : vector<16xf32> to vector<16xf32>
    %sub3A_1643 = arith.subf %get3A_1639, %get3A_1642 : vector<16xf32>
    %add3A_1644 = arith.addf %add3A_1636, %sub3A_1643 : vector<16xf32>
    %get3A_1645 = arith.constant 112 : index
    %get3A_1646 = tpu.vector_load %arg12[%get3A_1645] {strides = array<i32>} : memref<1024xf32, #tpu.memory_space<vmem>>, vector<16xf32>,
    %get3A_1647 = vector.shape_cast %get3A_1646 : vector<16xf32> to vector<16xf32>
    %get3A_1648 = arith.constant 112 : index
    %get3A_1649 = tpu.vector_load %arg11[%get3A_1648] {strides = array<i32>} : memref<1024xf32, #tpu.memory_space<vmem>>, vector<16xf32>,
    %get3A_1650 = vector.shape_cast %get3A_1649 : vector<16xf32> to vector<16xf32>
    %sub3A_1651 = arith.subf %get3A_1647, %get3A_1650 : vector<16xf32>
    %add3A_1652 = arith.addf %add3A_1644, %sub3A_1651 : vector<16xf32>
    %get3A_1653 = arith.constant 128 : index
    %get3A_1654 = tpu.vector_load %arg12[%get3A_1653] {strides = array<i32>} : memref<1024xf32, #tpu.memory_space<vmem>>, vector<16xf32>,
    %get3A_1655 = vector.shape_cast %get3A_1654 : vector<16xf32> to vector<16xf32>
    %get3A_1656 = arith.constant 128 : index
    %get3A_1657 = tpu.vector_load %arg11[%get3A_1656] {strides = array<i32>} : memref<1024xf32, #tpu.memory_space<vmem>>, vector<16xf32>,
    %get3A_1658 = vector.shape_cast %get3A_1657 : vector<16xf32> to vector<16xf32>
    %sub3A_1659 = arith.subf %get3A_1655, %get3A_1658 : vector<16xf32>
    %add3A_1660 = arith.addf %add3A_1652, %sub3A_1659 : vector<16xf32>
    %get3A_1661 = arith.constant 144 : index
    %get3A_1662 = tpu.vector_load %arg12[%get3A_1661] {strides = array<i32>} : memref<1024xf32, #tpu.memory_space<vmem>>, vector<16xf32>,
    %get3A_1663 = vector.shape_cast %get3A_1662 : vector<16xf32> to vector<16xf32>
    %get3A_1664 = arith.constant 144 : index
    %get3A_1665 = tpu.vector_load %arg11[%get3A_1664] {strides = array<i32>} : memref<1024xf32, #tpu.memory_space<vmem>>, vector<16xf32>,
    %get3A_1666 = vector.shape_cast %get3A_1665 : vector<16xf32> to vector<16xf32>
    %sub3A_1667 = arith.subf %get3A_1663, %get3A_1666 : vector<16xf32>
    %add3A_1668 = arith.addf %add3A_1660, %sub3A_1667 : vector<16xf32>
    %get3A_1669 = arith.constant 160 : index
    %get3A_1670 = tpu.vector_load %arg12[%get3A_1669] {strides = array<i32>} : memref<1024xf32, #tpu.memory_space<vmem>>, vector<16xf32>,
    %get3A_1671 = vector.shape_cast %get3A_1670 : vector<16xf32> to vector<16xf32>
    %get3A_1672 = arith.constant 160 : index
    %get3A_1673 = tpu.vector_load %arg11[%get3A_1672] {strides = array<i32>} : memref<1024xf32, #tpu.memory_space<vmem>>, vector<16xf32>,
    %get3A_1674 = vector.shape_cast %get3A_1673 : vector<16xf32> to vector<16xf32>
    %sub3A_1675 = arith.subf %get3A_1671, %get3A_1674 : vector<16xf32>
    %add3A_1676 = arith.addf %add3A_1668, %sub3A_1675 : vector<16xf32>
    %get3A_1677 = arith.constant 176 : index
    %get3A_1678 = tpu.vector_load %arg12[%get3A_1677] {strides = array<i32>} : memref<1024xf32, #tpu.memory_space<vmem>>, vector<16xf32>,
    %get3A_1679 = vector.shape_cast %get3A_1678 : vector<16xf32> to vector<16xf32>
    %get3A_1680 = arith.constant 176 : index
    %get3A_1681 = tpu.vector_load %arg11[%get3A_1680] {strides = array<i32>} : memref<1024xf32, #tpu.memory_space<vmem>>, vector<16xf32>,
    %get3A_1682 = vector.shape_cast %get3A_1681 : vector<16xf32> to vector<16xf32>
    %sub3A_1683 = arith.subf %get3A_1679, %get3A_1682 : vector<16xf32>
    %add3A_1684 = arith.addf %add3A_1676, %sub3A_1683 : vector<16xf32>
    %get3A_1685 = arith.constant 192 : index
    %get3A_1686 = tpu.vector_load %arg12[%get3A_1685] {strides = array<i32>} : memref<1024xf32, #tpu.memory_space<vmem>>, vector<16xf32>,
    %get3A_1687 = vector.shape_cast %get3A_1686 : vector<16xf32> to vector<16xf32>
    %get3A_1688 = arith.constant 192 : index
    %get3A_1689 = tpu.vector_load %arg11[%get3A_1688] {strides = array<i32>} : memref<1024xf32, #tpu.memory_space<vmem>>, vector<16xf32>,
    %get3A_1690 = vector.shape_cast %get3A_1689 : vector<16xf32> to vector<16xf32>
    %sub3A_1691 = arith.subf %get3A_1687, %get3A_1690 : vector<16xf32>
    %add3A_1692 = arith.addf %add3A_1684, %sub3A_1691 : vector<16xf32>
    %get3A_1693 = arith.constant 208 : index
    %get3A_1694 = tpu.vector_load %arg12[%get3A_1693] {strides = array<i32>} : memref<1024xf32, #tpu.memory_space<vmem>>, vector<16xf32>,
    %get3A_1695 = vector.shape_cast %get3A_1694 : vector<16xf32> to vector<16xf32>
    %get3A_1696 = arith.constant 208 : index
    %get3A_1697 = tpu.vector_load %arg11[%get3A_1696] {strides = array<i32>} : memref<1024xf32, #tpu.memory_space<vmem>>, vector<16xf32>,
    %get3A_1698 = vector.shape_cast %get3A_1697 : vector<16xf32> to vector<16xf32>
    %sub3A_1699 = arith.subf %get3A_1695, %get3A_1698 : vector<16xf32>
    %add3A_1700 = arith.addf %add3A_1692, %sub3A_1699 : vector<16xf32>
    %get3A_1701 = arith.constant 224 : index
    %get3A_1702 = tpu.vector_load %arg12[%get3A_1701] {strides = array<i32>} : memref<1024xf32, #tpu.memory_space<vmem>>, vector<16xf32>,
    %get3A_1703 = vector.shape_cast %get3A_1702 : vector<16xf32> to vector<16xf32>
    %get3A_1704 = arith.constant 224 : index
    %get3A_1705 = tpu.vector_load %arg11[%get3A_1704] {strides = array<i32>} : memref<1024xf32, #tpu.memory_space<vmem>>, vector<16xf32>,
    %get3A_1706 = vector.shape_cast %get3A_1705 : vector<16xf32> to vector<16xf32>
    %sub3A_1707 = arith.subf %get3A_1703, %get3A_1706 : vector<16xf32>
    %add3A_1708 = arith.addf %add3A_1700, %sub3A_1707 : vector<16xf32>
    %get3A_1709 = arith.constant 240 : index
    %get3A_1710 = tpu.vector_load %arg12[%get3A_1709] {strides = array<i32>} : memref<1024xf32, #tpu.memory_space<vmem>>, vector<16xf32>,
    %get3A_1711 = vector.shape_cast %get3A_1710 : vector<16xf32> to vector<16xf32>
    %get3A_1712 = arith.constant 240 : index
    %get3A_1713 = tpu.vector_load %arg11[%get3A_1712] {strides = array<i32>} : memref<1024xf32, #tpu.memory_space<vmem>>, vector<16xf32>,
    %get3A_1714 = vector.shape_cast %get3A_1713 : vector<16xf32> to vector<16xf32>
    %sub3A_1715 = arith.subf %get3A_1711, %get3A_1714 : vector<16xf32>
    %add3A_1716 = arith.addf %add3A_1708, %sub3A_1715 : vector<16xf32>
    %get3A_1717 = arith.constant 256 : index
    %get3A_1718 = tpu.vector_load %arg12[%get3A_1717] {strides = array<i32>} : memref<1024xf32, #tpu.memory_space<vmem>>, vector<16xf32>,
    %get3A_1719 = vector.shape_cast %get3A_1718 : vector<16xf32> to vector<16xf32>
    %get3A_1720 = arith.constant 256 : index
    %get3A_1721 = tpu.vector_load %arg11[%get3A_1720] {strides = array<i32>} : memref<1024xf32, #tpu.memory_space<vmem>>, vector<16xf32>,
    %get3A_1722 = vector.shape_cast %get3A_1721 : vector<16xf32> to vector<16xf32>
    %sub3A_1723 = arith.subf %get3A_1719, %get3A_1722 : vector<16xf32>
    %add3A_1724 = arith.addf %add3A_1716, %sub3A_1723 : vector<16xf32>
    %get3A_1725 = arith.constant 272 : index
    %get3A_1726 = tpu.vector_load %arg12[%get3A_1725] {strides = array<i32>} : memref<1024xf32, #tpu.memory_space<vmem>>, vector<16xf32>,
    %get3A_1727 = vector.shape_cast %get3A_1726 : vector<16xf32> to vector<16xf32>
    %get3A_1728 = arith.constant 272 : index
    %get3A_1729 = tpu.vector_load %arg11[%get3A_1728] {strides = array<i32>} : memref<1024xf32, #tpu.memory_space<vmem>>, vector<16xf32>,
    %get3A_1730 = vector.shape_cast %get3A_1729 : vector<16xf32> to vector<16xf32>
    %sub3A_1731 = arith.subf %get3A_1727, %get3A_1730 : vector<16xf32>
    %add3A_1732 = arith.addf %add3A_1724, %sub3A_1731 : vector<16xf32>
    %get3A_1733 = arith.constant 288 : index
    %get3A_1734 = tpu.vector_load %arg12[%get3A_1733] {strides = array<i32>} : memref<1024xf32, #tpu.memory_space<vmem>>, vector<16xf32>,
    %get3A_1735 = vector.shape_cast %get3A_1734 : vector<16xf32> to vector<16xf32>
    %get3A_1736 = arith.constant 288 : index
    %get3A_1737 = tpu.vector_load %arg11[%get3A_1736] {strides = array<i32>} : memref<1024xf32, #tpu.memory_space<vmem>>, vector<16xf32>,
    %get3A_1738 = vector.shape_cast %get3A_1737 : vector<16xf32> to vector<16xf32>
    %sub3A_1739 = arith.subf %get3A_1735, %get3A_1738 : vector<16xf32>
    %add3A_1740 = arith.addf %add3A_1732, %sub3A_1739 : vector<16xf32>
    %get3A_1741 = arith.constant 304 : index
    %get3A_1742 = tpu.vector_load %arg12[%get3A_1741] {strides = array<i32>} : memref<1024xf32, #tpu.memory_space<vmem>>, vector<16xf32>,
    %get3A_1743 = vector.shape_cast %get3A_1742 : vector<16xf32> to vector<16xf32>
    %get3A_1744 = arith.constant 304 : index
    %get3A_1745 = tpu.vector_load %arg11[%get3A_1744] {strides = array<i32>} : memref<1024xf32, #tpu.memory_space<vmem>>, vector<16xf32>,
    %get3A_1746 = vector.shape_cast %get3A_1745 : vector<16xf32> to vector<16xf32>
    %sub3A_1747 = arith.subf %get3A_1743, %get3A_1746 : vector<16xf32>
    %add3A_1748 = arith.addf %add3A_1740, %sub3A_1747 : vector<16xf32>
    %get3A_1749 = arith.constant 320 : index
    %get3A_1750 = tpu.vector_load %arg12[%get3A_1749] {strides = array<i32>} : memref<1024xf32, #tpu.memory_space<vmem>>, vector<16xf32>,
    %get3A_1751 = vector.shape_cast %get3A_1750 : vector<16xf32> to vector<16xf32>
    %get3A_1752 = arith.constant 320 : index
    %get3A_1753 = tpu.vector_load %arg11[%get3A_1752] {strides = array<i32>} : memref<1024xf32, #tpu.memory_space<vmem>>, vector<16xf32>,
    %get3A_1754 = vector.shape_cast %get3A_1753 : vector<16xf32> to vector<16xf32>
    %sub3A_1755 = arith.subf %get3A_1751, %get3A_1754 : vector<16xf32>
    %add3A_1756 = arith.addf %add3A_1748, %sub3A_1755 : vector<16xf32>
    %get3A_1757 = arith.constant 336 : index
    %get3A_1758 = tpu.vector_load %arg12[%get3A_1757] {strides = array<i32>} : memref<1024xf32, #tpu.memory_space<vmem>>, vector<16xf32>,
    %get3A_1759 = vector.shape_cast %get3A_1758 : vector<16xf32> to vector<16xf32>
    %get3A_1760 = arith.constant 336 : index
    %get3A_1761 = tpu.vector_load %arg11[%get3A_1760] {strides = array<i32>} : memref<1024xf32, #tpu.memory_space<vmem>>, vector<16xf32>,
    %get3A_1762 = vector.shape_cast %get3A_1761 : vector<16xf32> to vector<16xf32>
    %sub3A_1763 = arith.subf %get3A_1759, %get3A_1762 : vector<16xf32>
    %add3A_1764 = arith.addf %add3A_1756, %sub3A_1763 : vector<16xf32>
    %get3A_1765 = arith.constant 352 : index
    %get3A_1766 = tpu.vector_load %arg12[%get3A_1765] {strides = array<i32>} : memref<1024xf32, #tpu.memory_space<vmem>>, vector<16xf32>,
    %get3A_1767 = vector.shape_cast %get3A_1766 : vector<16xf32> to vector<16xf32>
    %get3A_1768 = arith.constant 352 : index
    %get3A_1769 = tpu.vector_load %arg11[%get3A_1768] {strides = array<i32>} : memref<1024xf32, #tpu.memory_space<vmem>>, vector<16xf32>,
    %get3A_1770 = vector.shape_cast %get3A_1769 : vector<16xf32> to vector<16xf32>
    %sub3A_1771 = arith.subf %get3A_1767, %get3A_1770 : vector<16xf32>
    %add3A_1772 = arith.addf %add3A_1764, %sub3A_1771 : vector<16xf32>
    %get3A_1773 = arith.constant 368 : index
    %get3A_1774 = tpu.vector_load %arg12[%get3A_1773] {strides = array<i32>} : memref<1024xf32, #tpu.memory_space<vmem>>, vector<16xf32>,
    %get3A_1775 = vector.shape_cast %get3A_1774 : vector<16xf32> to vector<16xf32>
    %get3A_1776 = arith.constant 368 : index
    %get3A_1777 = tpu.vector_load %arg11[%get3A_1776] {strides = array<i32>} : memref<1024xf32, #tpu.memory_space<vmem>>, vector<16xf32>,
    %get3A_1778 = vector.shape_cast %get3A_1777 : vector<16xf32> to vector<16xf32>
    %sub3A_1779 = arith.subf %get3A_1775, %get3A_1778 : vector<16xf32>
    %add3A_1780 = arith.addf %add3A_1772, %sub3A_1779 : vector<16xf32>
    %get3A_1781 = arith.constant 384 : index
    %get3A_1782 = tpu.vector_load %arg12[%get3A_1781] {strides = array<i32>} : memref<1024xf32, #tpu.memory_space<vmem>>, vector<16xf32>,
    %get3A_1783 = vector.shape_cast %get3A_1782 : vector<16xf32> to vector<16xf32>
    %get3A_1784 = arith.constant 384 : index
    %get3A_1785 = tpu.vector_load %arg11[%get3A_1784] {strides = array<i32>} : memref<1024xf32, #tpu.memory_space<vmem>>, vector<16xf32>,
    %get3A_1786 = vector.shape_cast %get3A_1785 : vector<16xf32> to vector<16xf32>
    %sub3A_1787 = arith.subf %get3A_1783, %get3A_1786 : vector<16xf32>
    %add3A_1788 = arith.addf %add3A_1780, %sub3A_1787 : vector<16xf32>
    %get3A_1789 = arith.constant 400 : index
    %get3A_1790 = tpu.vector_load %arg12[%get3A_1789] {strides = array<i32>} : memref<1024xf32, #tpu.memory_space<vmem>>, vector<16xf32>,
    %get3A_1791 = vector.shape_cast %get3A_1790 : vector<16xf32> to vector<16xf32>
    %get3A_1792 = arith.constant 400 : index
    %get3A_1793 = tpu.vector_load %arg11[%get3A_1792] {strides = array<i32>} : memref<1024xf32, #tpu.memory_space<vmem>>, vector<16xf32>,
    %get3A_1794 = vector.shape_cast %get3A_1793 : vector<16xf32> to vector<16xf32>
    %sub3A_1795 = arith.subf %get3A_1791, %get3A_1794 : vector<16xf32>
    %add3A_1796 = arith.addf %add3A_1788, %sub3A_1795 : vector<16xf32>
    %get3A_1797 = arith.constant 416 : index
    %get3A_1798 = tpu.vector_load %arg12[%get3A_1797] {strides = array<i32>} : memref<1024xf32, #tpu.memory_space<vmem>>, vector<16xf32>,
    %get3A_1799 = vector.shape_cast %get3A_1798 : vector<16xf32> to vector<16xf32>
    %get3A_1800 = arith.constant 416 : index
    %get3A_1801 = tpu.vector_load %arg11[%get3A_1800] {strides = array<i32>} : memref<1024xf32, #tpu.memory_space<vmem>>, vector<16xf32>,
    %get3A_1802 = vector.shape_cast %get3A_1801 : vector<16xf32> to vector<16xf32>
    %sub3A_1803 = arith.subf %get3A_1799, %get3A_1802 : vector<16xf32>
    %add3A_1804 = arith.addf %add3A_1796, %sub3A_1803 : vector<16xf32>
    %get3A_1805 = arith.constant 432 : index
    %get3A_1806 = tpu.vector_load %arg12[%get3A_1805] {strides = array<i32>} : memref<1024xf32, #tpu.memory_space<vmem>>, vector<16xf32>,
    %get3A_1807 = vector.shape_cast %get3A_1806 : vector<16xf32> to vector<16xf32>
    %get3A_1808 = arith.constant 432 : index
    %get3A_1809 = tpu.vector_load %arg11[%get3A_1808] {strides = array<i32>} : memref<1024xf32, #tpu.memory_space<vmem>>, vector<16xf32>,
    %get3A_1810 = vector.shape_cast %get3A_1809 : vector<16xf32> to vector<16xf32>
    %sub3A_1811 = arith.subf %get3A_1807, %get3A_1810 : vector<16xf32>
    %add3A_1812 = arith.addf %add3A_1804, %sub3A_1811 : vector<16xf32>
    %get3A_1813 = arith.constant 448 : index
    %get3A_1814 = tpu.vector_load %arg12[%get3A_1813] {strides = array<i32>} : memref<1024xf32, #tpu.memory_space<vmem>>, vector<16xf32>,
    %get3A_1815 = vector.shape_cast %get3A_1814 : vector<16xf32> to vector<16xf32>
    %get3A_1816 = arith.constant 448 : index
    %get3A_1817 = tpu.vector_load %arg11[%get3A_1816] {strides = array<i32>} : memref<1024xf32, #tpu.memory_space<vmem>>, vector<16xf32>,
    %get3A_1818 = vector.shape_cast %get3A_1817 : vector<16xf32> to vector<16xf32>
    %sub3A_1819 = arith.subf %get3A_1815, %get3A_1818 : vector<16xf32>
    %add3A_1820 = arith.addf %add3A_1812, %sub3A_1819 : vector<16xf32>
    %get3A_1821 = arith.constant 464 : index
    %get3A_1822 = tpu.vector_load %arg12[%get3A_1821] {strides = array<i32>} : memref<1024xf32, #tpu.memory_space<vmem>>, vector<16xf32>,
    %get3A_1823 = vector.shape_cast %get3A_1822 : vector<16xf32> to vector<16xf32>
    %get3A_1824 = arith.constant 464 : index
    %get3A_1825 = tpu.vector_load %arg11[%get3A_1824] {strides = array<i32>} : memref<1024xf32, #tpu.memory_space<vmem>>, vector<16xf32>,
    %get3A_1826 = vector.shape_cast %get3A_1825 : vector<16xf32> to vector<16xf32>
    %sub3A_1827 = arith.subf %get3A_1823, %get3A_1826 : vector<16xf32>
    %add3A_1828 = arith.addf %add3A_1820, %sub3A_1827 : vector<16xf32>
    %get3A_1829 = arith.constant 480 : index
    %get3A_1830 = tpu.vector_load %arg12[%get3A_1829] {strides = array<i32>} : memref<1024xf32, #tpu.memory_space<vmem>>, vector<16xf32>,
    %get3A_1831 = vector.shape_cast %get3A_1830 : vector<16xf32> to vector<16xf32>
    %get3A_1832 = arith.constant 480 : index
    %get3A_1833 = tpu.vector_load %arg11[%get3A_1832] {strides = array<i32>} : memref<1024xf32, #tpu.memory_space<vmem>>, vector<16xf32>,
    %get3A_1834 = vector.shape_cast %get3A_1833 : vector<16xf32> to vector<16xf32>
    %sub3A_1835 = arith.subf %get3A_1831, %get3A_1834 : vector<16xf32>
    %add3A_1836 = arith.addf %add3A_1828, %sub3A_1835 : vector<16xf32>
    %get3A_1837 = arith.constant 496 : index
    %get3A_1838 = tpu.vector_load %arg12[%get3A_1837] {strides = array<i32>} : memref<1024xf32, #tpu.memory_space<vmem>>, vector<16xf32>,
    %get3A_1839 = vector.shape_cast %get3A_1838 : vector<16xf32> to vector<16xf32>
    %get3A_1840 = arith.constant 496 : index
    %get3A_1841 = tpu.vector_load %arg11[%get3A_1840] {strides = array<i32>} : memref<1024xf32, #tpu.memory_space<vmem>>, vector<16xf32>,
    %get3A_1842 = vector.shape_cast %get3A_1841 : vector<16xf32> to vector<16xf32>
    %sub3A_1843 = arith.subf %get3A_1839, %get3A_1842 : vector<16xf32>
    %add3A_1844 = arith.addf %add3A_1836, %sub3A_1843 : vector<16xf32>
    %get3A_1845 = arith.constant 512 : index
    %get3A_1846 = tpu.vector_load %arg12[%get3A_1845] {strides = array<i32>} : memref<1024xf32, #tpu.memory_space<vmem>>, vector<16xf32>,
    %get3A_1847 = vector.shape_cast %get3A_1846 : vector<16xf32> to vector<16xf32>
    %get3A_1848 = arith.constant 512 : index
    %get3A_1849 = tpu.vector_load %arg11[%get3A_1848] {strides = array<i32>} : memref<1024xf32, #tpu.memory_space<vmem>>, vector<16xf32>,
    %get3A_1850 = vector.shape_cast %get3A_1849 : vector<16xf32> to vector<16xf32>
    %sub3A_1851 = arith.subf %get3A_1847, %get3A_1850 : vector<16xf32>
    %add3A_1852 = arith.addf %add3A_1844, %sub3A_1851 : vector<16xf32>
    %get3A_1853 = arith.constant 528 : index
    %get3A_1854 = tpu.vector_load %arg12[%get3A_1853] {strides = array<i32>} : memref<1024xf32, #tpu.memory_space<vmem>>, vector<16xf32>,
    %get3A_1855 = vector.shape_cast %get3A_1854 : vector<16xf32> to vector<16xf32>
    %get3A_1856 = arith.constant 528 : index
    %get3A_1857 = tpu.vector_load %arg11[%get3A_1856] {strides = array<i32>} : memref<1024xf32, #tpu.memory_space<vmem>>, vector<16xf32>,
    %get3A_1858 = vector.shape_cast %get3A_1857 : vector<16xf32> to vector<16xf32>
    %sub3A_1859 = arith.subf %get3A_1855, %get3A_1858 : vector<16xf32>
    %add3A_1860 = arith.addf %add3A_1852, %sub3A_1859 : vector<16xf32>
    %get3A_1861 = arith.constant 544 : index
    %get3A_1862 = tpu.vector_load %arg12[%get3A_1861] {strides = array<i32>} : memref<1024xf32, #tpu.memory_space<vmem>>, vector<16xf32>,
    %get3A_1863 = vector.shape_cast %get3A_1862 : vector<16xf32> to vector<16xf32>
    %get3A_1864 = arith.constant 544 : index
    %get3A_1865 = tpu.vector_load %arg11[%get3A_1864] {strides = array<i32>} : memref<1024xf32, #tpu.memory_space<vmem>>, vector<16xf32>,
    %get3A_1866 = vector.shape_cast %get3A_1865 : vector<16xf32> to vector<16xf32>
    %sub3A_1867 = arith.subf %get3A_1863, %get3A_1866 : vector<16xf32>
    %add3A_1868 = arith.addf %add3A_1860, %sub3A_1867 : vector<16xf32>
    %get3A_1869 = arith.constant 560 : index
    %get3A_1870 = tpu.vector_load %arg12[%get3A_1869] {strides = array<i32>} : memref<1024xf32, #tpu.memory_space<vmem>>, vector<16xf32>,
    %get3A_1871 = vector.shape_cast %get3A_1870 : vector<16xf32> to vector<16xf32>
    %get3A_1872 = arith.constant 560 : index
    %get3A_1873 = tpu.vector_load %arg11[%get3A_1872] {strides = array<i32>} : memref<1024xf32, #tpu.memory_space<vmem>>, vector<16xf32>,
    %get3A_1874 = vector.shape_cast %get3A_1873 : vector<16xf32> to vector<16xf32>
    %sub3A_1875 = arith.subf %get3A_1871, %get3A_1874 : vector<16xf32>
    %add3A_1876 = arith.addf %add3A_1868, %sub3A_1875 : vector<16xf32>
    %get3A_1877 = arith.constant 576 : index
    %get3A_1878 = tpu.vector_load %arg12[%get3A_1877] {strides = array<i32>} : memref<1024xf32, #tpu.memory_space<vmem>>, vector<16xf32>,
    %get3A_1879 = vector.shape_cast %get3A_1878 : vector<16xf32> to vector<16xf32>
    %get3A_1880 = arith.constant 576 : index
    %get3A_1881 = tpu.vector_load %arg11[%get3A_1880] {strides = array<i32>} : memref<1024xf32, #tpu.memory_space<vmem>>, vector<16xf32>,
    %get3A_1882 = vector.shape_cast %get3A_1881 : vector<16xf32> to vector<16xf32>
    %sub3A_1883 = arith.subf %get3A_1879, %get3A_1882 : vector<16xf32>
    %add3A_1884 = arith.addf %add3A_1876, %sub3A_1883 : vector<16xf32>
    %get3A_1885 = arith.constant 592 : index
    %get3A_1886 = tpu.vector_load %arg12[%get3A_1885] {strides = array<i32>} : memref<1024xf32, #tpu.memory_space<vmem>>, vector<16xf32>,
    %get3A_1887 = vector.shape_cast %get3A_1886 : vector<16xf32> to vector<16xf32>
    %get3A_1888 = arith.constant 592 : index
    %get3A_1889 = tpu.vector_load %arg11[%get3A_1888] {strides = array<i32>} : memref<1024xf32, #tpu.memory_space<vmem>>, vector<16xf32>,
    %get3A_1890 = vector.shape_cast %get3A_1889 : vector<16xf32> to vector<16xf32>
    %sub3A_1891 = arith.subf %get3A_1887, %get3A_1890 : vector<16xf32>
    %add3A_1892 = arith.addf %add3A_1884, %sub3A_1891 : vector<16xf32>
    %get3A_1893 = arith.constant 608 : index
    %get3A_1894 = tpu.vector_load %arg12[%get3A_1893] {strides = array<i32>} : memref<1024xf32, #tpu.memory_space<vmem>>, vector<16xf32>,
    %get3A_1895 = vector.shape_cast %get3A_1894 : vector<16xf32> to vector<16xf32>
    %get3A_1896 = arith.constant 608 : index
    %get3A_1897 = tpu.vector_load %arg11[%get3A_1896] {strides = array<i32>} : memref<1024xf32, #tpu.memory_space<vmem>>, vector<16xf32>,
    %get3A_1898 = vector.shape_cast %get3A_1897 : vector<16xf32> to vector<16xf32>
    %sub3A_1899 = arith.subf %get3A_1895, %get3A_1898 : vector<16xf32>
    %add3A_1900 = arith.addf %add3A_1892, %sub3A_1899 : vector<16xf32>
    %get3A_1901 = arith.constant 624 : index
    %get3A_1902 = tpu.vector_load %arg12[%get3A_1901] {strides = array<i32>} : memref<1024xf32, #tpu.memory_space<vmem>>, vector<16xf32>,
    %get3A_1903 = vector.shape_cast %get3A_1902 : vector<16xf32> to vector<16xf32>
    %get3A_1904 = arith.constant 624 : index
    %get3A_1905 = tpu.vector_load %arg11[%get3A_1904] {strides = array<i32>} : memref<1024xf32, #tpu.memory_space<vmem>>, vector<16xf32>,
    %get3A_1906 = vector.shape_cast %get3A_1905 : vector<16xf32> to vector<16xf32>
    %sub3A_1907 = arith.subf %get3A_1903, %get3A_1906 : vector<16xf32>
    %add3A_1908 = arith.addf %add3A_1900, %sub3A_1907 : vector<16xf32>
    %get3A_1909 = arith.constant 640 : index
    %get3A_1910 = tpu.vector_load %arg12[%get3A_1909] {strides = array<i32>} : memref<1024xf32, #tpu.memory_space<vmem>>, vector<16xf32>,
    %get3A_1911 = vector.shape_cast %get3A_1910 : vector<16xf32> to vector<16xf32>
    %get3A_1912 = arith.constant 640 : index
    %get3A_1913 = tpu.vector_load %arg11[%get3A_1912] {strides = array<i32>} : memref<1024xf32, #tpu.memory_space<vmem>>, vector<16xf32>,
    %get3A_1914 = vector.shape_cast %get3A_1913 : vector<16xf32> to vector<16xf32>
    %sub3A_1915 = arith.subf %get3A_1911, %get3A_1914 : vector<16xf32>
    %add3A_1916 = arith.addf %add3A_1908, %sub3A_1915 : vector<16xf32>
    %get3A_1917 = arith.constant 656 : index
    %get3A_1918 = tpu.vector_load %arg12[%get3A_1917] {strides = array<i32>} : memref<1024xf32, #tpu.memory_space<vmem>>, vector<16xf32>,
    %get3A_1919 = vector.shape_cast %get3A_1918 : vector<16xf32> to vector<16xf32>
    %get3A_1920 = arith.constant 656 : index
    %get3A_1921 = tpu.vector_load %arg11[%get3A_1920] {strides = array<i32>} : memref<1024xf32, #tpu.memory_space<vmem>>, vector<16xf32>,
    %get3A_1922 = vector.shape_cast %get3A_1921 : vector<16xf32> to vector<16xf32>
    %sub3A_1923 = arith.subf %get3A_1919, %get3A_1922 : vector<16xf32>
    %add3A_1924 = arith.addf %add3A_1916, %sub3A_1923 : vector<16xf32>
    %get3A_1925 = arith.constant 672 : index
    %get3A_1926 = tpu.vector_load %arg12[%get3A_1925] {strides = array<i32>} : memref<1024xf32, #tpu.memory_space<vmem>>, vector<16xf32>,
    %get3A_1927 = vector.shape_cast %get3A_1926 : vector<16xf32> to vector<16xf32>
    %get3A_1928 = arith.constant 672 : index
    %get3A_1929 = tpu.vector_load %arg11[%get3A_1928] {strides = array<i32>} : memref<1024xf32, #tpu.memory_space<vmem>>, vector<16xf32>,
    %get3A_1930 = vector.shape_cast %get3A_1929 : vector<16xf32> to vector<16xf32>
    %sub3A_1931 = arith.subf %get3A_1927, %get3A_1930 : vector<16xf32>
    %add3A_1932 = arith.addf %add3A_1924, %sub3A_1931 : vector<16xf32>
    %get3A_1933 = arith.constant 688 : index
    %get3A_1934 = tpu.vector_load %arg12[%get3A_1933] {strides = array<i32>} : memref<1024xf32, #tpu.memory_space<vmem>>, vector<16xf32>,
    %get3A_1935 = vector.shape_cast %get3A_1934 : vector<16xf32> to vector<16xf32>
    %get3A_1936 = arith.constant 688 : index
    %get3A_1937 = tpu.vector_load %arg11[%get3A_1936] {strides = array<i32>} : memref<1024xf32, #tpu.memory_space<vmem>>, vector<16xf32>,
    %get3A_1938 = vector.shape_cast %get3A_1937 : vector<16xf32> to vector<16xf32>
    %sub3A_1939 = arith.subf %get3A_1935, %get3A_1938 : vector<16xf32>
    %add3A_1940 = arith.addf %add3A_1932, %sub3A_1939 : vector<16xf32>
    %get3A_1941 = arith.constant 704 : index
    %get3A_1942 = tpu.vector_load %arg12[%get3A_1941] {strides = array<i32>} : memref<1024xf32, #tpu.memory_space<vmem>>, vector<16xf32>,
    %get3A_1943 = vector.shape_cast %get3A_1942 : vector<16xf32> to vector<16xf32>
    %get3A_1944 = arith.constant 704 : index
    %get3A_1945 = tpu.vector_load %arg11[%get3A_1944] {strides = array<i32>} : memref<1024xf32, #tpu.memory_space<vmem>>, vector<16xf32>,
    %get3A_1946 = vector.shape_cast %get3A_1945 : vector<16xf32> to vector<16xf32>
    %sub3A_1947 = arith.subf %get3A_1943, %get3A_1946 : vector<16xf32>
    %add3A_1948 = arith.addf %add3A_1940, %sub3A_1947 : vector<16xf32>
    %get3A_1949 = arith.constant 720 : index
    %get3A_1950 = tpu.vector_load %arg12[%get3A_1949] {strides = array<i32>} : memref<1024xf32, #tpu.memory_space<vmem>>, vector<16xf32>,
    %get3A_1951 = vector.shape_cast %get3A_1950 : vector<16xf32> to vector<16xf32>
    %get3A_1952 = arith.constant 720 : index
    %get3A_1953 = tpu.vector_load %arg11[%get3A_1952] {strides = array<i32>} : memref<1024xf32, #tpu.memory_space<vmem>>, vector<16xf32>,
    %get3A_1954 = vector.shape_cast %get3A_1953 : vector<16xf32> to vector<16xf32>
    %sub3A_1955 = arith.subf %get3A_1951, %get3A_1954 : vector<16xf32>
    %add3A_1956 = arith.addf %add3A_1948, %sub3A_1955 : vector<16xf32>
    %get3A_1957 = arith.constant 736 : index
    %get3A_1958 = tpu.vector_load %arg12[%get3A_1957] {strides = array<i32>} : memref<1024xf32, #tpu.memory_space<vmem>>, vector<16xf32>,
    %get3A_1959 = vector.shape_cast %get3A_1958 : vector<16xf32> to vector<16xf32>
    %get3A_1960 = arith.constant 736 : index
    %get3A_1961 = tpu.vector_load %arg11[%get3A_1960] {strides = array<i32>} : memref<1024xf32, #tpu.memory_space<vmem>>, vector<16xf32>,
    %get3A_1962 = vector.shape_cast %get3A_1961 : vector<16xf32> to vector<16xf32>
    %sub3A_1963 = arith.subf %get3A_1959, %get3A_1962 : vector<16xf32>
    %add3A_1964 = arith.addf %add3A_1956, %sub3A_1963 : vector<16xf32>
    %get3A_1965 = arith.constant 752 : index
    %get3A_1966 = tpu.vector_load %arg12[%get3A_1965] {strides = array<i32>} : memref<1024xf32, #tpu.memory_space<vmem>>, vector<16xf32>,
    %get3A_1967 = vector.shape_cast %get3A_1966 : vector<16xf32> to vector<16xf32>
    %get3A_1968 = arith.constant 752 : index
    %get3A_1969 = tpu.vector_load %arg11[%get3A_1968] {strides = array<i32>} : memref<1024xf32, #tpu.memory_space<vmem>>, vector<16xf32>,
    %get3A_1970 = vector.shape_cast %get3A_1969 : vector<16xf32> to vector<16xf32>
    %sub3A_1971 = arith.subf %get3A_1967, %get3A_1970 : vector<16xf32>
    %add3A_1972 = arith.addf %add3A_1964, %sub3A_1971 : vector<16xf32>
    %get3A_1973 = arith.constant 768 : index
    %get3A_1974 = tpu.vector_load %arg12[%get3A_1973] {strides = array<i32>} : memref<1024xf32, #tpu.memory_space<vmem>>, vector<16xf32>,
    %get3A_1975 = vector.shape_cast %get3A_1974 : vector<16xf32> to vector<16xf32>
    %get3A_1976 = arith.constant 768 : index
    %get3A_1977 = tpu.vector_load %arg11[%get3A_1976] {strides = array<i32>} : memref<1024xf32, #tpu.memory_space<vmem>>, vector<16xf32>,
    %get3A_1978 = vector.shape_cast %get3A_1977 : vector<16xf32> to vector<16xf32>
    %sub3A_1979 = arith.subf %get3A_1975, %get3A_1978 : vector<16xf32>
    %add3A_1980 = arith.addf %add3A_1972, %sub3A_1979 : vector<16xf32>
    %get3A_1981 = arith.constant 784 : index
    %get3A_1982 = tpu.vector_load %arg12[%get3A_1981] {strides = array<i32>} : memref<1024xf32, #tpu.memory_space<vmem>>, vector<16xf32>,
    %get3A_1983 = vector.shape_cast %get3A_1982 : vector<16xf32> to vector<16xf32>
    %get3A_1984 = arith.constant 784 : index
    %get3A_1985 = tpu.vector_load %arg11[%get3A_1984] {strides = array<i32>} : memref<1024xf32, #tpu.memory_space<vmem>>, vector<16xf32>,
    %get3A_1986 = vector.shape_cast %get3A_1985 : vector<16xf32> to vector<16xf32>
    %sub3A_1987 = arith.subf %get3A_1983, %get3A_1986 : vector<16xf32>
    %add3A_1988 = arith.addf %add3A_1980, %sub3A_1987 : vector<16xf32>
    %get3A_1989 = arith.constant 800 : index
    %get3A_1990 = tpu.vector_load %arg12[%get3A_1989] {strides = array<i32>} : memref<1024xf32, #tpu.memory_space<vmem>>, vector<16xf32>,
    %get3A_1991 = vector.shape_cast %get3A_1990 : vector<16xf32> to vector<16xf32>
    %get3A_1992 = arith.constant 800 : index
    %get3A_1993 = tpu.vector_load %arg11[%get3A_1992] {strides = array<i32>} : memref<1024xf32, #tpu.memory_space<vmem>>, vector<16xf32>,
    %get3A_1994 = vector.shape_cast %get3A_1993 : vector<16xf32> to vector<16xf32>
    %sub3A_1995 = arith.subf %get3A_1991, %get3A_1994 : vector<16xf32>
    %add3A_1996 = arith.addf %add3A_1988, %sub3A_1995 : vector<16xf32>
    %get3A_1997 = arith.constant 816 : index
    %get3A_1998 = tpu.vector_load %arg12[%get3A_1997] {strides = array<i32>} : memref<1024xf32, #tpu.memory_space<vmem>>, vector<16xf32>,
    %get3A_1999 = vector.shape_cast %get3A_1998 : vector<16xf32> to vector<16xf32>
    %get3A_2000 = arith.constant 816 : index
    %get3A_2001 = tpu.vector_load %arg11[%get3A_2000] {strides = array<i32>} : memref<1024xf32, #tpu.memory_space<vmem>>, vector<16xf32>,
    %get3A_2002 = vector.shape_cast %get3A_2001 : vector<16xf32> to vector<16xf32>
    %sub3A_2003 = arith.subf %get3A_1999, %get3A_2002 : vector<16xf32>
    %add3A_2004 = arith.addf %add3A_1996, %sub3A_2003 : vector<16xf32>
    %get3A_2005 = arith.constant 832 : index
    %get3A_2006 = tpu.vector_load %arg12[%get3A_2005] {strides = array<i32>} : memref<1024xf32, #tpu.memory_space<vmem>>, vector<16xf32>,
    %get3A_2007 = vector.shape_cast %get3A_2006 : vector<16xf32> to vector<16xf32>
    %get3A_2008 = arith.constant 832 : index
    %get3A_2009 = tpu.vector_load %arg11[%get3A_2008] {strides = array<i32>} : memref<1024xf32, #tpu.memory_space<vmem>>, vector<16xf32>,
    %get3A_2010 = vector.shape_cast %get3A_2009 : vector<16xf32> to vector<16xf32>
    %sub3A_2011 = arith.subf %get3A_2007, %get3A_2010 : vector<16xf32>
    %add3A_2012 = arith.addf %add3A_2004, %sub3A_2011 : vector<16xf32>
    %get3A_2013 = arith.constant 848 : index
    %get3A_2014 = tpu.vector_load %arg12[%get3A_2013] {strides = array<i32>} : memref<1024xf32, #tpu.memory_space<vmem>>, vector<16xf32>,
    %get3A_2015 = vector.shape_cast %get3A_2014 : vector<16xf32> to vector<16xf32>
    %get3A_2016 = arith.constant 848 : index
    %get3A_2017 = tpu.vector_load %arg11[%get3A_2016] {strides = array<i32>} : memref<1024xf32, #tpu.memory_space<vmem>>, vector<16xf32>,
    %get3A_2018 = vector.shape_cast %get3A_2017 : vector<16xf32> to vector<16xf32>
    %sub3A_2019 = arith.subf %get3A_2015, %get3A_2018 : vector<16xf32>
    %add3A_2020 = arith.addf %add3A_2012, %sub3A_2019 : vector<16xf32>
    %get3A_2021 = arith.constant 864 : index
    %get3A_2022 = tpu.vector_load %arg12[%get3A_2021] {strides = array<i32>} : memref<1024xf32, #tpu.memory_space<vmem>>, vector<16xf32>,
    %get3A_2023 = vector.shape_cast %get3A_2022 : vector<16xf32> to vector<16xf32>
    %get3A_2024 = arith.constant 864 : index
    %get3A_2025 = tpu.vector_load %arg11[%get3A_2024] {strides = array<i32>} : memref<1024xf32, #tpu.memory_space<vmem>>, vector<16xf32>,
    %get3A_2026 = vector.shape_cast %get3A_2025 : vector<16xf32> to vector<16xf32>
    %sub3A_2027 = arith.subf %get3A_2023, %get3A_2026 : vector<16xf32>
    %add3A_2028 = arith.addf %add3A_2020, %sub3A_2027 : vector<16xf32>
    %get3A_2029 = arith.constant 880 : index
    %get3A_2030 = tpu.vector_load %arg12[%get3A_2029] {strides = array<i32>} : memref<1024xf32, #tpu.memory_space<vmem>>, vector<16xf32>,
    %get3A_2031 = vector.shape_cast %get3A_2030 : vector<16xf32> to vector<16xf32>
    %get3A_2032 = arith.constant 880 : index
    %get3A_2033 = tpu.vector_load %arg11[%get3A_2032] {strides = array<i32>} : memref<1024xf32, #tpu.memory_space<vmem>>, vector<16xf32>,
    %get3A_2034 = vector.shape_cast %get3A_2033 : vector<16xf32> to vector<16xf32>
    %sub3A_2035 = arith.subf %get3A_2031, %get3A_2034 : vector<16xf32>
    %add3A_2036 = arith.addf %add3A_2028, %sub3A_2035 : vector<16xf32>
    %get3A_2037 = arith.constant 896 : index
    %get3A_2038 = tpu.vector_load %arg12[%get3A_2037] {strides = array<i32>} : memref<1024xf32, #tpu.memory_space<vmem>>, vector<16xf32>,
    %get3A_2039 = vector.shape_cast %get3A_2038 : vector<16xf32> to vector<16xf32>
    %get3A_2040 = arith.constant 896 : index
    %get3A_2041 = tpu.vector_load %arg11[%get3A_2040] {strides = array<i32>} : memref<1024xf32, #tpu.memory_space<vmem>>, vector<16xf32>,
    %get3A_2042 = vector.shape_cast %get3A_2041 : vector<16xf32> to vector<16xf32>
    %sub3A_2043 = arith.subf %get3A_2039, %get3A_2042 : vector<16xf32>
    %add3A_2044 = arith.addf %add3A_2036, %sub3A_2043 : vector<16xf32>
    %get3A_2045 = arith.constant 912 : index
    %get3A_2046 = tpu.vector_load %arg12[%get3A_2045] {strides = array<i32>} : memref<1024xf32, #tpu.memory_space<vmem>>, vector<16xf32>,
    %get3A_2047 = vector.shape_cast %get3A_2046 : vector<16xf32> to vector<16xf32>
    %get3A_2048 = arith.constant 912 : index
    %get3A_2049 = tpu.vector_load %arg11[%get3A_2048] {strides = array<i32>} : memref<1024xf32, #tpu.memory_space<vmem>>, vector<16xf32>,
    %get3A_2050 = vector.shape_cast %get3A_2049 : vector<16xf32> to vector<16xf32>
    %sub3A_2051 = arith.subf %get3A_2047, %get3A_2050 : vector<16xf32>
    %add3A_2052 = arith.addf %add3A_2044, %sub3A_2051 : vector<16xf32>
    %get3A_2053 = arith.constant 928 : index
    %get3A_2054 = tpu.vector_load %arg12[%get3A_2053] {strides = array<i32>} : memref<1024xf32, #tpu.memory_space<vmem>>, vector<16xf32>,
    %get3A_2055 = vector.shape_cast %get3A_2054 : vector<16xf32> to vector<16xf32>
    %get3A_2056 = arith.constant 928 : index
    %get3A_2057 = tpu.vector_load %arg11[%get3A_2056] {strides = array<i32>} : memref<1024xf32, #tpu.memory_space<vmem>>, vector<16xf32>,
    %get3A_2058 = vector.shape_cast %get3A_2057 : vector<16xf32> to vector<16xf32>
    %sub3A_2059 = arith.subf %get3A_2055, %get3A_2058 : vector<16xf32>
    %add3A_2060 = arith.addf %add3A_2052, %sub3A_2059 : vector<16xf32>
    %get3A_2061 = arith.constant 944 : index
    %get3A_2062 = tpu.vector_load %arg12[%get3A_2061] {strides = array<i32>} : memref<1024xf32, #tpu.memory_space<vmem>>, vector<16xf32>,
    %get3A_2063 = vector.shape_cast %get3A_2062 : vector<16xf32> to vector<16xf32>
    %get3A_2064 = arith.constant 944 : index
    %get3A_2065 = tpu.vector_load %arg11[%get3A_2064] {strides = array<i32>} : memref<1024xf32, #tpu.memory_space<vmem>>, vector<16xf32>,
    %get3A_2066 = vector.shape_cast %get3A_2065 : vector<16xf32> to vector<16xf32>
    %sub3A_2067 = arith.subf %get3A_2063, %get3A_2066 : vector<16xf32>
    %add3A_2068 = arith.addf %add3A_2060, %sub3A_2067 : vector<16xf32>
    %get3A_2069 = arith.constant 960 : index
    %get3A_2070 = tpu.vector_load %arg12[%get3A_2069] {strides = array<i32>} : memref<1024xf32, #tpu.memory_space<vmem>>, vector<16xf32>,
    %get3A_2071 = vector.shape_cast %get3A_2070 : vector<16xf32> to vector<16xf32>
    %get3A_2072 = arith.constant 960 : index
    %get3A_2073 = tpu.vector_load %arg11[%get3A_2072] {strides = array<i32>} : memref<1024xf32, #tpu.memory_space<vmem>>, vector<16xf32>,
    %get3A_2074 = vector.shape_cast %get3A_2073 : vector<16xf32> to vector<16xf32>
    %sub3A_2075 = arith.subf %get3A_2071, %get3A_2074 : vector<16xf32>
    %add3A_2076 = arith.addf %add3A_2068, %sub3A_2075 : vector<16xf32>
    %get3A_2077 = arith.constant 976 : index
    %get3A_2078 = tpu.vector_load %arg12[%get3A_2077] {strides = array<i32>} : memref<1024xf32, #tpu.memory_space<vmem>>, vector<16xf32>,
    %get3A_2079 = vector.shape_cast %get3A_2078 : vector<16xf32> to vector<16xf32>
    %get3A_2080 = arith.constant 976 : index
    %get3A_2081 = tpu.vector_load %arg11[%get3A_2080] {strides = array<i32>} : memref<1024xf32, #tpu.memory_space<vmem>>, vector<16xf32>,
    %get3A_2082 = vector.shape_cast %get3A_2081 : vector<16xf32> to vector<16xf32>
    %sub3A_2083 = arith.subf %get3A_2079, %get3A_2082 : vector<16xf32>
    %add3A_2084 = arith.addf %add3A_2076, %sub3A_2083 : vector<16xf32>
    %get3A_2085 = arith.constant 992 : index
    %get3A_2086 = tpu.vector_load %arg12[%get3A_2085] {strides = array<i32>} : memref<1024xf32, #tpu.memory_space<vmem>>, vector<16xf32>,
    %get3A_2087 = vector.shape_cast %get3A_2086 : vector<16xf32> to vector<16xf32>
    %get3A_2088 = arith.constant 992 : index
    %get3A_2089 = tpu.vector_load %arg11[%get3A_2088] {strides = array<i32>} : memref<1024xf32, #tpu.memory_space<vmem>>, vector<16xf32>,
    %get3A_2090 = vector.shape_cast %get3A_2089 : vector<16xf32> to vector<16xf32>
    %sub3A_2091 = arith.subf %get3A_2087, %get3A_2090 : vector<16xf32>
    %add3A_2092 = arith.addf %add3A_2084, %sub3A_2091 : vector<16xf32>
    %get3A_2093 = arith.constant 1008 : index
    %get3A_2094 = tpu.vector_load %arg12[%get3A_2093] {strides = array<i32>} : memref<1024xf32, #tpu.memory_space<vmem>>, vector<16xf32>,
    %get3A_2095 = vector.shape_cast %get3A_2094 : vector<16xf32> to vector<16xf32>
    %get3A_2096 = arith.constant 1008 : index
    %get3A_2097 = tpu.vector_load %arg11[%get3A_2096] {strides = array<i32>} : memref<1024xf32, #tpu.memory_space<vmem>>, vector<16xf32>,
    %get3A_2098 = vector.shape_cast %get3A_2097 : vector<16xf32> to vector<16xf32>
    %sub3A_2099 = arith.subf %get3A_2095, %get3A_2098 : vector<16xf32>
    %add3A_2100 = arith.addf %add3A_2092, %sub3A_2099 : vector<16xf32>
    %swap3A_2101 = arith.constant 0 : index
    %swap3A_2102 = tpu.vector_load %arg11[%swap3A_2101] {strides = array<i32>} : memref<1024xf32, #tpu.memory_space<vmem>>, vector<16xf32>,
    %swap3A_2103 = vector.shape_cast %swap3A_2102 : vector<16xf32> to vector<16xf32>
    %swap3A_2104 = vector.shape_cast %add3A_2100 : vector<16xf32> to vector<16xf32>
    tpu.vector_store %arg11[%swap3A_2101], %swap3A_2104 {strides = array<i32>} : memref<1024xf32, #tpu.memory_space<vmem>>, vector<16xf32>,
    %mul3A_2105 = arith.constant 16 : i32
    %mul3A_2106 = arith.muli %add3A, %mul3A_2105 : i32
    "tpu.region"() ({
      %run_scoped3A = tpu.sem_alloc : memref<!tpu.dma_semaphore, #tpu.memory_space<semaphore_mem>>
      %dma_start3A_2119 = arith.constant 0 : i32
      %dma_start3A_2120 = tpu.memref_slice %arg11[%dma_start3A_2119] : memref<1024xf32, #tpu.memory_space<vmem>> -> memref<16xf32, #tpu.memory_space<vmem>>
      %dma_start3A_2121 = tpu.memref_slice %arg8[%mul3A_2106] : memref<512xf32, #tpu.memory_space<hbm>> -> memref<16xf32, #tpu.memory_space<hbm>>
      %dma_start3A_2122 = tpu.memref_slice %arg8[%mul3A_2106] : memref<512xf32, #tpu.memory_space<hbm>> -> memref<16xf32, #tpu.memory_space<hbm>>
      %dma_start3A_2123 = arith.constant 0 : i32
      %dma_start3A_2124 = tpu.memref_slice %arg11[%dma_start3A_2123] : memref<1024xf32, #tpu.memory_space<vmem>> -> memref<16xf32, #tpu.memory_space<vmem>>
      tpu.enqueue_dma source(%dma_start3A_2124 : memref<16xf32, #tpu.memory_space<vmem>>) target(%dma_start3A_2122 : memref<16xf32, #tpu.memory_space<hbm>>) target_semaphore(%run_scoped3A : memref<!tpu.dma_semaphore, #tpu.memory_space<semaphore_mem>>)
      %dma_wait3A_2125 = arith.constant 0 : i32
      %dma_wait3A_2126 = tpu.memref_slice %arg11[%dma_wait3A_2125] : memref<1024xf32, #tpu.memory_space<vmem>> -> memref<16xf32, #tpu.memory_space<vmem>>
      %dma_wait3A_2127 = tpu.memref_slice %arg8[%mul3A_2106] : memref<512xf32, #tpu.memory_space<hbm>> -> memref<16xf32, #tpu.memory_space<hbm>>
      %dma_wait3A_2128 = tpu.memref_slice %arg8[%mul3A_2106] : memref<512xf32, #tpu.memory_space<hbm>> -> memref<16xf32, #tpu.memory_space<hbm>>
      %dma_wait3A_2129 = arith.constant 0 : i32
      %dma_wait3A_2130 = tpu.memref_slice %arg11[%dma_wait3A_2129] : memref<1024xf32, #tpu.memory_space<vmem>> -> memref<16xf32, #tpu.memory_space<vmem>>
      tpu.wait_dma2 semaphore(%run_scoped3A : memref<!tpu.dma_semaphore, #tpu.memory_space<semaphore_mem>>) src(%dma_wait3A_2130 : memref<16xf32, #tpu.memory_space<vmem>>) dst(%dma_wait3A_2128 : memref<16xf32, #tpu.memory_space<hbm>>)
      tpu.yield
    }) : () -> ()
    %add3A_2107 = arith.constant 960 : i32
    %add3A_2108 = arith.addi %mul3A_2, %add3A_2107 : i32
    %dma_wait3A_2109 = arith.constant 0 : i32
    %dma_wait3A_2110 = tpu.memref_slice %arg7[%add3A_2108, %dma_wait3A_2109] : memref<32768x1024xf32, #tpu.memory_space<hbm>> -> memref<32x1024xf32, #tpu.memory_space<hbm>>
    %dma_wait3A_2111 = arith.constant 0 : i32
    %dma_wait3A_2112 = tpu.memref_slice %arg7[%add3A_2108, %dma_wait3A_2111] : memref<32768x1024xf32, #tpu.memory_space<hbm>> -> memref<32x1024xf32, #tpu.memory_space<hbm>>
    tpu.wait_dma2 semaphore(%arg19 : memref<!tpu.dma_semaphore, #tpu.memory_space<semaphore_mem>>) src(%arg13 : memref<32x1024xf32, #tpu.memory_space<vmem>>) dst(%dma_wait3A_2112 : memref<32x1024xf32, #tpu.memory_space<hbm>>)
    %add3A_2113 = arith.constant 992 : i32
    %add3A_2114 = arith.addi %mul3A_2, %add3A_2113 : i32
    %dma_wait3A_2115 = arith.constant 0 : i32
    %dma_wait3A_2116 = tpu.memref_slice %arg7[%add3A_2114, %dma_wait3A_2115] : memref<32768x1024xf32, #tpu.memory_space<hbm>> -> memref<32x1024xf32, #tpu.memory_space<hbm>>
    %dma_wait3A_2117 = arith.constant 0 : i32
    %dma_wait3A_2118 = tpu.memref_slice %arg7[%add3A_2114, %dma_wait3A_2117] : memref<32768x1024xf32, #tpu.memory_space<hbm>> -> memref<32x1024xf32, #tpu.memory_space<hbm>>
    tpu.wait_dma2 semaphore(%arg20 : memref<!tpu.dma_semaphore, #tpu.memory_space<semaphore_mem>>) src(%arg14 : memref<32x1024xf32, #tpu.memory_space<vmem>>) dst(%dma_wait3A_2118 : memref<32x1024xf32, #tpu.memory_space<hbm>>)
    return
  }
}

module attributes {stable_mosaic.version = 14 : i64} {
  func.func @_lse_body(%arg0: memref<1000x1000xf32, #tpu.memory_space<vmem>>, %arg1: memref<1000x1xf32, #tpu.memory_space<vmem>>) attributes {dimension_semantics = [], scalar_prefetch = 0 : i64, scratch_operands = 0 : i64, tpu.core_type = #tpu.core_type<tc>} {
    %get3A = arith.constant 0 : index
    %get3A_0 = arith.constant 0 : index
    %get3A_1 = vector.load %arg0[%get3A, %get3A_0] : memref<1000x1000xf32, #tpu.memory_space<vmem>>, vector<1000x1000xf32>
    %reduce_max3A = arith.constant dense<0xFF800000> : vector<1000xf32>
    %reduce_max3A_2 = vector.multi_reduction <maximumf>, %get3A_1, %reduce_max3A [1] : vector<1000x1000xf32> to vector<1000xf32>
    %broadcast_in_dim3A = vector.shape_cast %reduce_max3A_2 : vector<1000xf32> to vector<1000x1xf32>
    %sub3A = vector.broadcast %broadcast_in_dim3A : vector<1000x1xf32> to vector<1000x1000xf32>
    %sub3A_3 = arith.subf %get3A_1, %sub3A : vector<1000x1000xf32>
    %exp3A = math.exp %sub3A_3 : vector<1000x1000xf32>
    %reduce_sum3A = arith.constant dense<0.000000e+00> : vector<1000xf32>
    %reduce_sum3A_4 = vector.multi_reduction <add>, %exp3A, %reduce_sum3A [1] : vector<1000x1000xf32> to vector<1000xf32>
    %broadcast_in_dim3A_5 = vector.shape_cast %reduce_sum3A_4 : vector<1000xf32> to vector<1000x1xf32>
    %log3A = math.log %broadcast_in_dim3A_5 : vector<1000x1xf32>
    %add3A = arith.addf %broadcast_in_dim3A, %log3A : vector<1000x1xf32>
    %swap3A = arith.constant 0 : index
    %swap3A_6 = arith.constant 0 : index
    %swap3A_7 = vector.load %arg1[%swap3A, %swap3A_6] : memref<1000x1xf32, #tpu.memory_space<vmem>>, vector<1000x1xf32>
    tpu.vector_store %arg1[%swap3A, %swap3A_6], %add3A {strides = array<i32>} : memref<1000x1xf32, #tpu.memory_space<vmem>>, vector<1000x1xf32>,
    return
  }
}

</mosaic_0001>

<sc_bundles>
// kernel: kernel.4.cloned.1.call-start
scs
__scs_entry_jumppad:
0x0: {  	(pc) =	sbr.rel $0x88, $3  }
0x1: {  	(tag) =	ssettag $0x0;
	lr =	simm.s32 $0x1  }
0x2: {  	[smem:$0x3F9E] =	sst lr;
	_ =	strace $0xD0000000  }
0x3: {  	_ = 	snop  }
0x4: {  	_ = 	snop  }
0x5: {  	_ = 	snop  }
0x6: {  	_ = 	snop  }
0x7: {  	_ = 	snop  }
__scs_overlays_trampoline_lowered:
0x8: {  	[smem:$0x3FAD] =	sst s0  }
0x9: {  	[smem:$0x3FAE] =	sst s1  }
0xa: {  	[smem:$0x3FAF] =	sst s2  }
0xb: {  	[smem:$0x3FB0] =	sst s3  }
0xc: {  	[smem:$0x3FB1] =	sst s4  }
0xd: {  	[smem:$0x3FB2] =	sst s5  }
0xe: {  	[smem:$0x3FB3] =	sst s6  }
0xf: {  	[smem:$0x3FB4] =	sst s7  }
0x10: {  	[smem:$0x3FB5] =	sst s8  }
0x11: {  	[smem:$0x3FB6] =	sst s9;
	s0 =	simm.s32 @!p0 $0x0  }
0x12: {  	s1 =	sld [smem:$0x3F9C];
	s0 =	simm.s32 @p0 $0x1  }
0x13: {  	[smem:$0x3FB7] =	sst s0;
	s0 =	simm.s32 @!p1 $0x0  }
0x14: {  	s2 =	sld [smem:$0x3F9B];
	s0 =	simm.s32 @p1 $0x1  }
0x15: {  	[smem:$0x3FB8] =	sst s0;
	s0 =	simm.s32 @!p2 $0x0  }
0x16: {  	s3 =	sld [smem:$0x3FDB];
	s0 =	simm.s32 @p2 $0x1  }
0x17: {  	s4 =	simm.s32 $0x1BF5;
	[smem:$0x3FBA] =	sst s0  }
0x18: {  	s0 =	sld [smem:$0x3F9D];
	_ =	swait.ge [sflag:s4], $0x0  }
0x19: {  	s7 =	sld [smem:$0x3F9E]  }
0x1a: {  	s8 =	sadd.s32 $0xFFFFE003, lr  }
0x1b: {  	s9 =	sadd.s32 $0xFFFFFEF7, lr;
	s5 =	simm.s32 $0xFFFFFFFF;
	p2 =	slt.u32 s8, $0xFFFFF086  }
0x1c: {  	p1 =	slt.u32 s9, $0xF7A;
	s5 =	simm.s32 @!p2 $0x0  }
0x1d: {  	s5 =	simm.s32 @p1 $0x1;
	p0 =	seq.s32 s7, s2  }
0x1e: {  	s7 =	smul.u32 @!p0 $0xF7A, s2;
	p2 =	seq.s32 @!p0 s5, $0x0  }
0x1f: {  	s9 =	smul.u32 $0xF7A, s1;
	s8 =	simm.s32 @!p0 $0x1BF5;
	p2 =	por !p2, p0  }
0x20: {  	[sflag:s8] =	ssyncset.s32 @!p0 $0xFFFFF086;
	s6 =	sadd.s32 @!p0 s3, s7;
	s7 =	simm.s32 @!p0 $0x108  }
0x21: {  	s3 =	sadd.s32 s3, s9;
	s6 =	sadd.s32 @!p0 $0x88, s6;
	s7 =	simm.s32 @p2 $0x1082  }
0x22: {  	[simem:s7], [sflag:s8] =	dma.local @!p0 [hbm:s6], $0xF7A  }
0x23: {  	s9 =	sor.u32 $0xD0000000, s2;
	s6 =	simm.s32 $0x108;
	_ =	swait.ge @!p0 [sflag:s8], $0x0  }
0x24: {  	s3 =	sadd.s32 $0x88, s3;
	s6 =	simm.s32 @!p1 $0x1082;
	[sflag:s4] =	ssyncset.s32 $0xFFFFF086  }
0x25: {  	[simem:s6], [sflag:s4] =	dma.local [hbm:s3], $0xF7A  }
0x26: {  	[smem:$0x3F9E] =	sst s1;
	(tag) =	ssettag s2;
	_ =	strace s9  }
0x27: {  	s1 =	sld [smem:$0x3FAE]  }
0x28: {  	s2 =	sld [smem:$0x3FAF]  }
0x29: {  	s4 =	sld [smem:$0x3FB1]  }
0x2a: {  	p0 =	seq.s32 s5, $0x0;
	s5 =	sld [smem:$0x3FB2]  }
0x2b: {  	s6 =	sld [smem:$0x3FB3]  }
0x2c: {  	s7 =	sld [smem:$0x3FB4]  }
0x2d: {  	s3 =	simm.s32 $0x108;
	s8 =	sld [smem:$0x3FB5]  }
0x2e: {  	s3 =	simm.s32 @!p0 $0x1082;
	s9 =	sld [smem:$0x3FB6]  }
0x2f: {  	lr =	sadd.s32 s0, s3;
	s0 =	sld [smem:$0x3FAD]  }
0x30: {  	s3 =	sld [smem:$0x3FB0]  }
0x31: {  	[smem:$0x3FB9] =	sst s10  }
0x32: {  	s10 =	sld [smem:$0x3FB7];
	_ =	sdelay $0x3  }
0x33: {  	p0 =	seq.s32 s10, $0x1;
	s10 =	sld [smem:$0x3FB9];
	_ =	sdelay $0x3  }
0x34: {  	[smem:$0x3FB9] =	sst s10  }
0x35: {  	s10 =	sld [smem:$0x3FB8];
	_ =	sdelay $0x3  }
0x36: {  	p1 =	seq.s32 s10, $0x1;
	s10 =	sld [smem:$0x3FB9];
	_ =	sdelay $0x3  }
0x37: {  	[smem:$0x3FB9] =	sst s10  }
0x38: {  	s10 =	sld [smem:$0x3FBA]  }
0x39: {  	_ = 	snop;
	(pc) =	sbr.ind lr, $3  }
0x3a: {  	_ = 	snop  }
0x3b: {  	_ = 	snop  }
0x3c: {  	p2 =	seq.s32 s10, $0x1;
	s10 =	sld [smem:$0x3FB9]  }
0x3d: {  	_ =	shalt  }
0x3e: {  	_ =	shalt  }
0x3f: {  	_ =	shalt  }
0x40: {  	_ =	shalt  }
0x41: {  	_ =	shalt  }
0x42: {  	_ =	shalt  }
0x43: {  	_ =	shalt  }
0x44: {  	_ =	shalt  }
0x45: {  	_ =	shalt  }
0x46: {  	_ =	shalt  }
0x47: {  	_ =	shalt  }
0x48: {  	_ =	shalt  }
0x49: {  	_ =	shalt  }
0x4a: {  	_ =	shalt  }
0x4b: {  	_ =	shalt  }
0x4c: {  	_ =	shalt  }
0x4d: {  	_ =	shalt  }
0x4e: {  	_ =	shalt  }
0x4f: {  	_ =	shalt  }
0x50: {  	_ =	shalt  }
0x51: {  	_ =	shalt  }
0x52: {  	_ =	shalt  }
0x53: {  	_ =	shalt  }
0x54: {  	_ =	shalt  }
0x55: {  	_ =	shalt  }
0x56: {  	_ =	shalt  }
0x57: {  	_ =	shalt  }
0x58: {  	_ =	shalt  }
0x59: {  	_ =	shalt  }
0x5a: {  	_ =	shalt  }
0x5b: {  	_ =	shalt  }
0x5c: {  	_ =	shalt  }
0x5d: {  	_ =	shalt  }
0x5e: {  	_ =	shalt  }
0x5f: {  	_ =	shalt  }
0x60: {  	_ =	shalt  }
0x61: {  	_ =	shalt  }
0x62: {  	_ =	shalt  }
0x63: {  	_ =	shalt  }
0x64: {  	_ =	shalt  }
0x65: {  	_ =	shalt  }
0x66: {  	_ =	shalt  }
0x67: {  	_ =	shalt  }
0x68: {  	_ =	shalt  }
0x69: {  	_ =	shalt  }
0x6a: {  	_ =	shalt  }
0x6b: {  	_ =	shalt  }
0x6c: {  	_ =	shalt  }
0x6d: {  	_ =	shalt  }
0x6e: {  	_ =	shalt  }
0x6f: {  	_ =	shalt  }
0x70: {  	_ =	shalt  }
0x71: {  	_ =	shalt  }
0x72: {  	_ =	shalt  }
0x73: {  	_ =	shalt  }
0x74: {  	_ =	shalt  }
0x75: {  	_ =	shalt  }
0x76: {  	_ =	shalt  }
0x77: {  	_ =	shalt  }
0x78: {  	_ =	shalt  }
0x79: {  	_ =	shalt  }
0x7a: {  	_ =	shalt  }
0x7b: {  	_ =	shalt  }
0x7c: {  	_ =	shalt  }
0x7d: {  	_ =	shalt  }
0x7e: {  	_ =	shalt  }
0x7f: {  	_ =	shalt  }
0x80: {  	_ =	shalt  }
0x81: {  	_ =	shalt  }
0x82: {  	_ =	shalt  }
0x83: {  	_ =	shalt  }
0x84: {  	_ =	shalt  }
0x85: {  	_ =	shalt  }
0x86: {  	_ =	shalt  }
0x87: {  	_ =	shalt  }
.Lfunc_end0:
.L_simem_size_0:
called_computation.1_lowered:
.L_overlay_start_0:
0x88: {  	s2 =	sld [smem:$0x3FD9]  }
0x89: {  	s3 =	sld [smem:$0x3FFE];
	_ =	sdelay $0x1  }
0x8a: {  	s1 =	srdreg.scid  }
0x8b: {  	s0 =	sand.u32 $0x1, s1  }
0x8c: {  	s14 =	sshll.u32 s0, $0xA;
	s2 =	sadd.s32 s3, s2  }
0x8d: {  	s2 =	sadd.s32 s2, s14  }
0x8e: {  	[smem:$0x3FC5] =	sst s2  }
0x8f: {  	_ = 	snop  }
0x90: {  	s2 =	sld [smem:$0x3FD0];
	_ =	sdelay $0x2  }
0x91: {  	s15 =	simm.s32 $0xA;
	s4 =	simm.s32 $0x10  }
0x92: {  	[smem:s4], [sflag:s15] =	dma.local [hbm:s2], $0x1  }
0x93: {  	_ =	swait.eq [sflag:s15], $0x1  }
0x94: {  	[sflag:s15] =	ssyncset.done $0x0  }
0x95: {  	[sflag:s15] =	ssyncadd.s32 $0xFFFFFFFF  }
0x96: {  	s16 =	sld [smem:$0x10];
	(tm) =	ssettm $0x1  }
0x97: {  	s17 =	sld [smem:$0x3FFB];
	_ =	sdelay $0x3  }
0x98: {  	_ =	strace s17  }
0x99: {  	s3 =	sld [smem:$0x3FFC];
	_ =	sdelay $0x3  }
0x9a: {  	_ =	strace s3  }
0x9b: {  	s3 =	sld [smem:$0x3FFD];
	_ =	sdelay $0x3  }
0x9c: {  	_ =	strace s3  }
0x9d: {  	_ =	strace $0x8FFFFFFF  }
0x9e: {  	s18 =	sld [smem:$0x3FDB];
	_ =	sdelay $0x1  }
0x9f: {  	s19 =	simm.s32 $_scs_section_size  }
0xa0: {  	s5 =	simm.s32 $_size__tile_overlayer_lowered;
	s6 =	simm.s32 $_tile_overlayer_lowered  }
0xa1: {  	s22 =	simm.s32 $0x1BFF;
	s21 =	sshll.u32 s6, $0x1;
	s3 =	sadd.s32 s19, s18  }
0xa2: {  	s7 =	simm.s32 $0x0;
	s20 =	sshll.u32 s5, $0x1;
	s5 =	sadd.s32 s21, s3  }
0xa3: {  	[timem:s7], [sflag:s22] =	dma.local [hbm:s5], s20  }
0xa4: {  	_ =	swait.ge [sflag:s22], s20  }
0xa5: {  	s4 =	ssub.s32 $0x0, s20;
	[sflag:s22] =	ssyncset.done $0x0  }
0xa6: {  	[sflag:s22] =	ssyncadd.s32 s4;
	_ =	sdelay $0x1  }
0xa7: {  	s23 =	simm.s32 $0x1B8B  }
0xa8: {  	_ =	swait.ge [sflag:s23], $0x1  }
0xa9: {  	[sflag:s23] =	ssyncset.done $0x0  }
0xaa: {  	s25 =	simm.s32 $0x1B8E;
	s24 =	sld [smem:$0x3FFE];
	[sflag:s23] =	ssyncadd.s32 $0xFFFFFFFF  }
0xab: {  	s26 =	simm.s32 $execute0_lowered;
	[smem:$0x3FD2] =	sst s25  }
0xac: {  	s5 =	sshll.u32 s26, $0x1;
	_ =	strace $0x80000046;
	[dreg:$0x1] =	wrdreg $0xFFFFFFFF  }
0xad: {  	s28 =	simm.s32 $_size_execute0_lowered;
	s3 =	sadd.s32 s3, s5;
	[dreg:$0x0] =	wrdreg $0x0  }
0xae: {  	s5 =	sshll.u32 s28, $0x1;
	[dreg:$0x2] =	wrdreg s3  }
0xaf: {  	[dreg:$0x3] =	wrdreg s5  }
0xb0: {  	[dreg:$0x4] =	wrdreg $0xC0  }
0xb1: {  	_ =	task [dreg:s7], $0x5FFFF  }
0xb2: {  	[dreg:$0x1] =	wrdreg $0xFFFFFFFF  }
0xb3: {  	[dreg:$0x0] =	wrdreg $0x60  }
0xb4: {  	[dreg:$0x2] =	wrdreg s16  }
0xb5: {  	[dreg:$0x3] =	wrdreg s24  }
0xb6: {  	[dreg:$0x4] =	wrdreg $0x9  }
0xb7: {  	_ =	task.clear_ibuf [dreg:s7], $0x5FFFF;
	_ =	strace $0x90000046  }
0xb8: {  	s29 =	simm.s32 $0x9;
	_ =	strace $0x80000048  }
0xb9: {  	_ =	swait.ge [sflag:s29], $0x1  }
0xba: {  	[sflag:s29] =	ssyncadd.s32 $0xFFFFFFFF  }
0xbb: {  	_ =	strace $0x90000048  }
0xbc: {  	_ =	sfence  }
0xbd: {  	s30 =	sld [smem:$0x0];
	_ =	sdelay $0x2  }
0xbe: {  	s31 =	sshll.u32 s1, $0xD;
	s1 =	sshrl.u32 s1, $0x2  }
0xbf: {  	s3 =	sand.u32 $0x4000, s31;
	s1 =	sadd.s32 s1, s30  }
0xc0: {  	s0 =	sor.u32 s3, s0;
	s1 =	sshll.u32 s1, $0x11  }
0xc1: {  	s0 =	sor.u32 s1, s0  }
0xc2: {  	s0 =	sadd.s32 $0x8F2B, s0  }
0xc3: {  	[sflag:s0] =	ssyncadd.remote.s32 $0x1  }
0xc4: {  	_ =	sfence.sel $0xFFFF  }
0xc5: {  	[dreg:$0x0] =	wrdreg $0xFFFFFFFF;
	(pc) =	sbr.abs _section_cstart, $3  }
0xc6: {  	[dreg:$0x1] =	wrdreg $0xFFFFFFFF  }
0xc7: {  	_ =	task.clear_ibuf [dreg:s7], $0x2FFFF;
	_ =	strace $0x9FFFFFFF  }
0xc8: {  	(tm) =	ssettm $0x7FFFFFFF  }
0xc9: {  	_ =	shalt  }
tec
execute0_lowered:
.L_overlay_start_1:
0x0: {  	(tag) =	ssettag $0x1  }
0x1: {  	s2 =	rddreg [dreg:$0x0]  }
0x2: {  	s0 =	rddreg [dreg:$0x1]  }
0x3: {  	s1 =	srdreg.scid;
	s4 =	stileid.u32  }
0x4: {  	s3 =	simm.s32 $0x0;
	s1 =	sand.u32 $0x1, s1;
	s4 =	sshll.u32 s4, $0x1  }
0x5: {  	[smem:$0x7FF] =	sst s3;
	s4 =	sor.u32 s1, s4  }
0x6: {  	s5 =	sadd.s32 $0x2A00, s0;
	s19 =	sadd.s32 $0x21400, s0;
	s6 =	sshll.u32 s4, $0x7  }
0x7: {  	_ =	strace $0x80000047;
	[dreg:$0x3] =	wrdreg s5;
	s6 =	sadd.s32 s6, s0  }
0x8: {  	[dreg:$0x4] =	wrdreg s19;
	s20 =	sshll.u32 s4, $0x11;
	s7 =	sadd.s32 $0xA00, s6  }
0x9: {  	s5 =	sadd.s32 s20, s0;
	s6 =	sadd.s32 $0x1A00, s6;
	[dreg:$0x5] =	wrdreg s7  }
0xa: {  	s21 =	sadd.s32 $0x21800, s5;
	[dreg:$0x6] =	wrdreg s6  }
0xb: {  	s22 =	sadd.s32 $0x22800, s5;
	[dreg:$0x7] =	wrdreg s21  }
0xc: {  	s23 =	sadd.s32 $0x23800, s5;
	[dreg:$0x8] =	wrdreg s22  }
0xd: {  	s24 =	sadd.s32 $0x24800, s5;
	[dreg:$0x9] =	wrdreg s23  }
0xe: {  	s25 =	sadd.s32 $0x25800, s5;
	[dreg:$0xa] =	wrdreg s24  }
0xf: {  	s26 =	sadd.s32 $0x26800, s5;
	[dreg:$0xb] =	wrdreg s25  }
0x10: {  	s28 =	sadd.s32 $0x27800, s5;
	[dreg:$0xc] =	wrdreg s26  }
0x11: {  	s29 =	sadd.s32 $0x28800, s5;
	[dreg:$0xd] =	wrdreg s28  }
0x12: {  	s30 =	sadd.s32 $0x29800, s5;
	[dreg:$0xe] =	wrdreg s29  }
0x13: {  	s31 =	sadd.s32 $0x2A800, s5;
	[dreg:$0xf] =	wrdreg s30  }
0x14: {  	s8 =	sadd.s32 $0x2C800, s5;
	[dreg:$0x10] =	wrdreg s31  }
0x15: {  	s9 =	sadd.s32 $0x2D800, s5;
	[dreg:$0x12] =	wrdreg s8  }
0x16: {  	s10 =	sadd.s32 $0x2E800, s5;
	[dreg:$0x13] =	wrdreg s9  }
0x17: {  	s11 =	sadd.s32 $0x2F800, s5;
	[dreg:$0x14] =	wrdreg s10  }
0x18: {  	s12 =	sadd.s32 $0x30800, s5;
	[dreg:$0x15] =	wrdreg s11  }
0x19: {  	s13 =	sadd.s32 $0x31800, s5;
	[dreg:$0x16] =	wrdreg s12  }
0x1a: {  	s14 =	sadd.s32 $0x32800, s5;
	[dreg:$0x17] =	wrdreg s13  }
0x1b: {  	s15 =	sadd.s32 $0x33800, s5;
	[dreg:$0x18] =	wrdreg s14  }
0x1c: {  	s16 =	sadd.s32 $0x34800, s5;
	[dreg:$0x19] =	wrdreg s15  }
0x1d: {  	s17 =	sadd.s32 $0x35800, s5;
	[dreg:$0x1a] =	wrdreg s16  }
0x1e: {  	s18 =	sadd.s32 $0x36800, s5;
	[dreg:$0x1b] =	wrdreg s17  }
0x1f: {  	s4 =	sshll.u32 s4, $0x1;
	s19 =	sadd.s32 $0x37800, s5;
	[dreg:$0x1c] =	wrdreg s18  }
0x20: {  	s0 =	sadd.s32 s4, s0;
	s20 =	sadd.s32 $0x38800, s5;
	[dreg:$0x1d] =	wrdreg s19  }
0x21: {  	s0 =	sadd.s32 $0x21600, s0;
	[dreg:$0x1e] =	wrdreg s20  }
0x22: {  	s7 =	sadd.s32 $0x2B800, s5;
	[smem:$0x7FC] =	sst s0  }
0x23: {  	s21 =	sadd.s32 $0x39800, s5;
	[dreg:$0x11] =	wrdreg s7  }
0x24: {  	s22 =	sadd.s32 $0x3A800, s5;
	[dreg:$0x1f] =	wrdreg s21  }
0x25: {  	s1 =	ssub.s32 $0x2, s1;
	s23 =	sadd.s32 $0x3B800, s5;
	[smem:$0x7F5] =	sst s22  }
0x26: {  	s4 =	sadd.s32 $0x100, s2;
	s24 =	sadd.s32 $0x3C800, s5;
	[smem:$0x7F6] =	sst s23  }
0x27: {  	s25 =	sadd.s32 $0x3D800, s5;
	s26 =	sshrl.u32 s1, $0x1;
	[smem:$0x7F7] =	sst s24  }
0x28: {  	s28 =	sadd.s32 $0x3E800, s5;
	s29 =	sadd.s32 $0x3F800, s5;
	[smem:$0x7F8] =	sst s25  }
0x29: {  	s30 =	sadd.s32 $0x40800, s5;
	s5 =	sadd.s32 $0x200, s2;
	[smem:$0x7F9] =	sst s28  }
0x2a: {  	v2 =	vlaneseq.u32;
	s6 =	sadd.s32 $0x300, s2;
	s31 =	simm.s32 $0xC00;
	[smem:$0x7FA] =	sst s29  }
0x2b: {  	vm0 =	vmmov $0xffff;
	v1 =	vshrl.u32 v2, $0x3;
	s20 =	simm.s32 $0x1;
	s1 =	ssub.s32 s1, s26;
	[smem:$0x7FB] =	sst s30  }
0x2c: {  	v8 =	vand.u32 $0x7, v2;
	v2 =	vor.u32 $0x8, v2;
	v1 =	vmul.u32 $0x8, v1;
	[smem:$0x7FD] =	sst s31;
	s22 =	simm.s32 $0x2;
	s1 =	smax.u32 s1, $0x1  }
.LBB2_1:
0x2d: {  	[smem:$0x7F4] =	sst s1  }
0x2e: {  	s25 =	rddreg [dreg:$0x5];
	s0 =	simm.s32 $0x8  }
0x2f: {  	[tilespmem:s3], [sflag:$0x8] =	stream.linear.gather [hbm4b:s25+s3], $0x400, $0x38;
	[tilespmem:$0x19000] =	vst v63  }
0x30: {  	_ =	swait.ge [sflag:s0], $0x400  }
0x31: {  	[sflag:s0] =	ssyncset.done $0x0  }
0x32: {  	s8 =	simm.s32 $0x400;
	s7 =	rddreg [dreg:$0x6];
	[sflag:s0] =	ssyncadd.s32 $0xFFFFFC00  }
0x33: {  	[tilespmem:s8], [sflag:$0x8] =	stream.linear.gather [hbm4b:s7+s3], $0x400, $0x38;
	[tilespmem:$0x19000] =	vst v63  }
0x34: {  	_ =	swait.ge [sflag:s0], $0x400  }
0x35: {  	[sflag:s0] =	ssyncset.done $0x0  }
0x36: {  	[sflag:s0] =	ssyncadd.s32 $0xFFFFFC00  }
0x37: {  	v3 =	vld [tilespmem:$0x0];
	_ =	sdelay $0x4  }
0x38: {  	v4 =	vshll.u32 v3, $0x3  }
0x39: {  	v3 =	vand.u32 $0x7, v3;
	v4 =	vand.u32 $0xFFFFFFC0, v4  }
0x3a: {  	v3 =	vor.u32 v3, v4  }
0x3b: {  	v4 =	vperm.xlane v3, v8;
	_ =	sdelay $0x1  }
0x3c: {  	v4 =	vadd.s32 v1, v4;
	_ =	sdelay $0x3  }
0x3d: {  	s9 =	simm.s32 $0x1000  }
0x3e: {  	[tilespmem:s9], [sflag:$0x1] =	stream.indirect_vreg.gather [hbm4b:s2+s3], $0x80, v4, vm0, $0xb8;
	[tilespmem:$0x19000] =	vst v63  }
0x3f: {  	s10 =	simm.s32 $0x1800;
	v3 =	vperm.xlane v3, v2  }
0x40: {  	[tilespmem:s10], [sflag:$0x1] =	stream.indirect_vreg.gather [hbm4b:s4+s3], $0x80, v4, vm0, $0xb8;
	[tilespmem:$0x19000] =	vst v63  }
0x41: {  	s11 =	simm.s32 $0x2000;
	v3 =	vadd.s32 v1, v3  }
0x42: {  	[tilespmem:s11], [sflag:$0x1] =	stream.indirect_vreg.gather [hbm4b:s5+s3], $0x80, v4, vm0, $0xb8;
	[tilespmem:$0x19000] =	vst v63  }
0x43: {  	s12 =	simm.s32 $0x2800  }
0x44: {  	[tilespmem:s12], [sflag:$0x1] =	stream.indirect_vreg.gather [hbm4b:s6+s3], $0x80, v4, vm0, $0xb8;
	[tilespmem:$0x19000] =	vst v63  }
0x45: {  	s13 =	simm.s32 $0x3000  }
0x46: {  	[tilespmem:s13], [sflag:$0x1] =	stream.indirect_vreg.gather [hbm4b:s2+s3], $0x80, v3, vm0, $0xb8;
	[tilespmem:$0x19000] =	vst v63  }
0x47: {  	s14 =	simm.s32 $0x3800  }
0x48: {  	[tilespmem:s14], [sflag:$0x1] =	stream.indirect_vreg.gather [hbm4b:s4+s3], $0x80, v3, vm0, $0xb8;
	[tilespmem:$0x19000] =	vst v63  }
0x49: {  	s15 =	simm.s32 $0x4000  }
0x4a: {  	[tilespmem:s15], [sflag:$0x1] =	stream.indirect_vreg.gather [hbm4b:s5+s3], $0x80, v3, vm0, $0xb8;
	[tilespmem:$0x19000] =	vst v63  }
0x4b: {  	s16 =	simm.s32 $0x4800  }
0x4c: {  	[tilespmem:s16], [sflag:$0x1] =	stream.indirect_vreg.gather [hbm4b:s6+s3], $0x80, v3, vm0, $0xb8;
	[tilespmem:$0x19000] =	vst v63  }
0x4d: {  	v3 =	vld [tilespmem:$0x10];
	_ =	sdelay $0x4  }
0x4e: {  	v34 =	vshll.u32 v3, $0x3  }
0x4f: {  	v3 =	vand.u32 $0x7, v3;
	v4 =	vand.u32 $0xFFFFFFC0, v34  }
0x50: {  	v3 =	vor.u32 v3, v4  }
0x51: {  	v4 =	vperm.xlane v3, v8;
	_ =	sdelay $0x1  }
0x52: {  	v4 =	vadd.s32 v1, v4;
	_ =	sdelay $0x3  }
0x53: {  	s17 =	simm.s32 $0x5000  }
0x54: {  	[tilespmem:s17], [sflag:$0x1] =	stream.indirect_vreg.gather [hbm4b:s2+s3], $0x80, v4, vm0, $0xb8;
	[tilespmem:$0x19000] =	vst v63  }
0x55: {  	s18 =	simm.s32 $0x5800;
	v3 =	vperm.xlane v3, v2  }
0x56: {  	[tilespmem:s18], [sflag:$0x1] =	stream.indirect_vreg.gather [hbm4b:s4+s3], $0x80, v4, vm0, $0xb8;
	[tilespmem:$0x19000] =	vst v63  }
0x57: {  	s19 =	simm.s32 $0x6000;
	v3 =	vadd.s32 v1, v3  }
0x58: {  	[tilespmem:s19], [sflag:$0x1] =	stream.indirect_vreg.gather [hbm4b:s5+s3], $0x80, v4, vm0, $0xb8;
	[tilespmem:$0x19000] =	vst v63  }
0x59: {  	s24 =	simm.s32 $0x6800  }
0x5a: {  	[tilespmem:s24], [sflag:$0x1] =	stream.indirect_vreg.gather [hbm4b:s6+s3], $0x80, v4, vm0, $0xb8;
	[tilespmem:$0x19000] =	vst v63  }
0x5b: {  	s25 =	simm.s32 $0x7000  }
0x5c: {  	[tilespmem:s25], [sflag:$0x1] =	stream.indirect_vreg.gather [hbm4b:s2+s3], $0x80, v3, vm0, $0xb8;
	[tilespmem:$0x19000] =	vst v63  }
0x5d: {  	s26 =	simm.s32 $0x7800  }
0x5e: {  	[tilespmem:s26], [sflag:$0x1] =	stream.indirect_vreg.gather [hbm4b:s4+s3], $0x80, v3, vm0, $0xb8;
	[tilespmem:$0x19000] =	vst v63  }
0x5f: {  	s28 =	simm.s32 $0x8000  }
0x60: {  	[tilespmem:s28], [sflag:$0x1] =	stream.indirect_vreg.gather [hbm4b:s5+s3], $0x80, v3, vm0, $0xb8;
	[tilespmem:$0x19000] =	vst v63  }
0x61: {  	s29 =	simm.s32 $0x8800  }
0x62: {  	[tilespmem:s29], [sflag:$0x1] =	stream.indirect_vreg.gather [hbm4b:s6+s3], $0x80, v3, vm0, $0xb8;
	[tilespmem:$0x19000] =	vst v63  }
0x63: {  	v3 =	vld [tilespmem:$0x20];
	_ =	sdelay $0x4  }
0x64: {  	v35 =	vshll.u32 v3, $0x3  }
0x65: {  	v3 =	vand.u32 $0x7, v3;
	v4 =	vand.u32 $0xFFFFFFC0, v35  }
0x66: {  	v3 =	vor.u32 v3, v4  }
0x67: {  	v4 =	vperm.xlane v3, v8;
	_ =	sdelay $0x1  }
0x68: {  	v4 =	vadd.s32 v1, v4;
	_ =	sdelay $0x3  }
0x69: {  	s30 =	simm.s32 $0x9000  }
0x6a: {  	[tilespmem:s30], [sflag:$0x2] =	stream.indirect_vreg.gather [hbm4b:s2+s3], $0x80, v4, vm0, $0xb8;
	[tilespmem:$0x19000] =	vst v63  }
0x6b: {  	s31 =	simm.s32 $0x9800;
	v3 =	vperm.xlane v3, v2  }
0x6c: {  	[tilespmem:s31], [sflag:$0x2] =	stream.indirect_vreg.gather [hbm4b:s4+s3], $0x80, v4, vm0, $0xb8;
	[tilespmem:$0x19000] =	vst v63  }
0x6d: {  	s7 =	simm.s32 $0xA000;
	v3 =	vadd.s32 v1, v3  }
0x6e: {  	[tilespmem:s7], [sflag:$0x2] =	stream.indirect_vreg.gather [hbm4b:s5+s3], $0x80, v4, vm0, $0xb8;
	[tilespmem:$0x19000] =	vst v63  }
0x6f: {  	s10 =	simm.s32 $0xA800  }
0x70: {  	[tilespmem:s10], [sflag:$0x2] =	stream.indirect_vreg.gather [hbm4b:s6+s3], $0x80, v4, vm0, $0xb8;
	[tilespmem:$0x19000] =	vst v63  }
0x71: {  	s14 =	simm.s32 $0xB000  }
0x72: {  	[tilespmem:s14], [sflag:$0x2] =	stream.indirect_vreg.gather [hbm4b:s2+s3], $0x80, v3, vm0, $0xb8;
	[tilespmem:$0x19000] =	vst v63  }
0x73: {  	s15 =	simm.s32 $0xB800  }
0x74: {  	[tilespmem:s15], [sflag:$0x2] =	stream.indirect_vreg.gather [hbm4b:s4+s3], $0x80, v3, vm0, $0xb8;
	[tilespmem:$0x19000] =	vst v63  }
0x75: {  	s16 =	simm.s32 $0xC000  }
0x76: {  	[tilespmem:s16], [sflag:$0x2] =	stream.indirect_vreg.gather [hbm4b:s5+s3], $0x80, v3, vm0, $0xb8;
	[tilespmem:$0x19000] =	vst v63  }
0x77: {  	s17 =	simm.s32 $0xC800  }
0x78: {  	[tilespmem:s17], [sflag:$0x2] =	stream.indirect_vreg.gather [hbm4b:s6+s3], $0x80, v3, vm0, $0xb8;
	[tilespmem:$0x19000] =	vst v63  }
0x79: {  	v3 =	vld [tilespmem:$0x30];
	_ =	sdelay $0x4  }
0x7a: {  	v36 =	vshll.u32 v3, $0x3  }
0x7b: {  	v3 =	vand.u32 $0x7, v3;
	v4 =	vand.u32 $0xFFFFFFC0, v36  }
0x7c: {  	v3 =	vor.u32 v3, v4  }
0x7d: {  	v4 =	vperm.xlane v3, v8;
	_ =	sdelay $0x1  }
0x7e: {  	v4 =	vadd.s32 v1, v4;
	_ =	sdelay $0x3  }
0x7f: {  	s24 =	simm.s32 $0xD000  }
0x80: {  	[tilespmem:s24], [sflag:$0x2] =	stream.indirect_vreg.gather [hbm4b:s2+s3], $0x80, v4, vm0, $0xb8;
	[tilespmem:$0x19000] =	vst v63  }
0x81: {  	s25 =	simm.s32 $0xD800;
	v3 =	vperm.xlane v3, v2  }
0x82: {  	[tilespmem:s25], [sflag:$0x2] =	stream.indirect_vreg.gather [hbm4b:s4+s3], $0x80, v4, vm0, $0xb8;
	[tilespmem:$0x19000] =	vst v63  }
0x83: {  	s26 =	simm.s32 $0xE000;
	v3 =	vadd.s32 v1, v3  }
0x84: {  	[tilespmem:s26], [sflag:$0x2] =	stream.indirect_vreg.gather [hbm4b:s5+s3], $0x80, v4, vm0, $0xb8;
	[tilespmem:$0x19000] =	vst v63  }
0x85: {  	s28 =	simm.s32 $0xE800  }
0x86: {  	[tilespmem:s28], [sflag:$0x2] =	stream.indirect_vreg.gather [hbm4b:s6+s3], $0x80, v4, vm0, $0xb8;
	[tilespmem:$0x19000] =	vst v63  }
0x87: {  	s29 =	simm.s32 $0xF000  }
0x88: {  	[tilespmem:s29], [sflag:$0x2] =	stream.indirect_vreg.gather [hbm4b:s2+s3], $0x80, v3, vm0, $0xb8;
	[tilespmem:$0x19000] =	vst v63  }
0x89: {  	s30 =	simm.s32 $0xF800  }
0x8a: {  	[tilespmem:s30], [sflag:$0x2] =	stream.indirect_vreg.gather [hbm4b:s4+s3], $0x80, v3, vm0, $0xb8;
	[tilespmem:$0x19000] =	vst v63  }
0x8b: {  	s31 =	simm.s32 $0x10000  }
0x8c: {  	[tilespmem:s31], [sflag:$0x2] =	stream.indirect_vreg.gather [hbm4b:s5+s3], $0x80, v3, vm0, $0xb8;
	[tilespmem:$0x19000] =	vst v63  }
0x8d: {  	s7 =	simm.s32 $0x10800  }
0x8e: {  	[tilespmem:s7], [sflag:$0x2] =	stream.indirect_vreg.gather [hbm4b:s6+s3], $0x80, v3, vm0, $0xb8;
	[tilespmem:$0x19000] =	vst v63  }
0x8f: {  	v3 =	vld [tilespmem:$0x40];
	_ =	sdelay $0x4  }
0x90: {  	v37 =	vshll.u32 v3, $0x3  }
0x91: {  	v3 =	vand.u32 $0x7, v3;
	v4 =	vand.u32 $0xFFFFFFC0, v37  }
0x92: {  	v3 =	vor.u32 v3, v4  }
0x93: {  	v4 =	vperm.xlane v3, v8;
	_ =	sdelay $0x1  }
0x94: {  	v4 =	vadd.s32 v1, v4;
	_ =	sdelay $0x3  }
0x95: {  	s10 =	simm.s32 $0x11000  }
0x96: {  	[tilespmem:s10], [sflag:$0x3] =	stream.indirect_vreg.gather [hbm4b:s2+s3], $0x80, v4, vm0, $0xb8;
	[tilespmem:$0x19000] =	vst v63  }
0x97: {  	s24 =	simm.s32 $0x11800;
	v3 =	vperm.xlane v3, v2  }
0x98: {  	[tilespmem:s24], [sflag:$0x3] =	stream.indirect_vreg.gather [hbm4b:s4+s3], $0x80, v4, vm0, $0xb8;
	[tilespmem:$0x19000] =	vst v63  }
0x99: {  	s25 =	simm.s32 $0x12000;
	v3 =	vadd.s32 v1, v3  }
0x9a: {  	[tilespmem:s25], [sflag:$0x3] =	stream.indirect_vreg.gather [hbm4b:s5+s3], $0x80, v4, vm0, $0xb8;
	[tilespmem:$0x19000] =	vst v63  }
0x9b: {  	s26 =	simm.s32 $0x12800  }
0x9c: {  	[tilespmem:s26], [sflag:$0x3] =	stream.indirect_vreg.gather [hbm4b:s6+s3], $0x80, v4, vm0, $0xb8;
	[tilespmem:$0x19000] =	vst v63  }
0x9d: {  	s28 =	simm.s32 $0x13000  }
0x9e: {  	[tilespmem:s28], [sflag:$0x3] =	stream.indirect_vreg.gather [hbm4b:s2+s3], $0x80, v3, vm0, $0xb8;
	[tilespmem:$0x19000] =	vst v63  }
0x9f: {  	s31 =	simm.s32 $0x13800  }
0xa0: {  	[tilespmem:s31], [sflag:$0x3] =	stream.indirect_vreg.gather [hbm4b:s4+s3], $0x80, v3, vm0, $0xb8;
	[tilespmem:$0x19000] =	vst v63  }
0xa1: {  	s7 =	simm.s32 $0x14000  }
0xa2: {  	[tilespmem:s7], [sflag:$0x3] =	stream.indirect_vreg.gather [hbm4b:s5+s3], $0x80, v3, vm0, $0xb8;
	[tilespmem:$0x19000] =	vst v63  }
0xa3: {  	s10 =	simm.s32 $0x14800  }
0xa4: {  	[tilespmem:s10], [sflag:$0x3] =	stream.indirect_vreg.gather [hbm4b:s6+s3], $0x80, v3, vm0, $0xb8;
	[tilespmem:$0x19000] =	vst v63  }
0xa5: {  	v3 =	vld [tilespmem:$0x50];
	_ =	sdelay $0x4  }
0xa6: {  	v38 =	vshll.u32 v3, $0x3  }
0xa7: {  	v3 =	vand.u32 $0x7, v3;
	v4 =	vand.u32 $0xFFFFFFC0, v38  }
0xa8: {  	v3 =	vor.u32 v3, v4  }
0xa9: {  	v4 =	vperm.xlane v3, v8;
	_ =	sdelay $0x1  }
0xaa: {  	v4 =	vadd.s32 v1, v4;
	_ =	sdelay $0x3  }
0xab: {  	s24 =	simm.s32 $0x15000  }
0xac: {  	[tilespmem:s24], [sflag:$0x3] =	stream.indirect_vreg.gather [hbm4b:s2+s3], $0x80, v4, vm0, $0xb8;
	[tilespmem:$0x19000] =	vst v63  }
0xad: {  	s25 =	simm.s32 $0x15800;
	v3 =	vperm.xlane v3, v2  }
0xae: {  	[tilespmem:s25], [sflag:$0x3] =	stream.indirect_vreg.gather [hbm4b:s4+s3], $0x80, v4, vm0, $0xb8;
	[tilespmem:$0x19000] =	vst v63  }
0xaf: {  	s26 =	simm.s32 $0x16000;
	v3 =	vadd.s32 v1, v3  }
0xb0: {  	[tilespmem:s26], [sflag:$0x3] =	stream.indirect_vreg.gather [hbm4b:s5+s3], $0x80, v4, vm0, $0xb8;
	[tilespmem:$0x19000] =	vst v63  }
0xb1: {  	s28 =	simm.s32 $0x16800  }
0xb2: {  	[tilespmem:s28], [sflag:$0x3] =	stream.indirect_vreg.gather [hbm4b:s6+s3], $0x80, v4, vm0, $0xb8;
	[tilespmem:$0x19000] =	vst v63  }
0xb3: {  	s7 =	simm.s32 $0x17000  }
0xb4: {  	[tilespmem:s7], [sflag:$0x3] =	stream.indirect_vreg.gather [hbm4b:s2+s3], $0x80, v3, vm0, $0xb8;
	[tilespmem:$0x19000] =	vst v63  }
0xb5: {  	s10 =	simm.s32 $0x17800  }
0xb6: {  	[tilespmem:s10], [sflag:$0x3] =	stream.indirect_vreg.gather [hbm4b:s4+s3], $0x80, v3, vm0, $0xb8;
	[tilespmem:$0x19000] =	vst v63  }
0xb7: {  	s24 =	simm.s32 $0x18000  }
0xb8: {  	[tilespmem:s24], [sflag:$0x3] =	stream.indirect_vreg.gather [hbm4b:s5+s3], $0x80, v3, vm0, $0xb8;
	[tilespmem:$0x19000] =	vst v63  }
0xb9: {  	s25 =	simm.s32 $0x18800  }
0xba: {  	[tilespmem:s25], [sflag:$0x3] =	stream.indirect_vreg.gather [hbm4b:s6+s3], $0x80, v3, vm0, $0xb8;
	[tilespmem:$0x19000] =	vst v63  }
0xbb: {  	_ =	swait.ge [sflag:s20], $0x8000  }
0xbc: {  	s28 =	simm.s32 $0x1000;
	[sflag:s20] =	ssyncset.done $0x0  }
0xbd: {  	s10 =	simm.s32 $0x4;
	s26 =	rddreg [dreg:$0x7];
	[sflag:s20] =	ssyncadd.s32 $0xFFFF8000  }
0xbe: {  	[hbm4b:s26+s3] =	stream.linear.scatter [tilespmem:s28], [sflag:$0x4], $0x8000, $0x38;
	[tilespmem:$0x19000] =	vst v63  }
0xbf: {  	_ =	swait.ge [sflag:s10], $0x8000  }
0xc0: {  	[sflag:s10] =	ssyncset.done $0x0  }
0xc1: {  	[sflag:s10] =	ssyncadd.s32 $0xFFFF8000  }
0xc2: {  	v3 =	vld [tilespmem:$0x60];
	_ =	sdelay $0x4  }
0xc3: {  	v39 =	vshll.u32 v3, $0x3  }
0xc4: {  	v3 =	vand.u32 $0x7, v3;
	v4 =	vand.u32 $0xFFFFFFC0, v39  }
0xc5: {  	v3 =	vor.u32 v3, v4  }
0xc6: {  	v4 =	vperm.xlane v3, v8;
	_ =	sdelay $0x1  }
0xc7: {  	v4 =	vadd.s32 v1, v4;
	_ =	sdelay $0x4  }
0xc8: {  	[tilespmem:s28], [sflag:$0x1] =	stream.indirect_vreg.gather [hbm4b:s2+s3], $0x80, v4, vm0, $0xb8;
	[tilespmem:$0x19000] =	vst v63  }
0xc9: {  	s21 =	simm.s32 $0x1800;
	v3 =	vperm.xlane v3, v2  }
0xca: {  	[tilespmem:s21], [sflag:$0x1] =	stream.indirect_vreg.gather [hbm4b:s4+s3], $0x80, v4, vm0, $0xb8;
	[tilespmem:$0x19000] =	vst v63  }
0xcb: {  	s23 =	simm.s32 $0x2000;
	v3 =	vadd.s32 v1, v3  }
0xcc: {  	[tilespmem:s23], [sflag:$0x1] =	stream.indirect_vreg.gather [hbm4b:s5+s3], $0x80, v4, vm0, $0xb8;
	[tilespmem:$0x19000] =	vst v63  }
0xcd: {  	s1 =	simm.s32 $0x2800  }
0xce: {  	[tilespmem:s1], [sflag:$0x1] =	stream.indirect_vreg.gather [hbm4b:s6+s3], $0x80, v4, vm0, $0xb8;
	[tilespmem:$0x19000] =	vst v63  }
0xcf: {  	s23 =	simm.s32 $0x3000  }
0xd0: {  	[tilespmem:s23], [sflag:$0x1] =	stream.indirect_vreg.gather [hbm4b:s2+s3], $0x80, v3, vm0, $0xb8;
	[tilespmem:$0x19000] =	vst v63  }
0xd1: {  	s8 =	simm.s32 $0x3800  }
0xd2: {  	[tilespmem:s8], [sflag:$0x1] =	stream.indirect_vreg.gather [hbm4b:s4+s3], $0x80, v3, vm0, $0xb8;
	[tilespmem:$0x19000] =	vst v63  }
0xd3: {  	s12 =	simm.s32 $0x4000  }
0xd4: {  	[tilespmem:s12], [sflag:$0x1] =	stream.indirect_vreg.gather [hbm4b:s5+s3], $0x80, v3, vm0, $0xb8;
	[tilespmem:$0x19000] =	vst v63  }
0xd5: {  	s13 =	simm.s32 $0x4800  }
0xd6: {  	[tilespmem:s13], [sflag:$0x1] =	stream.indirect_vreg.gather [hbm4b:s6+s3], $0x80, v3, vm0, $0xb8;
	[tilespmem:$0x19000] =	vst v63  }
0xd7: {  	v3 =	vld [tilespmem:$0x70];
	_ =	sdelay $0x4  }
0xd8: {  	v40 =	vshll.u32 v3, $0x3  }
0xd9: {  	v3 =	vand.u32 $0x7, v3;
	v4 =	vand.u32 $0xFFFFFFC0, v40  }
0xda: {  	v3 =	vor.u32 v3, v4  }
0xdb: {  	v4 =	vperm.xlane v3, v8;
	_ =	sdelay $0x1  }
0xdc: {  	v4 =	vadd.s32 v1, v4;
	_ =	sdelay $0x3  }
0xdd: {  	s9 =	simm.s32 $0x5000  }
0xde: {  	[tilespmem:s9], [sflag:$0x1] =	stream.indirect_vreg.gather [hbm4b:s2+s3], $0x80, v4, vm0, $0xb8;
	[tilespmem:$0x19000] =	vst v63  }
0xdf: {  	s11 =	simm.s32 $0x5800;
	v3 =	vperm.xlane v3, v2  }
0xe0: {  	[tilespmem:s11], [sflag:$0x1] =	stream.indirect_vreg.gather [hbm4b:s4+s3], $0x80, v4, vm0, $0xb8;
	[tilespmem:$0x19000] =	vst v63  }
0xe1: {  	s26 =	simm.s32 $0x6000;
	v3 =	vadd.s32 v1, v3  }
0xe2: {  	[tilespmem:s26], [sflag:$0x1] =	stream.indirect_vreg.gather [hbm4b:s5+s3], $0x80, v4, vm0, $0xb8;
	[tilespmem:$0x19000] =	vst v63  }
0xe3: {  	s28 =	simm.s32 $0x6800  }
0xe4: {  	[tilespmem:s28], [sflag:$0x1] =	stream.indirect_vreg.gather [hbm4b:s6+s3], $0x80, v4, vm0, $0xb8;
	[tilespmem:$0x19000] =	vst v63  }
0xe5: {  	s13 =	simm.s32 $0x7000  }
0xe6: {  	[tilespmem:s13], [sflag:$0x1] =	stream.indirect_vreg.gather [hbm4b:s2+s3], $0x80, v3, vm0, $0xb8;
	[tilespmem:$0x19000] =	vst v63  }
0xe7: {  	s11 =	simm.s32 $0x7800  }
0xe8: {  	[tilespmem:s11], [sflag:$0x1] =	stream.indirect_vreg.gather [hbm4b:s4+s3], $0x80, v3, vm0, $0xb8;
	[tilespmem:$0x19000] =	vst v63  }
0xe9: {  	s12 =	simm.s32 $0x8000  }
0xea: {  	[tilespmem:s12], [sflag:$0x1] =	stream.indirect_vreg.gather [hbm4b:s5+s3], $0x80, v3, vm0, $0xb8;
	[tilespmem:$0x19000] =	vst v63  }
0xeb: {  	s13 =	simm.s32 $0x8800  }
0xec: {  	[tilespmem:s13], [sflag:$0x1] =	stream.indirect_vreg.gather [hbm4b:s6+s3], $0x80, v3, vm0, $0xb8;
	[tilespmem:$0x19000] =	vst v63  }
0xed: {  	_ =	swait.ge [sflag:s22], $0x8000  }
0xee: {  	s24 =	simm.s32 $0x9000;
	[sflag:s22] =	ssyncset.done $0x0  }
0xef: {  	s25 =	simm.s32 $0x5;
	s21 =	rddreg [dreg:$0x8];
	[sflag:s22] =	ssyncadd.s32 $0xFFFF8000  }
0xf0: {  	[hbm4b:s21+s3] =	stream.linear.scatter [tilespmem:s24], [sflag:$0x5], $0x8000, $0x38;
	[tilespmem:$0x19000] =	vst v63  }
0xf1: {  	_ =	swait.ge [sflag:s25], $0x8000  }
0xf2: {  	[sflag:s25] =	ssyncset.done $0x0  }
0xf3: {  	[sflag:s25] =	ssyncadd.s32 $0xFFFF8000  }
0xf4: {  	v3 =	vld [tilespmem:$0x80];
	_ =	sdelay $0x4  }
0xf5: {  	v41 =	vshll.u32 v3, $0x3  }
0xf6: {  	v3 =	vand.u32 $0x7, v3;
	v4 =	vand.u32 $0xFFFFFFC0, v41  }
0xf7: {  	v3 =	vor.u32 v3, v4  }
0xf8: {  	v4 =	vperm.xlane v3, v8;
	_ =	sdelay $0x1  }
0xf9: {  	v4 =	vadd.s32 v1, v4;
	_ =	sdelay $0x4  }
0xfa: {  	[tilespmem:s24], [sflag:$0x2] =	stream.indirect_vreg.gather [hbm4b:s2+s3], $0x80, v4, vm0, $0xb8;
	[tilespmem:$0x19000] =	vst v63  }
0xfb: {  	s18 =	simm.s32 $0x9800;
	v3 =	vperm.xlane v3, v2  }
0xfc: {  	[tilespmem:s18], [sflag:$0x2] =	stream.indirect_vreg.gather [hbm4b:s4+s3], $0x80, v4, vm0, $0xb8;
	[tilespmem:$0x19000] =	vst v63  }
0xfd: {  	v3 =	vadd.s32 v1, v3;
	s24 =	simm.s32 $0xA000  }
0xfe: {  	[tilespmem:s24], [sflag:$0x2] =	stream.indirect_vreg.gather [hbm4b:s5+s3], $0x80, v4, vm0, $0xb8;
	[tilespmem:$0x19000] =	vst v63  }
0xff: {  	s19 =	simm.s32 $0xA800  }
0x100: {  	[tilespmem:s19], [sflag:$0x2] =	stream.indirect_vreg.gather [hbm4b:s6+s3], $0x80, v4, vm0, $0xb8;
	[tilespmem:$0x19000] =	vst v63  }
0x101: {  	s1 =	simm.s32 $0xB000  }
0x102: {  	[tilespmem:s1], [sflag:$0x2] =	stream.indirect_vreg.gather [hbm4b:s2+s3], $0x80, v3, vm0, $0xb8;
	[tilespmem:$0x19000] =	vst v63  }
0x103: {  	s9 =	simm.s32 $0xB800  }
0x104: {  	[tilespmem:s9], [sflag:$0x2] =	stream.indirect_vreg.gather [hbm4b:s4+s3], $0x80, v3, vm0, $0xb8;
	[tilespmem:$0x19000] =	vst v63  }
0x105: {  	s10 =	simm.s32 $0xC000  }
0x106: {  	[tilespmem:s10], [sflag:$0x2] =	stream.indirect_vreg.gather [hbm4b:s5+s3], $0x80, v3, vm0, $0xb8;
	[tilespmem:$0x19000] =	vst v63  }
0x107: {  	s15 =	simm.s32 $0xC800  }
0x108: {  	[tilespmem:s15], [sflag:$0x2] =	stream.indirect_vreg.gather [hbm4b:s6+s3], $0x80, v3, vm0, $0xb8;
	[tilespmem:$0x19000] =	vst v63  }
0x109: {  	v3 =	vld [tilespmem:$0x90];
	_ =	sdelay $0x4  }
0x10a: {  	v42 =	vshll.u32 v3, $0x3  }
0x10b: {  	v3 =	vand.u32 $0x7, v3;
	v4 =	vand.u32 $0xFFFFFFC0, v42  }
0x10c: {  	v3 =	vor.u32 v3, v4  }
0x10d: {  	v4 =	vperm.xlane v3, v8;
	_ =	sdelay $0x1  }
0x10e: {  	v4 =	vadd.s32 v1, v4;
	_ =	sdelay $0x3  }
0x10f: {  	s16 =	simm.s32 $0xD000  }
0x110: {  	[tilespmem:s16], [sflag:$0x2] =	stream.indirect_vreg.gather [hbm4b:s2+s3], $0x80, v4, vm0, $0xb8;
	[tilespmem:$0x19000] =	vst v63  }
0x111: {  	s17 =	simm.s32 $0xD800;
	v3 =	vperm.xlane v3, v2  }
0x112: {  	[tilespmem:s17], [sflag:$0x2] =	stream.indirect_vreg.gather [hbm4b:s4+s3], $0x80, v4, vm0, $0xb8;
	[tilespmem:$0x19000] =	vst v63  }
0x113: {  	s14 =	simm.s32 $0xE000;
	v3 =	vadd.s32 v1, v3  }
0x114: {  	[tilespmem:s14], [sflag:$0x2] =	stream.indirect_vreg.gather [hbm4b:s5+s3], $0x80, v4, vm0, $0xb8;
	[tilespmem:$0x19000] =	vst v63  }
0x115: {  	s18 =	simm.s32 $0xE800  }
0x116: {  	[tilespmem:s18], [sflag:$0x2] =	stream.indirect_vreg.gather [hbm4b:s6+s3], $0x80, v4, vm0, $0xb8;
	[tilespmem:$0x19000] =	vst v63  }
0x117: {  	s19 =	simm.s32 $0xF000  }
0x118: {  	[tilespmem:s19], [sflag:$0x2] =	stream.indirect_vreg.gather [hbm4b:s2+s3], $0x80, v3, vm0, $0xb8;
	[tilespmem:$0x19000] =	vst v63  }
0x119: {  	s21 =	simm.s32 $0xF800  }
0x11a: {  	[tilespmem:s21], [sflag:$0x2] =	stream.indirect_vreg.gather [hbm4b:s4+s3], $0x80, v3, vm0, $0xb8;
	[tilespmem:$0x19000] =	vst v63  }
0x11b: {  	s25 =	simm.s32 $0x10000  }
0x11c: {  	[tilespmem:s25], [sflag:$0x2] =	stream.indirect_vreg.gather [hbm4b:s5+s3], $0x80, v3, vm0, $0xb8;
	[tilespmem:$0x19000] =	vst v63  }
0x11d: {  	s29 =	simm.s32 $0x10800;
	s19 =	simm.s32 $0x3  }
0x11e: {  	[tilespmem:s29], [sflag:$0x2] =	stream.indirect_vreg.gather [hbm4b:s6+s3], $0x80, v3, vm0, $0xb8;
	[tilespmem:$0x19000] =	vst v63  }
0x11f: {  	_ =	swait.ge [sflag:s19], $0x8000  }
0x120: {  	[sflag:s19] =	ssyncset.done $0x0  }
0x121: {  	s9 =	simm.s32 $0x11000;
	s1 =	rddreg [dreg:$0x9];
	[sflag:s19] =	ssyncadd.s32 $0xFFFF8000  }
0x122: {  	[hbm4b:s1+s3] =	stream.linear.scatter [tilespmem:s9], [sflag:$0x6], $0x8000, $0x38;
	[tilespmem:$0x19000] =	vst v63  }
0x123: {  	s1 =	simm.s32 $0x6  }
0x124: {  	_ =	swait.ge [sflag:s1], $0x8000  }
0x125: {  	[sflag:s1] =	ssyncset.done $0x0  }
0x126: {  	[sflag:s1] =	ssyncadd.s32 $0xFFFF8000  }
0x127: {  	v3 =	vld [tilespmem:$0xA0];
	_ =	sdelay $0x4  }
0x128: {  	v43 =	vshll.u32 v3, $0x3  }
0x129: {  	v3 =	vand.u32 $0x7, v3;
	v4 =	vand.u32 $0xFFFFFFC0, v43  }
0x12a: {  	v3 =	vor.u32 v3, v4  }
0x12b: {  	v4 =	vperm.xlane v3, v8;
	_ =	sdelay $0x1  }
0x12c: {  	v4 =	vadd.s32 v1, v4;
	_ =	sdelay $0x4  }
0x12d: {  	[tilespmem:s9], [sflag:$0x3] =	stream.indirect_vreg.gather [hbm4b:s2+s3], $0x80, v4, vm0, $0xb8;
	[tilespmem:$0x19000] =	vst v63  }
0x12e: {  	s30 =	simm.s32 $0x11800;
	v3 =	vperm.xlane v3, v2  }
0x12f: {  	[tilespmem:s30], [sflag:$0x3] =	stream.indirect_vreg.gather [hbm4b:s4+s3], $0x80, v4, vm0, $0xb8;
	[tilespmem:$0x19000] =	vst v63  }
0x130: {  	s14 =	simm.s32 $0x12000;
	v3 =	vadd.s32 v1, v3  }
0x131: {  	[tilespmem:s14], [sflag:$0x3] =	stream.indirect_vreg.gather [hbm4b:s5+s3], $0x80, v4, vm0, $0xb8;
	[tilespmem:$0x19000] =	vst v63  }
0x132: {  	s18 =	simm.s32 $0x12800  }
0x133: {  	[tilespmem:s18], [sflag:$0x3] =	stream.indirect_vreg.gather [hbm4b:s6+s3], $0x80, v4, vm0, $0xb8;
	[tilespmem:$0x19000] =	vst v63  }
0x134: {  	s15 =	simm.s32 $0x13000  }
0x135: {  	[tilespmem:s15], [sflag:$0x3] =	stream.indirect_vreg.gather [hbm4b:s2+s3], $0x80, v3, vm0, $0xb8;
	[tilespmem:$0x19000] =	vst v63  }
0x136: {  	s16 =	simm.s32 $0x13800  }
0x137: {  	[tilespmem:s16], [sflag:$0x3] =	stream.indirect_vreg.gather [hbm4b:s4+s3], $0x80, v3, vm0, $0xb8;
	[tilespmem:$0x19000] =	vst v63  }
0x138: {  	s17 =	simm.s32 $0x14000  }
0x139: {  	[tilespmem:s17], [sflag:$0x3] =	stream.indirect_vreg.gather [hbm4b:s5+s3], $0x80, v3, vm0, $0xb8;
	[tilespmem:$0x19000] =	vst v63  }
0x13a: {  	s31 =	simm.s32 $0x14800  }
0x13b: {  	[tilespmem:s31], [sflag:$0x3] =	stream.indirect_vreg.gather [hbm4b:s6+s3], $0x80, v3, vm0, $0xb8;
	[tilespmem:$0x19000] =	vst v63  }
0x13c: {  	v3 =	vld [tilespmem:$0xB0];
	_ =	sdelay $0x4  }
0x13d: {  	v44 =	vshll.u32 v3, $0x3  }
0x13e: {  	v3 =	vand.u32 $0x7, v3;
	v4 =	vand.u32 $0xFFFFFFC0, v44  }
0x13f: {  	v3 =	vor.u32 v3, v4  }
0x140: {  	v4 =	vperm.xlane v3, v8;
	_ =	sdelay $0x1  }
0x141: {  	v4 =	vadd.s32 v1, v4;
	_ =	sdelay $0x3  }
0x142: {  	s10 =	simm.s32 $0x15000  }
0x143: {  	[tilespmem:s10], [sflag:$0x3] =	stream.indirect_vreg.gather [hbm4b:s2+s3], $0x80, v4, vm0, $0xb8;
	[tilespmem:$0x19000] =	vst v63  }
0x144: {  	s21 =	simm.s32 $0x15800;
	v3 =	vperm.xlane v3, v2  }
0x145: {  	[tilespmem:s21], [sflag:$0x3] =	stream.indirect_vreg.gather [hbm4b:s4+s3], $0x80, v4, vm0, $0xb8;
	[tilespmem:$0x19000] =	vst v63  }
0x146: {  	s29 =	simm.s32 $0x16000;
	v3 =	vadd.s32 v1, v3  }
0x147: {  	[tilespmem:s29], [sflag:$0x3] =	stream.indirect_vreg.gather [hbm4b:s5+s3], $0x80, v4, vm0, $0xb8;
	[tilespmem:$0x19000] =	vst v63  }
0x148: {  	s30 =	simm.s32 $0x16800  }
0x149: {  	[tilespmem:s30], [sflag:$0x3] =	stream.indirect_vreg.gather [hbm4b:s6+s3], $0x80, v4, vm0, $0xb8;
	[tilespmem:$0x19000] =	vst v63  }
0x14a: {  	s31 =	simm.s32 $0x17000  }
0x14b: {  	[tilespmem:s31], [sflag:$0x3] =	stream.indirect_vreg.gather [hbm4b:s2+s3], $0x80, v3, vm0, $0xb8;
	[tilespmem:$0x19000] =	vst v63  }
0x14c: {  	s10 =	simm.s32 $0x17800  }
0x14d: {  	[tilespmem:s10], [sflag:$0x3] =	stream.indirect_vreg.gather [hbm4b:s4+s3], $0x80, v3, vm0, $0xb8;
	[tilespmem:$0x19000] =	vst v63  }
0x14e: {  	s21 =	simm.s32 $0x18000  }
0x14f: {  	[tilespmem:s21], [sflag:$0x3] =	stream.indirect_vreg.gather [hbm4b:s5+s3], $0x80, v3, vm0, $0xb8;
	[tilespmem:$0x19000] =	vst v63  }
0x150: {  	s25 =	simm.s32 $0x18800  }
0x151: {  	[tilespmem:s25], [sflag:$0x3] =	stream.indirect_vreg.gather [hbm4b:s6+s3], $0x80, v3, vm0, $0xb8;
	[tilespmem:$0x19000] =	vst v63  }
0x152: {  	_ =	swait.ge [sflag:s20], $0x8000  }
0x153: {  	s7 =	simm.s32 $0x4;
	[sflag:s20] =	ssyncset.done $0x0  }
0x154: {  	s9 =	simm.s32 $0x1000;
	s0 =	rddreg [dreg:$0xa];
	[sflag:s20] =	ssyncadd.s32 $0xFFFF8000  }
0x155: {  	[hbm4b:s0+s3] =	stream.linear.scatter [tilespmem:s9], [sflag:$0x4], $0x8000, $0x38;
	[tilespmem:$0x19000] =	vst v63  }
0x156: {  	_ =	swait.ge [sflag:s7], $0x8000  }
0x157: {  	[sflag:s7] =	ssyncset.done $0x0  }
0x158: {  	[sflag:s7] =	ssyncadd.s32 $0xFFFF8000  }
0x159: {  	v3 =	vld [tilespmem:$0xC0];
	_ =	sdelay $0x4  }
0x15a: {  	v45 =	vshll.u32 v3, $0x3  }
0x15b: {  	v3 =	vand.u32 $0x7, v3;
	v4 =	vand.u32 $0xFFFFFFC0, v45  }
0x15c: {  	v3 =	vor.u32 v3, v4  }
0x15d: {  	v4 =	vperm.xlane v3, v8;
	_ =	sdelay $0x1  }
0x15e: {  	v4 =	vadd.s32 v1, v4;
	_ =	sdelay $0x4  }
0x15f: {  	[tilespmem:s9], [sflag:$0x1] =	stream.indirect_vreg.gather [hbm4b:s2+s3], $0x80, v4, vm0, $0xb8;
	[tilespmem:$0x19000] =	vst v63  }
0x160: {  	v3 =	vperm.xlane v3, v2;
	s9 =	simm.s32 $0x1800  }
0x161: {  	[tilespmem:s9], [sflag:$0x1] =	stream.indirect_vreg.gather [hbm4b:s4+s3], $0x80, v4, vm0, $0xb8;
	[tilespmem:$0x19000] =	vst v63  }
0x162: {  	s25 =	simm.s32 $0x2000;
	v3 =	vadd.s32 v1, v3  }
0x163: {  	[tilespmem:s25], [sflag:$0x1] =	stream.indirect_vreg.gather [hbm4b:s5+s3], $0x80, v4, vm0, $0xb8;
	[tilespmem:$0x19000] =	vst v63  }
0x164: {  	s9 =	simm.s32 $0x2800  }
0x165: {  	[tilespmem:s9], [sflag:$0x1] =	stream.indirect_vreg.gather [hbm4b:s6+s3], $0x80, v4, vm0, $0xb8;
	[tilespmem:$0x19000] =	vst v63  }
0x166: {  	_ = 	snop  }
0x167: {  	[tilespmem:s23], [sflag:$0x1] =	stream.indirect_vreg.gather [hbm4b:s2+s3], $0x80, v3, vm0, $0xb8;
	[tilespmem:$0x19000] =	vst v63  }
0x168: {  	s9 =	simm.s32 $0x3800  }
0x169: {  	[tilespmem:s9], [sflag:$0x1] =	stream.indirect_vreg.gather [hbm4b:s4+s3], $0x80, v3, vm0, $0xb8;
	[tilespmem:$0x19000] =	vst v63  }
0x16a: {  	s23 =	simm.s32 $0x4000  }
0x16b: {  	[tilespmem:s23], [sflag:$0x1] =	stream.indirect_vreg.gather [hbm4b:s5+s3], $0x80, v3, vm0, $0xb8;
	[tilespmem:$0x19000] =	vst v63  }
0x16c: {  	s25 =	simm.s32 $0x4800  }
0x16d: {  	[tilespmem:s25], [sflag:$0x1] =	stream.indirect_vreg.gather [hbm4b:s6+s3], $0x80, v3, vm0, $0xb8;
	[tilespmem:$0x19000] =	vst v63  }
0x16e: {  	v3 =	vld [tilespmem:$0xD0];
	_ =	sdelay $0x4  }
0x16f: {  	v46 =	vshll.u32 v3, $0x3  }
0x170: {  	v3 =	vand.u32 $0x7, v3;
	v4 =	vand.u32 $0xFFFFFFC0, v46  }
0x171: {  	v3 =	vor.u32 v3, v4  }
0x172: {  	v4 =	vperm.xlane v3, v8;
	_ =	sdelay $0x1  }
0x173: {  	v4 =	vadd.s32 v1, v4;
	_ =	sdelay $0x3  }
0x174: {  	s23 =	simm.s32 $0x5000  }
0x175: {  	[tilespmem:s23], [sflag:$0x1] =	stream.indirect_vreg.gather [hbm4b:s2+s3], $0x80, v4, vm0, $0xb8;
	[tilespmem:$0x19000] =	vst v63  }
0x176: {  	s25 =	simm.s32 $0x5800;
	v3 =	vperm.xlane v3, v2  }
0x177: {  	[tilespmem:s25], [sflag:$0x1] =	stream.indirect_vreg.gather [hbm4b:s4+s3], $0x80, v4, vm0, $0xb8;
	[tilespmem:$0x19000] =	vst v63  }
0x178: {  	v3 =	vadd.s32 v1, v3  }
0x179: {  	[tilespmem:s26], [sflag:$0x1] =	stream.indirect_vreg.gather [hbm4b:s5+s3], $0x80, v4, vm0, $0xb8;
	[tilespmem:$0x19000] =	vst v63  }
0x17a: {  	_ = 	snop  }
0x17b: {  	[tilespmem:s28], [sflag:$0x1] =	stream.indirect_vreg.gather [hbm4b:s6+s3], $0x80, v4, vm0, $0xb8;
	[tilespmem:$0x19000] =	vst v63  }
0x17c: {  	s28 =	simm.s32 $0x7000  }
0x17d: {  	[tilespmem:s28], [sflag:$0x1] =	stream.indirect_vreg.gather [hbm4b:s2+s3], $0x80, v3, vm0, $0xb8;
	[tilespmem:$0x19000] =	vst v63  }
0x17e: {  	_ = 	snop  }
0x17f: {  	[tilespmem:s11], [sflag:$0x1] =	stream.indirect_vreg.gather [hbm4b:s4+s3], $0x80, v3, vm0, $0xb8;
	[tilespmem:$0x19000] =	vst v63  }
0x180: {  	_ = 	snop  }
0x181: {  	[tilespmem:s12], [sflag:$0x1] =	stream.indirect_vreg.gather [hbm4b:s5+s3], $0x80, v3, vm0, $0xb8;
	[tilespmem:$0x19000] =	vst v63  }
0x182: {  	_ = 	snop  }
0x183: {  	[tilespmem:s13], [sflag:$0x1] =	stream.indirect_vreg.gather [hbm4b:s6+s3], $0x80, v3, vm0, $0xb8;
	[tilespmem:$0x19000] =	vst v63  }
0x184: {  	_ =	swait.ge [sflag:s22], $0x8000  }
0x185: {  	s8 =	simm.s32 $0x5;
	[sflag:s22] =	ssyncset.done $0x0  }
0x186: {  	s23 =	simm.s32 $0x9000;
	s13 =	rddreg [dreg:$0xb];
	[sflag:s22] =	ssyncadd.s32 $0xFFFF8000  }
0x187: {  	[hbm4b:s13+s3] =	stream.linear.scatter [tilespmem:s23], [sflag:$0x5], $0x8000, $0x38;
	[tilespmem:$0x19000] =	vst v63  }
0x188: {  	_ =	swait.ge [sflag:s8], $0x8000  }
0x189: {  	[sflag:s8] =	ssyncset.done $0x0  }
0x18a: {  	[sflag:s8] =	ssyncadd.s32 $0xFFFF8000  }
0x18b: {  	v3 =	vld [tilespmem:$0xE0];
	_ =	sdelay $0x4  }
0x18c: {  	v47 =	vshll.u32 v3, $0x3  }
0x18d: {  	v3 =	vand.u32 $0x7, v3;
	v4 =	vand.u32 $0xFFFFFFC0, v47  }
0x18e: {  	v3 =	vor.u32 v3, v4  }
0x18f: {  	v4 =	vperm.xlane v3, v8;
	_ =	sdelay $0x1  }
0x190: {  	v4 =	vadd.s32 v1, v4;
	_ =	sdelay $0x4  }
0x191: {  	[tilespmem:s23], [sflag:$0x2] =	stream.indirect_vreg.gather [hbm4b:s2+s3], $0x80, v4, vm0, $0xb8;
	[tilespmem:$0x19000] =	vst v63  }
0x192: {  	s26 =	simm.s32 $0x9800;
	v3 =	vperm.xlane v3, v2  }
0x193: {  	[tilespmem:s26], [sflag:$0x2] =	stream.indirect_vreg.gather [hbm4b:s4+s3], $0x80, v4, vm0, $0xb8;
	[tilespmem:$0x19000] =	vst v63  }
0x194: {  	v3 =	vadd.s32 v1, v3  }
0x195: {  	[tilespmem:s24], [sflag:$0x2] =	stream.indirect_vreg.gather [hbm4b:s5+s3], $0x80, v4, vm0, $0xb8;
	[tilespmem:$0x19000] =	vst v63  }
0x196: {  	s24 =	simm.s32 $0xA800  }
0x197: {  	[tilespmem:s24], [sflag:$0x2] =	stream.indirect_vreg.gather [hbm4b:s6+s3], $0x80, v4, vm0, $0xb8;
	[tilespmem:$0x19000] =	vst v63  }
0x198: {  	s28 =	simm.s32 $0xB000  }
0x199: {  	[tilespmem:s28], [sflag:$0x2] =	stream.indirect_vreg.gather [hbm4b:s2+s3], $0x80, v3, vm0, $0xb8;
	[tilespmem:$0x19000] =	vst v63  }
0x19a: {  	s11 =	simm.s32 $0xB800  }
0x19b: {  	[tilespmem:s11], [sflag:$0x2] =	stream.indirect_vreg.gather [hbm4b:s4+s3], $0x80, v3, vm0, $0xb8;
	[tilespmem:$0x19000] =	vst v63  }
0x19c: {  	s11 =	simm.s32 $0xC000  }
0x19d: {  	[tilespmem:s11], [sflag:$0x2] =	stream.indirect_vreg.gather [hbm4b:s5+s3], $0x80, v3, vm0, $0xb8;
	[tilespmem:$0x19000] =	vst v63  }
0x19e: {  	s12 =	simm.s32 $0xC800  }
0x19f: {  	[tilespmem:s12], [sflag:$0x2] =	stream.indirect_vreg.gather [hbm4b:s6+s3], $0x80, v3, vm0, $0xb8;
	[tilespmem:$0x19000] =	vst v63  }
0x1a0: {  	v3 =	vld [tilespmem:$0xF0];
	_ =	sdelay $0x4  }
0x1a1: {  	v48 =	vshll.u32 v3, $0x3  }
0x1a2: {  	v3 =	vand.u32 $0x7, v3;
	v4 =	vand.u32 $0xFFFFFFC0, v48  }
0x1a3: {  	v3 =	vor.u32 v3, v4  }
0x1a4: {  	v4 =	vperm.xlane v3, v8;
	_ =	sdelay $0x1  }
0x1a5: {  	v4 =	vadd.s32 v1, v4;
	_ =	sdelay $0x3  }
0x1a6: {  	s13 =	simm.s32 $0xD000  }
0x1a7: {  	[tilespmem:s13], [sflag:$0x2] =	stream.indirect_vreg.gather [hbm4b:s2+s3], $0x80, v4, vm0, $0xb8;
	[tilespmem:$0x19000] =	vst v63  }
0x1a8: {  	s23 =	simm.s32 $0xD800;
	v3 =	vperm.xlane v3, v2  }
0x1a9: {  	[tilespmem:s23], [sflag:$0x2] =	stream.indirect_vreg.gather [hbm4b:s4+s3], $0x80, v4, vm0, $0xb8;
	[tilespmem:$0x19000] =	vst v63  }
0x1aa: {  	s12 =	simm.s32 $0xE000;
	v3 =	vadd.s32 v1, v3  }
0x1ab: {  	[tilespmem:s12], [sflag:$0x2] =	stream.indirect_vreg.gather [hbm4b:s5+s3], $0x80, v4, vm0, $0xb8;
	[tilespmem:$0x19000] =	vst v63  }
0x1ac: {  	s13 =	simm.s32 $0xE800  }
0x1ad: {  	[tilespmem:s13], [sflag:$0x2] =	stream.indirect_vreg.gather [hbm4b:s6+s3], $0x80, v4, vm0, $0xb8;
	[tilespmem:$0x19000] =	vst v63  }
0x1ae: {  	s23 =	simm.s32 $0xF000  }
0x1af: {  	[tilespmem:s23], [sflag:$0x2] =	stream.indirect_vreg.gather [hbm4b:s2+s3], $0x80, v3, vm0, $0xb8;
	[tilespmem:$0x19000] =	vst v63  }
0x1b0: {  	s26 =	simm.s32 $0xF800  }
0x1b1: {  	[tilespmem:s26], [sflag:$0x2] =	stream.indirect_vreg.gather [hbm4b:s4+s3], $0x80, v3, vm0, $0xb8;
	[tilespmem:$0x19000] =	vst v63  }
0x1b2: {  	s28 =	simm.s32 $0x10000  }
0x1b3: {  	[tilespmem:s28], [sflag:$0x2] =	stream.indirect_vreg.gather [hbm4b:s5+s3], $0x80, v3, vm0, $0xb8;
	[tilespmem:$0x19000] =	vst v63  }
0x1b4: {  	s25 =	simm.s32 $0x10800  }
0x1b5: {  	[tilespmem:s25], [sflag:$0x2] =	stream.indirect_vreg.gather [hbm4b:s6+s3], $0x80, v3, vm0, $0xb8;
	[tilespmem:$0x19000] =	vst v63  }
0x1b6: {  	_ =	swait.ge [sflag:s19], $0x8000  }
0x1b7: {  	[sflag:s19] =	ssyncset.done $0x0  }
0x1b8: {  	s0 =	simm.s32 $0x11000;
	s25 =	rddreg [dreg:$0xc];
	[sflag:s19] =	ssyncadd.s32 $0xFFFF8000  }
0x1b9: {  	[hbm4b:s25+s3] =	stream.linear.scatter [tilespmem:s0], [sflag:$0x6], $0x8000, $0x38;
	[tilespmem:$0x19000] =	vst v63  }
0x1ba: {  	_ =	swait.ge [sflag:s1], $0x8000  }
0x1bb: {  	[sflag:s1] =	ssyncset.done $0x0  }
0x1bc: {  	[sflag:s1] =	ssyncadd.s32 $0xFFFF8000  }
0x1bd: {  	v3 =	vld [tilespmem:$0x100];
	_ =	sdelay $0x4  }
0x1be: {  	v49 =	vshll.u32 v3, $0x3  }
0x1bf: {  	v3 =	vand.u32 $0x7, v3;
	v4 =	vand.u32 $0xFFFFFFC0, v49  }
0x1c0: {  	v3 =	vor.u32 v3, v4  }
0x1c1: {  	v4 =	vperm.xlane v3, v8;
	_ =	sdelay $0x1  }
0x1c2: {  	v4 =	vadd.s32 v1, v4;
	_ =	sdelay $0x4  }
0x1c3: {  	[tilespmem:s0], [sflag:$0x3] =	stream.indirect_vreg.gather [hbm4b:s2+s3], $0x80, v4, vm0, $0xb8;
	[tilespmem:$0x19000] =	vst v63  }
0x1c4: {  	s25 =	simm.s32 $0x11800;
	v3 =	vperm.xlane v3, v2  }
0x1c5: {  	[tilespmem:s25], [sflag:$0x3] =	stream.indirect_vreg.gather [hbm4b:s4+s3], $0x80, v4, vm0, $0xb8;
	[tilespmem:$0x19000] =	vst v63  }
0x1c6: {  	v3 =	vadd.s32 v1, v3  }
0x1c7: {  	[tilespmem:s14], [sflag:$0x3] =	stream.indirect_vreg.gather [hbm4b:s5+s3], $0x80, v4, vm0, $0xb8;
	[tilespmem:$0x19000] =	vst v63  }
0x1c8: {  	_ = 	snop  }
0x1c9: {  	[tilespmem:s18], [sflag:$0x3] =	stream.indirect_vreg.gather [hbm4b:s6+s3], $0x80, v4, vm0, $0xb8;
	[tilespmem:$0x19000] =	vst v63  }
0x1ca: {  	_ = 	snop  }
0x1cb: {  	[tilespmem:s15], [sflag:$0x3] =	stream.indirect_vreg.gather [hbm4b:s2+s3], $0x80, v3, vm0, $0xb8;
	[tilespmem:$0x19000] =	vst v63  }
0x1cc: {  	_ = 	snop  }
0x1cd: {  	[tilespmem:s16], [sflag:$0x3] =	stream.indirect_vreg.gather [hbm4b:s4+s3], $0x80, v3, vm0, $0xb8;
	[tilespmem:$0x19000] =	vst v63  }
0x1ce: {  	_ = 	snop  }
0x1cf: {  	[tilespmem:s17], [sflag:$0x3] =	stream.indirect_vreg.gather [hbm4b:s5+s3], $0x80, v3, vm0, $0xb8;
	[tilespmem:$0x19000] =	vst v63  }
0x1d0: {  	s17 =	simm.s32 $0x14800  }
0x1d1: {  	[tilespmem:s17], [sflag:$0x3] =	stream.indirect_vreg.gather [hbm4b:s6+s3], $0x80, v3, vm0, $0xb8;
	[tilespmem:$0x19000] =	vst v63  }
0x1d2: {  	v3 =	vld [tilespmem:$0x110];
	_ =	sdelay $0x4  }
0x1d3: {  	v50 =	vshll.u32 v3, $0x3  }
0x1d4: {  	v3 =	vand.u32 $0x7, v3;
	v4 =	vand.u32 $0xFFFFFFC0, v50  }
0x1d5: {  	v3 =	vor.u32 v3, v4  }
0x1d6: {  	v4 =	vperm.xlane v3, v8;
	_ =	sdelay $0x1  }
0x1d7: {  	v4 =	vadd.s32 v1, v4;
	_ =	sdelay $0x3  }
0x1d8: {  	s18 =	simm.s32 $0x15000  }
0x1d9: {  	[tilespmem:s18], [sflag:$0x3] =	stream.indirect_vreg.gather [hbm4b:s2+s3], $0x80, v4, vm0, $0xb8;
	[tilespmem:$0x19000] =	vst v63  }
0x1da: {  	s25 =	simm.s32 $0x15800;
	v3 =	vperm.xlane v3, v2  }
0x1db: {  	[tilespmem:s25], [sflag:$0x3] =	stream.indirect_vreg.gather [hbm4b:s4+s3], $0x80, v4, vm0, $0xb8;
	[tilespmem:$0x19000] =	vst v63  }
0x1dc: {  	v3 =	vadd.s32 v1, v3  }
0x1dd: {  	[tilespmem:s29], [sflag:$0x3] =	stream.indirect_vreg.gather [hbm4b:s5+s3], $0x80, v4, vm0, $0xb8;
	[tilespmem:$0x19000] =	vst v63  }
0x1de: {  	_ = 	snop  }
0x1df: {  	[tilespmem:s30], [sflag:$0x3] =	stream.indirect_vreg.gather [hbm4b:s6+s3], $0x80, v4, vm0, $0xb8;
	[tilespmem:$0x19000] =	vst v63  }
0x1e0: {  	_ = 	snop  }
0x1e1: {  	[tilespmem:s31], [sflag:$0x3] =	stream.indirect_vreg.gather [hbm4b:s2+s3], $0x80, v3, vm0, $0xb8;
	[tilespmem:$0x19000] =	vst v63  }
0x1e2: {  	_ = 	snop  }
0x1e3: {  	[tilespmem:s10], [sflag:$0x3] =	stream.indirect_vreg.gather [hbm4b:s4+s3], $0x80, v3, vm0, $0xb8;
	[tilespmem:$0x19000] =	vst v63  }
0x1e4: {  	_ = 	snop  }
0x1e5: {  	[tilespmem:s21], [sflag:$0x3] =	stream.indirect_vreg.gather [hbm4b:s5+s3], $0x80, v3, vm0, $0xb8;
	[tilespmem:$0x19000] =	vst v63  }
0x1e6: {  	s29 =	simm.s32 $0x18800  }
0x1e7: {  	[tilespmem:s29], [sflag:$0x3] =	stream.indirect_vreg.gather [hbm4b:s6+s3], $0x80, v3, vm0, $0xb8;
	[tilespmem:$0x19000] =	vst v63  }
0x1e8: {  	_ =	swait.ge [sflag:s20], $0x8000  }
0x1e9: {  	[sflag:s20] =	ssyncset.done $0x0  }
0x1ea: {  	s31 =	simm.s32 $0x1000;
	s30 =	rddreg [dreg:$0xd];
	[sflag:s20] =	ssyncadd.s32 $0xFFFF8000  }
0x1eb: {  	[hbm4b:s30+s3] =	stream.linear.scatter [tilespmem:s31], [sflag:$0x4], $0x8000, $0x38;
	[tilespmem:$0x19000] =	vst v63  }
0x1ec: {  	_ =	swait.ge [sflag:s7], $0x8000  }
0x1ed: {  	[sflag:s7] =	ssyncset.done $0x0  }
0x1ee: {  	[sflag:s7] =	ssyncadd.s32 $0xFFFF8000  }
0x1ef: {  	v3 =	vld [tilespmem:$0x120];
	_ =	sdelay $0x4  }
0x1f0: {  	v51 =	vshll.u32 v3, $0x3  }
0x1f1: {  	v3 =	vand.u32 $0x7, v3;
	v4 =	vand.u32 $0xFFFFFFC0, v51  }
0x1f2: {  	v3 =	vor.u32 v3, v4  }
0x1f3: {  	v4 =	vperm.xlane v3, v8;
	_ =	sdelay $0x1  }
0x1f4: {  	v4 =	vadd.s32 v1, v4;
	_ =	sdelay $0x4  }
0x1f5: {  	[tilespmem:s31], [sflag:$0x1] =	stream.indirect_vreg.gather [hbm4b:s2+s3], $0x80, v4, vm0, $0xb8;
	[tilespmem:$0x19000] =	vst v63  }
0x1f6: {  	s14 =	simm.s32 $0x1800;
	v3 =	vperm.xlane v3, v2  }
0x1f7: {  	[tilespmem:s14], [sflag:$0x1] =	stream.indirect_vreg.gather [hbm4b:s4+s3], $0x80, v4, vm0, $0xb8;
	[tilespmem:$0x19000] =	vst v63  }
0x1f8: {  	s15 =	simm.s32 $0x2000;
	v3 =	vadd.s32 v1, v3  }
0x1f9: {  	[tilespmem:s15], [sflag:$0x1] =	stream.indirect_vreg.gather [hbm4b:s5+s3], $0x80, v4, vm0, $0xb8;
	[tilespmem:$0x19000] =	vst v63  }
0x1fa: {  	s16 =	simm.s32 $0x2800  }
0x1fb: {  	[tilespmem:s16], [sflag:$0x1] =	stream.indirect_vreg.gather [hbm4b:s6+s3], $0x80, v4, vm0, $0xb8;
	[tilespmem:$0x19000] =	vst v63  }
0x1fc: {  	s10 =	simm.s32 $0x3000  }
0x1fd: {  	[tilespmem:s10], [sflag:$0x1] =	stream.indirect_vreg.gather [hbm4b:s2+s3], $0x80, v3, vm0, $0xb8;
	[tilespmem:$0x19000] =	vst v63  }
0x1fe: {  	_ = 	snop  }
0x1ff: {  	[tilespmem:s9], [sflag:$0x1] =	stream.indirect_vreg.gather [hbm4b:s4+s3], $0x80, v3, vm0, $0xb8;
	[tilespmem:$0x19000] =	vst v63  }
0x200: {  	s17 =	simm.s32 $0x4000  }
0x201: {  	[tilespmem:s17], [sflag:$0x1] =	stream.indirect_vreg.gather [hbm4b:s5+s3], $0x80, v3, vm0, $0xb8;
	[tilespmem:$0x19000] =	vst v63  }
0x202: {  	s18 =	simm.s32 $0x4800  }
0x203: {  	[tilespmem:s18], [sflag:$0x1] =	stream.indirect_vreg.gather [hbm4b:s6+s3], $0x80, v3, vm0, $0xb8;
	[tilespmem:$0x19000] =	vst v63  }
0x204: {  	v3 =	vld [tilespmem:$0x130];
	_ =	sdelay $0x4  }
0x205: {  	v52 =	vshll.u32 v3, $0x3  }
0x206: {  	v3 =	vand.u32 $0x7, v3;
	v4 =	vand.u32 $0xFFFFFFC0, v52  }
0x207: {  	v3 =	vor.u32 v3, v4  }
0x208: {  	v4 =	vperm.xlane v3, v8;
	_ =	sdelay $0x1  }
0x209: {  	v4 =	vadd.s32 v1, v4;
	_ =	sdelay $0x3  }
0x20a: {  	s21 =	simm.s32 $0x5000  }
0x20b: {  	[tilespmem:s21], [sflag:$0x1] =	stream.indirect_vreg.gather [hbm4b:s2+s3], $0x80, v4, vm0, $0xb8;
	[tilespmem:$0x19000] =	vst v63  }
0x20c: {  	s25 =	simm.s32 $0x5800;
	v3 =	vperm.xlane v3, v2  }
0x20d: {  	[tilespmem:s25], [sflag:$0x1] =	stream.indirect_vreg.gather [hbm4b:s4+s3], $0x80, v4, vm0, $0xb8;
	[tilespmem:$0x19000] =	vst v63  }
0x20e: {  	s31 =	simm.s32 $0x6000;
	v3 =	vadd.s32 v1, v3  }
0x20f: {  	[tilespmem:s31], [sflag:$0x1] =	stream.indirect_vreg.gather [hbm4b:s5+s3], $0x80, v4, vm0, $0xb8;
	[tilespmem:$0x19000] =	vst v63  }
0x210: {  	s14 =	simm.s32 $0x6800  }
0x211: {  	[tilespmem:s14], [sflag:$0x1] =	stream.indirect_vreg.gather [hbm4b:s6+s3], $0x80, v4, vm0, $0xb8;
	[tilespmem:$0x19000] =	vst v63  }
0x212: {  	s15 =	simm.s32 $0x7000  }
0x213: {  	[tilespmem:s15], [sflag:$0x1] =	stream.indirect_vreg.gather [hbm4b:s2+s3], $0x80, v3, vm0, $0xb8;
	[tilespmem:$0x19000] =	vst v63  }
0x214: {  	s16 =	simm.s32 $0x7800  }
0x215: {  	[tilespmem:s16], [sflag:$0x1] =	stream.indirect_vreg.gather [hbm4b:s4+s3], $0x80, v3, vm0, $0xb8;
	[tilespmem:$0x19000] =	vst v63  }
0x216: {  	s17 =	simm.s32 $0x8000  }
0x217: {  	[tilespmem:s17], [sflag:$0x1] =	stream.indirect_vreg.gather [hbm4b:s5+s3], $0x80, v3, vm0, $0xb8;
	[tilespmem:$0x19000] =	vst v63  }
0x218: {  	s18 =	simm.s32 $0x8800  }
0x219: {  	[tilespmem:s18], [sflag:$0x1] =	stream.indirect_vreg.gather [hbm4b:s6+s3], $0x80, v3, vm0, $0xb8;
	[tilespmem:$0x19000] =	vst v63  }
0x21a: {  	_ =	swait.ge [sflag:s22], $0x8000  }
0x21b: {  	[sflag:s22] =	ssyncset.done $0x0  }
0x21c: {  	s30 =	simm.s32 $0x9000;
	s29 =	rddreg [dreg:$0xe];
	[sflag:s22] =	ssyncadd.s32 $0xFFFF8000  }
0x21d: {  	[hbm4b:s29+s3] =	stream.linear.scatter [tilespmem:s30], [sflag:$0x5], $0x8000, $0x38;
	[tilespmem:$0x19000] =	vst v63  }
0x21e: {  	_ =	swait.ge [sflag:s8], $0x8000  }
0x21f: {  	[sflag:s8] =	ssyncset.done $0x0  }
0x220: {  	[sflag:s8] =	ssyncadd.s32 $0xFFFF8000  }
0x221: {  	v3 =	vld [tilespmem:$0x140];
	_ =	sdelay $0x4  }
0x222: {  	v53 =	vshll.u32 v3, $0x3  }
0x223: {  	v3 =	vand.u32 $0x7, v3;
	v4 =	vand.u32 $0xFFFFFFC0, v53  }
0x224: {  	v3 =	vor.u32 v3, v4  }
0x225: {  	v4 =	vperm.xlane v3, v8;
	_ =	sdelay $0x1  }
0x226: {  	v4 =	vadd.s32 v1, v4;
	_ =	sdelay $0x4  }
0x227: {  	[tilespmem:s30], [sflag:$0x2] =	stream.indirect_vreg.gather [hbm4b:s2+s3], $0x80, v4, vm0, $0xb8;
	[tilespmem:$0x19000] =	vst v63  }
0x228: {  	s21 =	simm.s32 $0x9800;
	v3 =	vperm.xlane v3, v2  }
0x229: {  	[tilespmem:s21], [sflag:$0x2] =	stream.indirect_vreg.gather [hbm4b:s4+s3], $0x80, v4, vm0, $0xb8;
	[tilespmem:$0x19000] =	vst v63  }
0x22a: {  	s25 =	simm.s32 $0xA000;
	v3 =	vadd.s32 v1, v3  }
0x22b: {  	[tilespmem:s25], [sflag:$0x2] =	stream.indirect_vreg.gather [hbm4b:s5+s3], $0x80, v4, vm0, $0xb8;
	[tilespmem:$0x19000] =	vst v63  }
0x22c: {  	_ = 	snop  }
0x22d: {  	[tilespmem:s24], [sflag:$0x2] =	stream.indirect_vreg.gather [hbm4b:s6+s3], $0x80, v4, vm0, $0xb8;
	[tilespmem:$0x19000] =	vst v63  }
0x22e: {  	s29 =	simm.s32 $0xB000  }
0x22f: {  	[tilespmem:s29], [sflag:$0x2] =	stream.indirect_vreg.gather [hbm4b:s2+s3], $0x80, v3, vm0, $0xb8;
	[tilespmem:$0x19000] =	vst v63  }
0x230: {  	s30 =	simm.s32 $0xB800  }
0x231: {  	[tilespmem:s30], [sflag:$0x2] =	stream.indirect_vreg.gather [hbm4b:s4+s3], $0x80, v3, vm0, $0xb8;
	[tilespmem:$0x19000] =	vst v63  }
0x232: {  	_ = 	snop  }
0x233: {  	[tilespmem:s11], [sflag:$0x2] =	stream.indirect_vreg.gather [hbm4b:s5+s3], $0x80, v3, vm0, $0xb8;
	[tilespmem:$0x19000] =	vst v63  }
0x234: {  	s11 =	simm.s32 $0xC800  }
0x235: {  	[tilespmem:s11], [sflag:$0x2] =	stream.indirect_vreg.gather [hbm4b:s6+s3], $0x80, v3, vm0, $0xb8;
	[tilespmem:$0x19000] =	vst v63  }
0x236: {  	v3 =	vld [tilespmem:$0x150];
	_ =	sdelay $0x4  }
0x237: {  	v54 =	vshll.u32 v3, $0x3  }
0x238: {  	v3 =	vand.u32 $0x7, v3;
	v4 =	vand.u32 $0xFFFFFFC0, v54  }
0x239: {  	v3 =	vor.u32 v3, v4  }
0x23a: {  	v4 =	vperm.xlane v3, v8;
	_ =	sdelay $0x1  }
0x23b: {  	v4 =	vadd.s32 v1, v4;
	_ =	sdelay $0x3  }
0x23c: {  	s21 =	simm.s32 $0xD000  }
0x23d: {  	[tilespmem:s21], [sflag:$0x2] =	stream.indirect_vreg.gather [hbm4b:s2+s3], $0x80, v4, vm0, $0xb8;
	[tilespmem:$0x19000] =	vst v63  }
0x23e: {  	s24 =	simm.s32 $0xD800;
	v3 =	vperm.xlane v3, v2  }
0x23f: {  	[tilespmem:s24], [sflag:$0x2] =	stream.indirect_vreg.gather [hbm4b:s4+s3], $0x80, v4, vm0, $0xb8;
	[tilespmem:$0x19000] =	vst v63  }
0x240: {  	v3 =	vadd.s32 v1, v3  }
0x241: {  	[tilespmem:s12], [sflag:$0x2] =	stream.indirect_vreg.gather [hbm4b:s5+s3], $0x80, v4, vm0, $0xb8;
	[tilespmem:$0x19000] =	vst v63  }
0x242: {  	_ = 	snop  }
0x243: {  	[tilespmem:s13], [sflag:$0x2] =	stream.indirect_vreg.gather [hbm4b:s6+s3], $0x80, v4, vm0, $0xb8;
	[tilespmem:$0x19000] =	vst v63  }
0x244: {  	_ = 	snop  }
0x245: {  	[tilespmem:s23], [sflag:$0x2] =	stream.indirect_vreg.gather [hbm4b:s2+s3], $0x80, v3, vm0, $0xb8;
	[tilespmem:$0x19000] =	vst v63  }
0x246: {  	_ = 	snop  }
0x247: {  	[tilespmem:s26], [sflag:$0x2] =	stream.indirect_vreg.gather [hbm4b:s4+s3], $0x80, v3, vm0, $0xb8;
	[tilespmem:$0x19000] =	vst v63  }
0x248: {  	_ = 	snop  }
0x249: {  	[tilespmem:s28], [sflag:$0x2] =	stream.indirect_vreg.gather [hbm4b:s5+s3], $0x80, v3, vm0, $0xb8;
	[tilespmem:$0x19000] =	vst v63  }
0x24a: {  	s25 =	simm.s32 $0x10800  }
0x24b: {  	[tilespmem:s25], [sflag:$0x2] =	stream.indirect_vreg.gather [hbm4b:s6+s3], $0x80, v3, vm0, $0xb8;
	[tilespmem:$0x19000] =	vst v63  }
0x24c: {  	_ =	swait.ge [sflag:s19], $0x8000  }
0x24d: {  	[sflag:s19] =	ssyncset.done $0x0  }
0x24e: {  	s28 =	simm.s32 $0x11000;
	s26 =	rddreg [dreg:$0xf];
	[sflag:s19] =	ssyncadd.s32 $0xFFFF8000  }
0x24f: {  	[hbm4b:s26+s3] =	stream.linear.scatter [tilespmem:s28], [sflag:$0x6], $0x8000, $0x38;
	[tilespmem:$0x19000] =	vst v63  }
0x250: {  	_ =	swait.ge [sflag:s1], $0x8000  }
0x251: {  	[sflag:s1] =	ssyncset.done $0x0  }
0x252: {  	[sflag:s1] =	ssyncadd.s32 $0xFFFF8000  }
0x253: {  	v3 =	vld [tilespmem:$0x160];
	_ =	sdelay $0x4  }
0x254: {  	v55 =	vshll.u32 v3, $0x3  }
0x255: {  	v3 =	vand.u32 $0x7, v3;
	v4 =	vand.u32 $0xFFFFFFC0, v55  }
0x256: {  	v3 =	vor.u32 v3, v4  }
0x257: {  	v4 =	vperm.xlane v3, v8;
	_ =	sdelay $0x1  }
0x258: {  	v4 =	vadd.s32 v1, v4;
	_ =	sdelay $0x4  }
0x259: {  	[tilespmem:s28], [sflag:$0x3] =	stream.indirect_vreg.gather [hbm4b:s2+s3], $0x80, v4, vm0, $0xb8;
	[tilespmem:$0x19000] =	vst v63  }
0x25a: {  	s11 =	simm.s32 $0x11800;
	v3 =	vperm.xlane v3, v2  }
0x25b: {  	[tilespmem:s11], [sflag:$0x3] =	stream.indirect_vreg.gather [hbm4b:s4+s3], $0x80, v4, vm0, $0xb8;
	[tilespmem:$0x19000] =	vst v63  }
0x25c: {  	s13 =	simm.s32 $0x12000;
	v3 =	vadd.s32 v1, v3  }
0x25d: {  	[tilespmem:s13], [sflag:$0x3] =	stream.indirect_vreg.gather [hbm4b:s5+s3], $0x80, v4, vm0, $0xb8;
	[tilespmem:$0x19000] =	vst v63  }
0x25e: {  	s21 =	simm.s32 $0x12800  }
0x25f: {  	[tilespmem:s21], [sflag:$0x3] =	stream.indirect_vreg.gather [hbm4b:s6+s3], $0x80, v4, vm0, $0xb8;
	[tilespmem:$0x19000] =	vst v63  }
0x260: {  	s23 =	simm.s32 $0x13000  }
0x261: {  	[tilespmem:s23], [sflag:$0x3] =	stream.indirect_vreg.gather [hbm4b:s2+s3], $0x80, v3, vm0, $0xb8;
	[tilespmem:$0x19000] =	vst v63  }
0x262: {  	s24 =	simm.s32 $0x13800  }
0x263: {  	[tilespmem:s24], [sflag:$0x3] =	stream.indirect_vreg.gather [hbm4b:s4+s3], $0x80, v3, vm0, $0xb8;
	[tilespmem:$0x19000] =	vst v63  }
0x264: {  	s26 =	simm.s32 $0x14000  }
0x265: {  	[tilespmem:s26], [sflag:$0x3] =	stream.indirect_vreg.gather [hbm4b:s5+s3], $0x80, v3, vm0, $0xb8;
	[tilespmem:$0x19000] =	vst v63  }
0x266: {  	s12 =	simm.s32 $0x14800  }
0x267: {  	[tilespmem:s12], [sflag:$0x3] =	stream.indirect_vreg.gather [hbm4b:s6+s3], $0x80, v3, vm0, $0xb8;
	[tilespmem:$0x19000] =	vst v63  }
0x268: {  	v3 =	vld [tilespmem:$0x170];
	_ =	sdelay $0x4  }
0x269: {  	v56 =	vshll.u32 v3, $0x3  }
0x26a: {  	v3 =	vand.u32 $0x7, v3;
	v4 =	vand.u32 $0xFFFFFFC0, v56  }
0x26b: {  	v3 =	vor.u32 v3, v4  }
0x26c: {  	v4 =	vperm.xlane v3, v8;
	_ =	sdelay $0x1  }
0x26d: {  	v4 =	vadd.s32 v1, v4;
	_ =	sdelay $0x3  }
0x26e: {  	s29 =	simm.s32 $0x15000  }
0x26f: {  	[tilespmem:s29], [sflag:$0x3] =	stream.indirect_vreg.gather [hbm4b:s2+s3], $0x80, v4, vm0, $0xb8;
	[tilespmem:$0x19000] =	vst v63  }
0x270: {  	s30 =	simm.s32 $0x15800;
	v3 =	vperm.xlane v3, v2  }
0x271: {  	[tilespmem:s30], [sflag:$0x3] =	stream.indirect_vreg.gather [hbm4b:s4+s3], $0x80, v4, vm0, $0xb8;
	[tilespmem:$0x19000] =	vst v63  }
0x272: {  	s28 =	simm.s32 $0x16000;
	v3 =	vadd.s32 v1, v3  }
0x273: {  	[tilespmem:s28], [sflag:$0x3] =	stream.indirect_vreg.gather [hbm4b:s5+s3], $0x80, v4, vm0, $0xb8;
	[tilespmem:$0x19000] =	vst v63  }
0x274: {  	s29 =	simm.s32 $0x16800  }
0x275: {  	[tilespmem:s29], [sflag:$0x3] =	stream.indirect_vreg.gather [hbm4b:s6+s3], $0x80, v4, vm0, $0xb8;
	[tilespmem:$0x19000] =	vst v63  }
0x276: {  	s30 =	simm.s32 $0x17000  }
0x277: {  	[tilespmem:s30], [sflag:$0x3] =	stream.indirect_vreg.gather [hbm4b:s2+s3], $0x80, v3, vm0, $0xb8;
	[tilespmem:$0x19000] =	vst v63  }
0x278: {  	s0 =	simm.s32 $0x17800  }
0x279: {  	[tilespmem:s0], [sflag:$0x3] =	stream.indirect_vreg.gather [hbm4b:s4+s3], $0x80, v3, vm0, $0xb8;
	[tilespmem:$0x19000] =	vst v63  }
0x27a: {  	s9 =	simm.s32 $0x18000  }
0x27b: {  	[tilespmem:s9], [sflag:$0x3] =	stream.indirect_vreg.gather [hbm4b:s5+s3], $0x80, v3, vm0, $0xb8;
	[tilespmem:$0x19000] =	vst v63  }
0x27c: {  	s25 =	simm.s32 $0x18800  }
0x27d: {  	[tilespmem:s25], [sflag:$0x3] =	stream.indirect_vreg.gather [hbm4b:s6+s3], $0x80, v3, vm0, $0xb8;
	[tilespmem:$0x19000] =	vst v63  }
0x27e: {  	_ =	swait.ge [sflag:s20], $0x8000  }
0x27f: {  	[sflag:s20] =	ssyncset.done $0x0  }
0x280: {  	s9 =	simm.s32 $0x1000;
	s0 =	rddreg [dreg:$0x10];
	[sflag:s20] =	ssyncadd.s32 $0xFFFF8000  }
0x281: {  	[hbm4b:s0+s3] =	stream.linear.scatter [tilespmem:s9], [sflag:$0x4], $0x8000, $0x38;
	[tilespmem:$0x19000] =	vst v63  }
0x282: {  	_ =	swait.ge [sflag:s7], $0x8000  }
0x283: {  	[sflag:s7] =	ssyncset.done $0x0  }
0x284: {  	[sflag:s7] =	ssyncadd.s32 $0xFFFF8000  }
0x285: {  	v3 =	vld [tilespmem:$0x180];
	_ =	sdelay $0x4  }
0x286: {  	v57 =	vshll.u32 v3, $0x3  }
0x287: {  	v3 =	vand.u32 $0x7, v3;
	v4 =	vand.u32 $0xFFFFFFC0, v57  }
0x288: {  	v3 =	vor.u32 v3, v4  }
0x289: {  	v4 =	vperm.xlane v3, v8;
	_ =	sdelay $0x1  }
0x28a: {  	v4 =	vadd.s32 v1, v4;
	_ =	sdelay $0x4  }
0x28b: {  	[tilespmem:s9], [sflag:$0x1] =	stream.indirect_vreg.gather [hbm4b:s2+s3], $0x80, v4, vm0, $0xb8;
	[tilespmem:$0x19000] =	vst v63  }
0x28c: {  	v3 =	vperm.xlane v3, v2;
	s9 =	simm.s32 $0x1800  }
0x28d: {  	[tilespmem:s9], [sflag:$0x1] =	stream.indirect_vreg.gather [hbm4b:s4+s3], $0x80, v4, vm0, $0xb8;
	[tilespmem:$0x19000] =	vst v63  }
0x28e: {  	s25 =	simm.s32 $0x2000;
	v3 =	vadd.s32 v1, v3  }
0x28f: {  	[tilespmem:s25], [sflag:$0x1] =	stream.indirect_vreg.gather [hbm4b:s5+s3], $0x80, v4, vm0, $0xb8;
	[tilespmem:$0x19000] =	vst v63  }
0x290: {  	s9 =	simm.s32 $0x2800  }
0x291: {  	[tilespmem:s9], [sflag:$0x1] =	stream.indirect_vreg.gather [hbm4b:s6+s3], $0x80, v4, vm0, $0xb8;
	[tilespmem:$0x19000] =	vst v63  }
0x292: {  	_ = 	snop  }
0x293: {  	[tilespmem:s10], [sflag:$0x1] =	stream.indirect_vreg.gather [hbm4b:s2+s3], $0x80, v3, vm0, $0xb8;
	[tilespmem:$0x19000] =	vst v63  }
0x294: {  	s9 =	simm.s32 $0x3800  }
0x295: {  	[tilespmem:s9], [sflag:$0x1] =	stream.indirect_vreg.gather [hbm4b:s4+s3], $0x80, v3, vm0, $0xb8;
	[tilespmem:$0x19000] =	vst v63  }
0x296: {  	s25 =	simm.s32 $0x4000  }
0x297: {  	[tilespmem:s25], [sflag:$0x1] =	stream.indirect_vreg.gather [hbm4b:s5+s3], $0x80, v3, vm0, $0xb8;
	[tilespmem:$0x19000] =	vst v63  }
0x298: {  	s10 =	simm.s32 $0x4800  }
0x299: {  	[tilespmem:s10], [sflag:$0x1] =	stream.indirect_vreg.gather [hbm4b:s6+s3], $0x80, v3, vm0, $0xb8;
	[tilespmem:$0x19000] =	vst v63  }
0x29a: {  	v3 =	vld [tilespmem:$0x190];
	_ =	sdelay $0x4  }
0x29b: {  	v58 =	vshll.u32 v3, $0x3  }
0x29c: {  	v3 =	vand.u32 $0x7, v3;
	v4 =	vand.u32 $0xFFFFFFC0, v58  }
0x29d: {  	v3 =	vor.u32 v3, v4  }
0x29e: {  	v4 =	vperm.xlane v3, v8;
	_ =	sdelay $0x1  }
0x29f: {  	v4 =	vadd.s32 v1, v4;
	_ =	sdelay $0x3  }
0x2a0: {  	s25 =	simm.s32 $0x5000  }
0x2a1: {  	[tilespmem:s25], [sflag:$0x1] =	stream.indirect_vreg.gather [hbm4b:s2+s3], $0x80, v4, vm0, $0xb8;
	[tilespmem:$0x19000] =	vst v63  }
0x2a2: {  	s10 =	simm.s32 $0x5800;
	v3 =	vperm.xlane v3, v2  }
0x2a3: {  	[tilespmem:s10], [sflag:$0x1] =	stream.indirect_vreg.gather [hbm4b:s4+s3], $0x80, v4, vm0, $0xb8;
	[tilespmem:$0x19000] =	vst v63  }
0x2a4: {  	v3 =	vadd.s32 v1, v3  }
0x2a5: {  	[tilespmem:s31], [sflag:$0x1] =	stream.indirect_vreg.gather [hbm4b:s5+s3], $0x80, v4, vm0, $0xb8;
	[tilespmem:$0x19000] =	vst v63  }
0x2a6: {  	_ = 	snop  }
0x2a7: {  	[tilespmem:s14], [sflag:$0x1] =	stream.indirect_vreg.gather [hbm4b:s6+s3], $0x80, v4, vm0, $0xb8;
	[tilespmem:$0x19000] =	vst v63  }
0x2a8: {  	_ = 	snop  }
0x2a9: {  	[tilespmem:s15], [sflag:$0x1] =	stream.indirect_vreg.gather [hbm4b:s2+s3], $0x80, v3, vm0, $0xb8;
	[tilespmem:$0x19000] =	vst v63  }
0x2aa: {  	_ = 	snop  }
0x2ab: {  	[tilespmem:s16], [sflag:$0x1] =	stream.indirect_vreg.gather [hbm4b:s4+s3], $0x80, v3, vm0, $0xb8;
	[tilespmem:$0x19000] =	vst v63  }
0x2ac: {  	_ = 	snop  }
0x2ad: {  	[tilespmem:s17], [sflag:$0x1] =	stream.indirect_vreg.gather [hbm4b:s5+s3], $0x80, v3, vm0, $0xb8;
	[tilespmem:$0x19000] =	vst v63  }
0x2ae: {  	_ = 	snop  }
0x2af: {  	[tilespmem:s18], [sflag:$0x1] =	stream.indirect_vreg.gather [hbm4b:s6+s3], $0x80, v3, vm0, $0xb8;
	[tilespmem:$0x19000] =	vst v63  }
0x2b0: {  	_ =	swait.ge [sflag:s22], $0x8000  }
0x2b1: {  	[sflag:s22] =	ssyncset.done $0x0  }
0x2b2: {  	s17 =	simm.s32 $0x9000;
	s16 =	rddreg [dreg:$0x11];
	[sflag:s22] =	ssyncadd.s32 $0xFFFF8000  }
0x2b3: {  	[hbm4b:s16+s3] =	stream.linear.scatter [tilespmem:s17], [sflag:$0x5], $0x8000, $0x38;
	[tilespmem:$0x19000] =	vst v63  }
0x2b4: {  	_ =	swait.ge [sflag:s8], $0x8000  }
0x2b5: {  	[sflag:s8] =	ssyncset.done $0x0  }
0x2b6: {  	[sflag:s8] =	ssyncadd.s32 $0xFFFF8000  }
0x2b7: {  	v3 =	vld [tilespmem:$0x1A0];
	_ =	sdelay $0x4  }
0x2b8: {  	v59 =	vshll.u32 v3, $0x3  }
0x2b9: {  	v3 =	vand.u32 $0x7, v3;
	v4 =	vand.u32 $0xFFFFFFC0, v59  }
0x2ba: {  	v3 =	vor.u32 v3, v4  }
0x2bb: {  	v4 =	vperm.xlane v3, v8;
	_ =	sdelay $0x1  }
0x2bc: {  	v4 =	vadd.s32 v1, v4;
	_ =	sdelay $0x4  }
0x2bd: {  	[tilespmem:s17], [sflag:$0x2] =	stream.indirect_vreg.gather [hbm4b:s2+s3], $0x80, v4, vm0, $0xb8;
	[tilespmem:$0x19000] =	vst v63  }
0x2be: {  	s18 =	simm.s32 $0x9800;
	v3 =	vperm.xlane v3, v2  }
0x2bf: {  	[tilespmem:s18], [sflag:$0x2] =	stream.indirect_vreg.gather [hbm4b:s4+s3], $0x80, v4, vm0, $0xb8;
	[tilespmem:$0x19000] =	vst v63  }
0x2c0: {  	s25 =	simm.s32 $0xA000;
	v3 =	vadd.s32 v1, v3  }
0x2c1: {  	[tilespmem:s25], [sflag:$0x2] =	stream.indirect_vreg.gather [hbm4b:s5+s3], $0x80, v4, vm0, $0xb8;
	[tilespmem:$0x19000] =	vst v63  }
0x2c2: {  	s10 =	simm.s32 $0xA800  }
0x2c3: {  	[tilespmem:s10], [sflag:$0x2] =	stream.indirect_vreg.gather [hbm4b:s6+s3], $0x80, v4, vm0, $0xb8;
	[tilespmem:$0x19000] =	vst v63  }
0x2c4: {  	s14 =	simm.s32 $0xB000  }
0x2c5: {  	[tilespmem:s14], [sflag:$0x2] =	stream.indirect_vreg.gather [hbm4b:s2+s3], $0x80, v3, vm0, $0xb8;
	[tilespmem:$0x19000] =	vst v63  }
0x2c6: {  	s15 =	simm.s32 $0xB800  }
0x2c7: {  	[tilespmem:s15], [sflag:$0x2] =	stream.indirect_vreg.gather [hbm4b:s4+s3], $0x80, v3, vm0, $0xb8;
	[tilespmem:$0x19000] =	vst v63  }
0x2c8: {  	s16 =	simm.s32 $0xC000  }
0x2c9: {  	[tilespmem:s16], [sflag:$0x2] =	stream.indirect_vreg.gather [hbm4b:s5+s3], $0x80, v3, vm0, $0xb8;
	[tilespmem:$0x19000] =	vst v63  }
0x2ca: {  	s31 =	simm.s32 $0xC800  }
0x2cb: {  	[tilespmem:s31], [sflag:$0x2] =	stream.indirect_vreg.gather [hbm4b:s6+s3], $0x80, v3, vm0, $0xb8;
	[tilespmem:$0x19000] =	vst v63  }
0x2cc: {  	v3 =	vld [tilespmem:$0x1B0];
	_ =	sdelay $0x4  }
0x2cd: {  	v60 =	vshll.u32 v3, $0x3  }
0x2ce: {  	v3 =	vand.u32 $0x7, v3;
	v4 =	vand.u32 $0xFFFFFFC0, v60  }
0x2cf: {  	v3 =	vor.u32 v3, v4  }
0x2d0: {  	v4 =	vperm.xlane v3, v8;
	_ =	sdelay $0x1  }
0x2d1: {  	v4 =	vadd.s32 v1, v4;
	_ =	sdelay $0x3  }
0x2d2: {  	s17 =	simm.s32 $0xD000  }
0x2d3: {  	[tilespmem:s17], [sflag:$0x2] =	stream.indirect_vreg.gather [hbm4b:s2+s3], $0x80, v4, vm0, $0xb8;
	[tilespmem:$0x19000] =	vst v63  }
0x2d4: {  	s18 =	simm.s32 $0xD800;
	v3 =	vperm.xlane v3, v2  }
0x2d5: {  	[tilespmem:s18], [sflag:$0x2] =	stream.indirect_vreg.gather [hbm4b:s4+s3], $0x80, v4, vm0, $0xb8;
	[tilespmem:$0x19000] =	vst v63  }
0x2d6: {  	v3 =	vadd.s32 v1, v3;
	s17 =	simm.s32 $0xE000  }
0x2d7: {  	[tilespmem:s17], [sflag:$0x2] =	stream.indirect_vreg.gather [hbm4b:s5+s3], $0x80, v4, vm0, $0xb8;
	[tilespmem:$0x19000] =	vst v63  }
0x2d8: {  	s18 =	simm.s32 $0xE800  }
0x2d9: {  	[tilespmem:s18], [sflag:$0x2] =	stream.indirect_vreg.gather [hbm4b:s6+s3], $0x80, v4, vm0, $0xb8;
	[tilespmem:$0x19000] =	vst v63  }
0x2da: {  	s25 =	simm.s32 $0xF000  }
0x2db: {  	[tilespmem:s25], [sflag:$0x2] =	stream.indirect_vreg.gather [hbm4b:s2+s3], $0x80, v3, vm0, $0xb8;
	[tilespmem:$0x19000] =	vst v63  }
0x2dc: {  	s31 =	simm.s32 $0xF800  }
0x2dd: {  	[tilespmem:s31], [sflag:$0x2] =	stream.indirect_vreg.gather [hbm4b:s4+s3], $0x80, v3, vm0, $0xb8;
	[tilespmem:$0x19000] =	vst v63  }
0x2de: {  	s31 =	simm.s32 $0x10000  }
0x2df: {  	[tilespmem:s31], [sflag:$0x2] =	stream.indirect_vreg.gather [hbm4b:s5+s3], $0x80, v3, vm0, $0xb8;
	[tilespmem:$0x19000] =	vst v63  }
0x2e0: {  	s25 =	simm.s32 $0x10800  }
0x2e1: {  	[tilespmem:s25], [sflag:$0x2] =	stream.indirect_vreg.gather [hbm4b:s6+s3], $0x80, v3, vm0, $0xb8;
	[tilespmem:$0x19000] =	vst v63  }
0x2e2: {  	_ =	swait.ge [sflag:s19], $0x8000  }
0x2e3: {  	[sflag:s19] =	ssyncset.done $0x0  }
0x2e4: {  	s0 =	simm.s32 $0x11000;
	s25 =	rddreg [dreg:$0x12];
	[sflag:s19] =	ssyncadd.s32 $0xFFFF8000  }
0x2e5: {  	[hbm4b:s25+s3] =	stream.linear.scatter [tilespmem:s0], [sflag:$0x6], $0x8000, $0x38;
	[tilespmem:$0x19000] =	vst v63  }
0x2e6: {  	_ =	swait.ge [sflag:s1], $0x8000  }
0x2e7: {  	[sflag:s1] =	ssyncset.done $0x0  }
0x2e8: {  	[sflag:s1] =	ssyncadd.s32 $0xFFFF8000  }
0x2e9: {  	v3 =	vld [tilespmem:$0x1C0];
	_ =	sdelay $0x4  }
0x2ea: {  	v61 =	vshll.u32 v3, $0x3  }
0x2eb: {  	v3 =	vand.u32 $0x7, v3;
	v4 =	vand.u32 $0xFFFFFFC0, v61  }
0x2ec: {  	v3 =	vor.u32 v3, v4  }
0x2ed: {  	v4 =	vperm.xlane v3, v8;
	_ =	sdelay $0x1  }
0x2ee: {  	v4 =	vadd.s32 v1, v4;
	_ =	sdelay $0x4  }
0x2ef: {  	[tilespmem:s0], [sflag:$0x3] =	stream.indirect_vreg.gather [hbm4b:s2+s3], $0x80, v4, vm0, $0xb8;
	[tilespmem:$0x19000] =	vst v63  }
0x2f0: {  	v3 =	vperm.xlane v3, v2  }
0x2f1: {  	[tilespmem:s11], [sflag:$0x3] =	stream.indirect_vreg.gather [hbm4b:s4+s3], $0x80, v4, vm0, $0xb8;
	[tilespmem:$0x19000] =	vst v63  }
0x2f2: {  	v3 =	vadd.s32 v1, v3  }
0x2f3: {  	[tilespmem:s13], [sflag:$0x3] =	stream.indirect_vreg.gather [hbm4b:s5+s3], $0x80, v4, vm0, $0xb8;
	[tilespmem:$0x19000] =	vst v63  }
0x2f4: {  	_ = 	snop  }
0x2f5: {  	[tilespmem:s21], [sflag:$0x3] =	stream.indirect_vreg.gather [hbm4b:s6+s3], $0x80, v4, vm0, $0xb8;
	[tilespmem:$0x19000] =	vst v63  }
0x2f6: {  	_ = 	snop  }
0x2f7: {  	[tilespmem:s23], [sflag:$0x3] =	stream.indirect_vreg.gather [hbm4b:s2+s3], $0x80, v3, vm0, $0xb8;
	[tilespmem:$0x19000] =	vst v63  }
0x2f8: {  	_ = 	snop  }
0x2f9: {  	[tilespmem:s24], [sflag:$0x3] =	stream.indirect_vreg.gather [hbm4b:s4+s3], $0x80, v3, vm0, $0xb8;
	[tilespmem:$0x19000] =	vst v63  }
0x2fa: {  	_ = 	snop  }
0x2fb: {  	[tilespmem:s26], [sflag:$0x3] =	stream.indirect_vreg.gather [hbm4b:s5+s3], $0x80, v3, vm0, $0xb8;
	[tilespmem:$0x19000] =	vst v63  }
0x2fc: {  	_ = 	snop  }
0x2fd: {  	[tilespmem:s12], [sflag:$0x3] =	stream.indirect_vreg.gather [hbm4b:s6+s3], $0x80, v3, vm0, $0xb8;
	[tilespmem:$0x19000] =	vst v63  }
0x2fe: {  	v3 =	vld [tilespmem:$0x1D0];
	_ =	sdelay $0x4  }
0x2ff: {  	v62 =	vshll.u32 v3, $0x3  }
0x300: {  	v3 =	vand.u32 $0x7, v3;
	v4 =	vand.u32 $0xFFFFFFC0, v62  }
0x301: {  	v3 =	vor.u32 v3, v4  }
0x302: {  	v4 =	vperm.xlane v3, v8;
	_ =	sdelay $0x1  }
0x303: {  	v4 =	vadd.s32 v1, v4;
	_ =	sdelay $0x3  }
0x304: {  	s12 =	simm.s32 $0x15000  }
0x305: {  	[tilespmem:s12], [sflag:$0x3] =	stream.indirect_vreg.gather [hbm4b:s2+s3], $0x80, v4, vm0, $0xb8;
	[tilespmem:$0x19000] =	vst v63  }
0x306: {  	s13 =	simm.s32 $0x15800;
	v3 =	vperm.xlane v3, v2  }
0x307: {  	[tilespmem:s13], [sflag:$0x3] =	stream.indirect_vreg.gather [hbm4b:s4+s3], $0x80, v4, vm0, $0xb8;
	[tilespmem:$0x19000] =	vst v63  }
0x308: {  	v3 =	vadd.s32 v1, v3  }
0x309: {  	[tilespmem:s28], [sflag:$0x3] =	stream.indirect_vreg.gather [hbm4b:s5+s3], $0x80, v4, vm0, $0xb8;
	[tilespmem:$0x19000] =	vst v63  }
0x30a: {  	_ = 	snop  }
0x30b: {  	[tilespmem:s29], [sflag:$0x3] =	stream.indirect_vreg.gather [hbm4b:s6+s3], $0x80, v4, vm0, $0xb8;
	[tilespmem:$0x19000] =	vst v63  }
0x30c: {  	_ = 	snop  }
0x30d: {  	[tilespmem:s30], [sflag:$0x3] =	stream.indirect_vreg.gather [hbm4b:s2+s3], $0x80, v3, vm0, $0xb8;
	[tilespmem:$0x19000] =	vst v63  }
0x30e: {  	s29 =	simm.s32 $0x17800  }
0x30f: {  	[tilespmem:s29], [sflag:$0x3] =	stream.indirect_vreg.gather [hbm4b:s4+s3], $0x80, v3, vm0, $0xb8;
	[tilespmem:$0x19000] =	vst v63  }
0x310: {  	s30 =	simm.s32 $0x18000  }
0x311: {  	[tilespmem:s30], [sflag:$0x3] =	stream.indirect_vreg.gather [hbm4b:s5+s3], $0x80, v3, vm0, $0xb8;
	[tilespmem:$0x19000] =	vst v63  }
0x312: {  	s21 =	simm.s32 $0x18800  }
0x313: {  	[tilespmem:s21], [sflag:$0x3] =	stream.indirect_vreg.gather [hbm4b:s6+s3], $0x80, v3, vm0, $0xb8;
	[tilespmem:$0x19000] =	vst v63  }
0x314: {  	_ =	swait.ge [sflag:s20], $0x8000  }
0x315: {  	[sflag:s20] =	ssyncset.done $0x0  }
0x316: {  	s24 =	simm.s32 $0x1000;
	s23 =	rddreg [dreg:$0x13];
	[sflag:s20] =	ssyncadd.s32 $0xFFFF8000  }
0x317: {  	[hbm4b:s23+s3] =	stream.linear.scatter [tilespmem:s24], [sflag:$0x4], $0x8000, $0x38;
	[tilespmem:$0x19000] =	vst v63  }
0x318: {  	_ =	swait.ge [sflag:s7], $0x8000  }
0x319: {  	[sflag:s7] =	ssyncset.done $0x0  }
0x31a: {  	[sflag:s7] =	ssyncadd.s32 $0xFFFF8000  }
0x31b: {  	v3 =	vld [tilespmem:$0x1E0];
	_ =	sdelay $0x4  }
0x31c: {  	v63 =	vshll.u32 v3, $0x3  }
0x31d: {  	v3 =	vand.u32 $0x7, v3;
	v4 =	vand.u32 $0xFFFFFFC0, v63  }
0x31e: {  	v3 =	vor.u32 v3, v4  }
0x31f: {  	v4 =	vperm.xlane v3, v8;
	_ =	sdelay $0x1  }
0x320: {  	v4 =	vadd.s32 v1, v4;
	_ =	sdelay $0x4  }
0x321: {  	[tilespmem:s24], [sflag:$0x1] =	stream.indirect_vreg.gather [hbm4b:s2+s3], $0x80, v4, vm0, $0xb8;
	[tilespmem:$0x19000] =	vst v63  }
0x322: {  	s25 =	simm.s32 $0x1800;
	v3 =	vperm.xlane v3, v2  }
0x323: {  	[tilespmem:s25], [sflag:$0x1] =	stream.indirect_vreg.gather [hbm4b:s4+s3], $0x80, v4, vm0, $0xb8;
	[tilespmem:$0x19000] =	vst v63  }
0x324: {  	s26 =	simm.s32 $0x2000;
	v3 =	vadd.s32 v1, v3  }
0x325: {  	[tilespmem:s26], [sflag:$0x1] =	stream.indirect_vreg.gather [hbm4b:s5+s3], $0x80, v4, vm0, $0xb8;
	[tilespmem:$0x19000] =	vst v63  }
0x326: {  	s28 =	simm.s32 $0x2800  }
0x327: {  	[tilespmem:s28], [sflag:$0x1] =	stream.indirect_vreg.gather [hbm4b:s6+s3], $0x80, v4, vm0, $0xb8;
	[tilespmem:$0x19000] =	vst v63  }
0x328: {  	s12 =	simm.s32 $0x3000  }
0x329: {  	[tilespmem:s12], [sflag:$0x1] =	stream.indirect_vreg.gather [hbm4b:s2+s3], $0x80, v3, vm0, $0xb8;
	[tilespmem:$0x19000] =	vst v63  }
0x32a: {  	_ = 	snop  }
0x32b: {  	[tilespmem:s9], [sflag:$0x1] =	stream.indirect_vreg.gather [hbm4b:s4+s3], $0x80, v3, vm0, $0xb8;
	[tilespmem:$0x19000] =	vst v63  }
0x32c: {  	s11 =	simm.s32 $0x4000  }
0x32d: {  	[tilespmem:s11], [sflag:$0x1] =	stream.indirect_vreg.gather [hbm4b:s5+s3], $0x80, v3, vm0, $0xb8;
	[tilespmem:$0x19000] =	vst v63  }
0x32e: {  	s21 =	simm.s32 $0x4800  }
0x32f: {  	[tilespmem:s21], [sflag:$0x1] =	stream.indirect_vreg.gather [hbm4b:s6+s3], $0x80, v3, vm0, $0xb8;
	[tilespmem:$0x19000] =	vst v63  }
0x330: {  	v3 =	vld [tilespmem:$0x1F0];
	_ =	sdelay $0x4  }
0x331: {  	v12 =	vshll.u32 v3, $0x3  }
0x332: {  	v3 =	vand.u32 $0x7, v3;
	v4 =	vand.u32 $0xFFFFFFC0, v12  }
0x333: {  	v3 =	vor.u32 v3, v4  }
0x334: {  	v4 =	vperm.xlane v3, v8;
	_ =	sdelay $0x1  }
0x335: {  	v4 =	vadd.s32 v1, v4;
	_ =	sdelay $0x3  }
0x336: {  	s23 =	simm.s32 $0x5000  }
0x337: {  	[tilespmem:s23], [sflag:$0x1] =	stream.indirect_vreg.gather [hbm4b:s2+s3], $0x80, v4, vm0, $0xb8;
	[tilespmem:$0x19000] =	vst v63  }
0x338: {  	s24 =	simm.s32 $0x5800;
	v3 =	vperm.xlane v3, v2  }
0x339: {  	[tilespmem:s24], [sflag:$0x1] =	stream.indirect_vreg.gather [hbm4b:s4+s3], $0x80, v4, vm0, $0xb8;
	[tilespmem:$0x19000] =	vst v63  }
0x33a: {  	v3 =	vadd.s32 v1, v3;
	s23 =	simm.s32 $0x6000  }
0x33b: {  	[tilespmem:s23], [sflag:$0x1] =	stream.indirect_vreg.gather [hbm4b:s5+s3], $0x80, v4, vm0, $0xb8;
	[tilespmem:$0x19000] =	vst v63  }
0x33c: {  	s11 =	simm.s32 $0x6800  }
0x33d: {  	[tilespmem:s11], [sflag:$0x1] =	stream.indirect_vreg.gather [hbm4b:s6+s3], $0x80, v4, vm0, $0xb8;
	[tilespmem:$0x19000] =	vst v63  }
0x33e: {  	s25 =	simm.s32 $0x7000  }
0x33f: {  	[tilespmem:s25], [sflag:$0x1] =	stream.indirect_vreg.gather [hbm4b:s2+s3], $0x80, v3, vm0, $0xb8;
	[tilespmem:$0x19000] =	vst v63  }
0x340: {  	s26 =	simm.s32 $0x7800  }
0x341: {  	[tilespmem:s26], [sflag:$0x1] =	stream.indirect_vreg.gather [hbm4b:s4+s3], $0x80, v3, vm0, $0xb8;
	[tilespmem:$0x19000] =	vst v63  }
0x342: {  	s28 =	simm.s32 $0x8000  }
0x343: {  	[tilespmem:s28], [sflag:$0x1] =	stream.indirect_vreg.gather [hbm4b:s5+s3], $0x80, v3, vm0, $0xb8;
	[tilespmem:$0x19000] =	vst v63  }
0x344: {  	s21 =	simm.s32 $0x8800  }
0x345: {  	[tilespmem:s21], [sflag:$0x1] =	stream.indirect_vreg.gather [hbm4b:s6+s3], $0x80, v3, vm0, $0xb8;
	[tilespmem:$0x19000] =	vst v63  }
0x346: {  	_ =	swait.ge [sflag:s22], $0x8000  }
0x347: {  	[sflag:s22] =	ssyncset.done $0x0  }
0x348: {  	s26 =	simm.s32 $0x9000;
	s24 =	rddreg [dreg:$0x14];
	[sflag:s22] =	ssyncadd.s32 $0xFFFF8000  }
0x349: {  	[hbm4b:s24+s3] =	stream.linear.scatter [tilespmem:s26], [sflag:$0x5], $0x8000, $0x38;
	[tilespmem:$0x19000] =	vst v63  }
0x34a: {  	_ =	swait.ge [sflag:s8], $0x8000  }
0x34b: {  	[sflag:s8] =	ssyncset.done $0x0  }
0x34c: {  	[sflag:s8] =	ssyncadd.s32 $0xFFFF8000  }
0x34d: {  	v3 =	vld [tilespmem:$0x200];
	_ =	sdelay $0x4  }
0x34e: {  	v13 =	vshll.u32 v3, $0x3  }
0x34f: {  	v3 =	vand.u32 $0x7, v3;
	v4 =	vand.u32 $0xFFFFFFC0, v13  }
0x350: {  	v3 =	vor.u32 v3, v4  }
0x351: {  	v4 =	vperm.xlane v3, v8;
	_ =	sdelay $0x1  }
0x352: {  	v4 =	vadd.s32 v1, v4;
	_ =	sdelay $0x4  }
0x353: {  	[tilespmem:s26], [sflag:$0x2] =	stream.indirect_vreg.gather [hbm4b:s2+s3], $0x80, v4, vm0, $0xb8;
	[tilespmem:$0x19000] =	vst v63  }
0x354: {  	s28 =	simm.s32 $0x9800;
	v3 =	vperm.xlane v3, v2  }
0x355: {  	[tilespmem:s28], [sflag:$0x2] =	stream.indirect_vreg.gather [hbm4b:s4+s3], $0x80, v4, vm0, $0xb8;
	[tilespmem:$0x19000] =	vst v63  }
0x356: {  	s24 =	simm.s32 $0xA000;
	v3 =	vadd.s32 v1, v3  }
0x357: {  	[tilespmem:s24], [sflag:$0x2] =	stream.indirect_vreg.gather [hbm4b:s5+s3], $0x80, v4, vm0, $0xb8;
	[tilespmem:$0x19000] =	vst v63  }
0x358: {  	_ = 	snop  }
0x359: {  	[tilespmem:s10], [sflag:$0x2] =	stream.indirect_vreg.gather [hbm4b:s6+s3], $0x80, v4, vm0, $0xb8;
	[tilespmem:$0x19000] =	vst v63  }
0x35a: {  	_ = 	snop  }
0x35b: {  	[tilespmem:s14], [sflag:$0x2] =	stream.indirect_vreg.gather [hbm4b:s2+s3], $0x80, v3, vm0, $0xb8;
	[tilespmem:$0x19000] =	vst v63  }
0x35c: {  	_ = 	snop  }
0x35d: {  	[tilespmem:s15], [sflag:$0x2] =	stream.indirect_vreg.gather [hbm4b:s4+s3], $0x80, v3, vm0, $0xb8;
	[tilespmem:$0x19000] =	vst v63  }
0x35e: {  	_ = 	snop  }
0x35f: {  	[tilespmem:s16], [sflag:$0x2] =	stream.indirect_vreg.gather [hbm4b:s5+s3], $0x80, v3, vm0, $0xb8;
	[tilespmem:$0x19000] =	vst v63  }
0x360: {  	s14 =	simm.s32 $0xC800  }
0x361: {  	[tilespmem:s14], [sflag:$0x2] =	stream.indirect_vreg.gather [hbm4b:s6+s3], $0x80, v3, vm0, $0xb8;
	[tilespmem:$0x19000] =	vst v63  }
0x362: {  	v3 =	vld [tilespmem:$0x210];
	_ =	sdelay $0x4  }
0x363: {  	v14 =	vshll.u32 v3, $0x3  }
0x364: {  	v3 =	vand.u32 $0x7, v3;
	v4 =	vand.u32 $0xFFFFFFC0, v14  }
0x365: {  	v3 =	vor.u32 v3, v4  }
0x366: {  	v4 =	vperm.xlane v3, v8;
	_ =	sdelay $0x1  }
0x367: {  	v4 =	vadd.s32 v1, v4;
	_ =	sdelay $0x3  }
0x368: {  	s15 =	simm.s32 $0xD000  }
0x369: {  	[tilespmem:s15], [sflag:$0x2] =	stream.indirect_vreg.gather [hbm4b:s2+s3], $0x80, v4, vm0, $0xb8;
	[tilespmem:$0x19000] =	vst v63  }
0x36a: {  	s16 =	simm.s32 $0xD800;
	v3 =	vperm.xlane v3, v2  }
0x36b: {  	[tilespmem:s16], [sflag:$0x2] =	stream.indirect_vreg.gather [hbm4b:s4+s3], $0x80, v4, vm0, $0xb8;
	[tilespmem:$0x19000] =	vst v63  }
0x36c: {  	v3 =	vadd.s32 v1, v3  }
0x36d: {  	[tilespmem:s17], [sflag:$0x2] =	stream.indirect_vreg.gather [hbm4b:s5+s3], $0x80, v4, vm0, $0xb8;
	[tilespmem:$0x19000] =	vst v63  }
0x36e: {  	_ = 	snop  }
0x36f: {  	[tilespmem:s18], [sflag:$0x2] =	stream.indirect_vreg.gather [hbm4b:s6+s3], $0x80, v4, vm0, $0xb8;
	[tilespmem:$0x19000] =	vst v63  }
0x370: {  	s18 =	simm.s32 $0xF000  }
0x371: {  	[tilespmem:s18], [sflag:$0x2] =	stream.indirect_vreg.gather [hbm4b:s2+s3], $0x80, v3, vm0, $0xb8;
	[tilespmem:$0x19000] =	vst v63  }
0x372: {  	s21 =	simm.s32 $0xF800  }
0x373: {  	[tilespmem:s21], [sflag:$0x2] =	stream.indirect_vreg.gather [hbm4b:s4+s3], $0x80, v3, vm0, $0xb8;
	[tilespmem:$0x19000] =	vst v63  }
0x374: {  	_ = 	snop  }
0x375: {  	[tilespmem:s31], [sflag:$0x2] =	stream.indirect_vreg.gather [hbm4b:s5+s3], $0x80, v3, vm0, $0xb8;
	[tilespmem:$0x19000] =	vst v63  }
0x376: {  	s25 =	simm.s32 $0x10800  }
0x377: {  	[tilespmem:s25], [sflag:$0x2] =	stream.indirect_vreg.gather [hbm4b:s6+s3], $0x80, v3, vm0, $0xb8;
	[tilespmem:$0x19000] =	vst v63  }
0x378: {  	_ =	swait.ge [sflag:s19], $0x8000  }
0x379: {  	[sflag:s19] =	ssyncset.done $0x0  }
0x37a: {  	s9 =	simm.s32 $0x11000;
	s31 =	rddreg [dreg:$0x15];
	[sflag:s19] =	ssyncadd.s32 $0xFFFF8000  }
0x37b: {  	[hbm4b:s31+s3] =	stream.linear.scatter [tilespmem:s9], [sflag:$0x6], $0x8000, $0x38;
	[tilespmem:$0x19000] =	vst v63  }
0x37c: {  	_ =	swait.ge [sflag:s1], $0x8000  }
0x37d: {  	[sflag:s1] =	ssyncset.done $0x0  }
0x37e: {  	[sflag:s1] =	ssyncadd.s32 $0xFFFF8000  }
0x37f: {  	v3 =	vld [tilespmem:$0x220];
	_ =	sdelay $0x4  }
0x380: {  	v15 =	vshll.u32 v3, $0x3  }
0x381: {  	v3 =	vand.u32 $0x7, v3;
	v4 =	vand.u32 $0xFFFFFFC0, v15  }
0x382: {  	v3 =	vor.u32 v3, v4  }
0x383: {  	v4 =	vperm.xlane v3, v8;
	_ =	sdelay $0x1  }
0x384: {  	v4 =	vadd.s32 v1, v4;
	_ =	sdelay $0x4  }
0x385: {  	[tilespmem:s9], [sflag:$0x3] =	stream.indirect_vreg.gather [hbm4b:s2+s3], $0x80, v4, vm0, $0xb8;
	[tilespmem:$0x19000] =	vst v63  }
0x386: {  	s21 =	simm.s32 $0x11800;
	v3 =	vperm.xlane v3, v2  }
0x387: {  	[tilespmem:s21], [sflag:$0x3] =	stream.indirect_vreg.gather [hbm4b:s4+s3], $0x80, v4, vm0, $0xb8;
	[tilespmem:$0x19000] =	vst v63  }
0x388: {  	s16 =	simm.s32 $0x12000;
	v3 =	vadd.s32 v1, v3  }
0x389: {  	[tilespmem:s16], [sflag:$0x3] =	stream.indirect_vreg.gather [hbm4b:s5+s3], $0x80, v4, vm0, $0xb8;
	[tilespmem:$0x19000] =	vst v63  }
0x38a: {  	s17 =	simm.s32 $0x12800  }
0x38b: {  	[tilespmem:s17], [sflag:$0x3] =	stream.indirect_vreg.gather [hbm4b:s6+s3], $0x80, v4, vm0, $0xb8;
	[tilespmem:$0x19000] =	vst v63  }
0x38c: {  	s18 =	simm.s32 $0x13000  }
0x38d: {  	[tilespmem:s18], [sflag:$0x3] =	stream.indirect_vreg.gather [hbm4b:s2+s3], $0x80, v3, vm0, $0xb8;
	[tilespmem:$0x19000] =	vst v63  }
0x38e: {  	s0 =	simm.s32 $0x13800  }
0x38f: {  	[tilespmem:s0], [sflag:$0x3] =	stream.indirect_vreg.gather [hbm4b:s4+s3], $0x80, v3, vm0, $0xb8;
	[tilespmem:$0x19000] =	vst v63  }
0x390: {  	s10 =	simm.s32 $0x14000  }
0x391: {  	[tilespmem:s10], [sflag:$0x3] =	stream.indirect_vreg.gather [hbm4b:s5+s3], $0x80, v3, vm0, $0xb8;
	[tilespmem:$0x19000] =	vst v63  }
0x392: {  	s14 =	simm.s32 $0x14800  }
0x393: {  	[tilespmem:s14], [sflag:$0x3] =	stream.indirect_vreg.gather [hbm4b:s6+s3], $0x80, v3, vm0, $0xb8;
	[tilespmem:$0x19000] =	vst v63  }
0x394: {  	v3 =	vld [tilespmem:$0x230];
	_ =	sdelay $0x4  }
0x395: {  	v16 =	vshll.u32 v3, $0x3  }
0x396: {  	v3 =	vand.u32 $0x7, v3;
	v4 =	vand.u32 $0xFFFFFFC0, v16  }
0x397: {  	v3 =	vor.u32 v3, v4  }
0x398: {  	v4 =	vperm.xlane v3, v8;
	_ =	sdelay $0x1  }
0x399: {  	v4 =	vadd.s32 v1, v4;
	_ =	sdelay $0x3  }
0x39a: {  	s15 =	simm.s32 $0x15000  }
0x39b: {  	[tilespmem:s15], [sflag:$0x3] =	stream.indirect_vreg.gather [hbm4b:s2+s3], $0x80, v4, vm0, $0xb8;
	[tilespmem:$0x19000] =	vst v63  }
0x39c: {  	s25 =	simm.s32 $0x15800;
	v3 =	vperm.xlane v3, v2  }
0x39d: {  	[tilespmem:s25], [sflag:$0x3] =	stream.indirect_vreg.gather [hbm4b:s4+s3], $0x80, v4, vm0, $0xb8;
	[tilespmem:$0x19000] =	vst v63  }
0x39e: {  	s13 =	simm.s32 $0x16000;
	v3 =	vadd.s32 v1, v3  }
0x39f: {  	[tilespmem:s13], [sflag:$0x3] =	stream.indirect_vreg.gather [hbm4b:s5+s3], $0x80, v4, vm0, $0xb8;
	[tilespmem:$0x19000] =	vst v63  }
0x3a0: {  	s14 =	simm.s32 $0x16800  }
0x3a1: {  	[tilespmem:s14], [sflag:$0x3] =	stream.indirect_vreg.gather [hbm4b:s6+s3], $0x80, v4, vm0, $0xb8;
	[tilespmem:$0x19000] =	vst v63  }
0x3a2: {  	s15 =	simm.s32 $0x17000  }
0x3a3: {  	[tilespmem:s15], [sflag:$0x3] =	stream.indirect_vreg.gather [hbm4b:s2+s3], $0x80, v3, vm0, $0xb8;
	[tilespmem:$0x19000] =	vst v63  }
0x3a4: {  	_ = 	snop  }
0x3a5: {  	[tilespmem:s29], [sflag:$0x3] =	stream.indirect_vreg.gather [hbm4b:s4+s3], $0x80, v3, vm0, $0xb8;
	[tilespmem:$0x19000] =	vst v63  }
0x3a6: {  	_ = 	snop  }
0x3a7: {  	[tilespmem:s30], [sflag:$0x3] =	stream.indirect_vreg.gather [hbm4b:s5+s3], $0x80, v3, vm0, $0xb8;
	[tilespmem:$0x19000] =	vst v63  }
0x3a8: {  	s13 =	simm.s32 $0x18800  }
0x3a9: {  	[tilespmem:s13], [sflag:$0x3] =	stream.indirect_vreg.gather [hbm4b:s6+s3], $0x80, v3, vm0, $0xb8;
	[tilespmem:$0x19000] =	vst v63  }
0x3aa: {  	_ =	swait.ge [sflag:s20], $0x8000  }
0x3ab: {  	[sflag:s20] =	ssyncset.done $0x0  }
0x3ac: {  	s30 =	simm.s32 $0x1000;
	s29 =	rddreg [dreg:$0x16];
	[sflag:s20] =	ssyncadd.s32 $0xFFFF8000  }
0x3ad: {  	[hbm4b:s29+s3] =	stream.linear.scatter [tilespmem:s30], [sflag:$0x4], $0x8000, $0x38;
	[tilespmem:$0x19000] =	vst v63  }
0x3ae: {  	_ =	swait.ge [sflag:s7], $0x8000  }
0x3af: {  	[sflag:s7] =	ssyncset.done $0x0  }
0x3b0: {  	[sflag:s7] =	ssyncadd.s32 $0xFFFF8000  }
0x3b1: {  	v3 =	vld [tilespmem:$0x240];
	_ =	sdelay $0x4  }
0x3b2: {  	v17 =	vshll.u32 v3, $0x3  }
0x3b3: {  	v3 =	vand.u32 $0x7, v3;
	v4 =	vand.u32 $0xFFFFFFC0, v17  }
0x3b4: {  	v3 =	vor.u32 v3, v4  }
0x3b5: {  	v4 =	vperm.xlane v3, v8;
	_ =	sdelay $0x1  }
0x3b6: {  	v4 =	vadd.s32 v1, v4;
	_ =	sdelay $0x4  }
0x3b7: {  	[tilespmem:s30], [sflag:$0x1] =	stream.indirect_vreg.gather [hbm4b:s2+s3], $0x80, v4, vm0, $0xb8;
	[tilespmem:$0x19000] =	vst v63  }
0x3b8: {  	s31 =	simm.s32 $0x1800;
	v3 =	vperm.xlane v3, v2  }
0x3b9: {  	[tilespmem:s31], [sflag:$0x1] =	stream.indirect_vreg.gather [hbm4b:s4+s3], $0x80, v4, vm0, $0xb8;
	[tilespmem:$0x19000] =	vst v63  }
0x3ba: {  	s9 =	simm.s32 $0x2000;
	v3 =	vadd.s32 v1, v3  }
0x3bb: {  	[tilespmem:s9], [sflag:$0x1] =	stream.indirect_vreg.gather [hbm4b:s5+s3], $0x80, v4, vm0, $0xb8;
	[tilespmem:$0x19000] =	vst v63  }
0x3bc: {  	s10 =	simm.s32 $0x2800  }
0x3bd: {  	[tilespmem:s10], [sflag:$0x1] =	stream.indirect_vreg.gather [hbm4b:s6+s3], $0x80, v4, vm0, $0xb8;
	[tilespmem:$0x19000] =	vst v63  }
0x3be: {  	_ = 	snop  }
0x3bf: {  	[tilespmem:s12], [sflag:$0x1] =	stream.indirect_vreg.gather [hbm4b:s2+s3], $0x80, v3, vm0, $0xb8;
	[tilespmem:$0x19000] =	vst v63  }
0x3c0: {  	s10 =	simm.s32 $0x3800  }
0x3c1: {  	[tilespmem:s10], [sflag:$0x1] =	stream.indirect_vreg.gather [hbm4b:s4+s3], $0x80, v3, vm0, $0xb8;
	[tilespmem:$0x19000] =	vst v63  }
0x3c2: {  	s12 =	simm.s32 $0x4000  }
0x3c3: {  	[tilespmem:s12], [sflag:$0x1] =	stream.indirect_vreg.gather [hbm4b:s5+s3], $0x80, v3, vm0, $0xb8;
	[tilespmem:$0x19000] =	vst v63  }
0x3c4: {  	s25 =	simm.s32 $0x4800  }
0x3c5: {  	[tilespmem:s25], [sflag:$0x1] =	stream.indirect_vreg.gather [hbm4b:s6+s3], $0x80, v3, vm0, $0xb8;
	[tilespmem:$0x19000] =	vst v63  }
0x3c6: {  	v3 =	vld [tilespmem:$0x250];
	_ =	sdelay $0x4  }
0x3c7: {  	v18 =	vshll.u32 v3, $0x3  }
0x3c8: {  	v3 =	vand.u32 $0x7, v3;
	v4 =	vand.u32 $0xFFFFFFC0, v18  }
0x3c9: {  	v3 =	vor.u32 v3, v4  }
0x3ca: {  	v4 =	vperm.xlane v3, v8;
	_ =	sdelay $0x1  }
0x3cb: {  	v4 =	vadd.s32 v1, v4;
	_ =	sdelay $0x3  }
0x3cc: {  	s29 =	simm.s32 $0x5000  }
0x3cd: {  	[tilespmem:s29], [sflag:$0x1] =	stream.indirect_vreg.gather [hbm4b:s2+s3], $0x80, v4, vm0, $0xb8;
	[tilespmem:$0x19000] =	vst v63  }
0x3ce: {  	s30 =	simm.s32 $0x5800;
	v3 =	vperm.xlane v3, v2  }
0x3cf: {  	[tilespmem:s30], [sflag:$0x1] =	stream.indirect_vreg.gather [hbm4b:s4+s3], $0x80, v4, vm0, $0xb8;
	[tilespmem:$0x19000] =	vst v63  }
0x3d0: {  	v3 =	vadd.s32 v1, v3  }
0x3d1: {  	[tilespmem:s23], [sflag:$0x1] =	stream.indirect_vreg.gather [hbm4b:s5+s3], $0x80, v4, vm0, $0xb8;
	[tilespmem:$0x19000] =	vst v63  }
0x3d2: {  	_ = 	snop  }
0x3d3: {  	[tilespmem:s11], [sflag:$0x1] =	stream.indirect_vreg.gather [hbm4b:s6+s3], $0x80, v4, vm0, $0xb8;
	[tilespmem:$0x19000] =	vst v63  }
0x3d4: {  	s11 =	simm.s32 $0x7000  }
0x3d5: {  	[tilespmem:s11], [sflag:$0x1] =	stream.indirect_vreg.gather [hbm4b:s2+s3], $0x80, v3, vm0, $0xb8;
	[tilespmem:$0x19000] =	vst v63  }
0x3d6: {  	s31 =	simm.s32 $0x7800  }
0x3d7: {  	[tilespmem:s31], [sflag:$0x1] =	stream.indirect_vreg.gather [hbm4b:s4+s3], $0x80, v3, vm0, $0xb8;
	[tilespmem:$0x19000] =	vst v63  }
0x3d8: {  	s12 =	simm.s32 $0x8000  }
0x3d9: {  	[tilespmem:s12], [sflag:$0x1] =	stream.indirect_vreg.gather [hbm4b:s5+s3], $0x80, v3, vm0, $0xb8;
	[tilespmem:$0x19000] =	vst v63  }
0x3da: {  	s9 =	simm.s32 $0x8800  }
0x3db: {  	[tilespmem:s9], [sflag:$0x1] =	stream.indirect_vreg.gather [hbm4b:s6+s3], $0x80, v3, vm0, $0xb8;
	[tilespmem:$0x19000] =	vst v63  }
0x3dc: {  	_ =	swait.ge [sflag:s22], $0x8000  }
0x3dd: {  	[sflag:s22] =	ssyncset.done $0x0  }
0x3de: {  	s29 =	simm.s32 $0x9000;
	s23 =	rddreg [dreg:$0x17];
	[sflag:s22] =	ssyncadd.s32 $0xFFFF8000  }
0x3df: {  	[hbm4b:s23+s3] =	stream.linear.scatter [tilespmem:s29], [sflag:$0x5], $0x8000, $0x38;
	[tilespmem:$0x19000] =	vst v63  }
0x3e0: {  	_ =	swait.ge [sflag:s8], $0x8000  }
0x3e1: {  	[sflag:s8] =	ssyncset.done $0x0  }
0x3e2: {  	[sflag:s8] =	ssyncadd.s32 $0xFFFF8000  }
0x3e3: {  	v3 =	vld [tilespmem:$0x260];
	_ =	sdelay $0x4  }
0x3e4: {  	v19 =	vshll.u32 v3, $0x3  }
0x3e5: {  	v3 =	vand.u32 $0x7, v3;
	v4 =	vand.u32 $0xFFFFFFC0, v19  }
0x3e6: {  	v3 =	vor.u32 v3, v4  }
0x3e7: {  	v4 =	vperm.xlane v3, v8;
	_ =	sdelay $0x1  }
0x3e8: {  	v4 =	vadd.s32 v1, v4;
	_ =	sdelay $0x4  }
0x3e9: {  	[tilespmem:s29], [sflag:$0x2] =	stream.indirect_vreg.gather [hbm4b:s2+s3], $0x80, v4, vm0, $0xb8;
	[tilespmem:$0x19000] =	vst v63  }
0x3ea: {  	s26 =	simm.s32 $0x9800;
	v3 =	vperm.xlane v3, v2  }
0x3eb: {  	[tilespmem:s26], [sflag:$0x2] =	stream.indirect_vreg.gather [hbm4b:s4+s3], $0x80, v4, vm0, $0xb8;
	[tilespmem:$0x19000] =	vst v63  }
0x3ec: {  	v3 =	vadd.s32 v1, v3  }
0x3ed: {  	[tilespmem:s24], [sflag:$0x2] =	stream.indirect_vreg.gather [hbm4b:s5+s3], $0x80, v4, vm0, $0xb8;
	[tilespmem:$0x19000] =	vst v63  }
0x3ee: {  	s9 =	simm.s32 $0xA800  }
0x3ef: {  	[tilespmem:s9], [sflag:$0x2] =	stream.indirect_vreg.gather [hbm4b:s6+s3], $0x80, v4, vm0, $0xb8;
	[tilespmem:$0x19000] =	vst v63  }
0x3f0: {  	s23 =	simm.s32 $0xB000  }
0x3f1: {  	[tilespmem:s23], [sflag:$0x2] =	stream.indirect_vreg.gather [hbm4b:s2+s3], $0x80, v3, vm0, $0xb8;
	[tilespmem:$0x19000] =	vst v63  }
0x3f2: {  	s24 =	simm.s32 $0xB800  }
0x3f3: {  	[tilespmem:s24], [sflag:$0x2] =	stream.indirect_vreg.gather [hbm4b:s4+s3], $0x80, v3, vm0, $0xb8;
	[tilespmem:$0x19000] =	vst v63  }
0x3f4: {  	s26 =	simm.s32 $0xC000  }
0x3f5: {  	[tilespmem:s26], [sflag:$0x2] =	stream.indirect_vreg.gather [hbm4b:s5+s3], $0x80, v3, vm0, $0xb8;
	[tilespmem:$0x19000] =	vst v63  }
0x3f6: {  	s28 =	simm.s32 $0xC800  }
0x3f7: {  	[tilespmem:s28], [sflag:$0x2] =	stream.indirect_vreg.gather [hbm4b:s6+s3], $0x80, v3, vm0, $0xb8;
	[tilespmem:$0x19000] =	vst v63  }
0x3f8: {  	v3 =	vld [tilespmem:$0x270];
	_ =	sdelay $0x4  }
0x3f9: {  	v20 =	vshll.u32 v3, $0x3  }
0x3fa: {  	v3 =	vand.u32 $0x7, v3;
	v4 =	vand.u32 $0xFFFFFFC0, v20  }
0x3fb: {  	v3 =	vor.u32 v3, v4  }
0x3fc: {  	v4 =	vperm.xlane v3, v8;
	_ =	sdelay $0x1  }
0x3fd: {  	v4 =	vadd.s32 v1, v4;
	_ =	sdelay $0x3  }
0x3fe: {  	s30 =	simm.s32 $0xD000  }
0x3ff: {  	[tilespmem:s30], [sflag:$0x2] =	stream.indirect_vreg.gather [hbm4b:s2+s3], $0x80, v4, vm0, $0xb8;
	[tilespmem:$0x19000] =	vst v63  }
0x400: {  	s31 =	simm.s32 $0xD800;
	v3 =	vperm.xlane v3, v2  }
0x401: {  	[tilespmem:s31], [sflag:$0x2] =	stream.indirect_vreg.gather [hbm4b:s4+s3], $0x80, v4, vm0, $0xb8;
	[tilespmem:$0x19000] =	vst v63  }
0x402: {  	s28 =	simm.s32 $0xE000;
	v3 =	vadd.s32 v1, v3  }
0x403: {  	[tilespmem:s28], [sflag:$0x2] =	stream.indirect_vreg.gather [hbm4b:s5+s3], $0x80, v4, vm0, $0xb8;
	[tilespmem:$0x19000] =	vst v63  }
0x404: {  	s29 =	simm.s32 $0xE800  }
0x405: {  	[tilespmem:s29], [sflag:$0x2] =	stream.indirect_vreg.gather [hbm4b:s6+s3], $0x80, v4, vm0, $0xb8;
	[tilespmem:$0x19000] =	vst v63  }
0x406: {  	s30 =	simm.s32 $0xF000  }
0x407: {  	[tilespmem:s30], [sflag:$0x2] =	stream.indirect_vreg.gather [hbm4b:s2+s3], $0x80, v3, vm0, $0xb8;
	[tilespmem:$0x19000] =	vst v63  }
0x408: {  	s31 =	simm.s32 $0xF800  }
0x409: {  	[tilespmem:s31], [sflag:$0x2] =	stream.indirect_vreg.gather [hbm4b:s4+s3], $0x80, v3, vm0, $0xb8;
	[tilespmem:$0x19000] =	vst v63  }
0x40a: {  	s25 =	simm.s32 $0x10000  }
0x40b: {  	[tilespmem:s25], [sflag:$0x2] =	stream.indirect_vreg.gather [hbm4b:s5+s3], $0x80, v3, vm0, $0xb8;
	[tilespmem:$0x19000] =	vst v63  }
0x40c: {  	s25 =	simm.s32 $0x10800  }
0x40d: {  	[tilespmem:s25], [sflag:$0x2] =	stream.indirect_vreg.gather [hbm4b:s6+s3], $0x80, v3, vm0, $0xb8;
	[tilespmem:$0x19000] =	vst v63  }
0x40e: {  	_ =	swait.ge [sflag:s19], $0x8000  }
0x40f: {  	[sflag:s19] =	ssyncset.done $0x0  }
0x410: {  	s0 =	simm.s32 $0x11000;
	s25 =	rddreg [dreg:$0x18];
	[sflag:s19] =	ssyncadd.s32 $0xFFFF8000  }
0x411: {  	[hbm4b:s25+s3] =	stream.linear.scatter [tilespmem:s0], [sflag:$0x6], $0x8000, $0x38;
	[tilespmem:$0x19000] =	vst v63  }
0x412: {  	_ =	swait.ge [sflag:s1], $0x8000  }
0x413: {  	[sflag:s1] =	ssyncset.done $0x0  }
0x414: {  	[sflag:s1] =	ssyncadd.s32 $0xFFFF8000  }
0x415: {  	v3 =	vld [tilespmem:$0x280];
	_ =	sdelay $0x4  }
0x416: {  	v21 =	vshll.u32 v3, $0x3  }
0x417: {  	v3 =	vand.u32 $0x7, v3;
	v4 =	vand.u32 $0xFFFFFFC0, v21  }
0x418: {  	v3 =	vor.u32 v3, v4  }
0x419: {  	v4 =	vperm.xlane v3, v8;
	_ =	sdelay $0x1  }
0x41a: {  	v4 =	vadd.s32 v1, v4;
	_ =	sdelay $0x4  }
0x41b: {  	[tilespmem:s0], [sflag:$0x3] =	stream.indirect_vreg.gather [hbm4b:s2+s3], $0x80, v4, vm0, $0xb8;
	[tilespmem:$0x19000] =	vst v63  }
0x41c: {  	v3 =	vperm.xlane v3, v2  }
0x41d: {  	[tilespmem:s21], [sflag:$0x3] =	stream.indirect_vreg.gather [hbm4b:s4+s3], $0x80, v4, vm0, $0xb8;
	[tilespmem:$0x19000] =	vst v63  }
0x41e: {  	v3 =	vadd.s32 v1, v3  }
0x41f: {  	[tilespmem:s16], [sflag:$0x3] =	stream.indirect_vreg.gather [hbm4b:s5+s3], $0x80, v4, vm0, $0xb8;
	[tilespmem:$0x19000] =	vst v63  }
0x420: {  	_ = 	snop  }
0x421: {  	[tilespmem:s17], [sflag:$0x3] =	stream.indirect_vreg.gather [hbm4b:s6+s3], $0x80, v4, vm0, $0xb8;
	[tilespmem:$0x19000] =	vst v63  }
0x422: {  	_ = 	snop  }
0x423: {  	[tilespmem:s18], [sflag:$0x3] =	stream.indirect_vreg.gather [hbm4b:s2+s3], $0x80, v3, vm0, $0xb8;
	[tilespmem:$0x19000] =	vst v63  }
0x424: {  	s21 =	simm.s32 $0x13800  }
0x425: {  	[tilespmem:s21], [sflag:$0x3] =	stream.indirect_vreg.gather [hbm4b:s4+s3], $0x80, v3, vm0, $0xb8;
	[tilespmem:$0x19000] =	vst v63  }
0x426: {  	s0 =	simm.s32 $0x14000  }
0x427: {  	[tilespmem:s0], [sflag:$0x3] =	stream.indirect_vreg.gather [hbm4b:s5+s3], $0x80, v3, vm0, $0xb8;
	[tilespmem:$0x19000] =	vst v63  }
0x428: {  	s25 =	simm.s32 $0x14800  }
0x429: {  	[tilespmem:s25], [sflag:$0x3] =	stream.indirect_vreg.gather [hbm4b:s6+s3], $0x80, v3, vm0, $0xb8;
	[tilespmem:$0x19000] =	vst v63  }
0x42a: {  	v3 =	vld [tilespmem:$0x290];
	_ =	sdelay $0x4  }
0x42b: {  	v22 =	vshll.u32 v3, $0x3  }
0x42c: {  	v3 =	vand.u32 $0x7, v3;
	v4 =	vand.u32 $0xFFFFFFC0, v22  }
0x42d: {  	v3 =	vor.u32 v3, v4  }
0x42e: {  	v4 =	vperm.xlane v3, v8;
	_ =	sdelay $0x1  }
0x42f: {  	v4 =	vadd.s32 v1, v4;
	_ =	sdelay $0x3  }
0x430: {  	s17 =	simm.s32 $0x15000  }
0x431: {  	[tilespmem:s17], [sflag:$0x3] =	stream.indirect_vreg.gather [hbm4b:s2+s3], $0x80, v4, vm0, $0xb8;
	[tilespmem:$0x19000] =	vst v63  }
0x432: {  	s21 =	simm.s32 $0x15800;
	v3 =	vperm.xlane v3, v2  }
0x433: {  	[tilespmem:s21], [sflag:$0x3] =	stream.indirect_vreg.gather [hbm4b:s4+s3], $0x80, v4, vm0, $0xb8;
	[tilespmem:$0x19000] =	vst v63  }
0x434: {  	s25 =	simm.s32 $0x16000;
	v3 =	vadd.s32 v1, v3  }
0x435: {  	[tilespmem:s25], [sflag:$0x3] =	stream.indirect_vreg.gather [hbm4b:s5+s3], $0x80, v4, vm0, $0xb8;
	[tilespmem:$0x19000] =	vst v63  }
0x436: {  	_ = 	snop  }
0x437: {  	[tilespmem:s14], [sflag:$0x3] =	stream.indirect_vreg.gather [hbm4b:s6+s3], $0x80, v4, vm0, $0xb8;
	[tilespmem:$0x19000] =	vst v63  }
0x438: {  	_ = 	snop  }
0x439: {  	[tilespmem:s15], [sflag:$0x3] =	stream.indirect_vreg.gather [hbm4b:s2+s3], $0x80, v3, vm0, $0xb8;
	[tilespmem:$0x19000] =	vst v63  }
0x43a: {  	s15 =	simm.s32 $0x17800  }
0x43b: {  	[tilespmem:s15], [sflag:$0x3] =	stream.indirect_vreg.gather [hbm4b:s4+s3], $0x80, v3, vm0, $0xb8;
	[tilespmem:$0x19000] =	vst v63  }
0x43c: {  	s16 =	simm.s32 $0x18000  }
0x43d: {  	[tilespmem:s16], [sflag:$0x3] =	stream.indirect_vreg.gather [hbm4b:s5+s3], $0x80, v3, vm0, $0xb8;
	[tilespmem:$0x19000] =	vst v63  }
0x43e: {  	_ = 	snop  }
0x43f: {  	[tilespmem:s13], [sflag:$0x3] =	stream.indirect_vreg.gather [hbm4b:s6+s3], $0x80, v3, vm0, $0xb8;
	[tilespmem:$0x19000] =	vst v63  }
0x440: {  	_ =	swait.ge [sflag:s20], $0x8000  }
0x441: {  	[sflag:s20] =	ssyncset.done $0x0  }
0x442: {  	s21 =	simm.s32 $0x1000;
	s17 =	rddreg [dreg:$0x19];
	[sflag:s20] =	ssyncadd.s32 $0xFFFF8000  }
0x443: {  	[hbm4b:s17+s3] =	stream.linear.scatter [tilespmem:s21], [sflag:$0x4], $0x8000, $0x38;
	[tilespmem:$0x19000] =	vst v63  }
0x444: {  	_ =	swait.ge [sflag:s7], $0x8000  }
0x445: {  	[sflag:s7] =	ssyncset.done $0x0  }
0x446: {  	[sflag:s7] =	ssyncadd.s32 $0xFFFF8000  }
0x447: {  	v3 =	vld [tilespmem:$0x2A0];
	_ =	sdelay $0x4  }
0x448: {  	v23 =	vshll.u32 v3, $0x3  }
0x449: {  	v3 =	vand.u32 $0x7, v3;
	v4 =	vand.u32 $0xFFFFFFC0, v23  }
0x44a: {  	v3 =	vor.u32 v3, v4  }
0x44b: {  	v4 =	vperm.xlane v3, v8;
	_ =	sdelay $0x1  }
0x44c: {  	v4 =	vadd.s32 v1, v4;
	_ =	sdelay $0x4  }
0x44d: {  	[tilespmem:s21], [sflag:$0x1] =	stream.indirect_vreg.gather [hbm4b:s2+s3], $0x80, v4, vm0, $0xb8;
	[tilespmem:$0x19000] =	vst v63  }
0x44e: {  	s25 =	simm.s32 $0x1800;
	v3 =	vperm.xlane v3, v2  }
0x44f: {  	[tilespmem:s25], [sflag:$0x1] =	stream.indirect_vreg.gather [hbm4b:s4+s3], $0x80, v4, vm0, $0xb8;
	[tilespmem:$0x19000] =	vst v63  }
0x450: {  	s14 =	simm.s32 $0x2000;
	v3 =	vadd.s32 v1, v3  }
0x451: {  	[tilespmem:s14], [sflag:$0x1] =	stream.indirect_vreg.gather [hbm4b:s5+s3], $0x80, v4, vm0, $0xb8;
	[tilespmem:$0x19000] =	vst v63  }
0x452: {  	s15 =	simm.s32 $0x2800  }
0x453: {  	[tilespmem:s15], [sflag:$0x1] =	stream.indirect_vreg.gather [hbm4b:s6+s3], $0x80, v4, vm0, $0xb8;
	[tilespmem:$0x19000] =	vst v63  }
0x454: {  	s14 =	simm.s32 $0x3000  }
0x455: {  	[tilespmem:s14], [sflag:$0x1] =	stream.indirect_vreg.gather [hbm4b:s2+s3], $0x80, v3, vm0, $0xb8;
	[tilespmem:$0x19000] =	vst v63  }
0x456: {  	_ = 	snop  }
0x457: {  	[tilespmem:s10], [sflag:$0x1] =	stream.indirect_vreg.gather [hbm4b:s4+s3], $0x80, v3, vm0, $0xb8;
	[tilespmem:$0x19000] =	vst v63  }
0x458: {  	s16 =	simm.s32 $0x4000  }
0x459: {  	[tilespmem:s16], [sflag:$0x1] =	stream.indirect_vreg.gather [hbm4b:s5+s3], $0x80, v3, vm0, $0xb8;
	[tilespmem:$0x19000] =	vst v63  }
0x45a: {  	s17 =	simm.s32 $0x4800  }
0x45b: {  	[tilespmem:s17], [sflag:$0x1] =	stream.indirect_vreg.gather [hbm4b:s6+s3], $0x80, v3, vm0, $0xb8;
	[tilespmem:$0x19000] =	vst v63  }
0x45c: {  	v3 =	vld [tilespmem:$0x2B0];
	_ =	sdelay $0x4  }
0x45d: {  	v24 =	vshll.u32 v3, $0x3  }
0x45e: {  	v3 =	vand.u32 $0x7, v3;
	v4 =	vand.u32 $0xFFFFFFC0, v24  }
0x45f: {  	v3 =	vor.u32 v3, v4  }
0x460: {  	v4 =	vperm.xlane v3, v8;
	_ =	sdelay $0x1  }
0x461: {  	v4 =	vadd.s32 v1, v4;
	_ =	sdelay $0x3  }
0x462: {  	s21 =	simm.s32 $0x5000  }
0x463: {  	[tilespmem:s21], [sflag:$0x1] =	stream.indirect_vreg.gather [hbm4b:s2+s3], $0x80, v4, vm0, $0xb8;
	[tilespmem:$0x19000] =	vst v63  }
0x464: {  	s25 =	simm.s32 $0x5800;
	v3 =	vperm.xlane v3, v2  }
0x465: {  	[tilespmem:s25], [sflag:$0x1] =	stream.indirect_vreg.gather [hbm4b:s4+s3], $0x80, v4, vm0, $0xb8;
	[tilespmem:$0x19000] =	vst v63  }
0x466: {  	s15 =	simm.s32 $0x6000;
	v3 =	vadd.s32 v1, v3  }
0x467: {  	[tilespmem:s15], [sflag:$0x1] =	stream.indirect_vreg.gather [hbm4b:s5+s3], $0x80, v4, vm0, $0xb8;
	[tilespmem:$0x19000] =	vst v63  }
0x468: {  	s16 =	simm.s32 $0x6800  }
0x469: {  	[tilespmem:s16], [sflag:$0x1] =	stream.indirect_vreg.gather [hbm4b:s6+s3], $0x80, v4, vm0, $0xb8;
	[tilespmem:$0x19000] =	vst v63  }
0x46a: {  	_ = 	snop  }
0x46b: {  	[tilespmem:s11], [sflag:$0x1] =	stream.indirect_vreg.gather [hbm4b:s2+s3], $0x80, v3, vm0, $0xb8;
	[tilespmem:$0x19000] =	vst v63  }
0x46c: {  	s11 =	simm.s32 $0x7800  }
0x46d: {  	[tilespmem:s11], [sflag:$0x1] =	stream.indirect_vreg.gather [hbm4b:s4+s3], $0x80, v3, vm0, $0xb8;
	[tilespmem:$0x19000] =	vst v63  }
0x46e: {  	_ = 	snop  }
0x46f: {  	[tilespmem:s12], [sflag:$0x1] =	stream.indirect_vreg.gather [hbm4b:s5+s3], $0x80, v3, vm0, $0xb8;
	[tilespmem:$0x19000] =	vst v63  }
0x470: {  	s13 =	simm.s32 $0x8800  }
0x471: {  	[tilespmem:s13], [sflag:$0x1] =	stream.indirect_vreg.gather [hbm4b:s6+s3], $0x80, v3, vm0, $0xb8;
	[tilespmem:$0x19000] =	vst v63  }
0x472: {  	_ =	swait.ge [sflag:s22], $0x8000  }
0x473: {  	[sflag:s22] =	ssyncset.done $0x0  }
0x474: {  	s21 =	simm.s32 $0x9000;
	s17 =	rddreg [dreg:$0x1a];
	[sflag:s22] =	ssyncadd.s32 $0xFFFF8000  }
0x475: {  	[hbm4b:s17+s3] =	stream.linear.scatter [tilespmem:s21], [sflag:$0x5], $0x8000, $0x38;
	[tilespmem:$0x19000] =	vst v63  }
0x476: {  	_ =	swait.ge [sflag:s8], $0x8000  }
0x477: {  	[sflag:s8] =	ssyncset.done $0x0  }
0x478: {  	[sflag:s8] =	ssyncadd.s32 $0xFFFF8000  }
0x479: {  	v3 =	vld [tilespmem:$0x2C0];
	_ =	sdelay $0x4  }
0x47a: {  	v25 =	vshll.u32 v3, $0x3  }
0x47b: {  	v3 =	vand.u32 $0x7, v3;
	v4 =	vand.u32 $0xFFFFFFC0, v25  }
0x47c: {  	v3 =	vor.u32 v3, v4  }
0x47d: {  	v4 =	vperm.xlane v3, v8;
	_ =	sdelay $0x1  }
0x47e: {  	v4 =	vadd.s32 v1, v4;
	_ =	sdelay $0x4  }
0x47f: {  	[tilespmem:s21], [sflag:$0x2] =	stream.indirect_vreg.gather [hbm4b:s2+s3], $0x80, v4, vm0, $0xb8;
	[tilespmem:$0x19000] =	vst v63  }
0x480: {  	v3 =	vperm.xlane v3, v2;
	s21 =	simm.s32 $0x9800  }
0x481: {  	[tilespmem:s21], [sflag:$0x2] =	stream.indirect_vreg.gather [hbm4b:s4+s3], $0x80, v4, vm0, $0xb8;
	[tilespmem:$0x19000] =	vst v63  }
0x482: {  	s10 =	simm.s32 $0xA000;
	v3 =	vadd.s32 v1, v3  }
0x483: {  	[tilespmem:s10], [sflag:$0x2] =	stream.indirect_vreg.gather [hbm4b:s5+s3], $0x80, v4, vm0, $0xb8;
	[tilespmem:$0x19000] =	vst v63  }
0x484: {  	_ = 	snop  }
0x485: {  	[tilespmem:s9], [sflag:$0x2] =	stream.indirect_vreg.gather [hbm4b:s6+s3], $0x80, v4, vm0, $0xb8;
	[tilespmem:$0x19000] =	vst v63  }
0x486: {  	_ = 	snop  }
0x487: {  	[tilespmem:s23], [sflag:$0x2] =	stream.indirect_vreg.gather [hbm4b:s2+s3], $0x80, v3, vm0, $0xb8;
	[tilespmem:$0x19000] =	vst v63  }
0x488: {  	_ = 	snop  }
0x489: {  	[tilespmem:s24], [sflag:$0x2] =	stream.indirect_vreg.gather [hbm4b:s4+s3], $0x80, v3, vm0, $0xb8;
	[tilespmem:$0x19000] =	vst v63  }
0x48a: {  	_ = 	snop  }
0x48b: {  	[tilespmem:s26], [sflag:$0x2] =	stream.indirect_vreg.gather [hbm4b:s5+s3], $0x80, v3, vm0, $0xb8;
	[tilespmem:$0x19000] =	vst v63  }
0x48c: {  	s23 =	simm.s32 $0xC800  }
0x48d: {  	[tilespmem:s23], [sflag:$0x2] =	stream.indirect_vreg.gather [hbm4b:s6+s3], $0x80, v3, vm0, $0xb8;
	[tilespmem:$0x19000] =	vst v63  }
0x48e: {  	v3 =	vld [tilespmem:$0x2D0];
	_ =	sdelay $0x4  }
0x48f: {  	v26 =	vshll.u32 v3, $0x3  }
0x490: {  	v3 =	vand.u32 $0x7, v3;
	v4 =	vand.u32 $0xFFFFFFC0, v26  }
0x491: {  	v3 =	vor.u32 v3, v4  }
0x492: {  	v4 =	vperm.xlane v3, v8;
	_ =	sdelay $0x1  }
0x493: {  	v4 =	vadd.s32 v1, v4;
	_ =	sdelay $0x3  }
0x494: {  	s25 =	simm.s32 $0xD000  }
0x495: {  	[tilespmem:s25], [sflag:$0x2] =	stream.indirect_vreg.gather [hbm4b:s2+s3], $0x80, v4, vm0, $0xb8;
	[tilespmem:$0x19000] =	vst v63  }
0x496: {  	s26 =	simm.s32 $0xD800;
	v3 =	vperm.xlane v3, v2  }
0x497: {  	[tilespmem:s26], [sflag:$0x2] =	stream.indirect_vreg.gather [hbm4b:s4+s3], $0x80, v4, vm0, $0xb8;
	[tilespmem:$0x19000] =	vst v63  }
0x498: {  	v3 =	vadd.s32 v1, v3  }
0x499: {  	[tilespmem:s28], [sflag:$0x2] =	stream.indirect_vreg.gather [hbm4b:s5+s3], $0x80, v4, vm0, $0xb8;
	[tilespmem:$0x19000] =	vst v63  }
0x49a: {  	_ = 	snop  }
0x49b: {  	[tilespmem:s29], [sflag:$0x2] =	stream.indirect_vreg.gather [hbm4b:s6+s3], $0x80, v4, vm0, $0xb8;
	[tilespmem:$0x19000] =	vst v63  }
0x49c: {  	_ = 	snop  }
0x49d: {  	[tilespmem:s30], [sflag:$0x2] =	stream.indirect_vreg.gather [hbm4b:s2+s3], $0x80, v3, vm0, $0xb8;
	[tilespmem:$0x19000] =	vst v63  }
0x49e: {  	_ = 	snop  }
0x49f: {  	[tilespmem:s31], [sflag:$0x2] =	stream.indirect_vreg.gather [hbm4b:s4+s3], $0x80, v3, vm0, $0xb8;
	[tilespmem:$0x19000] =	vst v63  }
0x4a0: {  	s30 =	simm.s32 $0x10000  }
0x4a1: {  	[tilespmem:s30], [sflag:$0x2] =	stream.indirect_vreg.gather [hbm4b:s5+s3], $0x80, v3, vm0, $0xb8;
	[tilespmem:$0x19000] =	vst v63  }
0x4a2: {  	s31 =	simm.s32 $0x10800  }
0x4a3: {  	[tilespmem:s31], [sflag:$0x2] =	stream.indirect_vreg.gather [hbm4b:s6+s3], $0x80, v3, vm0, $0xb8;
	[tilespmem:$0x19000] =	vst v63  }
0x4a4: {  	_ =	swait.ge [sflag:s19], $0x8000  }
0x4a5: {  	[sflag:s19] =	ssyncset.done $0x0  }
0x4a6: {  	s12 =	simm.s32 $0x11000;
	s11 =	rddreg [dreg:$0x1b];
	[sflag:s19] =	ssyncadd.s32 $0xFFFF8000  }
0x4a7: {  	[hbm4b:s11+s3] =	stream.linear.scatter [tilespmem:s12], [sflag:$0x6], $0x8000, $0x38;
	[tilespmem:$0x19000] =	vst v63  }
0x4a8: {  	_ =	swait.ge [sflag:s1], $0x8000  }
0x4a9: {  	[sflag:s1] =	ssyncset.done $0x0  }
0x4aa: {  	[sflag:s1] =	ssyncadd.s32 $0xFFFF8000  }
0x4ab: {  	v3 =	vld [tilespmem:$0x2E0];
	_ =	sdelay $0x4  }
0x4ac: {  	v27 =	vshll.u32 v3, $0x3  }
0x4ad: {  	v3 =	vand.u32 $0x7, v3;
	v4 =	vand.u32 $0xFFFFFFC0, v27  }
0x4ae: {  	v3 =	vor.u32 v3, v4  }
0x4af: {  	v4 =	vperm.xlane v3, v8;
	_ =	sdelay $0x1  }
0x4b0: {  	v4 =	vadd.s32 v1, v4;
	_ =	sdelay $0x4  }
0x4b1: {  	[tilespmem:s12], [sflag:$0x3] =	stream.indirect_vreg.gather [hbm4b:s2+s3], $0x80, v4, vm0, $0xb8;
	[tilespmem:$0x19000] =	vst v63  }
0x4b2: {  	s17 =	simm.s32 $0x11800;
	v3 =	vperm.xlane v3, v2  }
0x4b3: {  	[tilespmem:s17], [sflag:$0x3] =	stream.indirect_vreg.gather [hbm4b:s4+s3], $0x80, v4, vm0, $0xb8;
	[tilespmem:$0x19000] =	vst v63  }
0x4b4: {  	s26 =	simm.s32 $0x12000;
	v3 =	vadd.s32 v1, v3  }
0x4b5: {  	[tilespmem:s26], [sflag:$0x3] =	stream.indirect_vreg.gather [hbm4b:s5+s3], $0x80, v4, vm0, $0xb8;
	[tilespmem:$0x19000] =	vst v63  }
0x4b6: {  	s28 =	simm.s32 $0x12800  }
0x4b7: {  	[tilespmem:s28], [sflag:$0x3] =	stream.indirect_vreg.gather [hbm4b:s6+s3], $0x80, v4, vm0, $0xb8;
	[tilespmem:$0x19000] =	vst v63  }
0x4b8: {  	s18 =	simm.s32 $0x13000  }
0x4b9: {  	[tilespmem:s18], [sflag:$0x3] =	stream.indirect_vreg.gather [hbm4b:s2+s3], $0x80, v3, vm0, $0xb8;
	[tilespmem:$0x19000] =	vst v63  }
0x4ba: {  	s31 =	simm.s32 $0x13800  }
0x4bb: {  	[tilespmem:s31], [sflag:$0x3] =	stream.indirect_vreg.gather [hbm4b:s4+s3], $0x80, v3, vm0, $0xb8;
	[tilespmem:$0x19000] =	vst v63  }
0x4bc: {  	_ = 	snop  }
0x4bd: {  	[tilespmem:s0], [sflag:$0x3] =	stream.indirect_vreg.gather [hbm4b:s5+s3], $0x80, v3, vm0, $0xb8;
	[tilespmem:$0x19000] =	vst v63  }
0x4be: {  	s12 =	simm.s32 $0x14800  }
0x4bf: {  	[tilespmem:s12], [sflag:$0x3] =	stream.indirect_vreg.gather [hbm4b:s6+s3], $0x80, v3, vm0, $0xb8;
	[tilespmem:$0x19000] =	vst v63  }
0x4c0: {  	v3 =	vld [tilespmem:$0x2F0];
	_ =	sdelay $0x4  }
0x4c1: {  	v28 =	vshll.u32 v3, $0x3  }
0x4c2: {  	v3 =	vand.u32 $0x7, v3;
	v4 =	vand.u32 $0xFFFFFFC0, v28  }
0x4c3: {  	v3 =	vor.u32 v3, v4  }
0x4c4: {  	v4 =	vperm.xlane v3, v8;
	_ =	sdelay $0x1  }
0x4c5: {  	v4 =	vadd.s32 v1, v4;
	_ =	sdelay $0x3  }
0x4c6: {  	s13 =	simm.s32 $0x15000  }
0x4c7: {  	[tilespmem:s13], [sflag:$0x3] =	stream.indirect_vreg.gather [hbm4b:s2+s3], $0x80, v4, vm0, $0xb8;
	[tilespmem:$0x19000] =	vst v63  }
0x4c8: {  	s18 =	simm.s32 $0x15800;
	v3 =	vperm.xlane v3, v2  }
0x4c9: {  	[tilespmem:s18], [sflag:$0x3] =	stream.indirect_vreg.gather [hbm4b:s4+s3], $0x80, v4, vm0, $0xb8;
	[tilespmem:$0x19000] =	vst v63  }
0x4ca: {  	s24 =	simm.s32 $0x16000;
	v3 =	vadd.s32 v1, v3  }
0x4cb: {  	[tilespmem:s24], [sflag:$0x3] =	stream.indirect_vreg.gather [hbm4b:s5+s3], $0x80, v4, vm0, $0xb8;
	[tilespmem:$0x19000] =	vst v63  }
0x4cc: {  	s29 =	simm.s32 $0x16800  }
0x4cd: {  	[tilespmem:s29], [sflag:$0x3] =	stream.indirect_vreg.gather [hbm4b:s6+s3], $0x80, v4, vm0, $0xb8;
	[tilespmem:$0x19000] =	vst v63  }
0x4ce: {  	s30 =	simm.s32 $0x17000  }
0x4cf: {  	[tilespmem:s30], [sflag:$0x3] =	stream.indirect_vreg.gather [hbm4b:s2+s3], $0x80, v3, vm0, $0xb8;
	[tilespmem:$0x19000] =	vst v63  }
0x4d0: {  	s13 =	simm.s32 $0x17800  }
0x4d1: {  	[tilespmem:s13], [sflag:$0x3] =	stream.indirect_vreg.gather [hbm4b:s4+s3], $0x80, v3, vm0, $0xb8;
	[tilespmem:$0x19000] =	vst v63  }
0x4d2: {  	s18 =	simm.s32 $0x18000  }
0x4d3: {  	[tilespmem:s18], [sflag:$0x3] =	stream.indirect_vreg.gather [hbm4b:s5+s3], $0x80, v3, vm0, $0xb8;
	[tilespmem:$0x19000] =	vst v63  }
0x4d4: {  	s25 =	simm.s32 $0x18800  }
0x4d5: {  	[tilespmem:s25], [sflag:$0x3] =	stream.indirect_vreg.gather [hbm4b:s6+s3], $0x80, v3, vm0, $0xb8;
	[tilespmem:$0x19000] =	vst v63  }
0x4d6: {  	_ =	swait.ge [sflag:s20], $0x8000  }
0x4d7: {  	[sflag:s20] =	ssyncset.done $0x0  }
0x4d8: {  	s11 =	simm.s32 $0x1000;
	s0 =	rddreg [dreg:$0x1c];
	[sflag:s20] =	ssyncadd.s32 $0xFFFF8000  }
0x4d9: {  	[hbm4b:s0+s3] =	stream.linear.scatter [tilespmem:s11], [sflag:$0x4], $0x8000, $0x38;
	[tilespmem:$0x19000] =	vst v63  }
0x4da: {  	_ =	swait.ge [sflag:s7], $0x8000  }
0x4db: {  	[sflag:s7] =	ssyncset.done $0x0  }
0x4dc: {  	[sflag:s7] =	ssyncadd.s32 $0xFFFF8000  }
0x4dd: {  	v3 =	vld [tilespmem:$0x300];
	_ =	sdelay $0x4  }
0x4de: {  	v29 =	vshll.u32 v3, $0x3  }
0x4df: {  	v3 =	vand.u32 $0x7, v3;
	v4 =	vand.u32 $0xFFFFFFC0, v29  }
0x4e0: {  	v3 =	vor.u32 v3, v4  }
0x4e1: {  	v4 =	vperm.xlane v3, v8;
	_ =	sdelay $0x1  }
0x4e2: {  	v4 =	vadd.s32 v1, v4;
	_ =	sdelay $0x4  }
0x4e3: {  	[tilespmem:s11], [sflag:$0x1] =	stream.indirect_vreg.gather [hbm4b:s2+s3], $0x80, v4, vm0, $0xb8;
	[tilespmem:$0x19000] =	vst v63  }
0x4e4: {  	s24 =	simm.s32 $0x1800;
	v3 =	vperm.xlane v3, v2  }
0x4e5: {  	[tilespmem:s24], [sflag:$0x1] =	stream.indirect_vreg.gather [hbm4b:s4+s3], $0x80, v4, vm0, $0xb8;
	[tilespmem:$0x19000] =	vst v63  }
0x4e6: {  	s25 =	simm.s32 $0x2000;
	v3 =	vadd.s32 v1, v3  }
0x4e7: {  	[tilespmem:s25], [sflag:$0x1] =	stream.indirect_vreg.gather [hbm4b:s5+s3], $0x80, v4, vm0, $0xb8;
	[tilespmem:$0x19000] =	vst v63  }
0x4e8: {  	s11 =	simm.s32 $0x2800  }
0x4e9: {  	[tilespmem:s11], [sflag:$0x1] =	stream.indirect_vreg.gather [hbm4b:s6+s3], $0x80, v4, vm0, $0xb8;
	[tilespmem:$0x19000] =	vst v63  }
0x4ea: {  	_ = 	snop  }
0x4eb: {  	[tilespmem:s14], [sflag:$0x1] =	stream.indirect_vreg.gather [hbm4b:s2+s3], $0x80, v3, vm0, $0xb8;
	[tilespmem:$0x19000] =	vst v63  }
0x4ec: {  	s11 =	simm.s32 $0x3800  }
0x4ed: {  	[tilespmem:s11], [sflag:$0x1] =	stream.indirect_vreg.gather [hbm4b:s4+s3], $0x80, v3, vm0, $0xb8;
	[tilespmem:$0x19000] =	vst v63  }
0x4ee: {  	s14 =	simm.s32 $0x4000  }
0x4ef: {  	[tilespmem:s14], [sflag:$0x1] =	stream.indirect_vreg.gather [hbm4b:s5+s3], $0x80, v3, vm0, $0xb8;
	[tilespmem:$0x19000] =	vst v63  }
0x4f0: {  	s24 =	simm.s32 $0x4800  }
0x4f1: {  	[tilespmem:s24], [sflag:$0x1] =	stream.indirect_vreg.gather [hbm4b:s6+s3], $0x80, v3, vm0, $0xb8;
	[tilespmem:$0x19000] =	vst v63  }
0x4f2: {  	v3 =	vld [tilespmem:$0x310];
	_ =	sdelay $0x4  }
0x4f3: {  	v30 =	vshll.u32 v3, $0x3  }
0x4f4: {  	v3 =	vand.u32 $0x7, v3;
	v4 =	vand.u32 $0xFFFFFFC0, v30  }
0x4f5: {  	v3 =	vor.u32 v3, v4  }
0x4f6: {  	v4 =	vperm.xlane v3, v8;
	_ =	sdelay $0x1  }
0x4f7: {  	v4 =	vadd.s32 v1, v4;
	_ =	sdelay $0x3  }
0x4f8: {  	s25 =	simm.s32 $0x5000  }
0x4f9: {  	[tilespmem:s25], [sflag:$0x1] =	stream.indirect_vreg.gather [hbm4b:s2+s3], $0x80, v4, vm0, $0xb8;
	[tilespmem:$0x19000] =	vst v63  }
0x4fa: {  	s14 =	simm.s32 $0x5800;
	v3 =	vperm.xlane v3, v2  }
0x4fb: {  	[tilespmem:s14], [sflag:$0x1] =	stream.indirect_vreg.gather [hbm4b:s4+s3], $0x80, v4, vm0, $0xb8;
	[tilespmem:$0x19000] =	vst v63  }
0x4fc: {  	v3 =	vadd.s32 v1, v3  }
0x4fd: {  	[tilespmem:s15], [sflag:$0x1] =	stream.indirect_vreg.gather [hbm4b:s5+s3], $0x80, v4, vm0, $0xb8;
	[tilespmem:$0x19000] =	vst v63  }
0x4fe: {  	_ = 	snop  }
0x4ff: {  	[tilespmem:s16], [sflag:$0x1] =	stream.indirect_vreg.gather [hbm4b:s6+s3], $0x80, v4, vm0, $0xb8;
	[tilespmem:$0x19000] =	vst v63  }
0x500: {  	s0 =	simm.s32 $0x7000  }
0x501: {  	[tilespmem:s0], [sflag:$0x1] =	stream.indirect_vreg.gather [hbm4b:s2+s3], $0x80, v3, vm0, $0xb8;
	[tilespmem:$0x19000] =	vst v63  }
0x502: {  	s14 =	simm.s32 $0x7800  }
0x503: {  	[tilespmem:s14], [sflag:$0x1] =	stream.indirect_vreg.gather [hbm4b:s4+s3], $0x80, v3, vm0, $0xb8;
	[tilespmem:$0x19000] =	vst v63  }
0x504: {  	s15 =	simm.s32 $0x8000  }
0x505: {  	[tilespmem:s15], [sflag:$0x1] =	stream.indirect_vreg.gather [hbm4b:s5+s3], $0x80, v3, vm0, $0xb8;
	[tilespmem:$0x19000] =	vst v63  }
0x506: {  	s16 =	simm.s32 $0x8800  }
0x507: {  	[tilespmem:s16], [sflag:$0x1] =	stream.indirect_vreg.gather [hbm4b:s6+s3], $0x80, v3, vm0, $0xb8;
	[tilespmem:$0x19000] =	vst v63  }
0x508: {  	_ =	swait.ge [sflag:s22], $0x8000  }
0x509: {  	[sflag:s22] =	ssyncset.done $0x0  }
0x50a: {  	s24 =	simm.s32 $0x9000;
	s25 =	rddreg [dreg:$0x1d];
	[sflag:s22] =	ssyncadd.s32 $0xFFFF8000  }
0x50b: {  	[hbm4b:s25+s3] =	stream.linear.scatter [tilespmem:s24], [sflag:$0x5], $0x8000, $0x38;
	[tilespmem:$0x19000] =	vst v63  }
0x50c: {  	_ =	swait.ge [sflag:s8], $0x8000  }
0x50d: {  	[sflag:s8] =	ssyncset.done $0x0  }
0x50e: {  	[sflag:s8] =	ssyncadd.s32 $0xFFFF8000  }
0x50f: {  	v3 =	vld [tilespmem:$0x320];
	_ =	sdelay $0x4  }
0x510: {  	v31 =	vshll.u32 v3, $0x3  }
0x511: {  	v3 =	vand.u32 $0x7, v3;
	v4 =	vand.u32 $0xFFFFFFC0, v31  }
0x512: {  	v3 =	vor.u32 v3, v4  }
0x513: {  	v4 =	vperm.xlane v3, v8;
	_ =	sdelay $0x1  }
0x514: {  	v4 =	vadd.s32 v1, v4;
	_ =	sdelay $0x4  }
0x515: {  	[tilespmem:s24], [sflag:$0x2] =	stream.indirect_vreg.gather [hbm4b:s2+s3], $0x80, v4, vm0, $0xb8;
	[tilespmem:$0x19000] =	vst v63  }
0x516: {  	v3 =	vperm.xlane v3, v2  }
0x517: {  	[tilespmem:s21], [sflag:$0x2] =	stream.indirect_vreg.gather [hbm4b:s4+s3], $0x80, v4, vm0, $0xb8;
	[tilespmem:$0x19000] =	vst v63  }
0x518: {  	v3 =	vadd.s32 v1, v3  }
0x519: {  	[tilespmem:s10], [sflag:$0x2] =	stream.indirect_vreg.gather [hbm4b:s5+s3], $0x80, v4, vm0, $0xb8;
	[tilespmem:$0x19000] =	vst v63  }
0x51a: {  	s10 =	simm.s32 $0xA800  }
0x51b: {  	[tilespmem:s10], [sflag:$0x2] =	stream.indirect_vreg.gather [hbm4b:s6+s3], $0x80, v4, vm0, $0xb8;
	[tilespmem:$0x19000] =	vst v63  }
0x51c: {  	s24 =	simm.s32 $0xB000  }
0x51d: {  	[tilespmem:s24], [sflag:$0x2] =	stream.indirect_vreg.gather [hbm4b:s2+s3], $0x80, v3, vm0, $0xb8;
	[tilespmem:$0x19000] =	vst v63  }
0x51e: {  	s21 =	simm.s32 $0xB800  }
0x51f: {  	[tilespmem:s21], [sflag:$0x2] =	stream.indirect_vreg.gather [hbm4b:s4+s3], $0x80, v3, vm0, $0xb8;
	[tilespmem:$0x19000] =	vst v63  }
0x520: {  	s24 =	simm.s32 $0xC000  }
0x521: {  	[tilespmem:s24], [sflag:$0x2] =	stream.indirect_vreg.gather [hbm4b:s5+s3], $0x80, v3, vm0, $0xb8;
	[tilespmem:$0x19000] =	vst v63  }
0x522: {  	_ = 	snop  }
0x523: {  	[tilespmem:s23], [sflag:$0x2] =	stream.indirect_vreg.gather [hbm4b:s6+s3], $0x80, v3, vm0, $0xb8;
	[tilespmem:$0x19000] =	vst v63  }
0x524: {  	v3 =	vld [tilespmem:$0x330];
	_ =	sdelay $0x4  }
0x525: {  	v32 =	vshll.u32 v3, $0x3  }
0x526: {  	v3 =	vand.u32 $0x7, v3;
	v4 =	vand.u32 $0xFFFFFFC0, v32  }
0x527: {  	v3 =	vor.u32 v3, v4  }
0x528: {  	v4 =	vperm.xlane v3, v8;
	_ =	sdelay $0x1  }
0x529: {  	v4 =	vadd.s32 v1, v4;
	_ =	sdelay $0x3  }
0x52a: {  	s25 =	simm.s32 $0xD000  }
0x52b: {  	[tilespmem:s25], [sflag:$0x2] =	stream.indirect_vreg.gather [hbm4b:s2+s3], $0x80, v4, vm0, $0xb8;
	[tilespmem:$0x19000] =	vst v63  }
0x52c: {  	v3 =	vperm.xlane v3, v2;
	s25 =	simm.s32 $0xD800  }
0x52d: {  	[tilespmem:s25], [sflag:$0x2] =	stream.indirect_vreg.gather [hbm4b:s4+s3], $0x80, v4, vm0, $0xb8;
	[tilespmem:$0x19000] =	vst v63  }
0x52e: {  	s23 =	simm.s32 $0xE000;
	v3 =	vadd.s32 v1, v3  }
0x52f: {  	[tilespmem:s23], [sflag:$0x2] =	stream.indirect_vreg.gather [hbm4b:s5+s3], $0x80, v4, vm0, $0xb8;
	[tilespmem:$0x19000] =	vst v63  }
0x530: {  	s25 =	simm.s32 $0xE800  }
0x531: {  	[tilespmem:s25], [sflag:$0x2] =	stream.indirect_vreg.gather [hbm4b:s6+s3], $0x80, v4, vm0, $0xb8;
	[tilespmem:$0x19000] =	vst v63  }
0x532: {  	s25 =	simm.s32 $0xF000  }
0x533: {  	[tilespmem:s25], [sflag:$0x2] =	stream.indirect_vreg.gather [hbm4b:s2+s3], $0x80, v3, vm0, $0xb8;
	[tilespmem:$0x19000] =	vst v63  }
0x534: {  	s25 =	simm.s32 $0xF800  }
0x535: {  	[tilespmem:s25], [sflag:$0x2] =	stream.indirect_vreg.gather [hbm4b:s4+s3], $0x80, v3, vm0, $0xb8;
	[tilespmem:$0x19000] =	vst v63  }
0x536: {  	s25 =	simm.s32 $0x10000  }
0x537: {  	[tilespmem:s25], [sflag:$0x2] =	stream.indirect_vreg.gather [hbm4b:s5+s3], $0x80, v3, vm0, $0xb8;
	[tilespmem:$0x19000] =	vst v63  }
0x538: {  	s25 =	simm.s32 $0x10800  }
0x539: {  	[tilespmem:s25], [sflag:$0x2] =	stream.indirect_vreg.gather [hbm4b:s6+s3], $0x80, v3, vm0, $0xb8;
	[tilespmem:$0x19000] =	vst v63  }
0x53a: {  	_ =	swait.ge [sflag:s19], $0x8000  }
0x53b: {  	[sflag:s19] =	ssyncset.done $0x0  }
0x53c: {  	s9 =	simm.s32 $0x11000;
	s25 =	rddreg [dreg:$0x1e];
	[sflag:s19] =	ssyncadd.s32 $0xFFFF8000  }
0x53d: {  	[hbm4b:s25+s3] =	stream.linear.scatter [tilespmem:s9], [sflag:$0x6], $0x8000, $0x38;
	[tilespmem:$0x19000] =	vst v63  }
0x53e: {  	_ =	swait.ge [sflag:s1], $0x8000  }
0x53f: {  	[sflag:s1] =	ssyncset.done $0x0  }
0x540: {  	[sflag:s1] =	ssyncadd.s32 $0xFFFF8000  }
0x541: {  	v3 =	vld [tilespmem:$0x340];
	_ =	sdelay $0x4  }
0x542: {  	v33 =	vshll.u32 v3, $0x3  }
0x543: {  	v3 =	vand.u32 $0x7, v3;
	v4 =	vand.u32 $0xFFFFFFC0, v33  }
0x544: {  	v3 =	vor.u32 v3, v4  }
0x545: {  	v4 =	vperm.xlane v3, v8;
	_ =	sdelay $0x1  }
0x546: {  	v4 =	vadd.s32 v1, v4;
	_ =	sdelay $0x4  }
0x547: {  	[tilespmem:s9], [sflag:$0x3] =	stream.indirect_vreg.gather [hbm4b:s2+s3], $0x80, v4, vm0, $0xb8;
	[tilespmem:$0x19000] =	vst v63  }
0x548: {  	v3 =	vperm.xlane v3, v2  }
0x549: {  	[tilespmem:s17], [sflag:$0x3] =	stream.indirect_vreg.gather [hbm4b:s4+s3], $0x80, v4, vm0, $0xb8;
	[tilespmem:$0x19000] =	vst v63  }
0x54a: {  	v3 =	vadd.s32 v1, v3  }
0x54b: {  	[tilespmem:s26], [sflag:$0x3] =	stream.indirect_vreg.gather [hbm4b:s5+s3], $0x80, v4, vm0, $0xb8;
	[tilespmem:$0x19000] =	vst v63  }
0x54c: {  	_ = 	snop  }
0x54d: {  	[tilespmem:s28], [sflag:$0x3] =	stream.indirect_vreg.gather [hbm4b:s6+s3], $0x80, v4, vm0, $0xb8;
	[tilespmem:$0x19000] =	vst v63  }
0x54e: {  	s17 =	simm.s32 $0x13000  }
0x54f: {  	[tilespmem:s17], [sflag:$0x3] =	stream.indirect_vreg.gather [hbm4b:s2+s3], $0x80, v3, vm0, $0xb8;
	[tilespmem:$0x19000] =	vst v63  }
0x550: {  	_ = 	snop  }
0x551: {  	[tilespmem:s31], [sflag:$0x3] =	stream.indirect_vreg.gather [hbm4b:s4+s3], $0x80, v3, vm0, $0xb8;
	[tilespmem:$0x19000] =	vst v63  }
0x552: {  	s25 =	simm.s32 $0x14000  }
0x553: {  	[tilespmem:s25], [sflag:$0x3] =	stream.indirect_vreg.gather [hbm4b:s5+s3], $0x80, v3, vm0, $0xb8;
	[tilespmem:$0x19000] =	vst v63  }
0x554: {  	_ = 	snop  }
0x555: {  	[tilespmem:s12], [sflag:$0x3] =	stream.indirect_vreg.gather [hbm4b:s6+s3], $0x80, v3, vm0, $0xb8;
	[tilespmem:$0x19000] =	vst v63  }
0x556: {  	v3 =	vld [tilespmem:$0x350];
	_ =	sdelay $0x4  }
0x557: {  	v34 =	vshll.u32 v3, $0x3  }
0x558: {  	v3 =	vand.u32 $0x7, v3;
	v4 =	vand.u32 $0xFFFFFFC0, v34  }
0x559: {  	v3 =	vor.u32 v3, v4  }
0x55a: {  	v4 =	vperm.xlane v3, v8;
	_ =	sdelay $0x1  }
0x55b: {  	v4 =	vadd.s32 v1, v4;
	_ =	sdelay $0x3  }
0x55c: {  	s12 =	simm.s32 $0x15000  }
0x55d: {  	[tilespmem:s12], [sflag:$0x3] =	stream.indirect_vreg.gather [hbm4b:s2+s3], $0x80, v4, vm0, $0xb8;
	[tilespmem:$0x19000] =	vst v63  }
0x55e: {  	s17 =	simm.s32 $0x15800;
	v3 =	vperm.xlane v3, v2  }
0x55f: {  	[tilespmem:s17], [sflag:$0x3] =	stream.indirect_vreg.gather [hbm4b:s4+s3], $0x80, v4, vm0, $0xb8;
	[tilespmem:$0x19000] =	vst v63  }
0x560: {  	s25 =	simm.s32 $0x16000;
	v3 =	vadd.s32 v1, v3  }
0x561: {  	[tilespmem:s25], [sflag:$0x3] =	stream.indirect_vreg.gather [hbm4b:s5+s3], $0x80, v4, vm0, $0xb8;
	[tilespmem:$0x19000] =	vst v63  }
0x562: {  	_ = 	snop  }
0x563: {  	[tilespmem:s29], [sflag:$0x3] =	stream.indirect_vreg.gather [hbm4b:s6+s3], $0x80, v4, vm0, $0xb8;
	[tilespmem:$0x19000] =	vst v63  }
0x564: {  	_ = 	snop  }
0x565: {  	[tilespmem:s30], [sflag:$0x3] =	stream.indirect_vreg.gather [hbm4b:s2+s3], $0x80, v3, vm0, $0xb8;
	[tilespmem:$0x19000] =	vst v63  }
0x566: {  	_ = 	snop  }
0x567: {  	[tilespmem:s13], [sflag:$0x3] =	stream.indirect_vreg.gather [hbm4b:s4+s3], $0x80, v3, vm0, $0xb8;
	[tilespmem:$0x19000] =	vst v63  }
0x568: {  	_ = 	snop  }
0x569: {  	[tilespmem:s18], [sflag:$0x3] =	stream.indirect_vreg.gather [hbm4b:s5+s3], $0x80, v3, vm0, $0xb8;
	[tilespmem:$0x19000] =	vst v63  }
0x56a: {  	s12 =	simm.s32 $0x18800  }
0x56b: {  	[tilespmem:s12], [sflag:$0x3] =	stream.indirect_vreg.gather [hbm4b:s6+s3], $0x80, v3, vm0, $0xb8;
	[tilespmem:$0x19000] =	vst v63  }
0x56c: {  	_ =	swait.ge [sflag:s20], $0x8000  }
0x56d: {  	[sflag:s20] =	ssyncset.done $0x0  }
0x56e: {  	s17 =	simm.s32 $0x1000;
	s13 =	rddreg [dreg:$0x1f];
	[sflag:s20] =	ssyncadd.s32 $0xFFFF8000  }
0x56f: {  	[hbm4b:s13+s3] =	stream.linear.scatter [tilespmem:s17], [sflag:$0x4], $0x8000, $0x38;
	[tilespmem:$0x19000] =	vst v63  }
0x570: {  	_ =	swait.ge [sflag:s7], $0x8000  }
0x571: {  	[sflag:s7] =	ssyncset.done $0x0  }
0x572: {  	[sflag:s7] =	ssyncadd.s32 $0xFFFF8000  }
0x573: {  	v3 =	vld [tilespmem:$0x360];
	_ =	sdelay $0x4  }
0x574: {  	v35 =	vshll.u32 v3, $0x3  }
0x575: {  	v3 =	vand.u32 $0x7, v3;
	v4 =	vand.u32 $0xFFFFFFC0, v35  }
0x576: {  	v3 =	vor.u32 v3, v4  }
0x577: {  	v4 =	vperm.xlane v3, v8;
	_ =	sdelay $0x1  }
0x578: {  	v4 =	vadd.s32 v1, v4;
	_ =	sdelay $0x4  }
0x579: {  	[tilespmem:s17], [sflag:$0x1] =	stream.indirect_vreg.gather [hbm4b:s2+s3], $0x80, v4, vm0, $0xb8;
	[tilespmem:$0x19000] =	vst v63  }
0x57a: {  	s18 =	simm.s32 $0x1800;
	v3 =	vperm.xlane v3, v2  }
0x57b: {  	[tilespmem:s18], [sflag:$0x1] =	stream.indirect_vreg.gather [hbm4b:s4+s3], $0x80, v4, vm0, $0xb8;
	[tilespmem:$0x19000] =	vst v63  }
0x57c: {  	s25 =	simm.s32 $0x2000;
	v3 =	vadd.s32 v1, v3  }
0x57d: {  	[tilespmem:s25], [sflag:$0x1] =	stream.indirect_vreg.gather [hbm4b:s5+s3], $0x80, v4, vm0, $0xb8;
	[tilespmem:$0x19000] =	vst v63  }
0x57e: {  	s9 =	simm.s32 $0x2800  }
0x57f: {  	[tilespmem:s9], [sflag:$0x1] =	stream.indirect_vreg.gather [hbm4b:s6+s3], $0x80, v4, vm0, $0xb8;
	[tilespmem:$0x19000] =	vst v63  }
0x580: {  	s9 =	simm.s32 $0x3000  }
0x581: {  	[tilespmem:s9], [sflag:$0x1] =	stream.indirect_vreg.gather [hbm4b:s2+s3], $0x80, v3, vm0, $0xb8;
	[tilespmem:$0x19000] =	vst v63  }
0x582: {  	_ = 	snop  }
0x583: {  	[tilespmem:s11], [sflag:$0x1] =	stream.indirect_vreg.gather [hbm4b:s4+s3], $0x80, v3, vm0, $0xb8;
	[tilespmem:$0x19000] =	vst v63  }
0x584: {  	s12 =	simm.s32 $0x4000  }
0x585: {  	[tilespmem:s12], [sflag:$0x1] =	stream.indirect_vreg.gather [hbm4b:s5+s3], $0x80, v3, vm0, $0xb8;
	[tilespmem:$0x19000] =	vst v63  }
0x586: {  	s13 =	simm.s32 $0x4800  }
0x587: {  	[tilespmem:s13], [sflag:$0x1] =	stream.indirect_vreg.gather [hbm4b:s6+s3], $0x80, v3, vm0, $0xb8;
	[tilespmem:$0x19000] =	vst v63  }
0x588: {  	v3 =	vld [tilespmem:$0x370];
	_ =	sdelay $0x4  }
0x589: {  	v36 =	vshll.u32 v3, $0x3  }
0x58a: {  	v3 =	vand.u32 $0x7, v3;
	v4 =	vand.u32 $0xFFFFFFC0, v36  }
0x58b: {  	v3 =	vor.u32 v3, v4  }
0x58c: {  	v4 =	vperm.xlane v3, v8;
	_ =	sdelay $0x1  }
0x58d: {  	v4 =	vadd.s32 v1, v4;
	_ =	sdelay $0x3  }
0x58e: {  	s18 =	simm.s32 $0x5000  }
0x58f: {  	[tilespmem:s18], [sflag:$0x1] =	stream.indirect_vreg.gather [hbm4b:s2+s3], $0x80, v4, vm0, $0xb8;
	[tilespmem:$0x19000] =	vst v63  }
0x590: {  	s25 =	simm.s32 $0x5800;
	v3 =	vperm.xlane v3, v2  }
0x591: {  	[tilespmem:s25], [sflag:$0x1] =	stream.indirect_vreg.gather [hbm4b:s4+s3], $0x80, v4, vm0, $0xb8;
	[tilespmem:$0x19000] =	vst v63  }
0x592: {  	s11 =	simm.s32 $0x6000;
	v3 =	vadd.s32 v1, v3  }
0x593: {  	[tilespmem:s11], [sflag:$0x1] =	stream.indirect_vreg.gather [hbm4b:s5+s3], $0x80, v4, vm0, $0xb8;
	[tilespmem:$0x19000] =	vst v63  }
0x594: {  	s12 =	simm.s32 $0x6800  }
0x595: {  	[tilespmem:s12], [sflag:$0x1] =	stream.indirect_vreg.gather [hbm4b:s6+s3], $0x80, v4, vm0, $0xb8;
	[tilespmem:$0x19000] =	vst v63  }
0x596: {  	_ = 	snop  }
0x597: {  	[tilespmem:s0], [sflag:$0x1] =	stream.indirect_vreg.gather [hbm4b:s2+s3], $0x80, v3, vm0, $0xb8;
	[tilespmem:$0x19000] =	vst v63  }
0x598: {  	_ = 	snop  }
0x599: {  	[tilespmem:s14], [sflag:$0x1] =	stream.indirect_vreg.gather [hbm4b:s4+s3], $0x80, v3, vm0, $0xb8;
	[tilespmem:$0x19000] =	vst v63  }
0x59a: {  	_ = 	snop  }
0x59b: {  	[tilespmem:s15], [sflag:$0x1] =	stream.indirect_vreg.gather [hbm4b:s5+s3], $0x80, v3, vm0, $0xb8;
	[tilespmem:$0x19000] =	vst v63  }
0x59c: {  	_ = 	snop  }
0x59d: {  	[tilespmem:s16], [sflag:$0x1] =	stream.indirect_vreg.gather [hbm4b:s6+s3], $0x80, v3, vm0, $0xb8;
	[tilespmem:$0x19000] =	vst v63  }
0x59e: {  	_ =	swait.ge [sflag:s22], $0x8000  }
0x59f: {  	s0 =	sld [smem:$0x7F5]  }
0x5a0: {  	[sflag:s22] =	ssyncset.done $0x0  }
0x5a1: {  	s7 =	simm.s32 $0x9000;
	[sflag:s22] =	ssyncadd.s32 $0xFFFF8000  }
0x5a2: {  	[hbm4b:s0+s3] =	stream.linear.scatter [tilespmem:s7], [sflag:$0x5], $0x8000, $0x38;
	[tilespmem:$0x19000] =	vst v63  }
0x5a3: {  	_ =	swait.ge [sflag:s8], $0x8000  }
0x5a4: {  	[sflag:s8] =	ssyncset.done $0x0  }
0x5a5: {  	[sflag:s8] =	ssyncadd.s32 $0xFFFF8000  }
0x5a6: {  	v3 =	vld [tilespmem:$0x380];
	_ =	sdelay $0x4  }
0x5a7: {  	v37 =	vshll.u32 v3, $0x3  }
0x5a8: {  	v3 =	vand.u32 $0x7, v3;
	v4 =	vand.u32 $0xFFFFFFC0, v37  }
0x5a9: {  	v3 =	vor.u32 v3, v4  }
0x5aa: {  	v4 =	vperm.xlane v3, v8;
	_ =	sdelay $0x1  }
0x5ab: {  	v4 =	vadd.s32 v1, v4;
	_ =	sdelay $0x4  }
0x5ac: {  	[tilespmem:s7], [sflag:$0x2] =	stream.indirect_vreg.gather [hbm4b:s2+s3], $0x80, v4, vm0, $0xb8;
	[tilespmem:$0x19000] =	vst v63  }
0x5ad: {  	s13 =	simm.s32 $0x9800;
	v3 =	vperm.xlane v3, v2  }
0x5ae: {  	[tilespmem:s13], [sflag:$0x2] =	stream.indirect_vreg.gather [hbm4b:s4+s3], $0x80, v4, vm0, $0xb8;
	[tilespmem:$0x19000] =	vst v63  }
0x5af: {  	s14 =	simm.s32 $0xA000;
	v3 =	vadd.s32 v1, v3  }
0x5b0: {  	[tilespmem:s14], [sflag:$0x2] =	stream.indirect_vreg.gather [hbm4b:s5+s3], $0x80, v4, vm0, $0xb8;
	[tilespmem:$0x19000] =	vst v63  }
0x5b1: {  	_ = 	snop  }
0x5b2: {  	[tilespmem:s10], [sflag:$0x2] =	stream.indirect_vreg.gather [hbm4b:s6+s3], $0x80, v4, vm0, $0xb8;
	[tilespmem:$0x19000] =	vst v63  }
0x5b3: {  	s8 =	simm.s32 $0xB000  }
0x5b4: {  	[tilespmem:s8], [sflag:$0x2] =	stream.indirect_vreg.gather [hbm4b:s2+s3], $0x80, v3, vm0, $0xb8;
	[tilespmem:$0x19000] =	vst v63  }
0x5b5: {  	_ = 	snop  }
0x5b6: {  	[tilespmem:s21], [sflag:$0x2] =	stream.indirect_vreg.gather [hbm4b:s4+s3], $0x80, v3, vm0, $0xb8;
	[tilespmem:$0x19000] =	vst v63  }
0x5b7: {  	_ = 	snop  }
0x5b8: {  	[tilespmem:s24], [sflag:$0x2] =	stream.indirect_vreg.gather [hbm4b:s5+s3], $0x80, v3, vm0, $0xb8;
	[tilespmem:$0x19000] =	vst v63  }
0x5b9: {  	s8 =	simm.s32 $0xC800  }
0x5ba: {  	[tilespmem:s8], [sflag:$0x2] =	stream.indirect_vreg.gather [hbm4b:s6+s3], $0x80, v3, vm0, $0xb8;
	[tilespmem:$0x19000] =	vst v63  }
0x5bb: {  	v3 =	vld [tilespmem:$0x390];
	_ =	sdelay $0x4  }
0x5bc: {  	v38 =	vshll.u32 v3, $0x3  }
0x5bd: {  	v3 =	vand.u32 $0x7, v3;
	v4 =	vand.u32 $0xFFFFFFC0, v38  }
0x5be: {  	v3 =	vor.u32 v3, v4  }
0x5bf: {  	v4 =	vperm.xlane v3, v8;
	_ =	sdelay $0x1  }
0x5c0: {  	v4 =	vadd.s32 v1, v4;
	_ =	sdelay $0x3  }
0x5c1: {  	s10 =	simm.s32 $0xD000  }
0x5c2: {  	[tilespmem:s10], [sflag:$0x2] =	stream.indirect_vreg.gather [hbm4b:s2+s3], $0x80, v4, vm0, $0xb8;
	[tilespmem:$0x19000] =	vst v63  }
0x5c3: {  	s24 =	simm.s32 $0xD800;
	v3 =	vperm.xlane v3, v2  }
0x5c4: {  	[tilespmem:s24], [sflag:$0x2] =	stream.indirect_vreg.gather [hbm4b:s4+s3], $0x80, v4, vm0, $0xb8;
	[tilespmem:$0x19000] =	vst v63  }
0x5c5: {  	v3 =	vadd.s32 v1, v3  }
0x5c6: {  	[tilespmem:s23], [sflag:$0x2] =	stream.indirect_vreg.gather [hbm4b:s5+s3], $0x80, v4, vm0, $0xb8;
	[tilespmem:$0x19000] =	vst v63  }
0x5c7: {  	s25 =	simm.s32 $0xE800  }
0x5c8: {  	[tilespmem:s25], [sflag:$0x2] =	stream.indirect_vreg.gather [hbm4b:s6+s3], $0x80, v4, vm0, $0xb8;
	[tilespmem:$0x19000] =	vst v63  }
0x5c9: {  	s10 =	simm.s32 $0xF000  }
0x5ca: {  	[tilespmem:s10], [sflag:$0x2] =	stream.indirect_vreg.gather [hbm4b:s2+s3], $0x80, v3, vm0, $0xb8;
	[tilespmem:$0x19000] =	vst v63  }
0x5cb: {  	s25 =	simm.s32 $0xF800  }
0x5cc: {  	[tilespmem:s25], [sflag:$0x2] =	stream.indirect_vreg.gather [hbm4b:s4+s3], $0x80, v3, vm0, $0xb8;
	[tilespmem:$0x19000] =	vst v63  }
0x5cd: {  	s10 =	simm.s32 $0x10000  }
0x5ce: {  	[tilespmem:s10], [sflag:$0x2] =	stream.indirect_vreg.gather [hbm4b:s5+s3], $0x80, v3, vm0, $0xb8;
	[tilespmem:$0x19000] =	vst v63  }
0x5cf: {  	s25 =	simm.s32 $0x10800  }
0x5d0: {  	[tilespmem:s25], [sflag:$0x2] =	stream.indirect_vreg.gather [hbm4b:s6+s3], $0x80, v3, vm0, $0xb8;
	[tilespmem:$0x19000] =	vst v63  }
0x5d1: {  	_ =	swait.ge [sflag:s19], $0x8000  }
0x5d2: {  	s0 =	sld [smem:$0x7F6]  }
0x5d3: {  	[sflag:s19] =	ssyncset.done $0x0  }
0x5d4: {  	s10 =	simm.s32 $0x11000;
	[sflag:s19] =	ssyncadd.s32 $0xFFFF8000  }
0x5d5: {  	[hbm4b:s0+s3] =	stream.linear.scatter [tilespmem:s10], [sflag:$0x6], $0x8000, $0x38;
	[tilespmem:$0x19000] =	vst v63  }
0x5d6: {  	_ =	swait.ge [sflag:s1], $0x8000  }
0x5d7: {  	[sflag:s1] =	ssyncset.done $0x0  }
0x5d8: {  	[sflag:s1] =	ssyncadd.s32 $0xFFFF8000  }
0x5d9: {  	v3 =	vld [tilespmem:$0x3A0];
	_ =	sdelay $0x4  }
0x5da: {  	v39 =	vshll.u32 v3, $0x3  }
0x5db: {  	v3 =	vand.u32 $0x7, v3;
	v4 =	vand.u32 $0xFFFFFFC0, v39  }
0x5dc: {  	v3 =	vor.u32 v3, v4  }
0x5dd: {  	v4 =	vperm.xlane v3, v8;
	_ =	sdelay $0x1  }
0x5de: {  	v4 =	vadd.s32 v1, v4;
	_ =	sdelay $0x4  }
0x5df: {  	[tilespmem:s10], [sflag:$0x3] =	stream.indirect_vreg.gather [hbm4b:s2+s3], $0x80, v4, vm0, $0xb8;
	[tilespmem:$0x19000] =	vst v63  }
0x5e0: {  	s25 =	simm.s32 $0x11800;
	v3 =	vperm.xlane v3, v2  }
0x5e1: {  	[tilespmem:s25], [sflag:$0x3] =	stream.indirect_vreg.gather [hbm4b:s4+s3], $0x80, v4, vm0, $0xb8;
	[tilespmem:$0x19000] =	vst v63  }
0x5e2: {  	s26 =	simm.s32 $0x12000;
	v3 =	vadd.s32 v1, v3  }
0x5e3: {  	[tilespmem:s26], [sflag:$0x3] =	stream.indirect_vreg.gather [hbm4b:s5+s3], $0x80, v4, vm0, $0xb8;
	[tilespmem:$0x19000] =	vst v63  }
0x5e4: {  	s28 =	simm.s32 $0x12800  }
0x5e5: {  	[tilespmem:s28], [sflag:$0x3] =	stream.indirect_vreg.gather [hbm4b:s6+s3], $0x80, v4, vm0, $0xb8;
	[tilespmem:$0x19000] =	vst v63  }
0x5e6: {  	s1 =	simm.s32 $0x13000  }
0x5e7: {  	[tilespmem:s1], [sflag:$0x3] =	stream.indirect_vreg.gather [hbm4b:s2+s3], $0x80, v3, vm0, $0xb8;
	[tilespmem:$0x19000] =	vst v63  }
0x5e8: {  	s31 =	simm.s32 $0x13800  }
0x5e9: {  	[tilespmem:s31], [sflag:$0x3] =	stream.indirect_vreg.gather [hbm4b:s4+s3], $0x80, v3, vm0, $0xb8;
	[tilespmem:$0x19000] =	vst v63  }
0x5ea: {  	s25 =	simm.s32 $0x14000  }
0x5eb: {  	[tilespmem:s25], [sflag:$0x3] =	stream.indirect_vreg.gather [hbm4b:s5+s3], $0x80, v3, vm0, $0xb8;
	[tilespmem:$0x19000] =	vst v63  }
0x5ec: {  	s26 =	simm.s32 $0x14800  }
0x5ed: {  	[tilespmem:s26], [sflag:$0x3] =	stream.indirect_vreg.gather [hbm4b:s6+s3], $0x80, v3, vm0, $0xb8;
	[tilespmem:$0x19000] =	vst v63  }
0x5ee: {  	v3 =	vld [tilespmem:$0x3B0];
	_ =	sdelay $0x4  }
0x5ef: {  	v40 =	vshll.u32 v3, $0x3  }
0x5f0: {  	v3 =	vand.u32 $0x7, v3;
	v4 =	vand.u32 $0xFFFFFFC0, v40  }
0x5f1: {  	v3 =	vor.u32 v3, v4  }
0x5f2: {  	v4 =	vperm.xlane v3, v8;
	_ =	sdelay $0x1  }
0x5f3: {  	v4 =	vadd.s32 v1, v4;
	_ =	sdelay $0x3  }
0x5f4: {  	s28 =	simm.s32 $0x15000  }
0x5f5: {  	[tilespmem:s28], [sflag:$0x3] =	stream.indirect_vreg.gather [hbm4b:s2+s3], $0x80, v4, vm0, $0xb8;
	[tilespmem:$0x19000] =	vst v63  }
0x5f6: {  	s31 =	simm.s32 $0x15800;
	v3 =	vperm.xlane v3, v2  }
0x5f7: {  	[tilespmem:s31], [sflag:$0x3] =	stream.indirect_vreg.gather [hbm4b:s4+s3], $0x80, v4, vm0, $0xb8;
	[tilespmem:$0x19000] =	vst v63  }
0x5f8: {  	s1 =	simm.s32 $0x16000;
	v3 =	vadd.s32 v1, v3  }
0x5f9: {  	[tilespmem:s1], [sflag:$0x3] =	stream.indirect_vreg.gather [hbm4b:s5+s3], $0x80, v4, vm0, $0xb8;
	[tilespmem:$0x19000] =	vst v63  }
0x5fa: {  	s29 =	simm.s32 $0x16800  }
0x5fb: {  	[tilespmem:s29], [sflag:$0x3] =	stream.indirect_vreg.gather [hbm4b:s6+s3], $0x80, v4, vm0, $0xb8;
	[tilespmem:$0x19000] =	vst v63  }
0x5fc: {  	s30 =	simm.s32 $0x17000  }
0x5fd: {  	[tilespmem:s30], [sflag:$0x3] =	stream.indirect_vreg.gather [hbm4b:s2+s3], $0x80, v3, vm0, $0xb8;
	[tilespmem:$0x19000] =	vst v63  }
0x5fe: {  	s25 =	simm.s32 $0x17800  }
0x5ff: {  	[tilespmem:s25], [sflag:$0x3] =	stream.indirect_vreg.gather [hbm4b:s4+s3], $0x80, v3, vm0, $0xb8;
	[tilespmem:$0x19000] =	vst v63  }
0x600: {  	s26 =	simm.s32 $0x18000  }
0x601: {  	[tilespmem:s26], [sflag:$0x3] =	stream.indirect_vreg.gather [hbm4b:s5+s3], $0x80, v3, vm0, $0xb8;
	[tilespmem:$0x19000] =	vst v63  }
0x602: {  	s28 =	simm.s32 $0x18800  }
0x603: {  	[tilespmem:s28], [sflag:$0x3] =	stream.indirect_vreg.gather [hbm4b:s6+s3], $0x80, v3, vm0, $0xb8;
	[tilespmem:$0x19000] =	vst v63  }
0x604: {  	_ =	swait.ge [sflag:s20], $0x8000  }
0x605: {  	s29 =	sld [smem:$0x7F7]  }
0x606: {  	[sflag:s20] =	ssyncset.done $0x0  }
0x607: {  	s17 =	simm.s32 $0x1000;
	s30 =	simm.s32 $0x4;
	[sflag:s20] =	ssyncadd.s32 $0xFFFF8000  }
0x608: {  	[hbm4b:s29+s3] =	stream.linear.scatter [tilespmem:s17], [sflag:$0x4], $0x8000, $0x38;
	[tilespmem:$0x19000] =	vst v63  }
0x609: {  	_ =	swait.ge [sflag:s30], $0x8000  }
0x60a: {  	[sflag:s30] =	ssyncset.done $0x0  }
0x60b: {  	[sflag:s30] =	ssyncadd.s32 $0xFFFF8000  }
0x60c: {  	v3 =	vld [tilespmem:$0x3C0];
	_ =	sdelay $0x4  }
0x60d: {  	v41 =	vshll.u32 v3, $0x3  }
0x60e: {  	v3 =	vand.u32 $0x7, v3;
	v4 =	vand.u32 $0xFFFFFFC0, v41  }
0x60f: {  	v3 =	vor.u32 v3, v4  }
0x610: {  	v4 =	vperm.xlane v3, v8;
	_ =	sdelay $0x1  }
0x611: {  	v4 =	vadd.s32 v1, v4;
	_ =	sdelay $0x4  }
0x612: {  	[tilespmem:s17], [sflag:$0x1] =	stream.indirect_vreg.gather [hbm4b:s2+s3], $0x80, v4, vm0, $0xb8;
	[tilespmem:$0x19000] =	vst v63  }
0x613: {  	s31 =	simm.s32 $0x1800;
	v3 =	vperm.xlane v3, v2  }
0x614: {  	[tilespmem:s31], [sflag:$0x1] =	stream.indirect_vreg.gather [hbm4b:s4+s3], $0x80, v4, vm0, $0xb8;
	[tilespmem:$0x19000] =	vst v63  }
0x615: {  	s1 =	simm.s32 $0x2000;
	v3 =	vadd.s32 v1, v3  }
0x616: {  	[tilespmem:s1], [sflag:$0x1] =	stream.indirect_vreg.gather [hbm4b:s5+s3], $0x80, v4, vm0, $0xb8;
	[tilespmem:$0x19000] =	vst v63  }
0x617: {  	s25 =	simm.s32 $0x2800  }
0x618: {  	[tilespmem:s25], [sflag:$0x1] =	stream.indirect_vreg.gather [hbm4b:s6+s3], $0x80, v4, vm0, $0xb8;
	[tilespmem:$0x19000] =	vst v63  }
0x619: {  	_ = 	snop  }
0x61a: {  	[tilespmem:s9], [sflag:$0x1] =	stream.indirect_vreg.gather [hbm4b:s2+s3], $0x80, v3, vm0, $0xb8;
	[tilespmem:$0x19000] =	vst v63  }
0x61b: {  	s28 =	simm.s32 $0x3800  }
0x61c: {  	[tilespmem:s28], [sflag:$0x1] =	stream.indirect_vreg.gather [hbm4b:s4+s3], $0x80, v3, vm0, $0xb8;
	[tilespmem:$0x19000] =	vst v63  }
0x61d: {  	s29 =	simm.s32 $0x4000  }
0x61e: {  	[tilespmem:s29], [sflag:$0x1] =	stream.indirect_vreg.gather [hbm4b:s5+s3], $0x80, v3, vm0, $0xb8;
	[tilespmem:$0x19000] =	vst v63  }
0x61f: {  	s30 =	simm.s32 $0x4800  }
0x620: {  	[tilespmem:s30], [sflag:$0x1] =	stream.indirect_vreg.gather [hbm4b:s6+s3], $0x80, v3, vm0, $0xb8;
	[tilespmem:$0x19000] =	vst v63  }
0x621: {  	v3 =	vld [tilespmem:$0x3D0];
	_ =	sdelay $0x4  }
0x622: {  	v42 =	vshll.u32 v3, $0x3  }
0x623: {  	v3 =	vand.u32 $0x7, v3;
	v4 =	vand.u32 $0xFFFFFFC0, v42  }
0x624: {  	v3 =	vor.u32 v3, v4  }
0x625: {  	v4 =	vperm.xlane v3, v8;
	_ =	sdelay $0x1  }
0x626: {  	v4 =	vadd.s32 v1, v4;
	_ =	sdelay $0x3  }
0x627: {  	s31 =	simm.s32 $0x5000  }
0x628: {  	[tilespmem:s31], [sflag:$0x1] =	stream.indirect_vreg.gather [hbm4b:s2+s3], $0x80, v4, vm0, $0xb8;
	[tilespmem:$0x19000] =	vst v63  }
0x629: {  	s9 =	simm.s32 $0x5800;
	v3 =	vperm.xlane v3, v2  }
0x62a: {  	[tilespmem:s9], [sflag:$0x1] =	stream.indirect_vreg.gather [hbm4b:s4+s3], $0x80, v4, vm0, $0xb8;
	[tilespmem:$0x19000] =	vst v63  }
0x62b: {  	v3 =	vadd.s32 v1, v3  }
0x62c: {  	[tilespmem:s11], [sflag:$0x1] =	stream.indirect_vreg.gather [hbm4b:s5+s3], $0x80, v4, vm0, $0xb8;
	[tilespmem:$0x19000] =	vst v63  }
0x62d: {  	_ = 	snop  }
0x62e: {  	[tilespmem:s12], [sflag:$0x1] =	stream.indirect_vreg.gather [hbm4b:s6+s3], $0x80, v4, vm0, $0xb8;
	[tilespmem:$0x19000] =	vst v63  }
0x62f: {  	s11 =	simm.s32 $0x7000  }
0x630: {  	[tilespmem:s11], [sflag:$0x1] =	stream.indirect_vreg.gather [hbm4b:s2+s3], $0x80, v3, vm0, $0xb8;
	[tilespmem:$0x19000] =	vst v63  }
0x631: {  	s12 =	simm.s32 $0x7800  }
0x632: {  	[tilespmem:s12], [sflag:$0x1] =	stream.indirect_vreg.gather [hbm4b:s4+s3], $0x80, v3, vm0, $0xb8;
	[tilespmem:$0x19000] =	vst v63  }
0x633: {  	s15 =	simm.s32 $0x8000  }
0x634: {  	[tilespmem:s15], [sflag:$0x1] =	stream.indirect_vreg.gather [hbm4b:s5+s3], $0x80, v3, vm0, $0xb8;
	[tilespmem:$0x19000] =	vst v63  }
0x635: {  	s16 =	simm.s32 $0x8800  }
0x636: {  	[tilespmem:s16], [sflag:$0x1] =	stream.indirect_vreg.gather [hbm4b:s6+s3], $0x80, v3, vm0, $0xb8;
	[tilespmem:$0x19000] =	vst v63  }
0x637: {  	s1 =	sld [smem:$0x7F4];
	_ =	swait.ge [sflag:s22], $0x8000  }
0x638: {  	s16 =	sld [smem:$0x7F8]  }
0x639: {  	[sflag:s22] =	ssyncset.done $0x0  }
0x63a: {  	s7 =	simm.s32 $0x9000;
	s28 =	simm.s32 $0x5;
	[sflag:s22] =	ssyncadd.s32 $0xFFFF8000  }
0x63b: {  	[hbm4b:s16+s3] =	stream.linear.scatter [tilespmem:s7], [sflag:$0x5], $0x8000, $0x38;
	[tilespmem:$0x19000] =	vst v63  }
0x63c: {  	_ =	swait.ge [sflag:s28], $0x8000  }
0x63d: {  	[sflag:s28] =	ssyncset.done $0x0  }
0x63e: {  	[sflag:s28] =	ssyncadd.s32 $0xFFFF8000  }
0x63f: {  	v3 =	vld [tilespmem:$0x3E0];
	_ =	sdelay $0x4  }
0x640: {  	v43 =	vshll.u32 v3, $0x3  }
0x641: {  	v3 =	vand.u32 $0x7, v3;
	v4 =	vand.u32 $0xFFFFFFC0, v43  }
0x642: {  	v3 =	vor.u32 v3, v4  }
0x643: {  	v4 =	vperm.xlane v3, v8;
	_ =	sdelay $0x1  }
0x644: {  	v4 =	vadd.s32 v1, v4;
	_ =	sdelay $0x4  }
0x645: {  	[tilespmem:s7], [sflag:$0x2] =	stream.indirect_vreg.gather [hbm4b:s2+s3], $0x80, v4, vm0, $0xb8;
	[tilespmem:$0x19000] =	vst v63  }
0x646: {  	v3 =	vperm.xlane v3, v2  }
0x647: {  	[tilespmem:s13], [sflag:$0x2] =	stream.indirect_vreg.gather [hbm4b:s4+s3], $0x80, v4, vm0, $0xb8;
	[tilespmem:$0x19000] =	vst v63  }
0x648: {  	v3 =	vadd.s32 v1, v3  }
0x649: {  	[tilespmem:s14], [sflag:$0x2] =	stream.indirect_vreg.gather [hbm4b:s5+s3], $0x80, v4, vm0, $0xb8;
	[tilespmem:$0x19000] =	vst v63  }
0x64a: {  	s29 =	simm.s32 $0xA800  }
0x64b: {  	[tilespmem:s29], [sflag:$0x2] =	stream.indirect_vreg.gather [hbm4b:s6+s3], $0x80, v4, vm0, $0xb8;
	[tilespmem:$0x19000] =	vst v63  }
0x64c: {  	s30 =	simm.s32 $0xB000  }
0x64d: {  	[tilespmem:s30], [sflag:$0x2] =	stream.indirect_vreg.gather [hbm4b:s2+s3], $0x80, v3, vm0, $0xb8;
	[tilespmem:$0x19000] =	vst v63  }
0x64e: {  	s18 =	simm.s32 $0xB800  }
0x64f: {  	[tilespmem:s18], [sflag:$0x2] =	stream.indirect_vreg.gather [hbm4b:s4+s3], $0x80, v3, vm0, $0xb8;
	[tilespmem:$0x19000] =	vst v63  }
0x650: {  	s21 =	simm.s32 $0xC000  }
0x651: {  	[tilespmem:s21], [sflag:$0x2] =	stream.indirect_vreg.gather [hbm4b:s5+s3], $0x80, v3, vm0, $0xb8;
	[tilespmem:$0x19000] =	vst v63  }
0x652: {  	_ = 	snop  }
0x653: {  	[tilespmem:s8], [sflag:$0x2] =	stream.indirect_vreg.gather [hbm4b:s6+s3], $0x80, v3, vm0, $0xb8;
	[tilespmem:$0x19000] =	vst v63  }
0x654: {  	v3 =	vld [tilespmem:$0x3F0];
	_ =	sdelay $0x4  }
0x655: {  	v44 =	vshll.u32 v3, $0x3  }
0x656: {  	v3 =	vand.u32 $0x7, v3;
	v4 =	vand.u32 $0xFFFFFFC0, v44  }
0x657: {  	v3 =	vor.u32 v3, v4  }
0x658: {  	v4 =	vperm.xlane v3, v8;
	_ =	sdelay $0x1  }
0x659: {  	v4 =	vadd.s32 v1, v4;
	_ =	sdelay $0x3  }
0x65a: {  	s31 =	simm.s32 $0xD000  }
0x65b: {  	[tilespmem:s31], [sflag:$0x2] =	stream.indirect_vreg.gather [hbm4b:s2+s3], $0x80, v4, vm0, $0xb8;
	[tilespmem:$0x19000] =	vst v63  }
0x65c: {  	s8 =	simm.s32 $0xD800;
	v3 =	vperm.xlane v3, v2  }
0x65d: {  	[tilespmem:s8], [sflag:$0x2] =	stream.indirect_vreg.gather [hbm4b:s4+s3], $0x80, v4, vm0, $0xb8;
	[tilespmem:$0x19000] =	vst v63  }
0x65e: {  	s23 =	simm.s32 $0xE000;
	v3 =	vadd.s32 v1, v3  }
0x65f: {  	[tilespmem:s23], [sflag:$0x2] =	stream.indirect_vreg.gather [hbm4b:s5+s3], $0x80, v4, vm0, $0xb8;
	[tilespmem:$0x19000] =	vst v63  }
0x660: {  	s24 =	simm.s32 $0xE800  }
0x661: {  	[tilespmem:s24], [sflag:$0x2] =	stream.indirect_vreg.gather [hbm4b:s6+s3], $0x80, v4, vm0, $0xb8;
	[tilespmem:$0x19000] =	vst v63  }
0x662: {  	s9 =	simm.s32 $0xF000  }
0x663: {  	[tilespmem:s9], [sflag:$0x2] =	stream.indirect_vreg.gather [hbm4b:s2+s3], $0x80, v3, vm0, $0xb8;
	[tilespmem:$0x19000] =	vst v63  }
0x664: {  	s12 =	simm.s32 $0xF800  }
0x665: {  	[tilespmem:s12], [sflag:$0x2] =	stream.indirect_vreg.gather [hbm4b:s4+s3], $0x80, v3, vm0, $0xb8;
	[tilespmem:$0x19000] =	vst v63  }
0x666: {  	s13 =	simm.s32 $0x10000  }
0x667: {  	[tilespmem:s13], [sflag:$0x2] =	stream.indirect_vreg.gather [hbm4b:s5+s3], $0x80, v3, vm0, $0xb8;
	[tilespmem:$0x19000] =	vst v63  }
0x668: {  	s14 =	simm.s32 $0x10800  }
0x669: {  	[tilespmem:s14], [sflag:$0x2] =	stream.indirect_vreg.gather [hbm4b:s6+s3], $0x80, v3, vm0, $0xb8;
	[tilespmem:$0x19000] =	vst v63  }
0x66a: {  	_ =	swait.ge [sflag:s19], $0x8000  }
0x66b: {  	s15 =	sld [smem:$0x7F9]  }
0x66c: {  	[sflag:s19] =	ssyncset.done $0x0  }
0x66d: {  	s10 =	simm.s32 $0x11000;
	[sflag:s19] =	ssyncadd.s32 $0xFFFF8000  }
0x66e: {  	[hbm4b:s15+s3] =	stream.linear.scatter [tilespmem:s10], [sflag:$0x6], $0x8000, $0x38;
	[tilespmem:$0x19000] =	vst v63  }
0x66f: {  	_ =	swait.ge [sflag:s20], $0x8000  }
0x670: {  	s16 =	sld [smem:$0x7FA]  }
0x671: {  	[sflag:s20] =	ssyncset.done $0x0  }
0x672: {  	[sflag:s20] =	ssyncadd.s32 $0xFFFF8000  }
0x673: {  	[hbm4b:s16+s3] =	stream.linear.scatter [tilespmem:s17], [sflag:$0x4], $0x8000, $0x38;
	[tilespmem:$0x19000] =	vst v63  }
0x674: {  	_ =	swait.ge [sflag:s22], $0x8000  }
0x675: {  	s17 =	sld [smem:$0x7FB]  }
0x676: {  	[sflag:s22] =	ssyncset.done $0x0  }
0x677: {  	[sflag:s22] =	ssyncadd.s32 $0xFFFF8000  }
0x678: {  	[hbm4b:s17+s3] =	stream.linear.scatter [tilespmem:s7], [sflag:$0x5], $0x8000, $0x38;
	[tilespmem:$0x19000] =	vst v63  }
0x679: {  	v3 =	vld [tilespmem:$0x0]  }
0x67a: {  	v5 =	vld [tilespmem:$0x400]  }
0x67b: {  	v9 =	vld [tilespmem:$0x10]  }
0x67c: {  	v10 =	vld [tilespmem:$0x410]  }
0x67d: {  	v11 =	vld [tilespmem:$0x20]  }
0x67e: {  	v12 =	vld [tilespmem:$0x420]  }
0x67f: {  	v13 =	vld [tilespmem:$0x30]  }
0x680: {  	v14 =	vld [tilespmem:$0x430]  }
0x681: {  	v15 =	vld [tilespmem:$0x40]  }
0x682: {  	v16 =	vld [tilespmem:$0x440]  }
0x683: {  	v0 =	vld [tilespmem:$0x5C0]  }
0x684: {  	v17 =	vld [tilespmem:$0x50]  }
0x685: {  	v18 =	vld [tilespmem:$0x450]  }
0x686: {  	v19 =	vld [tilespmem:$0x60]  }
0x687: {  	v20 =	vld [tilespmem:$0x460]  }
0x688: {  	[tilespmem:$0x1FF80] =	vst v0;
	v0 =	vld [tilespmem:$0x5D0]  }
0x689: {  	v21 =	vld [tilespmem:$0x70]  }
0x68a: {  	v22 =	vld [tilespmem:$0x470]  }
0x68b: {  	v23 =	vld [tilespmem:$0x80]  }
0x68c: {  	v24 =	vld [tilespmem:$0x480]  }
0x68d: {  	[tilespmem:$0x1FF90] =	vst v0;
	v0 =	vld [tilespmem:$0x5E0]  }
0x68e: {  	v25 =	vld [tilespmem:$0x90]  }
0x68f: {  	v26 =	vld [tilespmem:$0x490]  }
0x690: {  	v27 =	vld [tilespmem:$0xA0]  }
0x691: {  	v28 =	vld [tilespmem:$0x4A0]  }
0x692: {  	[tilespmem:$0x1FFB0] =	vst v0;
	v0 =	vld [tilespmem:$0x1F0]  }
0x693: {  	v29 =	vld [tilespmem:$0xB0]  }
0x694: {  	v30 =	vld [tilespmem:$0x4B0]  }
0x695: {  	v31 =	vld [tilespmem:$0xC0]  }
0x696: {  	v32 =	vld [tilespmem:$0x4C0]  }
0x697: {  	[tilespmem:$0x1FFA0] =	vst v0;
	v0 =	vld [tilespmem:$0x5F0]  }
0x698: {  	v33 =	vld [tilespmem:$0xD0]  }
0x699: {  	v34 =	vld [tilespmem:$0x4D0]  }
0x69a: {  	v35 =	vld [tilespmem:$0xE0]  }
0x69b: {  	v36 =	vld [tilespmem:$0x4E0]  }
0x69c: {  	[tilespmem:$0x1FFD0] =	vst v0;
	v0 =	vld [tilespmem:$0x200]  }
0x69d: {  	v37 =	vld [tilespmem:$0xF0]  }
0x69e: {  	v38 =	vld [tilespmem:$0x4F0]  }
0x69f: {  	v39 =	vld [tilespmem:$0x100]  }
0x6a0: {  	v40 =	vld [tilespmem:$0x500]  }
0x6a1: {  	[tilespmem:$0x1FFC0] =	vst v0;
	v0 =	vld [tilespmem:$0x600]  }
0x6a2: {  	v41 =	vld [tilespmem:$0x110]  }
0x6a3: {  	v42 =	vld [tilespmem:$0x510]  }
0x6a4: {  	v43 =	vld [tilespmem:$0x120]  }
0x6a5: {  	v44 =	vld [tilespmem:$0x520]  }
0x6a6: {  	[tilespmem:$0x1FFF0] =	vst v0;
	v0 =	vld [tilespmem:$0x210]  }
0x6a7: {  	v45 =	vld [tilespmem:$0x130]  }
0x6a8: {  	v46 =	vld [tilespmem:$0x530]  }
0x6a9: {  	v47 =	vld [tilespmem:$0x140]  }
0x6aa: {  	v48 =	vld [tilespmem:$0x540]  }
0x6ab: {  	v49 =	vld [tilespmem:$0x150];
	[tilespmem:$0x1FFE0] =	vst v0;
	v0 =	vmul.u32 $0x3E8, v3  }
0x6ac: {  	v50 =	vld [tilespmem:$0x550];
	v7 =	vmul.u32 $0x3E8, v9  }
0x6ad: {  	v51 =	vld [tilespmem:$0x160];
	v11 =	vmul.u32 $0x3E8, v11;
	v0 =	vadd.s32 v5, v0  }
0x6ae: {  	v52 =	vld [tilespmem:$0x560];
	[tilespmem:$0x400] =	vst v0;
	v0 =	vadd.s32 v10, v7;
	v7 =	vmul.u32 $0x3E8, v13  }
0x6af: {  	v53 =	vld [tilespmem:$0x170];
	[tilespmem:$0x410] =	vst v0;
	v0 =	vadd.s32 v12, v11;
	v11 =	vmul.u32 $0x3E8, v15  }
0x6b0: {  	v54 =	vld [tilespmem:$0x570];
	[tilespmem:$0x420] =	vst v0;
	v0 =	vadd.s32 v14, v7;
	v7 =	vmul.u32 $0x3E8, v17  }
0x6b1: {  	v55 =	vld [tilespmem:$0x180];
	[tilespmem:$0x430] =	vst v0;
	v0 =	vadd.s32 v16, v11;
	v11 =	vmul.u32 $0x3E8, v19  }
0x6b2: {  	v56 =	vld [tilespmem:$0x580];
	[tilespmem:$0x440] =	vst v0;
	v0 =	vadd.s32 v18, v7;
	v7 =	vmul.u32 $0x3E8, v21  }
0x6b3: {  	v57 =	vld [tilespmem:$0x190];
	[tilespmem:$0x450] =	vst v0;
	v0 =	vadd.s32 v20, v11;
	v11 =	vmul.u32 $0x3E8, v23  }
0x6b4: {  	v58 =	vld [tilespmem:$0x590];
	[tilespmem:$0x460] =	vst v0;
	v0 =	vadd.s32 v22, v7;
	v7 =	vmul.u32 $0x3E8, v25  }
0x6b5: {  	v59 =	vld [tilespmem:$0x1A0];
	[tilespmem:$0x470] =	vst v0;
	v0 =	vadd.s32 v24, v11;
	v11 =	vmul.u32 $0x3E8, v27  }
0x6b6: {  	v60 =	vld [tilespmem:$0x5A0];
	[tilespmem:$0x480] =	vst v0;
	v0 =	vadd.s32 v26, v7;
	v7 =	vmul.u32 $0x3E8, v29  }
0x6b7: {  	v61 =	vld [tilespmem:$0x1B0];
	[tilespmem:$0x490] =	vst v0;
	v0 =	vadd.s32 v28, v11;
	v11 =	vmul.u32 $0x3E8, v31  }
0x6b8: {  	v62 =	vld [tilespmem:$0x5B0];
	[tilespmem:$0x4A0] =	vst v0;
	v0 =	vadd.s32 v30, v7;
	v7 =	vmul.u32 $0x3E8, v33  }
0x6b9: {  	v63 =	vld [tilespmem:$0x1C0];
	[tilespmem:$0x4B0] =	vst v0;
	v0 =	vadd.s32 v32, v11;
	v11 =	vmul.u32 $0x3E8, v35  }
0x6ba: {  	v4 =	vld [tilespmem:$0x1D0];
	[tilespmem:$0x4C0] =	vst v0;
	v0 =	vadd.s32 v34, v7;
	v7 =	vmul.u32 $0x3E8, v37  }
0x6bb: {  	v6 =	vld [tilespmem:$0x1E0];
	[tilespmem:$0x4D0] =	vst v0;
	v0 =	vadd.s32 v36, v11;
	v11 =	vmul.u32 $0x3E8, v39  }
0x6bc: {  	v9 =	vld [tilespmem:$0x220];
	[tilespmem:$0x4E0] =	vst v0;
	v0 =	vadd.s32 v38, v7;
	v7 =	vmul.u32 $0x3E8, v41  }
0x6bd: {  	v3 =	vld [tilespmem:$0x610];
	[tilespmem:$0x4F0] =	vst v0;
	v0 =	vadd.s32 v40, v11;
	v11 =	vmul.u32 $0x3E8, v43  }
0x6be: {  	v5 =	vld [tilespmem:$0x620];
	[tilespmem:$0x500] =	vst v0;
	v0 =	vadd.s32 v42, v7;
	v7 =	vmul.u32 $0x3E8, v45  }
0x6bf: {  	v13 =	vld [tilespmem:$0x230];
	[tilespmem:$0x510] =	vst v0;
	v0 =	vadd.s32 v44, v11;
	v11 =	vmul.u32 $0x3E8, v47  }
0x6c0: {  	v10 =	vld [tilespmem:$0x630];
	[tilespmem:$0x520] =	vst v0;
	v0 =	vadd.s32 v46, v7;
	v7 =	vmul.u32 $0x3E8, v49  }
0x6c1: {  	v12 =	vld [tilespmem:$0x240];
	[tilespmem:$0x530] =	vst v0;
	v0 =	vadd.s32 v48, v11;
	v11 =	vmul.u32 $0x3E8, v51  }
0x6c2: {  	v15 =	vld [tilespmem:$0x250];
	[tilespmem:$0x540] =	vst v0;
	v0 =	vadd.s32 v50, v7;
	v7 =	vmul.u32 $0x3E8, v53  }
0x6c3: {  	v14 =	vld [tilespmem:$0x640];
	[tilespmem:$0x550] =	vst v0;
	v0 =	vadd.s32 v52, v11;
	v11 =	vmul.u32 $0x3E8, v55  }
0x6c4: {  	v17 =	vld [tilespmem:$0x260];
	[tilespmem:$0x560] =	vst v0;
	v0 =	vadd.s32 v54, v7;
	v7 =	vmul.u32 $0x3E8, v57  }
0x6c5: {  	v16 =	vld [tilespmem:$0x650];
	[tilespmem:$0x570] =	vst v0;
	v0 =	vadd.s32 v56, v11;
	v11 =	vmul.u32 $0x3E8, v59  }
0x6c6: {  	v19 =	vld [tilespmem:$0x270];
	[tilespmem:$0x580] =	vst v0;
	v0 =	vadd.s32 v58, v7;
	v7 =	vmul.u32 $0x3E8, v61  }
0x6c7: {  	v18 =	vld [tilespmem:$0x660];
	[tilespmem:$0x590] =	vst v0;
	v0 =	vadd.s32 v60, v11  }
0x6c8: {  	v21 =	vld [tilespmem:$0x280];
	[tilespmem:$0x5A0] =	vst v0;
	v0 =	vadd.s32 v62, v7  }
0x6c9: {  	[tilespmem:$0x5B0] =	vst v0;
	v0 =	vld [tilespmem:$0x1FF80]  }
0x6ca: {  	v20 =	vld [tilespmem:$0x670]  }
0x6cb: {  	v23 =	vld [tilespmem:$0x290]  }
0x6cc: {  	v22 =	vld [tilespmem:$0x680];
	v11 =	vmul.u32 $0x3E8, v63  }
0x6cd: {  	v25 =	vld [tilespmem:$0x2A0]  }
0x6ce: {  	v24 =	vld [tilespmem:$0x690];
	v0 =	vadd.s32 v0, v11  }
0x6cf: {  	[tilespmem:$0x5C0] =	vst v0;
	v0 =	vld [tilespmem:$0x1FF90]  }
0x6d0: {  	v26 =	vld [tilespmem:$0x6A0]  }
0x6d1: {  	v28 =	vld [tilespmem:$0x6B0]  }
0x6d2: {  	v4 =	vmul.u32 $0x3E8, v4;
	v32 =	vld [tilespmem:$0x6D0]  }
0x6d3: {  	v34 =	vld [tilespmem:$0x6E0]  }
0x6d4: {  	v41 =	vld [tilespmem:$0x750];
	v0 =	vadd.s32 v0, v4  }
0x6d5: {  	[tilespmem:$0x5D0] =	vst v0;
	v0 =	vld [tilespmem:$0x1FFB0]  }
0x6d6: {  	v45 =	vld [tilespmem:$0x2B0]  }
0x6d7: {  	v42 =	vld [tilespmem:$0x360]  }
0x6d8: {  	v6 =	vmul.u32 $0x3E8, v6;
	v47 =	vld [tilespmem:$0x2C0]  }
0x6d9: {  	v54 =	vld [tilespmem:$0x1FFA0]  }
0x6da: {  	v44 =	vld [tilespmem:$0x760];
	v0 =	vadd.s32 v0, v6  }
0x6db: {  	[tilespmem:$0x5E0] =	vst v0;
	v0 =	vld [tilespmem:$0x1FFD0]  }
0x6dc: {  	v49 =	vld [tilespmem:$0x6C0]  }
0x6dd: {  	v51 =	vld [tilespmem:$0x2E0]  }
0x6de: {  	v48 =	vld [tilespmem:$0x380];
	v4 =	vmul.u32 $0x3E8, v54  }
0x6df: {  	v6 =	vld [tilespmem:$0x1FFC0]  }
0x6e0: {  	v57 =	vld [tilespmem:$0x1FFE0];
	v0 =	vadd.s32 v0, v4  }
0x6e1: {  	[tilespmem:$0x5F0] =	vst v0;
	v0 =	vld [tilespmem:$0x1FFF0]  }
0x6e2: {  	v50 =	vld [tilespmem:$0x2D0]  }
0x6e3: {  	v53 =	vld [tilespmem:$0x6F0]  }
0x6e4: {  	v52 =	vld [tilespmem:$0x2F0];
	v6 =	vmul.u32 $0x3E8, v6  }
0x6e5: {  	v55 =	vld [tilespmem:$0x310];
	v4 =	vmul.u32 $0x3E8, v57  }
0x6e6: {  	v46 =	vmul.u32 $0x3E8, v47;
	v47 =	vld [tilespmem:$0x770];
	v0 =	vadd.s32 v0, v6;
	v6 =	vmul.u32 $0x3E8, v9  }
0x6e7: {  	v56 =	vld [tilespmem:$0x710];
	[tilespmem:$0x600] =	vst v0;
	v0 =	vadd.s32 v3, v4;
	v3 =	vmul.u32 $0x3E8, v13  }
0x6e8: {  	v59 =	vld [tilespmem:$0x330];
	v60 =	vmul.u32 $0x3E8, v12;
	[tilespmem:$0x610] =	vst v0;
	v0 =	vadd.s32 v5, v6  }
0x6e9: {  	v58 =	vld [tilespmem:$0x320];
	[tilespmem:$0x620] =	vst v0;
	v0 =	vadd.s32 v10, v3;
	v3 =	vmul.u32 $0x3E8, v15  }
0x6ea: {  	v61 =	vmul.u32 $0x3E8, v17;
	v63 =	vld [tilespmem:$0x350];
	[tilespmem:$0x630] =	vst v0;
	v0 =	vadd.s32 v14, v60  }
0x6eb: {  	v7 =	vld [tilespmem:$0x300];
	[tilespmem:$0x640] =	vst v0;
	v0 =	vadd.s32 v16, v3;
	v3 =	vmul.u32 $0x3E8, v19  }
0x6ec: {  	v40 =	vmul.u32 $0x3E8, v21;
	v62 =	vld [tilespmem:$0x740];
	[tilespmem:$0x650] =	vst v0;
	v0 =	vadd.s32 v18, v61  }
0x6ed: {  	v11 =	vld [tilespmem:$0x700];
	[tilespmem:$0x660] =	vst v0;
	v0 =	vadd.s32 v20, v3;
	v3 =	vmul.u32 $0x3E8, v23  }
0x6ee: {  	v43 =	vmul.u32 $0x3E8, v25;
	v54 =	vmul.u32 $0x3E8, v58;
	v58 =	vld [tilespmem:$0x3D0];
	[tilespmem:$0x670] =	vst v0;
	v0 =	vadd.s32 v22, v40  }
0x6ef: {  	v9 =	vld [tilespmem:$0x720];
	[tilespmem:$0x680] =	vst v0;
	v0 =	vadd.s32 v24, v3;
	v3 =	vmul.u32 $0x3E8, v45  }
0x6f0: {  	v6 =	vld [tilespmem:$0x730];
	[tilespmem:$0x690] =	vst v0;
	v0 =	vadd.s32 v26, v43  }
0x6f1: {  	v10 =	vld [tilespmem:$0x340];
	[tilespmem:$0x6A0] =	vst v0;
	v0 =	vadd.s32 v28, v3;
	v3 =	vmul.u32 $0x3E8, v50  }
0x6f2: {  	v60 =	vld [tilespmem:$0x7D0];
	[tilespmem:$0x6B0] =	vst v0;
	v0 =	vadd.s32 v49, v46;
	v49 =	vmul.u32 $0x3E8, v51  }
0x6f3: {  	v61 =	vld [tilespmem:$0x3E0];
	[tilespmem:$0x6C0] =	vst v0;
	v0 =	vadd.s32 v32, v3;
	v3 =	vmul.u32 $0x3E8, v52  }
0x6f4: {  	v45 =	vld [tilespmem:$0x370];
	v52 =	vmul.u32 $0x3E8, v7;
	[tilespmem:$0x6D0] =	vst v0;
	v0 =	vadd.s32 v34, v49  }
0x6f5: {  	v50 =	vld [tilespmem:$0x780];
	[tilespmem:$0x6E0] =	vst v0;
	v0 =	vadd.s32 v53, v3;
	v3 =	vmul.u32 $0x3E8, v55  }
0x6f6: {  	v51 =	vld [tilespmem:$0x390];
	[tilespmem:$0x6F0] =	vst v0;
	v0 =	vadd.s32 v11, v52  }
0x6f7: {  	v7 =	vld [tilespmem:$0x790];
	[tilespmem:$0x700] =	vst v0;
	v0 =	vadd.s32 v56, v3;
	v3 =	vmul.u32 $0x3E8, v59  }
0x6f8: {  	v53 =	vld [tilespmem:$0x3A0];
	v56 =	vmul.u32 $0x3E8, v10;
	[tilespmem:$0x710] =	vst v0;
	v0 =	vadd.s32 v9, v54  }
0x6f9: {  	v55 =	vld [tilespmem:$0x3B0];
	[tilespmem:$0x720] =	vst v0;
	v0 =	vadd.s32 v6, v3;
	v3 =	vmul.u32 $0x3E8, v63  }
0x6fa: {  	v57 =	vmul.u32 $0x3E8, v42;
	v11 =	vld [tilespmem:$0x7A0];
	[tilespmem:$0x730] =	vst v0;
	v0 =	vadd.s32 v62, v56  }
0x6fb: {  	v6 =	vld [tilespmem:$0x3C0];
	[tilespmem:$0x740] =	vst v0;
	v0 =	vadd.s32 v41, v3;
	v3 =	vmul.u32 $0x3E8, v45  }
0x6fc: {  	v59 =	vmul.u32 $0x3E8, v48;
	v9 =	vld [tilespmem:$0x7B0];
	[tilespmem:$0x750] =	vst v0;
	v0 =	vadd.s32 v44, v57  }
0x6fd: {  	v10 =	vld [tilespmem:$0x7C0];
	[tilespmem:$0x760] =	vst v0;
	v0 =	vadd.s32 v47, v3;
	v3 =	vmul.u32 $0x3E8, v51  }
0x6fe: {  	v63 =	vld [tilespmem:$0x3F0];
	v62 =	vmul.u32 $0x3E8, v53;
	[tilespmem:$0x770] =	vst v0;
	v0 =	vadd.s32 v50, v59  }
0x6ff: {  	v18 =	vld [tilespmem:$0x7E0];
	[tilespmem:$0x780] =	vst v0;
	v0 =	vadd.s32 v7, v3;
	v3 =	vmul.u32 $0x3E8, v55  }
0x700: {  	v19 =	vmul.u32 $0x3E8, v6;
	v6 =	vld [tilespmem:$0x7F0];
	[tilespmem:$0x790] =	vst v0;
	v0 =	vadd.s32 v11, v62  }
0x701: {  	[tilespmem:$0x7A0] =	vst v0;
	v0 =	vadd.s32 v9, v3;
	v3 =	vmul.u32 $0x3E8, v58  }
0x702: {  	v20 =	vmul.u32 $0x3E8, v61;
	[tilespmem:$0x7B0] =	vst v0;
	v0 =	vadd.s32 v10, v19  }
0x703: {  	[tilespmem:$0x7C0] =	vst v0;
	v0 =	vadd.s32 v60, v3;
	v3 =	vmul.u32 $0x3E8, v63  }
0x704: {  	[tilespmem:$0x7D0] =	vst v0;
	v0 =	vadd.s32 v18, v20  }
0x705: {  	s21 =	simm.s32 $0x400;
	[tilespmem:$0x7E0] =	vst v0;
	v0 =	vadd.s32 v6, v3  }
0x706: {  	s23 =	simm.s32 $0x7;
	s19 =	simm.s32 $0x800;
	s18 =	rddreg [dreg:$0x3];
	[tilespmem:$0x7F0] =	vst v0  }
0x707: {  	[tilespmem:s19], [sflag:$0x7] =	stream.indirect.gather [hbm4b:s18+s21], $0x1, s21, s21, $0xb8;
	[tilespmem:$0x19000] =	vst v63  }
0x708: {  	_ =	swait.ge [sflag:s23], $0x400  }
0x709: {  	s29 =	sld [smem:$0x7FD]  }
0x70a: {  	[sflag:s23] =	ssyncset.done $0x0  }
0x70b: {  	s24 =	rddreg [dreg:$0x4];
	[sflag:s23] =	ssyncadd.s32 $0xFFFFFC00  }
0x70c: {  	[tilespmem:s29], [sflag:$0x7] =	stream.indirect.gather [hbm4b:s24+s21], $0x1, s3, s21, $0xb8;
	[tilespmem:$0x19000] =	vst v63  }
0x70d: {  	_ =	swait.ge [sflag:s23], $0x400  }
0x70e: {  	[sflag:s23] =	ssyncset.done $0x0  }
0x70f: {  	[sflag:s23] =	ssyncadd.s32 $0xFFFFFC00  }
0x710: {  	v0 =	vld [tilespmem:$0xC00]  }
0x711: {  	v3 =	vld [tilespmem:$0x800]  }
0x712: {  	v21 =	vld [tilespmem:$0xC10]  }
0x713: {  	v22 =	vld [tilespmem:$0x810]  }
0x714: {  	v6 =	vld [tilespmem:$0xC20]  }
0x715: {  	v7 =	vld [tilespmem:$0x820]  }
0x716: {  	v9 =	vld [tilespmem:$0x830];
	v0 =	vsub.f32 v0, v3  }
0x717: {  	v3 =	vld [tilespmem:$0xC30]  }
0x718: {  	v23 =	vld [tilespmem:$0xC40];
	v4 =	vsub.f32 v21, v22;
	v0 =	vadd.f32 $0.0e+00, v0  }
0x719: {  	v10 =	vld [tilespmem:$0x840]  }
0x71a: {  	v24 =	vsub.f32 v6, v7;
	v6 =	vld [tilespmem:$0xC50];
	v0 =	vadd.f32 v4, v0  }
0x71b: {  	v7 =	vld [tilespmem:$0x850]  }
0x71c: {  	v25 =	vld [tilespmem:$0xC60];
	v3 =	vsub.f32 v3, v9;
	v0 =	vadd.f32 v24, v0  }
0x71d: {  	v9 =	vld [tilespmem:$0x860]  }
0x71e: {  	v26 =	vld [tilespmem:$0xC70];
	v0 =	vadd.f32 v3, v0;
	v3 =	vsub.f32 v23, v10  }
0x71f: {  	v10 =	vld [tilespmem:$0x870]  }
0x720: {  	v0 =	vadd.f32 v3, v0;
	v3 =	vsub.f32 v6, v7;
	v6 =	vld [tilespmem:$0xC80]  }
0x721: {  	v7 =	vld [tilespmem:$0x880]  }
0x722: {  	v27 =	vld [tilespmem:$0xC90];
	v0 =	vadd.f32 v3, v0;
	v3 =	vsub.f32 v25, v9  }
0x723: {  	v9 =	vld [tilespmem:$0x890]  }
0x724: {  	v28 =	vld [tilespmem:$0xCA0];
	v0 =	vadd.f32 v3, v0;
	v3 =	vsub.f32 v26, v10  }
0x725: {  	v10 =	vld [tilespmem:$0x8A0]  }
0x726: {  	v0 =	vadd.f32 v3, v0;
	v3 =	vsub.f32 v6, v7;
	v6 =	vld [tilespmem:$0xCB0]  }
0x727: {  	v7 =	vld [tilespmem:$0x8B0]  }
0x728: {  	v29 =	vld [tilespmem:$0xCC0];
	v0 =	vadd.f32 v3, v0;
	v3 =	vsub.f32 v27, v9  }
0x729: {  	v9 =	vld [tilespmem:$0x8C0]  }
0x72a: {  	v30 =	vld [tilespmem:$0xCD0];
	v0 =	vadd.f32 v3, v0;
	v3 =	vsub.f32 v28, v10  }
0x72b: {  	v10 =	vld [tilespmem:$0x8D0]  }
0x72c: {  	v0 =	vadd.f32 v3, v0;
	v3 =	vsub.f32 v6, v7;
	v6 =	vld [tilespmem:$0xCE0]  }
0x72d: {  	v7 =	vld [tilespmem:$0x8E0]  }
0x72e: {  	v31 =	vld [tilespmem:$0xCF0];
	v0 =	vadd.f32 v3, v0;
	v3 =	vsub.f32 v29, v9  }
0x72f: {  	v9 =	vld [tilespmem:$0x8F0]  }
0x730: {  	v32 =	vld [tilespmem:$0xD00];
	v0 =	vadd.f32 v3, v0;
	v3 =	vsub.f32 v30, v10  }
0x731: {  	v10 =	vld [tilespmem:$0x900]  }
0x732: {  	v0 =	vadd.f32 v3, v0;
	v3 =	vsub.f32 v6, v7;
	v6 =	vld [tilespmem:$0xD10]  }
0x733: {  	v7 =	vld [tilespmem:$0x910]  }
0x734: {  	v33 =	vld [tilespmem:$0xD20];
	v0 =	vadd.f32 v3, v0;
	v3 =	vsub.f32 v31, v9  }
0x735: {  	v9 =	vld [tilespmem:$0x920]  }
0x736: {  	v34 =	vld [tilespmem:$0xD30];
	v0 =	vadd.f32 v3, v0;
	v3 =	vsub.f32 v32, v10  }
0x737: {  	v10 =	vld [tilespmem:$0x930]  }
0x738: {  	v0 =	vadd.f32 v3, v0;
	v3 =	vsub.f32 v6, v7;
	v6 =	vld [tilespmem:$0xD40]  }
0x739: {  	v7 =	vld [tilespmem:$0x940]  }
0x73a: {  	v35 =	vld [tilespmem:$0xD50];
	v0 =	vadd.f32 v3, v0;
	v3 =	vsub.f32 v33, v9  }
0x73b: {  	v9 =	vld [tilespmem:$0x950]  }
0x73c: {  	v36 =	vld [tilespmem:$0xD60];
	v0 =	vadd.f32 v3, v0;
	v3 =	vsub.f32 v34, v10  }
0x73d: {  	v10 =	vld [tilespmem:$0x960]  }
0x73e: {  	v0 =	vadd.f32 v3, v0;
	v3 =	vsub.f32 v6, v7;
	v6 =	vld [tilespmem:$0xD70]  }
0x73f: {  	v7 =	vld [tilespmem:$0x970]  }
0x740: {  	v37 =	vld [tilespmem:$0xD80];
	v0 =	vadd.f32 v3, v0;
	v3 =	vsub.f32 v35, v9  }
0x741: {  	v9 =	vld [tilespmem:$0x980]  }
0x742: {  	v38 =	vld [tilespmem:$0xD90];
	v0 =	vadd.f32 v3, v0;
	v3 =	vsub.f32 v36, v10  }
0x743: {  	v10 =	vld [tilespmem:$0x990]  }
0x744: {  	v0 =	vadd.f32 v3, v0;
	v3 =	vsub.f32 v6, v7;
	v6 =	vld [tilespmem:$0xDA0]  }
0x745: {  	v7 =	vld [tilespmem:$0x9A0]  }
0x746: {  	v39 =	vld [tilespmem:$0xDB0];
	v0 =	vadd.f32 v3, v0;
	v3 =	vsub.f32 v37, v9  }
0x747: {  	v9 =	vld [tilespmem:$0x9B0]  }
0x748: {  	v40 =	vld [tilespmem:$0xDC0];
	v0 =	vadd.f32 v3, v0;
	v3 =	vsub.f32 v38, v10  }
0x749: {  	v10 =	vld [tilespmem:$0x9C0]  }
0x74a: {  	v0 =	vadd.f32 v3, v0;
	v3 =	vsub.f32 v6, v7;
	v6 =	vld [tilespmem:$0xDD0]  }
0x74b: {  	v7 =	vld [tilespmem:$0x9D0]  }
0x74c: {  	v41 =	vld [tilespmem:$0xDE0];
	v0 =	vadd.f32 v3, v0;
	v3 =	vsub.f32 v39, v9  }
0x74d: {  	v9 =	vld [tilespmem:$0x9E0]  }
0x74e: {  	v42 =	vld [tilespmem:$0xDF0];
	v0 =	vadd.f32 v3, v0;
	v3 =	vsub.f32 v40, v10  }
0x74f: {  	v10 =	vld [tilespmem:$0x9F0]  }
0x750: {  	v0 =	vadd.f32 v3, v0;
	v3 =	vsub.f32 v6, v7;
	v6 =	vld [tilespmem:$0xE00]  }
0x751: {  	v7 =	vld [tilespmem:$0xA00]  }
0x752: {  	v43 =	vld [tilespmem:$0xE10];
	v0 =	vadd.f32 v3, v0;
	v3 =	vsub.f32 v41, v9  }
0x753: {  	v9 =	vld [tilespmem:$0xA10]  }
0x754: {  	v44 =	vld [tilespmem:$0xE20];
	v0 =	vadd.f32 v3, v0;
	v3 =	vsub.f32 v42, v10  }
0x755: {  	v10 =	vld [tilespmem:$0xA20]  }
0x756: {  	v0 =	vadd.f32 v3, v0;
	v3 =	vsub.f32 v6, v7;
	v6 =	vld [tilespmem:$0xE30]  }
0x757: {  	v7 =	vld [tilespmem:$0xA30]  }
0x758: {  	v45 =	vld [tilespmem:$0xE40];
	v0 =	vadd.f32 v3, v0;
	v3 =	vsub.f32 v43, v9  }
0x759: {  	v9 =	vld [tilespmem:$0xA40]  }
0x75a: {  	v46 =	vld [tilespmem:$0xE50];
	v0 =	vadd.f32 v3, v0;
	v3 =	vsub.f32 v44, v10  }
0x75b: {  	v10 =	vld [tilespmem:$0xA50]  }
0x75c: {  	v0 =	vadd.f32 v3, v0;
	v3 =	vsub.f32 v6, v7;
	v6 =	vld [tilespmem:$0xE60]  }
0x75d: {  	v7 =	vld [tilespmem:$0xA60]  }
0x75e: {  	v47 =	vld [tilespmem:$0xE70];
	v0 =	vadd.f32 v3, v0;
	v3 =	vsub.f32 v45, v9  }
0x75f: {  	v9 =	vld [tilespmem:$0xA70]  }
0x760: {  	v48 =	vld [tilespmem:$0xE80];
	v0 =	vadd.f32 v3, v0;
	v3 =	vsub.f32 v46, v10  }
0x761: {  	v10 =	vld [tilespmem:$0xA80]  }
0x762: {  	v0 =	vadd.f32 v3, v0;
	v3 =	vsub.f32 v6, v7;
	v6 =	vld [tilespmem:$0xE90]  }
0x763: {  	v7 =	vld [tilespmem:$0xA90]  }
0x764: {  	v49 =	vld [tilespmem:$0xEA0];
	v0 =	vadd.f32 v3, v0;
	v3 =	vsub.f32 v47, v9  }
0x765: {  	v9 =	vld [tilespmem:$0xAA0]  }
0x766: {  	v50 =	vld [tilespmem:$0xEB0];
	v0 =	vadd.f32 v3, v0;
	v3 =	vsub.f32 v48, v10  }
0x767: {  	v10 =	vld [tilespmem:$0xAB0]  }
0x768: {  	v0 =	vadd.f32 v3, v0;
	v3 =	vsub.f32 v6, v7;
	v6 =	vld [tilespmem:$0xEC0]  }
0x769: {  	v7 =	vld [tilespmem:$0xAC0]  }
0x76a: {  	v51 =	vld [tilespmem:$0xED0];
	v0 =	vadd.f32 v3, v0;
	v3 =	vsub.f32 v49, v9  }
0x76b: {  	v9 =	vld [tilespmem:$0xAD0]  }
0x76c: {  	v52 =	vld [tilespmem:$0xEE0];
	v0 =	vadd.f32 v3, v0;
	v3 =	vsub.f32 v50, v10  }
0x76d: {  	v10 =	vld [tilespmem:$0xAE0]  }
0x76e: {  	v0 =	vadd.f32 v3, v0;
	v3 =	vsub.f32 v6, v7;
	v6 =	vld [tilespmem:$0xEF0]  }
0x76f: {  	v7 =	vld [tilespmem:$0xAF0]  }
0x770: {  	v53 =	vld [tilespmem:$0xF00];
	v0 =	vadd.f32 v3, v0;
	v3 =	vsub.f32 v51, v9  }
0x771: {  	v9 =	vld [tilespmem:$0xB00]  }
0x772: {  	v54 =	vld [tilespmem:$0xF10];
	v0 =	vadd.f32 v3, v0;
	v3 =	vsub.f32 v52, v10  }
0x773: {  	v10 =	vld [tilespmem:$0xB10]  }
0x774: {  	v0 =	vadd.f32 v3, v0;
	v3 =	vsub.f32 v6, v7;
	v6 =	vld [tilespmem:$0xF20]  }
0x775: {  	v7 =	vld [tilespmem:$0xB20]  }
0x776: {  	v55 =	vld [tilespmem:$0xF30];
	v0 =	vadd.f32 v3, v0;
	v3 =	vsub.f32 v53, v9  }
0x777: {  	v9 =	vld [tilespmem:$0xB30]  }
0x778: {  	v56 =	vld [tilespmem:$0xF40];
	v0 =	vadd.f32 v3, v0;
	v3 =	vsub.f32 v54, v10  }
0x779: {  	v10 =	vld [tilespmem:$0xB40]  }
0x77a: {  	v0 =	vadd.f32 v3, v0;
	v3 =	vsub.f32 v6, v7;
	v6 =	vld [tilespmem:$0xF50]  }
0x77b: {  	v7 =	vld [tilespmem:$0xB50]  }
0x77c: {  	v57 =	vld [tilespmem:$0xF60];
	v0 =	vadd.f32 v3, v0;
	v3 =	vsub.f32 v55, v9  }
0x77d: {  	v9 =	vld [tilespmem:$0xB60]  }
0x77e: {  	v58 =	vld [tilespmem:$0xF70];
	v0 =	vadd.f32 v3, v0;
	v3 =	vsub.f32 v56, v10  }
0x77f: {  	v10 =	vld [tilespmem:$0xB70]  }
0x780: {  	v0 =	vadd.f32 v3, v0;
	v3 =	vsub.f32 v6, v7;
	v6 =	vld [tilespmem:$0xF80]  }
0x781: {  	v7 =	vld [tilespmem:$0xB80]  }
0x782: {  	v59 =	vld [tilespmem:$0xF90];
	v0 =	vadd.f32 v3, v0;
	v3 =	vsub.f32 v57, v9  }
0x783: {  	v9 =	vld [tilespmem:$0xB90]  }
0x784: {  	v60 =	vld [tilespmem:$0xFA0];
	v0 =	vadd.f32 v3, v0;
	v3 =	vsub.f32 v58, v10  }
0x785: {  	v10 =	vld [tilespmem:$0xBA0]  }
0x786: {  	v0 =	vadd.f32 v3, v0;
	v3 =	vsub.f32 v6, v7;
	v6 =	vld [tilespmem:$0xFB0]  }
0x787: {  	v7 =	vld [tilespmem:$0xBB0]  }
0x788: {  	v61 =	vld [tilespmem:$0xFC0];
	v0 =	vadd.f32 v3, v0;
	v3 =	vsub.f32 v59, v9  }
0x789: {  	v9 =	vld [tilespmem:$0xBC0]  }
0x78a: {  	v62 =	vld [tilespmem:$0xFD0];
	v0 =	vadd.f32 v3, v0;
	v3 =	vsub.f32 v60, v10  }
0x78b: {  	v10 =	vld [tilespmem:$0xBD0]  }
0x78c: {  	v0 =	vadd.f32 v3, v0;
	v3 =	vsub.f32 v6, v7;
	v6 =	vld [tilespmem:$0xFE0]  }
0x78d: {  	v7 =	vld [tilespmem:$0xBE0]  }
0x78e: {  	v63 =	vld [tilespmem:$0xFF0];
	v0 =	vadd.f32 v3, v0;
	v3 =	vsub.f32 v61, v9  }
0x78f: {  	v9 =	vld [tilespmem:$0xBF0]  }
0x790: {  	v0 =	vadd.f32 v3, v0;
	v3 =	vsub.f32 v62, v10;
	_ =	sdelay $0x1  }
0x791: {  	v0 =	vadd.f32 v3, v0;
	v3 =	vsub.f32 v6, v7;
	_ =	sdelay $0x1  }
0x792: {  	v0 =	vadd.f32 v3, v0;
	v3 =	vsub.f32 v63, v9;
	_ =	sdelay $0x1  }
0x793: {  	s30 =	sld [smem:$0x7FC];
	v0 =	vadd.f32 v3, v0;
	_ =	sdelay $0x1  }
0x794: {  	s31 =	simm.s32 $0x8;
	[tilespmem:$0x800] =	vst v0  }
0x795: {  	[hbm4b:s30+s3] =	stream.linear.scatter [tilespmem:s19], [sflag:$0x8], $0x10, $0x38;
	[tilespmem:$0x19000] =	vst v63  }
0x796: {  	_ =	swait.ge [sflag:s31], $0x10  }
0x797: {  	[sflag:s31] =	ssyncset.done $0x0  }
0x798: {  	s26 =	simm.s32 $0x4;
	[sflag:s31] =	ssyncadd.s32 $0xFFFFFFF0  }
0x799: {  	p0 =	sne.s32 s1, $0x1;
	_ =	swait.ge [sflag:s26], $0x8000  }
.Ltmp0:
0x79a: {  	[sflag:s26] =	ssyncset.done $0x0;
	(pc) =	sbr.rel @p0 .LBB2_1-.Ltmp0, $4  }
0x79b: {  	s11 =	simm.s32 $0x5;
	[sflag:s26] =	ssyncadd.s32 $0xFFFF8000  }
0x79c: {  	_ =	swait.ge [sflag:s11], $0x8000  }
0x79d: {  	[sflag:s11] =	ssyncset.done $0x0  }
0x79e: {  	s1 =	sadd.s32 $0xFFFFFFFF, s1;
	[sflag:s11] =	ssyncadd.s32 $0xFFFF8000  }
0x79f: {  	_ =	sfence.sel $0x180000  }
0x7a0: {  	[bflag:$0x0] =	sbarrier.arrive $0xFFFF  }
0x7a1: {  	_ =	strace $0x90000047  }
0x7a2: {  	s0 =	stileid.u32;
	[bflag:$0x2] =	sbarrier.arrive $0xFFFF  }
0x7a3: {  	p0 =	sne.s32 s0, $0x0;
	s0 =	rddreg [dreg:$0x2]  }
0x7a4: {  	s0 =	sadd.s32 @!p0 $0x100000, s0  }
0x7a5: {  	[sflag:s0] =	ssyncadd.tile.s32 @!p0 $0x1;
	_ =	shalt  }
.Lfunc_end2:
_tile_overlayer_lowered:
.L_overlay_start_2:
0x7a6: {  	(tag) =	ssettag $0x2  }
0x7a7: {  	s0 =	rddreg [dreg:$0x0];
	s2 =	stileid.u32  }
0x7a8: {  	s1 =	rddreg [dreg:$0x1];
	p0 =	sne.s32 s2, $0x0  }
0x7a9: {  	s3 =	rddreg [dreg:$0x2];
	[bflag:$0x3] =	sbarrier.arrive $0xFFFF;
	s2 =	simm.s32 @!p0 $0x1C08  }
0x7aa: {  	[timem:s3], [sflag:s2] =	dma.local @!p0 [hbm:s0], s1  }
0x7ab: {  	s0 =	simm.s32 @!p0 $0x8  }
0x7ac: {  	_ =	swait.ge @!p0 [sflag:s0], s1  }
0x7ad: {  	s1 =	ssub.s32 @!p0 $0x0, s1;
	[sflag:s0] =	ssyncset.done @!p0 $0x0  }
0x7ae: {  	[sflag:s0] =	ssyncadd.s32 @!p0 s1  }
0x7af: {  	[bflag:$0x3] =	sbarrier.arrive $0xFFFF  }
0x7b0: {  	_ =	shalt  }

// kernel: sparse-core-data-format-call.cloned.1.call-start
scs
called_computation_lowered:
.L_overlay_start_0:
0x0: {  	s2 =	sld [smem:$0x3FD9]  }
0x1: {  	s3 =	sld [smem:$0x3FFE];
	_ =	sdelay $0x1  }
0x2: {  	s1 =	srdreg.scid  }
0x3: {  	s0 =	sand.u32 $0x1, s1  }
0x4: {  	s15 =	sshll.u32 s0, $0xA;
	s2 =	sadd.s32 s3, s2  }
0x5: {  	s2 =	sadd.s32 s2, s15  }
0x6: {  	[smem:$0x3FC5] =	sst s2  }
0x7: {  	_ = 	snop  }
0x8: {  	s2 =	sld [smem:$0x3FD0];
	_ =	sdelay $0x2  }
0x9: {  	s16 =	simm.s32 $0xA;
	s4 =	simm.s32 $0x10  }
0xa: {  	[smem:s4], [sflag:s16] =	dma.local [hbm:s2], $0x1  }
0xb: {  	_ =	swait.eq [sflag:s16], $0x1  }
0xc: {  	[sflag:s16] =	ssyncset.done $0x0  }
0xd: {  	[sflag:s16] =	ssyncadd.s32 $0xFFFFFFFF  }
0xe: {  	s17 =	sld [smem:$0x10];
	(tm) =	ssettm $0x1  }
0xf: {  	s18 =	sld [smem:$0x3FFB];
	_ =	sdelay $0x3  }
0x10: {  	_ =	strace s18  }
0x11: {  	s3 =	sld [smem:$0x3FFC];
	_ =	sdelay $0x3  }
0x12: {  	_ =	strace s3  }
0x13: {  	s3 =	sld [smem:$0x3FFD];
	_ =	sdelay $0x3  }
0x14: {  	_ =	strace s3  }
0x15: {  	_ =	strace $0x8FFFFFFF  }
0x16: {  	s19 =	sld [smem:$0x3FDB];
	_ =	sdelay $0x1  }
0x17: {  	s20 =	simm.s32 $_scs_section_size  }
0x18: {  	s5 =	simm.s32 $_size__tile_overlayer_lowered;
	s6 =	simm.s32 $_tile_overlayer_lowered  }
0x19: {  	s23 =	simm.s32 $0x1BFF;
	s22 =	sshll.u32 s6, $0x1;
	s3 =	sadd.s32 s20, s19  }
0x1a: {  	s7 =	simm.s32 $0x0;
	s21 =	sshll.u32 s5, $0x1;
	s5 =	sadd.s32 s22, s3  }
0x1b: {  	[timem:s7], [sflag:s23] =	dma.local [hbm:s5], s21  }
0x1c: {  	_ =	swait.ge [sflag:s23], s21  }
0x1d: {  	s4 =	ssub.s32 $0x0, s21;
	[sflag:s23] =	ssyncset.done $0x0  }
0x1e: {  	[sflag:s23] =	ssyncadd.s32 s4;
	_ =	sdelay $0x1  }
0x1f: {  	s24 =	simm.s32 $0x1B8B  }
0x20: {  	_ =	swait.ge [sflag:s24], $0x1  }
0x21: {  	[sflag:s24] =	ssyncset.done $0x0  }
0x22: {  	s26 =	simm.s32 $0x1B8E;
	s25 =	sld [smem:$0x3FFE];
	[sflag:s24] =	ssyncadd.s32 $0xFFFFFFFF  }
0x23: {  	s27 =	simm.s32 $execute0_lowered;
	[smem:$0x3FD2] =	sst s26  }
0x24: {  	s5 =	sshll.u32 s27, $0x1;
	_ =	strace $0x80000049;
	[dreg:$0x1] =	wrdreg $0xFFFFFFFF  }
0x25: {  	s28 =	simm.s32 $_size_execute0_lowered;
	s3 =	sadd.s32 s3, s5;
	[dreg:$0x0] =	wrdreg $0x0  }
0x26: {  	s5 =	sshll.u32 s28, $0x1;
	[dreg:$0x2] =	wrdreg s3  }
0x27: {  	[dreg:$0x3] =	wrdreg s5  }
0x28: {  	[dreg:$0x4] =	wrdreg $0xC0  }
0x29: {  	_ =	task [dreg:s7], $0x5FFFF  }
0x2a: {  	[dreg:$0x1] =	wrdreg $0xFFFFFFFF  }
0x2b: {  	[dreg:$0x0] =	wrdreg $0x60  }
0x2c: {  	[dreg:$0x2] =	wrdreg s25  }
0x2d: {  	[dreg:$0x3] =	wrdreg s17  }
0x2e: {  	[dreg:$0x4] =	wrdreg $0x9  }
0x2f: {  	_ =	task.clear_ibuf [dreg:s7], $0x5FFFF;
	_ =	strace $0x90000049  }
0x30: {  	s29 =	simm.s32 $0x9;
	_ =	strace $0x8000004B  }
0x31: {  	_ =	swait.ge [sflag:s29], $0x1  }
0x32: {  	[sflag:s29] =	ssyncadd.s32 $0xFFFFFFFF  }
0x33: {  	_ =	strace $0x9000004B  }
0x34: {  	_ =	sfence  }
0x35: {  	s30 =	sld [smem:$0x0];
	_ =	sdelay $0x2  }
0x36: {  	s31 =	sshll.u32 s1, $0xD;
	s1 =	sshrl.u32 s1, $0x2  }
0x37: {  	s3 =	sand.u32 $0x4000, s31;
	s1 =	sadd.s32 s1, s30  }
0x38: {  	s0 =	sor.u32 s3, s0;
	s1 =	sshll.u32 s1, $0x11  }
0x39: {  	s0 =	sor.u32 s1, s0  }
0x3a: {  	s0 =	sadd.s32 $0x8F2B, s0  }
0x3b: {  	[sflag:s0] =	ssyncadd.remote.s32 $0x1  }
0x3c: {  	_ =	sfence.sel $0xFFFF  }
0x3d: {  	[dreg:$0x0] =	wrdreg $0xFFFFFFFF;
	(pc) =	sbr.abs _section_cstart, $3  }
0x3e: {  	[dreg:$0x1] =	wrdreg $0xFFFFFFFF  }
0x3f: {  	_ =	task.clear_ibuf [dreg:s7], $0x2FFFF;
	_ =	strace $0x9FFFFFFF  }
0x40: {  	(tm) =	ssettm $0x7FFFFFFF  }
0x41: {  	_ =	shalt  }
tec
execute0_lowered:
.L_overlay_start_1:
0x0: {  	(tag) =	ssettag $0x1  }
0x1: {  	s0 =	srdreg.scid;
	s5 =	rddreg [dreg:$0x0]  }
0x2: {  	s3 =	rddreg [dreg:$0x1];
	s1 =	sshll.u32 s0, $0x4  }
0x3: {  	s7 =	simm.s32 $0x1;
	s0 =	stileid.u32;
	s1 =	sand.u32 $0x10, s1  }
0x4: {  	s8 =	simm.s32 $0x2;
	s15 =	simm.s32 $0x0;
	s1 =	sor.u32 s0, s1  }
0x5: {  	s14 =	simm.s32 $0x0;
	s9 =	simm.s32 $0x0;
	s2 =	sshll.u32 s1, $0x7  }
0x6: {  	s10 =	simm.s32 $0x0;
	s11 =	simm.s32 $0x0;
	s6 =	ssub.s32 $0x8000, s2  }
0x7: {  	s13 =	simm.s32 $0x0;
	s5 =	sadd.s32 $0x21800, s5;
	s4 =	sand.u32 $0xF80, s6  }
.Ltmp0:
0x8: {  	s1 =	rddreg [dreg:$0x2];
	p0 =	sne.s32 s4, $0x0;
	(pc) =	sbr.rel .LBB1_1-.Ltmp0, $4  }
0x9: {  	_ =	strace $0x8000004A;
	s6 =	sshrl.u32 s6, $0xC;
	s7 =	simm.s32 @!p0 $0x0  }
0xa: {  	s12 =	smov.u32 s2;
	s4 =	simm.s32 $0x1;
	s6 =	sadd.s32 s7, s6  }
0xb: {  	[sflag:s4] =	ssyncpa.u1 $0x0;
	p0 =	por $0x0, $0x0;
	s6 =	sshll.u32 s6, $0x3  }
0xc: {  	[sflag:s8] =	ssyncpa.u1 $0x0;
	s8 =	simm.s32 $0x40000;
	s7 =	sor.u32 $0x1, s6  }
.LBB1_4:
0xd: {  	s20 =	sshra.s32 s20, $0x2  }
0xe: {  	s28 =	sand.u32 $0x78, s10;
	s21 =	sshll.u32 s9, $0xF;
	s22 =	sshll.u32 s10, $0x3  }
0xf: {  	s24 =	sshll.u32 s9, $0x7;
	p1 =	sgt.s32 s9, $0x368;
	s30 =	sshra.s32 s9, $0x1F  }
0x10: {  	s26 =	sshra.s32 s10, $0x1F;
	s19 =	sadd.s32 s20, s19;
	s21 =	sand.u32 $0xFFFC0000, s21  }
0x11: {  	v5 =	vld [tilespmem:s17+$0xFFFFFFD0];
	[tilespmem:s18+$0x2040 ss:$0x81] =	vst.msk $0xffff, v4;
	s23 =	sand.u32 $0xFFFFFC00, s22;
	s29 =	sand.u32 $0x380, s24;
	s22 =	sand.u32 $0x7C00, s22  }
0x12: {  	v58 =	vld [tilespmem:s17+$0xFFFFFFE0];
	[tilespmem:s18+$0x2850 ss:$0x81] =	vst.msk $0xffff, v3;
	s21 =	sadd.s32 s23, s21;
	s20 =	sor.u32 s28, s22;
	s22 =	smov.u32 s9  }
0x13: {  	v59 =	vld [tilespmem:s17+$0xFFFFFFF0];
	[tilespmem:s18+$0x3060 ss:$0x81] =	vst.msk $0xffff, v2;
	s24 =	sand.u32 s30, s9;
	s21 =	sshrl.u32 s21, $0xF;
	s22 =	simm.s32 @!p1 $0x368  }
0x14: {  	v60 =	vld [tilespmem:s17+$0x0];
	[tilespmem:s18+$0x0 ss:$0x81] =	vst.msk $0xffff, v1;
	p1 =	sgt.s32 s10, $0x7F80;
	s31 =	ssub.s32 s22, s24;
	s22 =	smov.u32 s10  }
0x15: {  	v61 =	vld [tilespmem:s17+$0x10];
	[tilespmem:s19+$0x3870 ss:$0x81] =	vst.msk $0xffff, v0;
	s25 =	smulhi.u32 $0x418938, s21;
	s24 =	sand.u32 s26, s10;
	s22 =	simm.s32 @!p1 $0x7F80  }
0x16: {  	v62 =	vld [tilespmem:s17+$0x20];
	s20 =	sor.u32 s29, s20;
	[tilespmem:s19+$0x810 ss:$0x81] =	vst.msk $0xffff, v5;
	s27 =	sadd.s32 $0xFFFFFC98, s31;
	s22 =	ssub.s32 s22, s24  }
0x17: {  	v63 =	vld [tilespmem:s17+$0xFFFFFFC0];
	[tilespmem:s19+$0x1020 ss:$0x81] =	vst.msk $0xffff, v58;
	s18 =	ssub.s32 $0x3E8, s31;
	s28 =	smul.u32 $0x3E8, s25;
	s29 =	sadd.s32 $0xFFFF8080, s22  }
0x18: {  	[tilespmem:s19+$0x1830 ss:$0x81] =	vst.msk $0xffff, v59;
	p1 =	sgt.s32 s27, $0x7F;
	s22 =	ssub.s32 $0x8000, s22;
	p2 =	sgt.s32 s29, $0x7F  }
0x19: {  	s30 =	sand.u32 $0x7, s10;
	[tilespmem:s19+$0x2040 ss:$0x81] =	vst.msk $0xffff, v60;
	s18 =	simm.s32 @p1 $0x0;
	s22 =	simm.s32 @p2 $0x0  }
0x1a: {  	s20 =	sshrl.u32 s20, $0x3;
	[tilespmem:s19+$0x2850 ss:$0x81] =	vst.msk $0xffff, v61;
	s17 =	ssub.s32 s21, s28;
	s18 =	smul.u32 s22, s18  }
0x1b: {  	[tilespmem:s19+$0x3060 ss:$0x81] =	vst.msk $0xffff, v62;
	s20 =	sadd.s32 s3, s20;
	s21 =	sshll.u32 s30, $0x12;
	s17 =	sshll.u32 s17, $0xC  }
0x1c: {  	[tilespmem:s19+$0x0 ss:$0x81] =	vst.msk $0xffff, v63;
	s31 =	sor.u32 $0x400, s21;
	s17 =	sadd.s32 s17, s20;
	s18 =	sand.u32 $0x3FFFFFFF, s18  }
0x1d: {  	[hbm4b:s17+s31] =	stream.strided.scatter [tilespmem:s16], [sflag:$0x2], s18, s8, s31, $0x20;
	[tilespmem:$0x10100] =	vst v63  }
.LBB1_5:
0x1e: {  	p1 =	slt.u32 s13, $0x2  }
0x1f: {  	s17 =	smov.u32 s15;
	p2 =	sgt.s32 @!p1 s15, $0x368;
	s16 =	sshra.s32 @!p1 s15, $0x1F  }
0x20: {  	p3 =	sgt.s32 @!p1 s14, $0x7F80;
	s18 =	sshra.s32 @!p1 s14, $0x1F;
	p2 =	por !p2, p1  }
0x21: {  	s15 =	sand.u32 @!p1 s16, s15;
	p3 =	por !p3, p1;
	s16 =	smov.u32 s14  }
0x22: {  	s14 =	sand.u32 @!p1 s18, s14;
	s17 =	simm.s32 @p2 $0x368;
	s16 =	simm.s32 @p3 $0x7F80  }
0x23: {  	s15 =	ssub.s32 @!p1 s17, s15;
	s14 =	ssub.s32 @!p1 s16, s14  }
0x24: {  	s18 =	smov.u32 s12;
	s16 =	sadd.s32 @!p1 $0xFFFFFC98, s15;
	s17 =	sadd.s32 @!p1 $0xFFFF8080, s14  }
0x25: {  	s15 =	ssub.s32 @!p1 $0x3E8, s15;
	p2 =	sgt.s32 @!p1 s16, $0x7F;
	p3 =	sgt.s32 @!p1 s17, $0x7F  }
0x26: {  	s14 =	ssub.s32 @!p1 $0x8000, s14;
	p2 =	por !p2, p1;
	p3 =	por !p3, p1  }
0x27: {  	s16 =	sadd.s32 $0x80, s11;
	s15 =	simm.s32 @!p2 $0x0;
	s14 =	simm.s32 @!p3 $0x0  }
0x28: {  	p2 =	sgt.s32 s16, $0x3E7;
	s14 =	smul.u32 @!p1 s14, s15;
	s15 =	sadd.s32 $0x1000, s12  }
0x29: {  	s18 =	smov.u32 @p2 s15  }
0x2a: {  	s16 =	simm.s32 @p2 $0x0;
	p2 =	sgt.s32 s18, $0x7FFF  }
0x2b: {  	s18 =	smov.u32 @p2 s2;
	p2 =	sne.s32 s13, s7  }
.Ltmp1:
0x2c: {  	p0 =	por !p0, !p0;
	s17 =	simm.s32 @!p1 $0x2;
	(pc) =	sbr.rel @!p2 .LBB1_6-.Ltmp1, $4  }
0x2d: {  	s15 =	smov.u32 s9;
	s9 =	smov.u32 s11;
	s14 =	sand.u32 @!p1 $0x3FFFFFFF, s14  }
0x2e: {  	s11 =	smov.u32 s16;
	_ =	swait.ge @!p1 [sflag:s17], s14;
	s19 =	ssub.s32 @!p1 $0x0, s14  }
0x2f: {  	s14 =	smov.u32 s10;
	s13 =	sadd.s32 $0x1, s13;
	[sflag:s17] =	ssyncset.done @!p1 $0x0  }
0x30: {  	s10 =	smov.u32 s12;
	s12 =	smov.u32 s18;
	[sflag:s17] =	ssyncadd.s32 @!p1 s19  }
.LBB1_1:
0x31: {  	p1 =	sge.u32 s13, s6  }
0x32: {  	s31 =	sadd.s32 $0xFFFFFFFF, s13;
	s16 =	sshll.u32 @!p1 s12, $0xA  }
0x33: {  	s17 =	sshll.u32 @!p1 s11, $0x3;
	s18 =	sshll.u32 @!p1 s12, $0x7;
	s16 =	sand.u32 @!p1 $0x1FFE000, s16  }
0x34: {  	s19 =	sand.u32 @!p1 $0x78, s11;
	s16 =	sadd.s32 @!p1 s16, s17;
	s17 =	sand.u32 @!p1 $0x380, s18  }
0x35: {  	s18 =	sxor.u32 @!p1 $0xFFFFFFFF, s13;
	s16 =	sand.u32 @!p1 $0x1FFFC00, s16;
	s17 =	sor.u32 @!p1 s17, s19  }
0x36: {  	s18 =	sshll.u32 @!p1 s18, $0xE;
	s16 =	sor.u32 @!p1 s16, s17;
	s17 =	sand.u32 @!p1 $0x7, s11  }
0x37: {  	s19 =	simm.s32 @!p1 $0x2000;
	s16 =	sshrl.u32 @!p1 s16, $0x3;
	s17 =	sshll.u32 @!p1 s17, $0x12  }
0x38: {  	s18 =	sand.u32 @!p1 $0x4000, s18;
	s16 =	sadd.s32 @!p1 s5, s16;
	s17 =	sor.u32 @!p1 $0x400, s17  }
0x39: {  	[tilespmem:s18], [sflag:$0x1] =	stream.strided.gather @!p1 [hbm4b:s16+s17], $0x4000, s19, s17, $0x38;
	[tilespmem:$0x10100] =	vst v63  }
0x3a: {  	p1 =	sge.u32 s31, s6  }
.Ltmp2:
0x3b: {  	_ = 	snop;
	(pc) =	sbr.rel @p1 .LBB1_5-.Ltmp2, $1  }
0x3c: {  	_ =	sdelay $0x3  }
0x3d: {  	s16 =	simm.s32 $0x1  }
0x3e: {  	_ =	swait.ge [sflag:s4], $0x4000;
	s16 =	simm.s32 @!p0 $0x0  }
0x3f: {  	[sflag:s4] =	ssyncset.done $0x0;
	s17 =	sshll.u32 s16, $0xE  }
0x40: {  	[sflag:s4] =	ssyncadd.s32 $0xFFFFC000;
	s17 =	sor.u32 $0x40, s17  }
0x41: {  	s16 =	smul.u32 $0x10200, s16;
	v0 =	vld [tilespmem:s17+$0x30]  }
0x42: {  	v1 =	vld [tilespmem:s17+$0xFFFFFFD0]  }
0x43: {  	s16 =	sshrl.u32 s16, $0x2;
	v5 =	vld [tilespmem:s17+$0xFFFFFFE0]  }
0x44: {  	v6 =	vld [tilespmem:s17+$0xFFFFFFF0];
	s19 =	sor.u32 $0x8000, s16  }
0x45: {  	s31 =	sand.u32 $0x1, s13;
	v4 =	vld [tilespmem:s17+$0x0];
	s18 =	sadd.s32 $0x0, s19  }
0x46: {  	v3 =	vld [tilespmem:s17+$0x10];
	s16 =	smul.u32 $0x10200, s31;
	[tilespmem:s18+$0x3870 ss:$0x81] =	vst.msk $0xffff, v0  }
0x47: {  	v2 =	vld [tilespmem:s17+$0x20];
	[tilespmem:s18+$0x810 ss:$0x81] =	vst.msk $0xffff, v1  }
0x48: {  	s16 =	sshrl.u32 s16, $0x2;
	v1 =	vld [tilespmem:s17+$0xFFFFFFC0];
	[tilespmem:s18+$0x1020 ss:$0x81] =	vst.msk $0xffff, v5;
	s17 =	sadd.s32 $0x80, s17  }
0x49: {  	s20 =	simm.s32 $0x4;
	s21 =	simm.s32 $0x8;
	s16 =	sor.u32 $0x8000, s16;
	[tilespmem:s18+$0x1830 ss:$0x81] =	vst.msk $0xffff, v6;
	v0 =	vld [tilespmem:s17+$0x30]  }
.LBB1_3:
0x4a: {  	p1 =	sne.s32 s21, $0x1FC;
	v5 =	vld [tilespmem:s17+$0xFFFFFFD0];
	[tilespmem:s18+$0x2040 ss:$0x81] =	vst.msk $0xffff, v4  }
0x4b: {  	v6 =	vld [tilespmem:s17+$0xFFFFFFE0];
	[tilespmem:s18+$0x2850 ss:$0x81] =	vst.msk $0xffff, v3  }
0x4c: {  	s22 =	sshra.s32 s20, $0x2;
	s20 =	smov.u32 s21;
	v7 =	vld [tilespmem:s17+$0xFFFFFFF0];
	[tilespmem:s18+$0x3060 ss:$0x81] =	vst.msk $0xffff, v2  }
.Ltmp3:
0x4d: {  	v4 =	vld [tilespmem:s17+$0x0];
	[tilespmem:s18+$0x0 ss:$0x81] =	vst.msk $0xffff, v1;
	s18 =	sadd.s32 s22, s19;
	(pc) =	sbr.rel @p1 .LBB1_3-.Ltmp3, $4  }
0x4e: {  	v3 =	vld [tilespmem:s17+$0x10];
	[tilespmem:s18+$0x3870 ss:$0x81] =	vst.msk $0xffff, v0  }
0x4f: {  	[tilespmem:s18+$0x810 ss:$0x81] =	vst.msk $0xffff, v5;
	v2 =	vld [tilespmem:s17+$0x20]  }
0x50: {  	v1 =	vld [tilespmem:s17+$0xFFFFFFC0];
	[tilespmem:s18+$0x1020 ss:$0x81] =	vst.msk $0xffff, v6;
	s17 =	sadd.s32 $0x80, s17  }
0x51: {  	s21 =	sadd.s32 $0x4, s21;
	v0 =	vld [tilespmem:s17+$0x30];
	[tilespmem:s18+$0x1830 ss:$0x81] =	vst.msk $0xffff, v7  }
.Ltmp4:
0x52: {  	_ = 	snop;
	(pc) =	sbr.rel .LBB1_4-.Ltmp4, $1  }
0x53: {  	_ =	sdelay $0x3  }
.LBB1_6:
0x54: {  	_ =	sfence.sel $0x180000  }
0x55: {  	s2 =	simm.s32 $0x1;
	[bflag:$0x0] =	sbarrier.arrive $0xFFFF  }
0x56: {  	s31 =	simm.s32 $0x2;
	[sflag:s2] =	ssyncpa.u1 $0x1  }
0x57: {  	[sflag:s31] =	ssyncpa.u1 $0x1  }
0x58: {  	p0 =	sne.s32 s0, $0x0;
	_ =	strace $0x9000004A  }
0x59: {  	s0 =	sadd.s32 @!p0 $0x100000, s1;
	[bflag:$0x2] =	sbarrier.arrive $0xFFFF  }
0x5a: {  	[sflag:s0] =	ssyncadd.tile.s32 @!p0 $0x1;
	_ =	shalt  }
.Lfunc_end1:
_tile_overlayer_lowered:
.L_overlay_start_2:
0x5b: {  	(tag) =	ssettag $0x2  }
0x5c: {  	s0 =	rddreg [dreg:$0x0];
	s2 =	stileid.u32  }
0x5d: {  	s1 =	rddreg [dreg:$0x1];
	p0 =	sne.s32 s2, $0x0  }
0x5e: {  	s3 =	rddreg [dreg:$0x2];
	[bflag:$0x3] =	sbarrier.arrive $0xFFFF;
	s2 =	simm.s32 @!p0 $0x1C01  }
0x5f: {  	[timem:s3], [sflag:s2] =	dma.local @!p0 [hbm:s0], s1  }
0x60: {  	s0 =	simm.s32 @!p0 $0x1  }
0x61: {  	_ =	swait.ge @!p0 [sflag:s0], s1  }
0x62: {  	s1 =	ssub.s32 @!p0 $0x0, s1;
	[sflag:s0] =	ssyncset.done @!p0 $0x0  }
0x63: {  	[sflag:s0] =	ssyncadd.s32 @!p0 s1  }
0x64: {  	[bflag:$0x3] =	sbarrier.arrive $0xFFFF  }
0x65: {  	_ =	shalt  }

</sc_bundles>
